<compile_context>
chip_gen: v7x
topology: tpu7x:2x2x1
jax: 0.10.2.dev20260603
libtpu: 0.0.44.dev20260713+nightly
codegen_flags: <defaults>
</compile_context>

<pallas_src>
import functools

import jax
import jax.numpy as jnp
from jax import lax
from jax.experimental import pallas as pl
from jax.experimental.pallas import tpu as pltpu
from jax.experimental.pallas import tpu_sc as plsc

N = 10000
D = 128
E = 320000
NC, NS = 2, 16
NW = NC * NS
K = 128
J = 8
N_PAD = 10240
E_PAD = 327680
ROWS = E_PAD // K
ROWS_PER_TILE = ROWS // NW
BLKS = ROWS_PER_TILE // J
NPT = N_PAD // NS
BN = 512


def _mesh():
    return plsc.VectorSubcoreMesh(core_axis_name="c", subcore_axis_name="s")


def _hist_body(i0, i1, i2, i3, i4, i5, o0, o1, o2, o3, o4, o5,
               idx_v, ones_v, zb_v,
               h0, h1, h2, h3, h4, h5):
    c = lax.axis_index("c")
    s = lax.axis_index("s")
    ins = (i0, i1, i2, i3, i4, i5)
    outs = (o0, o1, o2, o3, o4, o5)
    hsps = (h0, h1, h2, h3, h4, h5)

    def fill_ones(i, carry):
        ones_v[pl.ds(i * 16, 16)] = jnp.ones((16,), jnp.float32)
        return carry

    lax.fori_loop(0, K // 16, fill_ones, 0)

    def fill_zeros(i, carry):
        zb_v[pl.ds(i * 16, 16)] = jnp.zeros((16,), jnp.float32)
        return carry

    lax.fori_loop(0, NPT // 16, fill_zeros, 0)

    for hsp in hsps:
        pltpu.sync_copy(zb_v, hsp.at[pl.ds(s * NPT, NPT)])
    plsc.subcore_barrier()

    base_row = (c * NS + s) * ROWS_PER_TILE
    for ihbm, hsp in zip(ins, hsps):
        def blk_body(b, carry):
            pltpu.sync_copy(ihbm.at[pl.ds(base_row + b * J, J)], idx_v)
            for j in range(J):
                pltpu.sync_copy(ones_v, hsp.at[idx_v.at[j]], add=True)
            return carry

        lax.fori_loop(0, BLKS, blk_body, 0)
    plsc.subcore_barrier()

    for hsp, ohbm in zip(hsps, outs):
        pltpu.sync_copy(hsp.at[pl.ds(s * NPT, NPT)],
                        ohbm.at[pl.ds(c * N_PAD + s * NPT, NPT)])


def _hist_call(idx_arrays):
    out_t = tuple(jax.ShapeDtypeStruct((NC * N_PAD,), jnp.float32)
                  for _ in range(6))
    k = pl.kernel(
        _hist_body,
        out_type=out_t,
        mesh=_mesh(),
        scratch_types=[
            pltpu.VMEM((J, K), jnp.int32),
            pltpu.VMEM((K,), jnp.float32),
            pltpu.VMEM((NPT,), jnp.float32),
        ] + [pltpu.VMEM_SHARED((N_PAD,), jnp.float32) for _ in range(6)],
    )
    return k(*idx_arrays)


def _prescale_body(hist_ref, x_ref, xs0_ref, xs1_ref, xs2_ref):
    hist = hist_ref[...]
    deg = hist[0] + hist[1]
    x = x_ref[...]
    for r, oref in enumerate((xs0_ref, xs1_ref, xs2_ref)):
        nrm = lax.rsqrt(jnp.maximum(deg[2 * r], 1.0))
        oref[...] = x * nrm[:, None]


def _prescale_call(hist, x_pad):
    grid = (N_PAD // BN,)
    out_t = tuple(jax.ShapeDtypeStruct((N_PAD, D), jnp.float32)
                  for _ in range(3))
    return pl.pallas_call(
        _prescale_body,
        grid=grid,
        in_specs=[
            pl.BlockSpec((NC, 6, BN), lambda i: (0, 0, i)),
            pl.BlockSpec((BN, D), lambda i: (i, 0)),
        ],
        out_specs=tuple(pl.BlockSpec((BN, D), lambda i: (i, 0))
                        for _ in range(3)),
        out_shape=out_t,
    )(hist, x_pad)


def _agg_body(xs0, xs1, xs2, s0, d0, s1, d1, s2, d2, p0, p1, p2,
              si_v, di_v, rows_v, zb_v, agg):
    c = lax.axis_index("c")
    s = lax.axis_index("s")

    def fill_zeros(i, carry):
        r = i // (D // 16)
        q = i % (D // 16)
        zb_v[r, pl.ds(q * 16, 16)] = jnp.zeros((16,), jnp.float32)
        return carry

    lax.fori_loop(0, (ROWS_PER_TILE * D) // 16, fill_zeros, 0)

    base_row = (c * NS + s) * ROWS_PER_TILE
    for xsr, srh, dsh, prh in ((xs0, s0, d0, p0),
                               (xs1, s1, d1, p1),
                               (xs2, s2, d2, p2)):
        for t in range(NPT // ROWS_PER_TILE):
            pltpu.sync_copy(
                zb_v,
                agg.at[pl.ds(s * NPT + t * ROWS_PER_TILE,
                             ROWS_PER_TILE), :])
        plsc.subcore_barrier()

        def blk_body(b, carry):
            pltpu.sync_copy(srh.at[pl.ds(base_row + b * J, J)], si_v)
            pltpu.sync_copy(dsh.at[pl.ds(base_row + b * J, J)], di_v)
            for j in range(J):
                pltpu.sync_copy(xsr.at[si_v.at[j]], rows_v)
                pltpu.sync_copy(rows_v, agg.at[di_v.at[j]], add=True)
            return carry

        lax.fori_loop(0, BLKS, blk_body, 0)
        plsc.subcore_barrier()

        pltpu.sync_copy(agg.at[pl.ds(s * NPT, NPT), :],
                        prh.at[pl.ds(c * N_PAD + s * NPT, NPT), :])
        plsc.subcore_barrier()


def _agg_call(xs, idx_arrays):
    out_t = tuple(jax.ShapeDtypeStruct((NC * N_PAD, D), jnp.float32)
                  for _ in range(3))
    k = pl.kernel(
        _agg_body,
        out_type=out_t,
        mesh=_mesh(),
        scratch_types=[
            pltpu.VMEM((J, K), jnp.int32),
            pltpu.VMEM((J, K), jnp.int32),
            pltpu.VMEM((K, D), jnp.float32),
            pltpu.VMEM((ROWS_PER_TILE, D), jnp.float32),
            pltpu.VMEM_SHARED((N_PAD, D), jnp.float32),
        ],
    )
    return k(xs[0], xs[1], xs[2], *idx_arrays)


def _final_body(hist_ref, p0_ref, p1_ref, p2_ref, w_ref, o_ref):
    hist = hist_ref[...]
    acc = jnp.zeros((BN, D), jnp.float32)
    for r, pref in enumerate((p0_ref, p1_ref, p2_ref)):
        p = pref[...]
        deg_in = hist[0, 2 * r + 1] + hist[1, 2 * r + 1]
        nin = lax.rsqrt(jnp.maximum(deg_in, 1.0))
        m = (p[0] + p[1]) * nin[:, None]
        acc = acc + jnp.dot(m, w_ref[r],
                            preferred_element_type=jnp.float32)
    o_ref[...] = acc


def _final_call(hist, parts, w_stack):
    grid = (N_PAD // BN,)
    return pl.pallas_call(
        _final_body,
        grid=grid,
        in_specs=[
            pl.BlockSpec((NC, 6, BN), lambda i: (0, 0, i)),
            pl.BlockSpec((NC, BN, D), lambda i: (0, i, 0)),
            pl.BlockSpec((NC, BN, D), lambda i: (0, i, 0)),
            pl.BlockSpec((NC, BN, D), lambda i: (0, i, 0)),
            pl.BlockSpec((3, D, D), lambda i: (0, 0, 0)),
        ],
        out_specs=pl.BlockSpec((BN, D), lambda i: (i, 0)),
        out_shape=jax.ShapeDtypeStruct((N_PAD, D), jnp.float32),
    )(hist, parts[0], parts[1], parts[2], w_stack)


def _pad_idx(a):
    pad = (jnp.arange(E_PAD - E, dtype=jnp.int32) % (N_PAD - N)) + N
    return jnp.concatenate([a, pad]).reshape(ROWS, K)


def kernel(x, edge_index_rel0, edge_index_rel1, edge_index_rel2, W0, W1, W2):
    idx = []
    for ei in (edge_index_rel0, edge_index_rel1, edge_index_rel2):
        idx.append(_pad_idx(ei[0]))
        idx.append(_pad_idx(ei[1]))
    idx = tuple(idx)

    hists = _hist_call(idx)
    hist = jnp.stack([h.reshape(NC, N_PAD) for h in hists], axis=1)

    x_pad = jnp.pad(x, ((0, N_PAD - N), (0, 0)))
    xs = _prescale_call(hist, x_pad)

    parts = _agg_call(xs, idx)
    parts = tuple(p.reshape(NC, N_PAD, D) for p in parts)

    w_stack = jnp.stack([W0, W1, W2], axis=0)
    out = _final_call(hist, parts, w_stack)
    return out[:N]

# --- scband reference (transcript-rebuilt; emitter-appended) ---
"""Pipeline reference for scband-relation-conv-12232066859022 (READ-ONLY COPY).

The authoritative reference and input builder live on the scoring server;
editing this copy changes nothing except your own understanding.
"""

import jax, jax.numpy as jnp
import numpy as np

N = 10000
E = 320000
D_IN = 128
D_OUT = 128

def setup_inputs(seed: int = 0) -> dict:
    key = jax.random.key(seed)
    ks = jax.random.split(key, 8)
    x = jax.random.normal(ks[0], (N, D_IN), dtype=jnp.float32)
    edge_index_rel0 = jax.random.randint(ks[1], (2, E), 0, N, dtype=jnp.int32)
    edge_index_rel1 = jax.random.randint(ks[2], (2, E), 0, N, dtype=jnp.int32)
    edge_index_rel2 = jax.random.randint(ks[3], (2, E), 0, N, dtype=jnp.int32)
    scale = 1.0 / np.sqrt(D_IN)
    W0 = jax.random.normal(ks[4], (D_IN, D_OUT), dtype=jnp.float32) * scale
    W1 = jax.random.normal(ks[5], (D_IN, D_OUT), dtype=jnp.float32) * scale
    W2 = jax.random.normal(ks[6], (D_IN, D_OUT), dtype=jnp.float32) * scale
    return {
        'x': x,
        'edge_index_rel0': edge_index_rel0,
        'edge_index_rel1': edge_index_rel1,
        'edge_index_rel2': edge_index_rel2,
        'W0': W0, 'W1': W1, 'W2': W2,
    }


def _gcn_conv(x, W, edge_index):
    # DGL GraphConv with norm='both', bias=False:
    # h' = D_in^{-1/2} A D_out^{-1/2} (X W)
    src = edge_index[0]
    dst = edge_index[1]
    h = x @ W
    deg_out = jnp.zeros((N,), dtype=jnp.float32).at[src].add(1.0)
    deg_in = jnp.zeros((N,), dtype=jnp.float32).at[dst].add(1.0)
    norm_out = jax.lax.rsqrt(jnp.clip(deg_out, 1.0, None))
    norm_in = jax.lax.rsqrt(jnp.clip(deg_in, 1.0, None))
    msg = h[src] * norm_out[src][:, None]
    agg = jax.ops.segment_sum(msg, dst, num_segments=N)
    return agg * norm_in[:, None]


def reference(x, edge_index_rel0, edge_index_rel1, edge_index_rel2, W0, W1, W2):
    # HeteroGraphConv with aggregate='sum' over relations, one node type
    h0 = _gcn_conv(x, W0, edge_index_rel0)
    h1 = _gcn_conv(x, W1, edge_index_rel1)
    h2 = _gcn_conv(x, W2, edge_index_rel2)
    return h0 + h1 + h2

if __name__ == "__main__":
    import jax
    _d = setup_inputs()
    print(jax.jit(kernel)(*tuple(_d.values())))

</pallas_src>

<mosaic_0001>
#map = affine_map<(d0, d1) -> (0, 0)>
#map1 = affine_map<(d0, d1) -> (0)>
module attributes {stable_mosaic.version = 14 : i64} {
  func.func @_hist_body(%arg0: i32, %arg1: i32, %arg2: memref<2560x128xi32, #tpu.memory_space<hbm>>, %arg3: memref<2560x128xi32, #tpu.memory_space<hbm>>, %arg4: memref<2560x128xi32, #tpu.memory_space<hbm>>, %arg5: memref<2560x128xi32, #tpu.memory_space<hbm>>, %arg6: memref<2560x128xi32, #tpu.memory_space<hbm>>, %arg7: memref<2560x128xi32, #tpu.memory_space<hbm>>, %arg8: memref<20480xf32, #tpu.memory_space<hbm>>, %arg9: memref<20480xf32, #tpu.memory_space<hbm>>, %arg10: memref<20480xf32, #tpu.memory_space<hbm>>, %arg11: memref<20480xf32, #tpu.memory_space<hbm>>, %arg12: memref<20480xf32, #tpu.memory_space<hbm>>, %arg13: memref<20480xf32, #tpu.memory_space<hbm>>, %arg14: memref<8x128xi32, #tpu.memory_space<vmem>>, %arg15: memref<128xf32, #tpu.memory_space<vmem>>, %arg16: memref<640xf32, #tpu.memory_space<vmem>>, %arg17: memref<10240xf32, #tpu.memory_space<vmem_shared>>, %arg18: memref<10240xf32, #tpu.memory_space<vmem_shared>>, %arg19: memref<10240xf32, #tpu.memory_space<vmem_shared>>, %arg20: memref<10240xf32, #tpu.memory_space<vmem_shared>>, %arg21: memref<10240xf32, #tpu.memory_space<vmem_shared>>, %arg22: memref<10240xf32, #tpu.memory_space<vmem_shared>>) attributes {dimension_semantics = [#tpu.dimension_semantics<core_parallel>, #tpu.dimension_semantics<subcore_parallel>], iteration_bounds = array<i64: 2, 16>, scalar_prefetch = 0 : i64, scratch_operands = 9 : i64, tpu.core_type = #tpu.core_type<sc_vector_subcore>, window_params = [{transform_indices = #map}, {transform_indices = #map}, {transform_indices = #map}, {transform_indices = #map}, {transform_indices = #map}, {transform_indices = #map}, {transform_indices = #map1}, {transform_indices = #map1}, {transform_indices = #map1}, {transform_indices = #map1}, {transform_indices = #map1}, {transform_indices = #map1}]} {
    %scan3A = arith.constant 0 : i32
    %scan3A_0 = arith.constant 0 : i32
    %scan3A_1 = arith.constant 8 : i32
    %scan3A_2 = arith.addi %scan3A_0, %scan3A_1 : i32
    %scan3A_3 = arith.constant 1 : i32
    scf.for %scan3A_105 = %scan3A_0 to %scan3A_2 step %scan3A_3  : i32 {
      %broadcast_in_dim3A = arith.constant 1.000000e+00 : f32
      %broadcast_in_dim3A_106 = vector.broadcast %broadcast_in_dim3A : f32 to vector<16xf32>
      %mul3A_107 = arith.constant 16 : i32
      %mul3A_108 = arith.muli %scan3A_105, %mul3A_107 : i32
      %swap3A = arith.index_cast %mul3A_108 : i32 to index
      %swap3A_109 = tpu.vector_load %arg15[%swap3A] {strides = array<i32>} : memref<128xf32, #tpu.memory_space<vmem>>, vector<16xf32>,
      %swap3A_110 = vector.shape_cast %swap3A_109 : vector<16xf32> to vector<16xf32>
      %swap3A_111 = vector.shape_cast %broadcast_in_dim3A_106 : vector<16xf32> to vector<16xf32>
      tpu.vector_store %arg15[%swap3A], %swap3A_111 {strides = array<i32>} : memref<128xf32, #tpu.memory_space<vmem>>, vector<16xf32>,
    }
    %scan3A_4 = arith.constant 8 : i32
    %scan3A_5 = arith.constant 0 : i32
    %scan3A_6 = arith.constant 0 : i32
    %scan3A_7 = arith.constant 40 : i32
    %scan3A_8 = arith.addi %scan3A_6, %scan3A_7 : i32
    %scan3A_9 = arith.constant 1 : i32
    scf.for %scan3A_105 = %scan3A_6 to %scan3A_8 step %scan3A_9  : i32 {
      %broadcast_in_dim3A = arith.constant 0.000000e+00 : f32
      %broadcast_in_dim3A_106 = vector.broadcast %broadcast_in_dim3A : f32 to vector<16xf32>
      %mul3A_107 = arith.constant 16 : i32
      %mul3A_108 = arith.muli %scan3A_105, %mul3A_107 : i32
      %swap3A = arith.index_cast %mul3A_108 : i32 to index
      %swap3A_109 = tpu.vector_load %arg16[%swap3A] {strides = array<i32>} : memref<640xf32, #tpu.memory_space<vmem>>, vector<16xf32>,
      %swap3A_110 = vector.shape_cast %swap3A_109 : vector<16xf32> to vector<16xf32>
      %swap3A_111 = vector.shape_cast %broadcast_in_dim3A_106 : vector<16xf32> to vector<16xf32>
      tpu.vector_store %arg16[%swap3A], %swap3A_111 {strides = array<i32>} : memref<640xf32, #tpu.memory_space<vmem>>, vector<16xf32>,
    }
    %scan3A_10 = arith.constant 40 : i32
    %mul3A = arith.constant 640 : i32
    %mul3A_11 = arith.muli %arg1, %mul3A : i32
    "tpu.region"() ({
      %run_scoped3A = tpu.sem_alloc : memref<!tpu.dma_semaphore, #tpu.memory_space<semaphore_mem>>
      %dma_start3A = tpu.memref_slice %arg17[%mul3A_11] : memref<10240xf32, #tpu.memory_space<vmem_shared>> -> memref<640xf32, #tpu.memory_space<vmem_shared>>
      %dma_start3A_105 = tpu.memref_slice %arg17[%mul3A_11] : memref<10240xf32, #tpu.memory_space<vmem_shared>> -> memref<640xf32, #tpu.memory_space<vmem_shared>>
      tpu.enqueue_dma source(%arg16 : memref<640xf32, #tpu.memory_space<vmem>>) target(%dma_start3A_105 : memref<640xf32, #tpu.memory_space<vmem_shared>>) target_semaphore(%run_scoped3A : memref<!tpu.dma_semaphore, #tpu.memory_space<semaphore_mem>>)
      %dma_wait3A = tpu.memref_slice %arg17[%mul3A_11] : memref<10240xf32, #tpu.memory_space<vmem_shared>> -> memref<640xf32, #tpu.memory_space<vmem_shared>>
      %dma_wait3A_106 = tpu.memref_slice %arg17[%mul3A_11] : memref<10240xf32, #tpu.memory_space<vmem_shared>> -> memref<640xf32, #tpu.memory_space<vmem_shared>>
      tpu.wait_dma2 semaphore(%run_scoped3A : memref<!tpu.dma_semaphore, #tpu.memory_space<semaphore_mem>>) src(%arg16 : memref<640xf32, #tpu.memory_space<vmem>>) dst(%dma_wait3A_106 : memref<640xf32, #tpu.memory_space<vmem_shared>>)
      tpu.yield
    }) : () -> ()
    %mul3A_12 = arith.constant 640 : i32
    %mul3A_13 = arith.muli %arg1, %mul3A_12 : i32
    "tpu.region"() ({
      %run_scoped3A = tpu.sem_alloc : memref<!tpu.dma_semaphore, #tpu.memory_space<semaphore_mem>>
      %dma_start3A = tpu.memref_slice %arg18[%mul3A_13] : memref<10240xf32, #tpu.memory_space<vmem_shared>> -> memref<640xf32, #tpu.memory_space<vmem_shared>>
      %dma_start3A_105 = tpu.memref_slice %arg18[%mul3A_13] : memref<10240xf32, #tpu.memory_space<vmem_shared>> -> memref<640xf32, #tpu.memory_space<vmem_shared>>
      tpu.enqueue_dma source(%arg16 : memref<640xf32, #tpu.memory_space<vmem>>) target(%dma_start3A_105 : memref<640xf32, #tpu.memory_space<vmem_shared>>) target_semaphore(%run_scoped3A : memref<!tpu.dma_semaphore, #tpu.memory_space<semaphore_mem>>)
      %dma_wait3A = tpu.memref_slice %arg18[%mul3A_13] : memref<10240xf32, #tpu.memory_space<vmem_shared>> -> memref<640xf32, #tpu.memory_space<vmem_shared>>
      %dma_wait3A_106 = tpu.memref_slice %arg18[%mul3A_13] : memref<10240xf32, #tpu.memory_space<vmem_shared>> -> memref<640xf32, #tpu.memory_space<vmem_shared>>
      tpu.wait_dma2 semaphore(%run_scoped3A : memref<!tpu.dma_semaphore, #tpu.memory_space<semaphore_mem>>) src(%arg16 : memref<640xf32, #tpu.memory_space<vmem>>) dst(%dma_wait3A_106 : memref<640xf32, #tpu.memory_space<vmem_shared>>)
      tpu.yield
    }) : () -> ()
    %mul3A_14 = arith.constant 640 : i32
    %mul3A_15 = arith.muli %arg1, %mul3A_14 : i32
    "tpu.region"() ({
      %run_scoped3A = tpu.sem_alloc : memref<!tpu.dma_semaphore, #tpu.memory_space<semaphore_mem>>
      %dma_start3A = tpu.memref_slice %arg19[%mul3A_15] : memref<10240xf32, #tpu.memory_space<vmem_shared>> -> memref<640xf32, #tpu.memory_space<vmem_shared>>
      %dma_start3A_105 = tpu.memref_slice %arg19[%mul3A_15] : memref<10240xf32, #tpu.memory_space<vmem_shared>> -> memref<640xf32, #tpu.memory_space<vmem_shared>>
      tpu.enqueue_dma source(%arg16 : memref<640xf32, #tpu.memory_space<vmem>>) target(%dma_start3A_105 : memref<640xf32, #tpu.memory_space<vmem_shared>>) target_semaphore(%run_scoped3A : memref<!tpu.dma_semaphore, #tpu.memory_space<semaphore_mem>>)
      %dma_wait3A = tpu.memref_slice %arg19[%mul3A_15] : memref<10240xf32, #tpu.memory_space<vmem_shared>> -> memref<640xf32, #tpu.memory_space<vmem_shared>>
      %dma_wait3A_106 = tpu.memref_slice %arg19[%mul3A_15] : memref<10240xf32, #tpu.memory_space<vmem_shared>> -> memref<640xf32, #tpu.memory_space<vmem_shared>>
      tpu.wait_dma2 semaphore(%run_scoped3A : memref<!tpu.dma_semaphore, #tpu.memory_space<semaphore_mem>>) src(%arg16 : memref<640xf32, #tpu.memory_space<vmem>>) dst(%dma_wait3A_106 : memref<640xf32, #tpu.memory_space<vmem_shared>>)
      tpu.yield
    }) : () -> ()
    %mul3A_16 = arith.constant 640 : i32
    %mul3A_17 = arith.muli %arg1, %mul3A_16 : i32
    "tpu.region"() ({
      %run_scoped3A = tpu.sem_alloc : memref<!tpu.dma_semaphore, #tpu.memory_space<semaphore_mem>>
      %dma_start3A = tpu.memref_slice %arg20[%mul3A_17] : memref<10240xf32, #tpu.memory_space<vmem_shared>> -> memref<640xf32, #tpu.memory_space<vmem_shared>>
      %dma_start3A_105 = tpu.memref_slice %arg20[%mul3A_17] : memref<10240xf32, #tpu.memory_space<vmem_shared>> -> memref<640xf32, #tpu.memory_space<vmem_shared>>
      tpu.enqueue_dma source(%arg16 : memref<640xf32, #tpu.memory_space<vmem>>) target(%dma_start3A_105 : memref<640xf32, #tpu.memory_space<vmem_shared>>) target_semaphore(%run_scoped3A : memref<!tpu.dma_semaphore, #tpu.memory_space<semaphore_mem>>)
      %dma_wait3A = tpu.memref_slice %arg20[%mul3A_17] : memref<10240xf32, #tpu.memory_space<vmem_shared>> -> memref<640xf32, #tpu.memory_space<vmem_shared>>
      %dma_wait3A_106 = tpu.memref_slice %arg20[%mul3A_17] : memref<10240xf32, #tpu.memory_space<vmem_shared>> -> memref<640xf32, #tpu.memory_space<vmem_shared>>
      tpu.wait_dma2 semaphore(%run_scoped3A : memref<!tpu.dma_semaphore, #tpu.memory_space<semaphore_mem>>) src(%arg16 : memref<640xf32, #tpu.memory_space<vmem>>) dst(%dma_wait3A_106 : memref<640xf32, #tpu.memory_space<vmem_shared>>)
      tpu.yield
    }) : () -> ()
    %mul3A_18 = arith.constant 640 : i32
    %mul3A_19 = arith.muli %arg1, %mul3A_18 : i32
    "tpu.region"() ({
      %run_scoped3A = tpu.sem_alloc : memref<!tpu.dma_semaphore, #tpu.memory_space<semaphore_mem>>
      %dma_start3A = tpu.memref_slice %arg21[%mul3A_19] : memref<10240xf32, #tpu.memory_space<vmem_shared>> -> memref<640xf32, #tpu.memory_space<vmem_shared>>
      %dma_start3A_105 = tpu.memref_slice %arg21[%mul3A_19] : memref<10240xf32, #tpu.memory_space<vmem_shared>> -> memref<640xf32, #tpu.memory_space<vmem_shared>>
      tpu.enqueue_dma source(%arg16 : memref<640xf32, #tpu.memory_space<vmem>>) target(%dma_start3A_105 : memref<640xf32, #tpu.memory_space<vmem_shared>>) target_semaphore(%run_scoped3A : memref<!tpu.dma_semaphore, #tpu.memory_space<semaphore_mem>>)
      %dma_wait3A = tpu.memref_slice %arg21[%mul3A_19] : memref<10240xf32, #tpu.memory_space<vmem_shared>> -> memref<640xf32, #tpu.memory_space<vmem_shared>>
      %dma_wait3A_106 = tpu.memref_slice %arg21[%mul3A_19] : memref<10240xf32, #tpu.memory_space<vmem_shared>> -> memref<640xf32, #tpu.memory_space<vmem_shared>>
      tpu.wait_dma2 semaphore(%run_scoped3A : memref<!tpu.dma_semaphore, #tpu.memory_space<semaphore_mem>>) src(%arg16 : memref<640xf32, #tpu.memory_space<vmem>>) dst(%dma_wait3A_106 : memref<640xf32, #tpu.memory_space<vmem_shared>>)
      tpu.yield
    }) : () -> ()
    %mul3A_20 = arith.constant 640 : i32
    %mul3A_21 = arith.muli %arg1, %mul3A_20 : i32
    "tpu.region"() ({
      %run_scoped3A = tpu.sem_alloc : memref<!tpu.dma_semaphore, #tpu.memory_space<semaphore_mem>>
      %dma_start3A = tpu.memref_slice %arg22[%mul3A_21] : memref<10240xf32, #tpu.memory_space<vmem_shared>> -> memref<640xf32, #tpu.memory_space<vmem_shared>>
      %dma_start3A_105 = tpu.memref_slice %arg22[%mul3A_21] : memref<10240xf32, #tpu.memory_space<vmem_shared>> -> memref<640xf32, #tpu.memory_space<vmem_shared>>
      tpu.enqueue_dma source(%arg16 : memref<640xf32, #tpu.memory_space<vmem>>) target(%dma_start3A_105 : memref<640xf32, #tpu.memory_space<vmem_shared>>) target_semaphore(%run_scoped3A : memref<!tpu.dma_semaphore, #tpu.memory_space<semaphore_mem>>)
      %dma_wait3A = tpu.memref_slice %arg22[%mul3A_21] : memref<10240xf32, #tpu.memory_space<vmem_shared>> -> memref<640xf32, #tpu.memory_space<vmem_shared>>
      %dma_wait3A_106 = tpu.memref_slice %arg22[%mul3A_21] : memref<10240xf32, #tpu.memory_space<vmem_shared>> -> memref<640xf32, #tpu.memory_space<vmem_shared>>
      tpu.wait_dma2 semaphore(%run_scoped3A : memref<!tpu.dma_semaphore, #tpu.memory_space<semaphore_mem>>) src(%arg16 : memref<640xf32, #tpu.memory_space<vmem>>) dst(%dma_wait3A_106 : memref<640xf32, #tpu.memory_space<vmem_shared>>)
      tpu.yield
    }) : () -> ()
    %barrier3A = arith.constant 0 : index
    tpu.barrier barrier_id(%barrier3A)
    %mul3A_22 = arith.constant 16 : i32
    %mul3A_23 = arith.muli %arg0, %mul3A_22 : i32
    %add3A = arith.addi %mul3A_23, %arg1 : i32
    %mul3A_24 = arith.constant 80 : i32
    %mul3A_25 = arith.muli %add3A, %mul3A_24 : i32
    %scan3A_26 = arith.constant 0 : i32
    %scan3A_27 = arith.constant 0 : i32
    %scan3A_28 = arith.constant 10 : i32
    %scan3A_29 = arith.addi %scan3A_27, %scan3A_28 : i32
    %scan3A_30 = arith.constant 1 : i32
    scf.for %scan3A_105 = %scan3A_27 to %scan3A_29 step %scan3A_30  : i32 {
      %mul3A_106 = arith.constant 8 : i32
      %mul3A_107 = arith.muli %scan3A_105, %mul3A_106 : i32
      %add3A_108 = arith.addi %mul3A_25, %mul3A_107 : i32
      "tpu.region"() ({
        %run_scoped3A_116 = tpu.sem_alloc : memref<!tpu.dma_semaphore, #tpu.memory_space<semaphore_mem>>
        %dma_start3A = arith.constant 0 : i32
        %dma_start3A_117 = tpu.memref_slice %arg2[%add3A_108, %dma_start3A] : memref<2560x128xi32, #tpu.memory_space<hbm>> -> memref<8x128xi32, #tpu.memory_space<hbm>>
        %dma_start3A_118 = arith.constant 0 : i32
        %dma_start3A_119 = tpu.memref_slice %arg2[%add3A_108, %dma_start3A_118] : memref<2560x128xi32, #tpu.memory_space<hbm>> -> memref<8x128xi32, #tpu.memory_space<hbm>>
        tpu.enqueue_dma source(%dma_start3A_119 : memref<8x128xi32, #tpu.memory_space<hbm>>) target(%arg14 : memref<8x128xi32, #tpu.memory_space<vmem>>) target_semaphore(%run_scoped3A_116 : memref<!tpu.dma_semaphore, #tpu.memory_space<semaphore_mem>>)
        %dma_wait3A = arith.constant 0 : i32
        %dma_wait3A_120 = tpu.memref_slice %arg2[%add3A_108, %dma_wait3A] : memref<2560x128xi32, #tpu.memory_space<hbm>> -> memref<8x128xi32, #tpu.memory_space<hbm>>
        %dma_wait3A_121 = arith.constant 0 : i32
        %dma_wait3A_122 = tpu.memref_slice %arg2[%add3A_108, %dma_wait3A_121] : memref<2560x128xi32, #tpu.memory_space<hbm>> -> memref<8x128xi32, #tpu.memory_space<hbm>>
        tpu.wait_dma2 semaphore(%run_scoped3A_116 : memref<!tpu.dma_semaphore, #tpu.memory_space<semaphore_mem>>) src(%dma_wait3A_122 : memref<8x128xi32, #tpu.memory_space<hbm>>) dst(%arg14 : memref<8x128xi32, #tpu.memory_space<vmem>>)
        tpu.yield
      }) : () -> ()
      %run_scoped3A = arith.constant 0 : i32
      "tpu.region"() ({
        %run_scoped3A_116 = tpu.sem_alloc : memref<!tpu.dma_semaphore, #tpu.memory_space<semaphore_mem>>
        %dma_start3A = arith.constant 0 : i32
        %dma_start3A_117 = tpu.memref_slice %arg14[%run_scoped3A, %dma_start3A] : memref<8x128xi32, #tpu.memory_space<vmem>> -> memref<1x128xi32, #tpu.memory_space<vmem>>
        %dma_start3A_118 = tpu.memref_squeeze %dma_start3A_117 : memref<1x128xi32, #tpu.memory_space<vmem>> -> memref<128xi32, #tpu.memory_space<vmem>>
        %dma_start3A_119 = arith.constant 0 : i32
        %dma_start3A_120 = tpu.memref_slice %arg17[%dma_start3A_119] : memref<10240xf32, #tpu.memory_space<vmem_shared>> -> memref<10240xf32, #tpu.memory_space<vmem_shared>>
        tpu.enqueue_indirect_dma source(%arg15 : memref<128xf32, #tpu.memory_space<vmem>>) target(%dma_start3A_120 : memref<10240xf32, #tpu.memory_space<vmem_shared>>) offsets(%dma_start3A_118 : memref<128xi32, #tpu.memory_space<vmem>>) semaphore(%run_scoped3A_116 : memref<!tpu.dma_semaphore, #tpu.memory_space<semaphore_mem>>) {add = true}
        %dma_wait3A = arith.constant 0 : i32
        %dma_wait3A_121 = tpu.memref_slice %arg14[%run_scoped3A, %dma_wait3A] : memref<8x128xi32, #tpu.memory_space<vmem>> -> memref<1x128xi32, #tpu.memory_space<vmem>>
        %dma_wait3A_122 = tpu.memref_squeeze %dma_wait3A_121 : memref<1x128xi32, #tpu.memory_space<vmem>> -> memref<128xi32, #tpu.memory_space<vmem>>
        %dma_wait3A_123 = arith.constant 0 : i32
        %dma_wait3A_124 = tpu.memref_slice %arg17[%dma_wait3A_123] : memref<10240xf32, #tpu.memory_space<vmem_shared>> -> memref<10240xf32, #tpu.memory_space<vmem_shared>>
        tpu.wait_indirect_dma semaphore(%run_scoped3A_116 : memref<!tpu.dma_semaphore, #tpu.memory_space<semaphore_mem>>) src(%arg15 : memref<128xf32, #tpu.memory_space<vmem>>) dst(%dma_wait3A_124 : memref<10240xf32, #tpu.memory_space<vmem_shared>>)
        tpu.yield
      }) : () -> ()
      %run_scoped3A_109 = arith.constant 1 : i32
      "tpu.region"() ({
        %run_scoped3A_116 = tpu.sem_alloc : memref<!tpu.dma_semaphore, #tpu.memory_space<semaphore_mem>>
        %dma_start3A = arith.constant 0 : i32
        %dma_start3A_117 = tpu.memref_slice %arg14[%run_scoped3A_109, %dma_start3A] : memref<8x128xi32, #tpu.memory_space<vmem>> -> memref<1x128xi32, #tpu.memory_space<vmem>>
        %dma_start3A_118 = tpu.memref_squeeze %dma_start3A_117 : memref<1x128xi32, #tpu.memory_space<vmem>> -> memref<128xi32, #tpu.memory_space<vmem>>
        %dma_start3A_119 = arith.constant 0 : i32
        %dma_start3A_120 = tpu.memref_slice %arg17[%dma_start3A_119] : memref<10240xf32, #tpu.memory_space<vmem_shared>> -> memref<10240xf32, #tpu.memory_space<vmem_shared>>
        tpu.enqueue_indirect_dma source(%arg15 : memref<128xf32, #tpu.memory_space<vmem>>) target(%dma_start3A_120 : memref<10240xf32, #tpu.memory_space<vmem_shared>>) offsets(%dma_start3A_118 : memref<128xi32, #tpu.memory_space<vmem>>) semaphore(%run_scoped3A_116 : memref<!tpu.dma_semaphore, #tpu.memory_space<semaphore_mem>>) {add = true}
        %dma_wait3A = arith.constant 0 : i32
        %dma_wait3A_121 = tpu.memref_slice %arg14[%run_scoped3A_109, %dma_wait3A] : memref<8x128xi32, #tpu.memory_space<vmem>> -> memref<1x128xi32, #tpu.memory_space<vmem>>
        %dma_wait3A_122 = tpu.memref_squeeze %dma_wait3A_121 : memref<1x128xi32, #tpu.memory_space<vmem>> -> memref<128xi32, #tpu.memory_space<vmem>>
        %dma_wait3A_123 = arith.constant 0 : i32
        %dma_wait3A_124 = tpu.memref_slice %arg17[%dma_wait3A_123] : memref<10240xf32, #tpu.memory_space<vmem_shared>> -> memref<10240xf32, #tpu.memory_space<vmem_shared>>
        tpu.wait_indirect_dma semaphore(%run_scoped3A_116 : memref<!tpu.dma_semaphore, #tpu.memory_space<semaphore_mem>>) src(%arg15 : memref<128xf32, #tpu.memory_space<vmem>>) dst(%dma_wait3A_124 : memref<10240xf32, #tpu.memory_space<vmem_shared>>)
        tpu.yield
      }) : () -> ()
      %run_scoped3A_110 = arith.constant 2 : i32
      "tpu.region"() ({
        %run_scoped3A_116 = tpu.sem_alloc : memref<!tpu.dma_semaphore, #tpu.memory_space<semaphore_mem>>
        %dma_start3A = arith.constant 0 : i32
        %dma_start3A_117 = tpu.memref_slice %arg14[%run_scoped3A_110, %dma_start3A] : memref<8x128xi32, #tpu.memory_space<vmem>> -> memref<1x128xi32, #tpu.memory_space<vmem>>
        %dma_start3A_118 = tpu.memref_squeeze %dma_start3A_117 : memref<1x128xi32, #tpu.memory_space<vmem>> -> memref<128xi32, #tpu.memory_space<vmem>>
        %dma_start3A_119 = arith.constant 0 : i32
        %dma_start3A_120 = tpu.memref_slice %arg17[%dma_start3A_119] : memref<10240xf32, #tpu.memory_space<vmem_shared>> -> memref<10240xf32, #tpu.memory_space<vmem_shared>>
        tpu.enqueue_indirect_dma source(%arg15 : memref<128xf32, #tpu.memory_space<vmem>>) target(%dma_start3A_120 : memref<10240xf32, #tpu.memory_space<vmem_shared>>) offsets(%dma_start3A_118 : memref<128xi32, #tpu.memory_space<vmem>>) semaphore(%run_scoped3A_116 : memref<!tpu.dma_semaphore, #tpu.memory_space<semaphore_mem>>) {add = true}
        %dma_wait3A = arith.constant 0 : i32
        %dma_wait3A_121 = tpu.memref_slice %arg14[%run_scoped3A_110, %dma_wait3A] : memref<8x128xi32, #tpu.memory_space<vmem>> -> memref<1x128xi32, #tpu.memory_space<vmem>>
        %dma_wait3A_122 = tpu.memref_squeeze %dma_wait3A_121 : memref<1x128xi32, #tpu.memory_space<vmem>> -> memref<128xi32, #tpu.memory_space<vmem>>
        %dma_wait3A_123 = arith.constant 0 : i32
        %dma_wait3A_124 = tpu.memref_slice %arg17[%dma_wait3A_123] : memref<10240xf32, #tpu.memory_space<vmem_shared>> -> memref<10240xf32, #tpu.memory_space<vmem_shared>>
        tpu.wait_indirect_dma semaphore(%run_scoped3A_116 : memref<!tpu.dma_semaphore, #tpu.memory_space<semaphore_mem>>) src(%arg15 : memref<128xf32, #tpu.memory_space<vmem>>) dst(%dma_wait3A_124 : memref<10240xf32, #tpu.memory_space<vmem_shared>>)
        tpu.yield
      }) : () -> ()
      %run_scoped3A_111 = arith.constant 3 : i32
      "tpu.region"() ({
        %run_scoped3A_116 = tpu.sem_alloc : memref<!tpu.dma_semaphore, #tpu.memory_space<semaphore_mem>>
        %dma_start3A = arith.constant 0 : i32
        %dma_start3A_117 = tpu.memref_slice %arg14[%run_scoped3A_111, %dma_start3A] : memref<8x128xi32, #tpu.memory_space<vmem>> -> memref<1x128xi32, #tpu.memory_space<vmem>>
        %dma_start3A_118 = tpu.memref_squeeze %dma_start3A_117 : memref<1x128xi32, #tpu.memory_space<vmem>> -> memref<128xi32, #tpu.memory_space<vmem>>
        %dma_start3A_119 = arith.constant 0 : i32
        %dma_start3A_120 = tpu.memref_slice %arg17[%dma_start3A_119] : memref<10240xf32, #tpu.memory_space<vmem_shared>> -> memref<10240xf32, #tpu.memory_space<vmem_shared>>
        tpu.enqueue_indirect_dma source(%arg15 : memref<128xf32, #tpu.memory_space<vmem>>) target(%dma_start3A_120 : memref<10240xf32, #tpu.memory_space<vmem_shared>>) offsets(%dma_start3A_118 : memref<128xi32, #tpu.memory_space<vmem>>) semaphore(%run_scoped3A_116 : memref<!tpu.dma_semaphore, #tpu.memory_space<semaphore_mem>>) {add = true}
        %dma_wait3A = arith.constant 0 : i32
        %dma_wait3A_121 = tpu.memref_slice %arg14[%run_scoped3A_111, %dma_wait3A] : memref<8x128xi32, #tpu.memory_space<vmem>> -> memref<1x128xi32, #tpu.memory_space<vmem>>
        %dma_wait3A_122 = tpu.memref_squeeze %dma_wait3A_121 : memref<1x128xi32, #tpu.memory_space<vmem>> -> memref<128xi32, #tpu.memory_space<vmem>>
        %dma_wait3A_123 = arith.constant 0 : i32
        %dma_wait3A_124 = tpu.memref_slice %arg17[%dma_wait3A_123] : memref<10240xf32, #tpu.memory_space<vmem_shared>> -> memref<10240xf32, #tpu.memory_space<vmem_shared>>
        tpu.wait_indirect_dma semaphore(%run_scoped3A_116 : memref<!tpu.dma_semaphore, #tpu.memory_space<semaphore_mem>>) src(%arg15 : memref<128xf32, #tpu.memory_space<vmem>>) dst(%dma_wait3A_124 : memref<10240xf32, #tpu.memory_space<vmem_shared>>)
        tpu.yield
      }) : () -> ()
      %run_scoped3A_112 = arith.constant 4 : i32
      "tpu.region"() ({
        %run_scoped3A_116 = tpu.sem_alloc : memref<!tpu.dma_semaphore, #tpu.memory_space<semaphore_mem>>
        %dma_start3A = arith.constant 0 : i32
        %dma_start3A_117 = tpu.memref_slice %arg14[%run_scoped3A_112, %dma_start3A] : memref<8x128xi32, #tpu.memory_space<vmem>> -> memref<1x128xi32, #tpu.memory_space<vmem>>
        %dma_start3A_118 = tpu.memref_squeeze %dma_start3A_117 : memref<1x128xi32, #tpu.memory_space<vmem>> -> memref<128xi32, #tpu.memory_space<vmem>>
        %dma_start3A_119 = arith.constant 0 : i32
        %dma_start3A_120 = tpu.memref_slice %arg17[%dma_start3A_119] : memref<10240xf32, #tpu.memory_space<vmem_shared>> -> memref<10240xf32, #tpu.memory_space<vmem_shared>>
        tpu.enqueue_indirect_dma source(%arg15 : memref<128xf32, #tpu.memory_space<vmem>>) target(%dma_start3A_120 : memref<10240xf32, #tpu.memory_space<vmem_shared>>) offsets(%dma_start3A_118 : memref<128xi32, #tpu.memory_space<vmem>>) semaphore(%run_scoped3A_116 : memref<!tpu.dma_semaphore, #tpu.memory_space<semaphore_mem>>) {add = true}
        %dma_wait3A = arith.constant 0 : i32
        %dma_wait3A_121 = tpu.memref_slice %arg14[%run_scoped3A_112, %dma_wait3A] : memref<8x128xi32, #tpu.memory_space<vmem>> -> memref<1x128xi32, #tpu.memory_space<vmem>>
        %dma_wait3A_122 = tpu.memref_squeeze %dma_wait3A_121 : memref<1x128xi32, #tpu.memory_space<vmem>> -> memref<128xi32, #tpu.memory_space<vmem>>
        %dma_wait3A_123 = arith.constant 0 : i32
        %dma_wait3A_124 = tpu.memref_slice %arg17[%dma_wait3A_123] : memref<10240xf32, #tpu.memory_space<vmem_shared>> -> memref<10240xf32, #tpu.memory_space<vmem_shared>>
        tpu.wait_indirect_dma semaphore(%run_scoped3A_116 : memref<!tpu.dma_semaphore, #tpu.memory_space<semaphore_mem>>) src(%arg15 : memref<128xf32, #tpu.memory_space<vmem>>) dst(%dma_wait3A_124 : memref<10240xf32, #tpu.memory_space<vmem_shared>>)
        tpu.yield
      }) : () -> ()
      %run_scoped3A_113 = arith.constant 5 : i32
      "tpu.region"() ({
        %run_scoped3A_116 = tpu.sem_alloc : memref<!tpu.dma_semaphore, #tpu.memory_space<semaphore_mem>>
        %dma_start3A = arith.constant 0 : i32
        %dma_start3A_117 = tpu.memref_slice %arg14[%run_scoped3A_113, %dma_start3A] : memref<8x128xi32, #tpu.memory_space<vmem>> -> memref<1x128xi32, #tpu.memory_space<vmem>>
        %dma_start3A_118 = tpu.memref_squeeze %dma_start3A_117 : memref<1x128xi32, #tpu.memory_space<vmem>> -> memref<128xi32, #tpu.memory_space<vmem>>
        %dma_start3A_119 = arith.constant 0 : i32
        %dma_start3A_120 = tpu.memref_slice %arg17[%dma_start3A_119] : memref<10240xf32, #tpu.memory_space<vmem_shared>> -> memref<10240xf32, #tpu.memory_space<vmem_shared>>
        tpu.enqueue_indirect_dma source(%arg15 : memref<128xf32, #tpu.memory_space<vmem>>) target(%dma_start3A_120 : memref<10240xf32, #tpu.memory_space<vmem_shared>>) offsets(%dma_start3A_118 : memref<128xi32, #tpu.memory_space<vmem>>) semaphore(%run_scoped3A_116 : memref<!tpu.dma_semaphore, #tpu.memory_space<semaphore_mem>>) {add = true}
        %dma_wait3A = arith.constant 0 : i32
        %dma_wait3A_121 = tpu.memref_slice %arg14[%run_scoped3A_113, %dma_wait3A] : memref<8x128xi32, #tpu.memory_space<vmem>> -> memref<1x128xi32, #tpu.memory_space<vmem>>
        %dma_wait3A_122 = tpu.memref_squeeze %dma_wait3A_121 : memref<1x128xi32, #tpu.memory_space<vmem>> -> memref<128xi32, #tpu.memory_space<vmem>>
        %dma_wait3A_123 = arith.constant 0 : i32
        %dma_wait3A_124 = tpu.memref_slice %arg17[%dma_wait3A_123] : memref<10240xf32, #tpu.memory_space<vmem_shared>> -> memref<10240xf32, #tpu.memory_space<vmem_shared>>
        tpu.wait_indirect_dma semaphore(%run_scoped3A_116 : memref<!tpu.dma_semaphore, #tpu.memory_space<semaphore_mem>>) src(%arg15 : memref<128xf32, #tpu.memory_space<vmem>>) dst(%dma_wait3A_124 : memref<10240xf32, #tpu.memory_space<vmem_shared>>)
        tpu.yield
      }) : () -> ()
      %run_scoped3A_114 = arith.constant 6 : i32
      "tpu.region"() ({
        %run_scoped3A_116 = tpu.sem_alloc : memref<!tpu.dma_semaphore, #tpu.memory_space<semaphore_mem>>
        %dma_start3A = arith.constant 0 : i32
        %dma_start3A_117 = tpu.memref_slice %arg14[%run_scoped3A_114, %dma_start3A] : memref<8x128xi32, #tpu.memory_space<vmem>> -> memref<1x128xi32, #tpu.memory_space<vmem>>
        %dma_start3A_118 = tpu.memref_squeeze %dma_start3A_117 : memref<1x128xi32, #tpu.memory_space<vmem>> -> memref<128xi32, #tpu.memory_space<vmem>>
        %dma_start3A_119 = arith.constant 0 : i32
        %dma_start3A_120 = tpu.memref_slice %arg17[%dma_start3A_119] : memref<10240xf32, #tpu.memory_space<vmem_shared>> -> memref<10240xf32, #tpu.memory_space<vmem_shared>>
        tpu.enqueue_indirect_dma source(%arg15 : memref<128xf32, #tpu.memory_space<vmem>>) target(%dma_start3A_120 : memref<10240xf32, #tpu.memory_space<vmem_shared>>) offsets(%dma_start3A_118 : memref<128xi32, #tpu.memory_space<vmem>>) semaphore(%run_scoped3A_116 : memref<!tpu.dma_semaphore, #tpu.memory_space<semaphore_mem>>) {add = true}
        %dma_wait3A = arith.constant 0 : i32
        %dma_wait3A_121 = tpu.memref_slice %arg14[%run_scoped3A_114, %dma_wait3A] : memref<8x128xi32, #tpu.memory_space<vmem>> -> memref<1x128xi32, #tpu.memory_space<vmem>>
        %dma_wait3A_122 = tpu.memref_squeeze %dma_wait3A_121 : memref<1x128xi32, #tpu.memory_space<vmem>> -> memref<128xi32, #tpu.memory_space<vmem>>
        %dma_wait3A_123 = arith.constant 0 : i32
        %dma_wait3A_124 = tpu.memref_slice %arg17[%dma_wait3A_123] : memref<10240xf32, #tpu.memory_space<vmem_shared>> -> memref<10240xf32, #tpu.memory_space<vmem_shared>>
        tpu.wait_indirect_dma semaphore(%run_scoped3A_116 : memref<!tpu.dma_semaphore, #tpu.memory_space<semaphore_mem>>) src(%arg15 : memref<128xf32, #tpu.memory_space<vmem>>) dst(%dma_wait3A_124 : memref<10240xf32, #tpu.memory_space<vmem_shared>>)
        tpu.yield
      }) : () -> ()
      %run_scoped3A_115 = arith.constant 7 : i32
      "tpu.region"() ({
        %run_scoped3A_116 = tpu.sem_alloc : memref<!tpu.dma_semaphore, #tpu.memory_space<semaphore_mem>>
        %dma_start3A = arith.constant 0 : i32
        %dma_start3A_117 = tpu.memref_slice %arg14[%run_scoped3A_115, %dma_start3A] : memref<8x128xi32, #tpu.memory_space<vmem>> -> memref<1x128xi32, #tpu.memory_space<vmem>>
        %dma_start3A_118 = tpu.memref_squeeze %dma_start3A_117 : memref<1x128xi32, #tpu.memory_space<vmem>> -> memref<128xi32, #tpu.memory_space<vmem>>
        %dma_start3A_119 = arith.constant 0 : i32
        %dma_start3A_120 = tpu.memref_slice %arg17[%dma_start3A_119] : memref<10240xf32, #tpu.memory_space<vmem_shared>> -> memref<10240xf32, #tpu.memory_space<vmem_shared>>
        tpu.enqueue_indirect_dma source(%arg15 : memref<128xf32, #tpu.memory_space<vmem>>) target(%dma_start3A_120 : memref<10240xf32, #tpu.memory_space<vmem_shared>>) offsets(%dma_start3A_118 : memref<128xi32, #tpu.memory_space<vmem>>) semaphore(%run_scoped3A_116 : memref<!tpu.dma_semaphore, #tpu.memory_space<semaphore_mem>>) {add = true}
        %dma_wait3A = arith.constant 0 : i32
        %dma_wait3A_121 = tpu.memref_slice %arg14[%run_scoped3A_115, %dma_wait3A] : memref<8x128xi32, #tpu.memory_space<vmem>> -> memref<1x128xi32, #tpu.memory_space<vmem>>
        %dma_wait3A_122 = tpu.memref_squeeze %dma_wait3A_121 : memref<1x128xi32, #tpu.memory_space<vmem>> -> memref<128xi32, #tpu.memory_space<vmem>>
        %dma_wait3A_123 = arith.constant 0 : i32
        %dma_wait3A_124 = tpu.memref_slice %arg17[%dma_wait3A_123] : memref<10240xf32, #tpu.memory_space<vmem_shared>> -> memref<10240xf32, #tpu.memory_space<vmem_shared>>
        tpu.wait_indirect_dma semaphore(%run_scoped3A_116 : memref<!tpu.dma_semaphore, #tpu.memory_space<semaphore_mem>>) src(%arg15 : memref<128xf32, #tpu.memory_space<vmem>>) dst(%dma_wait3A_124 : memref<10240xf32, #tpu.memory_space<vmem_shared>>)
        tpu.yield
      }) : () -> ()
    }
    %scan3A_31 = arith.constant 10 : i32
    %scan3A_32 = arith.constant 0 : i32
    %scan3A_33 = arith.constant 0 : i32
    %scan3A_34 = arith.constant 10 : i32
    %scan3A_35 = arith.addi %scan3A_33, %scan3A_34 : i32
    %scan3A_36 = arith.constant 1 : i32
    scf.for %scan3A_105 = %scan3A_33 to %scan3A_35 step %scan3A_36  : i32 {
      %mul3A_106 = arith.constant 8 : i32
      %mul3A_107 = arith.muli %scan3A_105, %mul3A_106 : i32
      %add3A_108 = arith.addi %mul3A_25, %mul3A_107 : i32
      "tpu.region"() ({
        %run_scoped3A_116 = tpu.sem_alloc : memref<!tpu.dma_semaphore, #tpu.memory_space<semaphore_mem>>
        %dma_start3A = arith.constant 0 : i32
        %dma_start3A_117 = tpu.memref_slice %arg3[%add3A_108, %dma_start3A] : memref<2560x128xi32, #tpu.memory_space<hbm>> -> memref<8x128xi32, #tpu.memory_space<hbm>>
        %dma_start3A_118 = arith.constant 0 : i32
        %dma_start3A_119 = tpu.memref_slice %arg3[%add3A_108, %dma_start3A_118] : memref<2560x128xi32, #tpu.memory_space<hbm>> -> memref<8x128xi32, #tpu.memory_space<hbm>>
        tpu.enqueue_dma source(%dma_start3A_119 : memref<8x128xi32, #tpu.memory_space<hbm>>) target(%arg14 : memref<8x128xi32, #tpu.memory_space<vmem>>) target_semaphore(%run_scoped3A_116 : memref<!tpu.dma_semaphore, #tpu.memory_space<semaphore_mem>>)
        %dma_wait3A = arith.constant 0 : i32
        %dma_wait3A_120 = tpu.memref_slice %arg3[%add3A_108, %dma_wait3A] : memref<2560x128xi32, #tpu.memory_space<hbm>> -> memref<8x128xi32, #tpu.memory_space<hbm>>
        %dma_wait3A_121 = arith.constant 0 : i32
        %dma_wait3A_122 = tpu.memref_slice %arg3[%add3A_108, %dma_wait3A_121] : memref<2560x128xi32, #tpu.memory_space<hbm>> -> memref<8x128xi32, #tpu.memory_space<hbm>>
        tpu.wait_dma2 semaphore(%run_scoped3A_116 : memref<!tpu.dma_semaphore, #tpu.memory_space<semaphore_mem>>) src(%dma_wait3A_122 : memref<8x128xi32, #tpu.memory_space<hbm>>) dst(%arg14 : memref<8x128xi32, #tpu.memory_space<vmem>>)
        tpu.yield
      }) : () -> ()
      %run_scoped3A = arith.constant 0 : i32
      "tpu.region"() ({
        %run_scoped3A_116 = tpu.sem_alloc : memref<!tpu.dma_semaphore, #tpu.memory_space<semaphore_mem>>
        %dma_start3A = arith.constant 0 : i32
        %dma_start3A_117 = tpu.memref_slice %arg14[%run_scoped3A, %dma_start3A] : memref<8x128xi32, #tpu.memory_space<vmem>> -> memref<1x128xi32, #tpu.memory_space<vmem>>
        %dma_start3A_118 = tpu.memref_squeeze %dma_start3A_117 : memref<1x128xi32, #tpu.memory_space<vmem>> -> memref<128xi32, #tpu.memory_space<vmem>>
        %dma_start3A_119 = arith.constant 0 : i32
        %dma_start3A_120 = tpu.memref_slice %arg18[%dma_start3A_119] : memref<10240xf32, #tpu.memory_space<vmem_shared>> -> memref<10240xf32, #tpu.memory_space<vmem_shared>>
        tpu.enqueue_indirect_dma source(%arg15 : memref<128xf32, #tpu.memory_space<vmem>>) target(%dma_start3A_120 : memref<10240xf32, #tpu.memory_space<vmem_shared>>) offsets(%dma_start3A_118 : memref<128xi32, #tpu.memory_space<vmem>>) semaphore(%run_scoped3A_116 : memref<!tpu.dma_semaphore, #tpu.memory_space<semaphore_mem>>) {add = true}
        %dma_wait3A = arith.constant 0 : i32
        %dma_wait3A_121 = tpu.memref_slice %arg14[%run_scoped3A, %dma_wait3A] : memref<8x128xi32, #tpu.memory_space<vmem>> -> memref<1x128xi32, #tpu.memory_space<vmem>>
        %dma_wait3A_122 = tpu.memref_squeeze %dma_wait3A_121 : memref<1x128xi32, #tpu.memory_space<vmem>> -> memref<128xi32, #tpu.memory_space<vmem>>
        %dma_wait3A_123 = arith.constant 0 : i32
        %dma_wait3A_124 = tpu.memref_slice %arg18[%dma_wait3A_123] : memref<10240xf32, #tpu.memory_space<vmem_shared>> -> memref<10240xf32, #tpu.memory_space<vmem_shared>>
        tpu.wait_indirect_dma semaphore(%run_scoped3A_116 : memref<!tpu.dma_semaphore, #tpu.memory_space<semaphore_mem>>) src(%arg15 : memref<128xf32, #tpu.memory_space<vmem>>) dst(%dma_wait3A_124 : memref<10240xf32, #tpu.memory_space<vmem_shared>>)
        tpu.yield
      }) : () -> ()
      %run_scoped3A_109 = arith.constant 1 : i32
      "tpu.region"() ({
        %run_scoped3A_116 = tpu.sem_alloc : memref<!tpu.dma_semaphore, #tpu.memory_space<semaphore_mem>>
        %dma_start3A = arith.constant 0 : i32
        %dma_start3A_117 = tpu.memref_slice %arg14[%run_scoped3A_109, %dma_start3A] : memref<8x128xi32, #tpu.memory_space<vmem>> -> memref<1x128xi32, #tpu.memory_space<vmem>>
        %dma_start3A_118 = tpu.memref_squeeze %dma_start3A_117 : memref<1x128xi32, #tpu.memory_space<vmem>> -> memref<128xi32, #tpu.memory_space<vmem>>
        %dma_start3A_119 = arith.constant 0 : i32
        %dma_start3A_120 = tpu.memref_slice %arg18[%dma_start3A_119] : memref<10240xf32, #tpu.memory_space<vmem_shared>> -> memref<10240xf32, #tpu.memory_space<vmem_shared>>
        tpu.enqueue_indirect_dma source(%arg15 : memref<128xf32, #tpu.memory_space<vmem>>) target(%dma_start3A_120 : memref<10240xf32, #tpu.memory_space<vmem_shared>>) offsets(%dma_start3A_118 : memref<128xi32, #tpu.memory_space<vmem>>) semaphore(%run_scoped3A_116 : memref<!tpu.dma_semaphore, #tpu.memory_space<semaphore_mem>>) {add = true}
        %dma_wait3A = arith.constant 0 : i32
        %dma_wait3A_121 = tpu.memref_slice %arg14[%run_scoped3A_109, %dma_wait3A] : memref<8x128xi32, #tpu.memory_space<vmem>> -> memref<1x128xi32, #tpu.memory_space<vmem>>
        %dma_wait3A_122 = tpu.memref_squeeze %dma_wait3A_121 : memref<1x128xi32, #tpu.memory_space<vmem>> -> memref<128xi32, #tpu.memory_space<vmem>>
        %dma_wait3A_123 = arith.constant 0 : i32
        %dma_wait3A_124 = tpu.memref_slice %arg18[%dma_wait3A_123] : memref<10240xf32, #tpu.memory_space<vmem_shared>> -> memref<10240xf32, #tpu.memory_space<vmem_shared>>
        tpu.wait_indirect_dma semaphore(%run_scoped3A_116 : memref<!tpu.dma_semaphore, #tpu.memory_space<semaphore_mem>>) src(%arg15 : memref<128xf32, #tpu.memory_space<vmem>>) dst(%dma_wait3A_124 : memref<10240xf32, #tpu.memory_space<vmem_shared>>)
        tpu.yield
      }) : () -> ()
      %run_scoped3A_110 = arith.constant 2 : i32
      "tpu.region"() ({
        %run_scoped3A_116 = tpu.sem_alloc : memref<!tpu.dma_semaphore, #tpu.memory_space<semaphore_mem>>
        %dma_start3A = arith.constant 0 : i32
        %dma_start3A_117 = tpu.memref_slice %arg14[%run_scoped3A_110, %dma_start3A] : memref<8x128xi32, #tpu.memory_space<vmem>> -> memref<1x128xi32, #tpu.memory_space<vmem>>
        %dma_start3A_118 = tpu.memref_squeeze %dma_start3A_117 : memref<1x128xi32, #tpu.memory_space<vmem>> -> memref<128xi32, #tpu.memory_space<vmem>>
        %dma_start3A_119 = arith.constant 0 : i32
        %dma_start3A_120 = tpu.memref_slice %arg18[%dma_start3A_119] : memref<10240xf32, #tpu.memory_space<vmem_shared>> -> memref<10240xf32, #tpu.memory_space<vmem_shared>>
        tpu.enqueue_indirect_dma source(%arg15 : memref<128xf32, #tpu.memory_space<vmem>>) target(%dma_start3A_120 : memref<10240xf32, #tpu.memory_space<vmem_shared>>) offsets(%dma_start3A_118 : memref<128xi32, #tpu.memory_space<vmem>>) semaphore(%run_scoped3A_116 : memref<!tpu.dma_semaphore, #tpu.memory_space<semaphore_mem>>) {add = true}
        %dma_wait3A = arith.constant 0 : i32
        %dma_wait3A_121 = tpu.memref_slice %arg14[%run_scoped3A_110, %dma_wait3A] : memref<8x128xi32, #tpu.memory_space<vmem>> -> memref<1x128xi32, #tpu.memory_space<vmem>>
        %dma_wait3A_122 = tpu.memref_squeeze %dma_wait3A_121 : memref<1x128xi32, #tpu.memory_space<vmem>> -> memref<128xi32, #tpu.memory_space<vmem>>
        %dma_wait3A_123 = arith.constant 0 : i32
        %dma_wait3A_124 = tpu.memref_slice %arg18[%dma_wait3A_123] : memref<10240xf32, #tpu.memory_space<vmem_shared>> -> memref<10240xf32, #tpu.memory_space<vmem_shared>>
        tpu.wait_indirect_dma semaphore(%run_scoped3A_116 : memref<!tpu.dma_semaphore, #tpu.memory_space<semaphore_mem>>) src(%arg15 : memref<128xf32, #tpu.memory_space<vmem>>) dst(%dma_wait3A_124 : memref<10240xf32, #tpu.memory_space<vmem_shared>>)
        tpu.yield
      }) : () -> ()
      %run_scoped3A_111 = arith.constant 3 : i32
      "tpu.region"() ({
        %run_scoped3A_116 = tpu.sem_alloc : memref<!tpu.dma_semaphore, #tpu.memory_space<semaphore_mem>>
        %dma_start3A = arith.constant 0 : i32
        %dma_start3A_117 = tpu.memref_slice %arg14[%run_scoped3A_111, %dma_start3A] : memref<8x128xi32, #tpu.memory_space<vmem>> -> memref<1x128xi32, #tpu.memory_space<vmem>>
        %dma_start3A_118 = tpu.memref_squeeze %dma_start3A_117 : memref<1x128xi32, #tpu.memory_space<vmem>> -> memref<128xi32, #tpu.memory_space<vmem>>
        %dma_start3A_119 = arith.constant 0 : i32
        %dma_start3A_120 = tpu.memref_slice %arg18[%dma_start3A_119] : memref<10240xf32, #tpu.memory_space<vmem_shared>> -> memref<10240xf32, #tpu.memory_space<vmem_shared>>
        tpu.enqueue_indirect_dma source(%arg15 : memref<128xf32, #tpu.memory_space<vmem>>) target(%dma_start3A_120 : memref<10240xf32, #tpu.memory_space<vmem_shared>>) offsets(%dma_start3A_118 : memref<128xi32, #tpu.memory_space<vmem>>) semaphore(%run_scoped3A_116 : memref<!tpu.dma_semaphore, #tpu.memory_space<semaphore_mem>>) {add = true}
        %dma_wait3A = arith.constant 0 : i32
        %dma_wait3A_121 = tpu.memref_slice %arg14[%run_scoped3A_111, %dma_wait3A] : memref<8x128xi32, #tpu.memory_space<vmem>> -> memref<1x128xi32, #tpu.memory_space<vmem>>
        %dma_wait3A_122 = tpu.memref_squeeze %dma_wait3A_121 : memref<1x128xi32, #tpu.memory_space<vmem>> -> memref<128xi32, #tpu.memory_space<vmem>>
        %dma_wait3A_123 = arith.constant 0 : i32
        %dma_wait3A_124 = tpu.memref_slice %arg18[%dma_wait3A_123] : memref<10240xf32, #tpu.memory_space<vmem_shared>> -> memref<10240xf32, #tpu.memory_space<vmem_shared>>
        tpu.wait_indirect_dma semaphore(%run_scoped3A_116 : memref<!tpu.dma_semaphore, #tpu.memory_space<semaphore_mem>>) src(%arg15 : memref<128xf32, #tpu.memory_space<vmem>>) dst(%dma_wait3A_124 : memref<10240xf32, #tpu.memory_space<vmem_shared>>)
        tpu.yield
      }) : () -> ()
      %run_scoped3A_112 = arith.constant 4 : i32
      "tpu.region"() ({
        %run_scoped3A_116 = tpu.sem_alloc : memref<!tpu.dma_semaphore, #tpu.memory_space<semaphore_mem>>
        %dma_start3A = arith.constant 0 : i32
        %dma_start3A_117 = tpu.memref_slice %arg14[%run_scoped3A_112, %dma_start3A] : memref<8x128xi32, #tpu.memory_space<vmem>> -> memref<1x128xi32, #tpu.memory_space<vmem>>
        %dma_start3A_118 = tpu.memref_squeeze %dma_start3A_117 : memref<1x128xi32, #tpu.memory_space<vmem>> -> memref<128xi32, #tpu.memory_space<vmem>>
        %dma_start3A_119 = arith.constant 0 : i32
        %dma_start3A_120 = tpu.memref_slice %arg18[%dma_start3A_119] : memref<10240xf32, #tpu.memory_space<vmem_shared>> -> memref<10240xf32, #tpu.memory_space<vmem_shared>>
        tpu.enqueue_indirect_dma source(%arg15 : memref<128xf32, #tpu.memory_space<vmem>>) target(%dma_start3A_120 : memref<10240xf32, #tpu.memory_space<vmem_shared>>) offsets(%dma_start3A_118 : memref<128xi32, #tpu.memory_space<vmem>>) semaphore(%run_scoped3A_116 : memref<!tpu.dma_semaphore, #tpu.memory_space<semaphore_mem>>) {add = true}
        %dma_wait3A = arith.constant 0 : i32
        %dma_wait3A_121 = tpu.memref_slice %arg14[%run_scoped3A_112, %dma_wait3A] : memref<8x128xi32, #tpu.memory_space<vmem>> -> memref<1x128xi32, #tpu.memory_space<vmem>>
        %dma_wait3A_122 = tpu.memref_squeeze %dma_wait3A_121 : memref<1x128xi32, #tpu.memory_space<vmem>> -> memref<128xi32, #tpu.memory_space<vmem>>
        %dma_wait3A_123 = arith.constant 0 : i32
        %dma_wait3A_124 = tpu.memref_slice %arg18[%dma_wait3A_123] : memref<10240xf32, #tpu.memory_space<vmem_shared>> -> memref<10240xf32, #tpu.memory_space<vmem_shared>>
        tpu.wait_indirect_dma semaphore(%run_scoped3A_116 : memref<!tpu.dma_semaphore, #tpu.memory_space<semaphore_mem>>) src(%arg15 : memref<128xf32, #tpu.memory_space<vmem>>) dst(%dma_wait3A_124 : memref<10240xf32, #tpu.memory_space<vmem_shared>>)
        tpu.yield
      }) : () -> ()
      %run_scoped3A_113 = arith.constant 5 : i32
      "tpu.region"() ({
        %run_scoped3A_116 = tpu.sem_alloc : memref<!tpu.dma_semaphore, #tpu.memory_space<semaphore_mem>>
        %dma_start3A = arith.constant 0 : i32
        %dma_start3A_117 = tpu.memref_slice %arg14[%run_scoped3A_113, %dma_start3A] : memref<8x128xi32, #tpu.memory_space<vmem>> -> memref<1x128xi32, #tpu.memory_space<vmem>>
        %dma_start3A_118 = tpu.memref_squeeze %dma_start3A_117 : memref<1x128xi32, #tpu.memory_space<vmem>> -> memref<128xi32, #tpu.memory_space<vmem>>
        %dma_start3A_119 = arith.constant 0 : i32
        %dma_start3A_120 = tpu.memref_slice %arg18[%dma_start3A_119] : memref<10240xf32, #tpu.memory_space<vmem_shared>> -> memref<10240xf32, #tpu.memory_space<vmem_shared>>
        tpu.enqueue_indirect_dma source(%arg15 : memref<128xf32, #tpu.memory_space<vmem>>) target(%dma_start3A_120 : memref<10240xf32, #tpu.memory_space<vmem_shared>>) offsets(%dma_start3A_118 : memref<128xi32, #tpu.memory_space<vmem>>) semaphore(%run_scoped3A_116 : memref<!tpu.dma_semaphore, #tpu.memory_space<semaphore_mem>>) {add = true}
        %dma_wait3A = arith.constant 0 : i32
        %dma_wait3A_121 = tpu.memref_slice %arg14[%run_scoped3A_113, %dma_wait3A] : memref<8x128xi32, #tpu.memory_space<vmem>> -> memref<1x128xi32, #tpu.memory_space<vmem>>
        %dma_wait3A_122 = tpu.memref_squeeze %dma_wait3A_121 : memref<1x128xi32, #tpu.memory_space<vmem>> -> memref<128xi32, #tpu.memory_space<vmem>>
        %dma_wait3A_123 = arith.constant 0 : i32
        %dma_wait3A_124 = tpu.memref_slice %arg18[%dma_wait3A_123] : memref<10240xf32, #tpu.memory_space<vmem_shared>> -> memref<10240xf32, #tpu.memory_space<vmem_shared>>
        tpu.wait_indirect_dma semaphore(%run_scoped3A_116 : memref<!tpu.dma_semaphore, #tpu.memory_space<semaphore_mem>>) src(%arg15 : memref<128xf32, #tpu.memory_space<vmem>>) dst(%dma_wait3A_124 : memref<10240xf32, #tpu.memory_space<vmem_shared>>)
        tpu.yield
      }) : () -> ()
      %run_scoped3A_114 = arith.constant 6 : i32
      "tpu.region"() ({
        %run_scoped3A_116 = tpu.sem_alloc : memref<!tpu.dma_semaphore, #tpu.memory_space<semaphore_mem>>
        %dma_start3A = arith.constant 0 : i32
        %dma_start3A_117 = tpu.memref_slice %arg14[%run_scoped3A_114, %dma_start3A] : memref<8x128xi32, #tpu.memory_space<vmem>> -> memref<1x128xi32, #tpu.memory_space<vmem>>
        %dma_start3A_118 = tpu.memref_squeeze %dma_start3A_117 : memref<1x128xi32, #tpu.memory_space<vmem>> -> memref<128xi32, #tpu.memory_space<vmem>>
        %dma_start3A_119 = arith.constant 0 : i32
        %dma_start3A_120 = tpu.memref_slice %arg18[%dma_start3A_119] : memref<10240xf32, #tpu.memory_space<vmem_shared>> -> memref<10240xf32, #tpu.memory_space<vmem_shared>>
        tpu.enqueue_indirect_dma source(%arg15 : memref<128xf32, #tpu.memory_space<vmem>>) target(%dma_start3A_120 : memref<10240xf32, #tpu.memory_space<vmem_shared>>) offsets(%dma_start3A_118 : memref<128xi32, #tpu.memory_space<vmem>>) semaphore(%run_scoped3A_116 : memref<!tpu.dma_semaphore, #tpu.memory_space<semaphore_mem>>) {add = true}
        %dma_wait3A = arith.constant 0 : i32
        %dma_wait3A_121 = tpu.memref_slice %arg14[%run_scoped3A_114, %dma_wait3A] : memref<8x128xi32, #tpu.memory_space<vmem>> -> memref<1x128xi32, #tpu.memory_space<vmem>>
        %dma_wait3A_122 = tpu.memref_squeeze %dma_wait3A_121 : memref<1x128xi32, #tpu.memory_space<vmem>> -> memref<128xi32, #tpu.memory_space<vmem>>
        %dma_wait3A_123 = arith.constant 0 : i32
        %dma_wait3A_124 = tpu.memref_slice %arg18[%dma_wait3A_123] : memref<10240xf32, #tpu.memory_space<vmem_shared>> -> memref<10240xf32, #tpu.memory_space<vmem_shared>>
        tpu.wait_indirect_dma semaphore(%run_scoped3A_116 : memref<!tpu.dma_semaphore, #tpu.memory_space<semaphore_mem>>) src(%arg15 : memref<128xf32, #tpu.memory_space<vmem>>) dst(%dma_wait3A_124 : memref<10240xf32, #tpu.memory_space<vmem_shared>>)
        tpu.yield
      }) : () -> ()
      %run_scoped3A_115 = arith.constant 7 : i32
      "tpu.region"() ({
        %run_scoped3A_116 = tpu.sem_alloc : memref<!tpu.dma_semaphore, #tpu.memory_space<semaphore_mem>>
        %dma_start3A = arith.constant 0 : i32
        %dma_start3A_117 = tpu.memref_slice %arg14[%run_scoped3A_115, %dma_start3A] : memref<8x128xi32, #tpu.memory_space<vmem>> -> memref<1x128xi32, #tpu.memory_space<vmem>>
        %dma_start3A_118 = tpu.memref_squeeze %dma_start3A_117 : memref<1x128xi32, #tpu.memory_space<vmem>> -> memref<128xi32, #tpu.memory_space<vmem>>
        %dma_start3A_119 = arith.constant 0 : i32
        %dma_start3A_120 = tpu.memref_slice %arg18[%dma_start3A_119] : memref<10240xf32, #tpu.memory_space<vmem_shared>> -> memref<10240xf32, #tpu.memory_space<vmem_shared>>
        tpu.enqueue_indirect_dma source(%arg15 : memref<128xf32, #tpu.memory_space<vmem>>) target(%dma_start3A_120 : memref<10240xf32, #tpu.memory_space<vmem_shared>>) offsets(%dma_start3A_118 : memref<128xi32, #tpu.memory_space<vmem>>) semaphore(%run_scoped3A_116 : memref<!tpu.dma_semaphore, #tpu.memory_space<semaphore_mem>>) {add = true}
        %dma_wait3A = arith.constant 0 : i32
        %dma_wait3A_121 = tpu.memref_slice %arg14[%run_scoped3A_115, %dma_wait3A] : memref<8x128xi32, #tpu.memory_space<vmem>> -> memref<1x128xi32, #tpu.memory_space<vmem>>
        %dma_wait3A_122 = tpu.memref_squeeze %dma_wait3A_121 : memref<1x128xi32, #tpu.memory_space<vmem>> -> memref<128xi32, #tpu.memory_space<vmem>>
        %dma_wait3A_123 = arith.constant 0 : i32
        %dma_wait3A_124 = tpu.memref_slice %arg18[%dma_wait3A_123] : memref<10240xf32, #tpu.memory_space<vmem_shared>> -> memref<10240xf32, #tpu.memory_space<vmem_shared>>
        tpu.wait_indirect_dma semaphore(%run_scoped3A_116 : memref<!tpu.dma_semaphore, #tpu.memory_space<semaphore_mem>>) src(%arg15 : memref<128xf32, #tpu.memory_space<vmem>>) dst(%dma_wait3A_124 : memref<10240xf32, #tpu.memory_space<vmem_shared>>)
        tpu.yield
      }) : () -> ()
    }
    %scan3A_37 = arith.constant 10 : i32
    %scan3A_38 = arith.constant 0 : i32
    %scan3A_39 = arith.constant 0 : i32
    %scan3A_40 = arith.constant 10 : i32
    %scan3A_41 = arith.addi %scan3A_39, %scan3A_40 : i32
    %scan3A_42 = arith.constant 1 : i32
    scf.for %scan3A_105 = %scan3A_39 to %scan3A_41 step %scan3A_42  : i32 {
      %mul3A_106 = arith.constant 8 : i32
      %mul3A_107 = arith.muli %scan3A_105, %mul3A_106 : i32
      %add3A_108 = arith.addi %mul3A_25, %mul3A_107 : i32
      "tpu.region"() ({
        %run_scoped3A_116 = tpu.sem_alloc : memref<!tpu.dma_semaphore, #tpu.memory_space<semaphore_mem>>
        %dma_start3A = arith.constant 0 : i32
        %dma_start3A_117 = tpu.memref_slice %arg4[%add3A_108, %dma_start3A] : memref<2560x128xi32, #tpu.memory_space<hbm>> -> memref<8x128xi32, #tpu.memory_space<hbm>>
        %dma_start3A_118 = arith.constant 0 : i32
        %dma_start3A_119 = tpu.memref_slice %arg4[%add3A_108, %dma_start3A_118] : memref<2560x128xi32, #tpu.memory_space<hbm>> -> memref<8x128xi32, #tpu.memory_space<hbm>>
        tpu.enqueue_dma source(%dma_start3A_119 : memref<8x128xi32, #tpu.memory_space<hbm>>) target(%arg14 : memref<8x128xi32, #tpu.memory_space<vmem>>) target_semaphore(%run_scoped3A_116 : memref<!tpu.dma_semaphore, #tpu.memory_space<semaphore_mem>>)
        %dma_wait3A = arith.constant 0 : i32
        %dma_wait3A_120 = tpu.memref_slice %arg4[%add3A_108, %dma_wait3A] : memref<2560x128xi32, #tpu.memory_space<hbm>> -> memref<8x128xi32, #tpu.memory_space<hbm>>
        %dma_wait3A_121 = arith.constant 0 : i32
        %dma_wait3A_122 = tpu.memref_slice %arg4[%add3A_108, %dma_wait3A_121] : memref<2560x128xi32, #tpu.memory_space<hbm>> -> memref<8x128xi32, #tpu.memory_space<hbm>>
        tpu.wait_dma2 semaphore(%run_scoped3A_116 : memref<!tpu.dma_semaphore, #tpu.memory_space<semaphore_mem>>) src(%dma_wait3A_122 : memref<8x128xi32, #tpu.memory_space<hbm>>) dst(%arg14 : memref<8x128xi32, #tpu.memory_space<vmem>>)
        tpu.yield
      }) : () -> ()
      %run_scoped3A = arith.constant 0 : i32
      "tpu.region"() ({
        %run_scoped3A_116 = tpu.sem_alloc : memref<!tpu.dma_semaphore, #tpu.memory_space<semaphore_mem>>
        %dma_start3A = arith.constant 0 : i32
        %dma_start3A_117 = tpu.memref_slice %arg14[%run_scoped3A, %dma_start3A] : memref<8x128xi32, #tpu.memory_space<vmem>> -> memref<1x128xi32, #tpu.memory_space<vmem>>
        %dma_start3A_118 = tpu.memref_squeeze %dma_start3A_117 : memref<1x128xi32, #tpu.memory_space<vmem>> -> memref<128xi32, #tpu.memory_space<vmem>>
        %dma_start3A_119 = arith.constant 0 : i32
        %dma_start3A_120 = tpu.memref_slice %arg19[%dma_start3A_119] : memref<10240xf32, #tpu.memory_space<vmem_shared>> -> memref<10240xf32, #tpu.memory_space<vmem_shared>>
        tpu.enqueue_indirect_dma source(%arg15 : memref<128xf32, #tpu.memory_space<vmem>>) target(%dma_start3A_120 : memref<10240xf32, #tpu.memory_space<vmem_shared>>) offsets(%dma_start3A_118 : memref<128xi32, #tpu.memory_space<vmem>>) semaphore(%run_scoped3A_116 : memref<!tpu.dma_semaphore, #tpu.memory_space<semaphore_mem>>) {add = true}
        %dma_wait3A = arith.constant 0 : i32
        %dma_wait3A_121 = tpu.memref_slice %arg14[%run_scoped3A, %dma_wait3A] : memref<8x128xi32, #tpu.memory_space<vmem>> -> memref<1x128xi32, #tpu.memory_space<vmem>>
        %dma_wait3A_122 = tpu.memref_squeeze %dma_wait3A_121 : memref<1x128xi32, #tpu.memory_space<vmem>> -> memref<128xi32, #tpu.memory_space<vmem>>
        %dma_wait3A_123 = arith.constant 0 : i32
        %dma_wait3A_124 = tpu.memref_slice %arg19[%dma_wait3A_123] : memref<10240xf32, #tpu.memory_space<vmem_shared>> -> memref<10240xf32, #tpu.memory_space<vmem_shared>>
        tpu.wait_indirect_dma semaphore(%run_scoped3A_116 : memref<!tpu.dma_semaphore, #tpu.memory_space<semaphore_mem>>) src(%arg15 : memref<128xf32, #tpu.memory_space<vmem>>) dst(%dma_wait3A_124 : memref<10240xf32, #tpu.memory_space<vmem_shared>>)
        tpu.yield
      }) : () -> ()
      %run_scoped3A_109 = arith.constant 1 : i32
      "tpu.region"() ({
        %run_scoped3A_116 = tpu.sem_alloc : memref<!tpu.dma_semaphore, #tpu.memory_space<semaphore_mem>>
        %dma_start3A = arith.constant 0 : i32
        %dma_start3A_117 = tpu.memref_slice %arg14[%run_scoped3A_109, %dma_start3A] : memref<8x128xi32, #tpu.memory_space<vmem>> -> memref<1x128xi32, #tpu.memory_space<vmem>>
        %dma_start3A_118 = tpu.memref_squeeze %dma_start3A_117 : memref<1x128xi32, #tpu.memory_space<vmem>> -> memref<128xi32, #tpu.memory_space<vmem>>
        %dma_start3A_119 = arith.constant 0 : i32
        %dma_start3A_120 = tpu.memref_slice %arg19[%dma_start3A_119] : memref<10240xf32, #tpu.memory_space<vmem_shared>> -> memref<10240xf32, #tpu.memory_space<vmem_shared>>
        tpu.enqueue_indirect_dma source(%arg15 : memref<128xf32, #tpu.memory_space<vmem>>) target(%dma_start3A_120 : memref<10240xf32, #tpu.memory_space<vmem_shared>>) offsets(%dma_start3A_118 : memref<128xi32, #tpu.memory_space<vmem>>) semaphore(%run_scoped3A_116 : memref<!tpu.dma_semaphore, #tpu.memory_space<semaphore_mem>>) {add = true}
        %dma_wait3A = arith.constant 0 : i32
        %dma_wait3A_121 = tpu.memref_slice %arg14[%run_scoped3A_109, %dma_wait3A] : memref<8x128xi32, #tpu.memory_space<vmem>> -> memref<1x128xi32, #tpu.memory_space<vmem>>
        %dma_wait3A_122 = tpu.memref_squeeze %dma_wait3A_121 : memref<1x128xi32, #tpu.memory_space<vmem>> -> memref<128xi32, #tpu.memory_space<vmem>>
        %dma_wait3A_123 = arith.constant 0 : i32
        %dma_wait3A_124 = tpu.memref_slice %arg19[%dma_wait3A_123] : memref<10240xf32, #tpu.memory_space<vmem_shared>> -> memref<10240xf32, #tpu.memory_space<vmem_shared>>
        tpu.wait_indirect_dma semaphore(%run_scoped3A_116 : memref<!tpu.dma_semaphore, #tpu.memory_space<semaphore_mem>>) src(%arg15 : memref<128xf32, #tpu.memory_space<vmem>>) dst(%dma_wait3A_124 : memref<10240xf32, #tpu.memory_space<vmem_shared>>)
        tpu.yield
      }) : () -> ()
      %run_scoped3A_110 = arith.constant 2 : i32
      "tpu.region"() ({
        %run_scoped3A_116 = tpu.sem_alloc : memref<!tpu.dma_semaphore, #tpu.memory_space<semaphore_mem>>
        %dma_start3A = arith.constant 0 : i32
        %dma_start3A_117 = tpu.memref_slice %arg14[%run_scoped3A_110, %dma_start3A] : memref<8x128xi32, #tpu.memory_space<vmem>> -> memref<1x128xi32, #tpu.memory_space<vmem>>
        %dma_start3A_118 = tpu.memref_squeeze %dma_start3A_117 : memref<1x128xi32, #tpu.memory_space<vmem>> -> memref<128xi32, #tpu.memory_space<vmem>>
        %dma_start3A_119 = arith.constant 0 : i32
        %dma_start3A_120 = tpu.memref_slice %arg19[%dma_start3A_119] : memref<10240xf32, #tpu.memory_space<vmem_shared>> -> memref<10240xf32, #tpu.memory_space<vmem_shared>>
        tpu.enqueue_indirect_dma source(%arg15 : memref<128xf32, #tpu.memory_space<vmem>>) target(%dma_start3A_120 : memref<10240xf32, #tpu.memory_space<vmem_shared>>) offsets(%dma_start3A_118 : memref<128xi32, #tpu.memory_space<vmem>>) semaphore(%run_scoped3A_116 : memref<!tpu.dma_semaphore, #tpu.memory_space<semaphore_mem>>) {add = true}
        %dma_wait3A = arith.constant 0 : i32
        %dma_wait3A_121 = tpu.memref_slice %arg14[%run_scoped3A_110, %dma_wait3A] : memref<8x128xi32, #tpu.memory_space<vmem>> -> memref<1x128xi32, #tpu.memory_space<vmem>>
        %dma_wait3A_122 = tpu.memref_squeeze %dma_wait3A_121 : memref<1x128xi32, #tpu.memory_space<vmem>> -> memref<128xi32, #tpu.memory_space<vmem>>
        %dma_wait3A_123 = arith.constant 0 : i32
        %dma_wait3A_124 = tpu.memref_slice %arg19[%dma_wait3A_123] : memref<10240xf32, #tpu.memory_space<vmem_shared>> -> memref<10240xf32, #tpu.memory_space<vmem_shared>>
        tpu.wait_indirect_dma semaphore(%run_scoped3A_116 : memref<!tpu.dma_semaphore, #tpu.memory_space<semaphore_mem>>) src(%arg15 : memref<128xf32, #tpu.memory_space<vmem>>) dst(%dma_wait3A_124 : memref<10240xf32, #tpu.memory_space<vmem_shared>>)
        tpu.yield
      }) : () -> ()
      %run_scoped3A_111 = arith.constant 3 : i32
      "tpu.region"() ({
        %run_scoped3A_116 = tpu.sem_alloc : memref<!tpu.dma_semaphore, #tpu.memory_space<semaphore_mem>>
        %dma_start3A = arith.constant 0 : i32
        %dma_start3A_117 = tpu.memref_slice %arg14[%run_scoped3A_111, %dma_start3A] : memref<8x128xi32, #tpu.memory_space<vmem>> -> memref<1x128xi32, #tpu.memory_space<vmem>>
        %dma_start3A_118 = tpu.memref_squeeze %dma_start3A_117 : memref<1x128xi32, #tpu.memory_space<vmem>> -> memref<128xi32, #tpu.memory_space<vmem>>
        %dma_start3A_119 = arith.constant 0 : i32
        %dma_start3A_120 = tpu.memref_slice %arg19[%dma_start3A_119] : memref<10240xf32, #tpu.memory_space<vmem_shared>> -> memref<10240xf32, #tpu.memory_space<vmem_shared>>
        tpu.enqueue_indirect_dma source(%arg15 : memref<128xf32, #tpu.memory_space<vmem>>) target(%dma_start3A_120 : memref<10240xf32, #tpu.memory_space<vmem_shared>>) offsets(%dma_start3A_118 : memref<128xi32, #tpu.memory_space<vmem>>) semaphore(%run_scoped3A_116 : memref<!tpu.dma_semaphore, #tpu.memory_space<semaphore_mem>>) {add = true}
        %dma_wait3A = arith.constant 0 : i32
        %dma_wait3A_121 = tpu.memref_slice %arg14[%run_scoped3A_111, %dma_wait3A] : memref<8x128xi32, #tpu.memory_space<vmem>> -> memref<1x128xi32, #tpu.memory_space<vmem>>
        %dma_wait3A_122 = tpu.memref_squeeze %dma_wait3A_121 : memref<1x128xi32, #tpu.memory_space<vmem>> -> memref<128xi32, #tpu.memory_space<vmem>>
        %dma_wait3A_123 = arith.constant 0 : i32
        %dma_wait3A_124 = tpu.memref_slice %arg19[%dma_wait3A_123] : memref<10240xf32, #tpu.memory_space<vmem_shared>> -> memref<10240xf32, #tpu.memory_space<vmem_shared>>
        tpu.wait_indirect_dma semaphore(%run_scoped3A_116 : memref<!tpu.dma_semaphore, #tpu.memory_space<semaphore_mem>>) src(%arg15 : memref<128xf32, #tpu.memory_space<vmem>>) dst(%dma_wait3A_124 : memref<10240xf32, #tpu.memory_space<vmem_shared>>)
        tpu.yield
      }) : () -> ()
      %run_scoped3A_112 = arith.constant 4 : i32
      "tpu.region"() ({
        %run_scoped3A_116 = tpu.sem_alloc : memref<!tpu.dma_semaphore, #tpu.memory_space<semaphore_mem>>
        %dma_start3A = arith.constant 0 : i32
        %dma_start3A_117 = tpu.memref_slice %arg14[%run_scoped3A_112, %dma_start3A] : memref<8x128xi32, #tpu.memory_space<vmem>> -> memref<1x128xi32, #tpu.memory_space<vmem>>
        %dma_start3A_118 = tpu.memref_squeeze %dma_start3A_117 : memref<1x128xi32, #tpu.memory_space<vmem>> -> memref<128xi32, #tpu.memory_space<vmem>>
        %dma_start3A_119 = arith.constant 0 : i32
        %dma_start3A_120 = tpu.memref_slice %arg19[%dma_start3A_119] : memref<10240xf32, #tpu.memory_space<vmem_shared>> -> memref<10240xf32, #tpu.memory_space<vmem_shared>>
        tpu.enqueue_indirect_dma source(%arg15 : memref<128xf32, #tpu.memory_space<vmem>>) target(%dma_start3A_120 : memref<10240xf32, #tpu.memory_space<vmem_shared>>) offsets(%dma_start3A_118 : memref<128xi32, #tpu.memory_space<vmem>>) semaphore(%run_scoped3A_116 : memref<!tpu.dma_semaphore, #tpu.memory_space<semaphore_mem>>) {add = true}
        %dma_wait3A = arith.constant 0 : i32
        %dma_wait3A_121 = tpu.memref_slice %arg14[%run_scoped3A_112, %dma_wait3A] : memref<8x128xi32, #tpu.memory_space<vmem>> -> memref<1x128xi32, #tpu.memory_space<vmem>>
        %dma_wait3A_122 = tpu.memref_squeeze %dma_wait3A_121 : memref<1x128xi32, #tpu.memory_space<vmem>> -> memref<128xi32, #tpu.memory_space<vmem>>
        %dma_wait3A_123 = arith.constant 0 : i32
        %dma_wait3A_124 = tpu.memref_slice %arg19[%dma_wait3A_123] : memref<10240xf32, #tpu.memory_space<vmem_shared>> -> memref<10240xf32, #tpu.memory_space<vmem_shared>>
        tpu.wait_indirect_dma semaphore(%run_scoped3A_116 : memref<!tpu.dma_semaphore, #tpu.memory_space<semaphore_mem>>) src(%arg15 : memref<128xf32, #tpu.memory_space<vmem>>) dst(%dma_wait3A_124 : memref<10240xf32, #tpu.memory_space<vmem_shared>>)
        tpu.yield
      }) : () -> ()
      %run_scoped3A_113 = arith.constant 5 : i32
      "tpu.region"() ({
        %run_scoped3A_116 = tpu.sem_alloc : memref<!tpu.dma_semaphore, #tpu.memory_space<semaphore_mem>>
        %dma_start3A = arith.constant 0 : i32
        %dma_start3A_117 = tpu.memref_slice %arg14[%run_scoped3A_113, %dma_start3A] : memref<8x128xi32, #tpu.memory_space<vmem>> -> memref<1x128xi32, #tpu.memory_space<vmem>>
        %dma_start3A_118 = tpu.memref_squeeze %dma_start3A_117 : memref<1x128xi32, #tpu.memory_space<vmem>> -> memref<128xi32, #tpu.memory_space<vmem>>
        %dma_start3A_119 = arith.constant 0 : i32
        %dma_start3A_120 = tpu.memref_slice %arg19[%dma_start3A_119] : memref<10240xf32, #tpu.memory_space<vmem_shared>> -> memref<10240xf32, #tpu.memory_space<vmem_shared>>
        tpu.enqueue_indirect_dma source(%arg15 : memref<128xf32, #tpu.memory_space<vmem>>) target(%dma_start3A_120 : memref<10240xf32, #tpu.memory_space<vmem_shared>>) offsets(%dma_start3A_118 : memref<128xi32, #tpu.memory_space<vmem>>) semaphore(%run_scoped3A_116 : memref<!tpu.dma_semaphore, #tpu.memory_space<semaphore_mem>>) {add = true}
        %dma_wait3A = arith.constant 0 : i32
        %dma_wait3A_121 = tpu.memref_slice %arg14[%run_scoped3A_113, %dma_wait3A] : memref<8x128xi32, #tpu.memory_space<vmem>> -> memref<1x128xi32, #tpu.memory_space<vmem>>
        %dma_wait3A_122 = tpu.memref_squeeze %dma_wait3A_121 : memref<1x128xi32, #tpu.memory_space<vmem>> -> memref<128xi32, #tpu.memory_space<vmem>>
        %dma_wait3A_123 = arith.constant 0 : i32
        %dma_wait3A_124 = tpu.memref_slice %arg19[%dma_wait3A_123] : memref<10240xf32, #tpu.memory_space<vmem_shared>> -> memref<10240xf32, #tpu.memory_space<vmem_shared>>
        tpu.wait_indirect_dma semaphore(%run_scoped3A_116 : memref<!tpu.dma_semaphore, #tpu.memory_space<semaphore_mem>>) src(%arg15 : memref<128xf32, #tpu.memory_space<vmem>>) dst(%dma_wait3A_124 : memref<10240xf32, #tpu.memory_space<vmem_shared>>)
        tpu.yield
      }) : () -> ()
      %run_scoped3A_114 = arith.constant 6 : i32
      "tpu.region"() ({
        %run_scoped3A_116 = tpu.sem_alloc : memref<!tpu.dma_semaphore, #tpu.memory_space<semaphore_mem>>
        %dma_start3A = arith.constant 0 : i32
        %dma_start3A_117 = tpu.memref_slice %arg14[%run_scoped3A_114, %dma_start3A] : memref<8x128xi32, #tpu.memory_space<vmem>> -> memref<1x128xi32, #tpu.memory_space<vmem>>
        %dma_start3A_118 = tpu.memref_squeeze %dma_start3A_117 : memref<1x128xi32, #tpu.memory_space<vmem>> -> memref<128xi32, #tpu.memory_space<vmem>>
        %dma_start3A_119 = arith.constant 0 : i32
        %dma_start3A_120 = tpu.memref_slice %arg19[%dma_start3A_119] : memref<10240xf32, #tpu.memory_space<vmem_shared>> -> memref<10240xf32, #tpu.memory_space<vmem_shared>>
        tpu.enqueue_indirect_dma source(%arg15 : memref<128xf32, #tpu.memory_space<vmem>>) target(%dma_start3A_120 : memref<10240xf32, #tpu.memory_space<vmem_shared>>) offsets(%dma_start3A_118 : memref<128xi32, #tpu.memory_space<vmem>>) semaphore(%run_scoped3A_116 : memref<!tpu.dma_semaphore, #tpu.memory_space<semaphore_mem>>) {add = true}
        %dma_wait3A = arith.constant 0 : i32
        %dma_wait3A_121 = tpu.memref_slice %arg14[%run_scoped3A_114, %dma_wait3A] : memref<8x128xi32, #tpu.memory_space<vmem>> -> memref<1x128xi32, #tpu.memory_space<vmem>>
        %dma_wait3A_122 = tpu.memref_squeeze %dma_wait3A_121 : memref<1x128xi32, #tpu.memory_space<vmem>> -> memref<128xi32, #tpu.memory_space<vmem>>
        %dma_wait3A_123 = arith.constant 0 : i32
        %dma_wait3A_124 = tpu.memref_slice %arg19[%dma_wait3A_123] : memref<10240xf32, #tpu.memory_space<vmem_shared>> -> memref<10240xf32, #tpu.memory_space<vmem_shared>>
        tpu.wait_indirect_dma semaphore(%run_scoped3A_116 : memref<!tpu.dma_semaphore, #tpu.memory_space<semaphore_mem>>) src(%arg15 : memref<128xf32, #tpu.memory_space<vmem>>) dst(%dma_wait3A_124 : memref<10240xf32, #tpu.memory_space<vmem_shared>>)
        tpu.yield
      }) : () -> ()
      %run_scoped3A_115 = arith.constant 7 : i32
      "tpu.region"() ({
        %run_scoped3A_116 = tpu.sem_alloc : memref<!tpu.dma_semaphore, #tpu.memory_space<semaphore_mem>>
        %dma_start3A = arith.constant 0 : i32
        %dma_start3A_117 = tpu.memref_slice %arg14[%run_scoped3A_115, %dma_start3A] : memref<8x128xi32, #tpu.memory_space<vmem>> -> memref<1x128xi32, #tpu.memory_space<vmem>>
        %dma_start3A_118 = tpu.memref_squeeze %dma_start3A_117 : memref<1x128xi32, #tpu.memory_space<vmem>> -> memref<128xi32, #tpu.memory_space<vmem>>
        %dma_start3A_119 = arith.constant 0 : i32
        %dma_start3A_120 = tpu.memref_slice %arg19[%dma_start3A_119] : memref<10240xf32, #tpu.memory_space<vmem_shared>> -> memref<10240xf32, #tpu.memory_space<vmem_shared>>
        tpu.enqueue_indirect_dma source(%arg15 : memref<128xf32, #tpu.memory_space<vmem>>) target(%dma_start3A_120 : memref<10240xf32, #tpu.memory_space<vmem_shared>>) offsets(%dma_start3A_118 : memref<128xi32, #tpu.memory_space<vmem>>) semaphore(%run_scoped3A_116 : memref<!tpu.dma_semaphore, #tpu.memory_space<semaphore_mem>>) {add = true}
        %dma_wait3A = arith.constant 0 : i32
        %dma_wait3A_121 = tpu.memref_slice %arg14[%run_scoped3A_115, %dma_wait3A] : memref<8x128xi32, #tpu.memory_space<vmem>> -> memref<1x128xi32, #tpu.memory_space<vmem>>
        %dma_wait3A_122 = tpu.memref_squeeze %dma_wait3A_121 : memref<1x128xi32, #tpu.memory_space<vmem>> -> memref<128xi32, #tpu.memory_space<vmem>>
        %dma_wait3A_123 = arith.constant 0 : i32
        %dma_wait3A_124 = tpu.memref_slice %arg19[%dma_wait3A_123] : memref<10240xf32, #tpu.memory_space<vmem_shared>> -> memref<10240xf32, #tpu.memory_space<vmem_shared>>
        tpu.wait_indirect_dma semaphore(%run_scoped3A_116 : memref<!tpu.dma_semaphore, #tpu.memory_space<semaphore_mem>>) src(%arg15 : memref<128xf32, #tpu.memory_space<vmem>>) dst(%dma_wait3A_124 : memref<10240xf32, #tpu.memory_space<vmem_shared>>)
        tpu.yield
      }) : () -> ()
    }
    %scan3A_43 = arith.constant 10 : i32
    %scan3A_44 = arith.constant 0 : i32
    %scan3A_45 = arith.constant 0 : i32
    %scan3A_46 = arith.constant 10 : i32
    %scan3A_47 = arith.addi %scan3A_45, %scan3A_46 : i32
    %scan3A_48 = arith.constant 1 : i32
    scf.for %scan3A_105 = %scan3A_45 to %scan3A_47 step %scan3A_48  : i32 {
      %mul3A_106 = arith.constant 8 : i32
      %mul3A_107 = arith.muli %scan3A_105, %mul3A_106 : i32
      %add3A_108 = arith.addi %mul3A_25, %mul3A_107 : i32
      "tpu.region"() ({
        %run_scoped3A_116 = tpu.sem_alloc : memref<!tpu.dma_semaphore, #tpu.memory_space<semaphore_mem>>
        %dma_start3A = arith.constant 0 : i32
        %dma_start3A_117 = tpu.memref_slice %arg5[%add3A_108, %dma_start3A] : memref<2560x128xi32, #tpu.memory_space<hbm>> -> memref<8x128xi32, #tpu.memory_space<hbm>>
        %dma_start3A_118 = arith.constant 0 : i32
        %dma_start3A_119 = tpu.memref_slice %arg5[%add3A_108, %dma_start3A_118] : memref<2560x128xi32, #tpu.memory_space<hbm>> -> memref<8x128xi32, #tpu.memory_space<hbm>>
        tpu.enqueue_dma source(%dma_start3A_119 : memref<8x128xi32, #tpu.memory_space<hbm>>) target(%arg14 : memref<8x128xi32, #tpu.memory_space<vmem>>) target_semaphore(%run_scoped3A_116 : memref<!tpu.dma_semaphore, #tpu.memory_space<semaphore_mem>>)
        %dma_wait3A = arith.constant 0 : i32
        %dma_wait3A_120 = tpu.memref_slice %arg5[%add3A_108, %dma_wait3A] : memref<2560x128xi32, #tpu.memory_space<hbm>> -> memref<8x128xi32, #tpu.memory_space<hbm>>
        %dma_wait3A_121 = arith.constant 0 : i32
        %dma_wait3A_122 = tpu.memref_slice %arg5[%add3A_108, %dma_wait3A_121] : memref<2560x128xi32, #tpu.memory_space<hbm>> -> memref<8x128xi32, #tpu.memory_space<hbm>>
        tpu.wait_dma2 semaphore(%run_scoped3A_116 : memref<!tpu.dma_semaphore, #tpu.memory_space<semaphore_mem>>) src(%dma_wait3A_122 : memref<8x128xi32, #tpu.memory_space<hbm>>) dst(%arg14 : memref<8x128xi32, #tpu.memory_space<vmem>>)
        tpu.yield
      }) : () -> ()
      %run_scoped3A = arith.constant 0 : i32
      "tpu.region"() ({
        %run_scoped3A_116 = tpu.sem_alloc : memref<!tpu.dma_semaphore, #tpu.memory_space<semaphore_mem>>
        %dma_start3A = arith.constant 0 : i32
        %dma_start3A_117 = tpu.memref_slice %arg14[%run_scoped3A, %dma_start3A] : memref<8x128xi32, #tpu.memory_space<vmem>> -> memref<1x128xi32, #tpu.memory_space<vmem>>
        %dma_start3A_118 = tpu.memref_squeeze %dma_start3A_117 : memref<1x128xi32, #tpu.memory_space<vmem>> -> memref<128xi32, #tpu.memory_space<vmem>>
        %dma_start3A_119 = arith.constant 0 : i32
        %dma_start3A_120 = tpu.memref_slice %arg20[%dma_start3A_119] : memref<10240xf32, #tpu.memory_space<vmem_shared>> -> memref<10240xf32, #tpu.memory_space<vmem_shared>>
        tpu.enqueue_indirect_dma source(%arg15 : memref<128xf32, #tpu.memory_space<vmem>>) target(%dma_start3A_120 : memref<10240xf32, #tpu.memory_space<vmem_shared>>) offsets(%dma_start3A_118 : memref<128xi32, #tpu.memory_space<vmem>>) semaphore(%run_scoped3A_116 : memref<!tpu.dma_semaphore, #tpu.memory_space<semaphore_mem>>) {add = true}
        %dma_wait3A = arith.constant 0 : i32
        %dma_wait3A_121 = tpu.memref_slice %arg14[%run_scoped3A, %dma_wait3A] : memref<8x128xi32, #tpu.memory_space<vmem>> -> memref<1x128xi32, #tpu.memory_space<vmem>>
        %dma_wait3A_122 = tpu.memref_squeeze %dma_wait3A_121 : memref<1x128xi32, #tpu.memory_space<vmem>> -> memref<128xi32, #tpu.memory_space<vmem>>
        %dma_wait3A_123 = arith.constant 0 : i32
        %dma_wait3A_124 = tpu.memref_slice %arg20[%dma_wait3A_123] : memref<10240xf32, #tpu.memory_space<vmem_shared>> -> memref<10240xf32, #tpu.memory_space<vmem_shared>>
        tpu.wait_indirect_dma semaphore(%run_scoped3A_116 : memref<!tpu.dma_semaphore, #tpu.memory_space<semaphore_mem>>) src(%arg15 : memref<128xf32, #tpu.memory_space<vmem>>) dst(%dma_wait3A_124 : memref<10240xf32, #tpu.memory_space<vmem_shared>>)
        tpu.yield
      }) : () -> ()
      %run_scoped3A_109 = arith.constant 1 : i32
      "tpu.region"() ({
        %run_scoped3A_116 = tpu.sem_alloc : memref<!tpu.dma_semaphore, #tpu.memory_space<semaphore_mem>>
        %dma_start3A = arith.constant 0 : i32
        %dma_start3A_117 = tpu.memref_slice %arg14[%run_scoped3A_109, %dma_start3A] : memref<8x128xi32, #tpu.memory_space<vmem>> -> memref<1x128xi32, #tpu.memory_space<vmem>>
        %dma_start3A_118 = tpu.memref_squeeze %dma_start3A_117 : memref<1x128xi32, #tpu.memory_space<vmem>> -> memref<128xi32, #tpu.memory_space<vmem>>
        %dma_start3A_119 = arith.constant 0 : i32
        %dma_start3A_120 = tpu.memref_slice %arg20[%dma_start3A_119] : memref<10240xf32, #tpu.memory_space<vmem_shared>> -> memref<10240xf32, #tpu.memory_space<vmem_shared>>
        tpu.enqueue_indirect_dma source(%arg15 : memref<128xf32, #tpu.memory_space<vmem>>) target(%dma_start3A_120 : memref<10240xf32, #tpu.memory_space<vmem_shared>>) offsets(%dma_start3A_118 : memref<128xi32, #tpu.memory_space<vmem>>) semaphore(%run_scoped3A_116 : memref<!tpu.dma_semaphore, #tpu.memory_space<semaphore_mem>>) {add = true}
        %dma_wait3A = arith.constant 0 : i32
        %dma_wait3A_121 = tpu.memref_slice %arg14[%run_scoped3A_109, %dma_wait3A] : memref<8x128xi32, #tpu.memory_space<vmem>> -> memref<1x128xi32, #tpu.memory_space<vmem>>
        %dma_wait3A_122 = tpu.memref_squeeze %dma_wait3A_121 : memref<1x128xi32, #tpu.memory_space<vmem>> -> memref<128xi32, #tpu.memory_space<vmem>>
        %dma_wait3A_123 = arith.constant 0 : i32
        %dma_wait3A_124 = tpu.memref_slice %arg20[%dma_wait3A_123] : memref<10240xf32, #tpu.memory_space<vmem_shared>> -> memref<10240xf32, #tpu.memory_space<vmem_shared>>
        tpu.wait_indirect_dma semaphore(%run_scoped3A_116 : memref<!tpu.dma_semaphore, #tpu.memory_space<semaphore_mem>>) src(%arg15 : memref<128xf32, #tpu.memory_space<vmem>>) dst(%dma_wait3A_124 : memref<10240xf32, #tpu.memory_space<vmem_shared>>)
        tpu.yield
      }) : () -> ()
      %run_scoped3A_110 = arith.constant 2 : i32
      "tpu.region"() ({
        %run_scoped3A_116 = tpu.sem_alloc : memref<!tpu.dma_semaphore, #tpu.memory_space<semaphore_mem>>
        %dma_start3A = arith.constant 0 : i32
        %dma_start3A_117 = tpu.memref_slice %arg14[%run_scoped3A_110, %dma_start3A] : memref<8x128xi32, #tpu.memory_space<vmem>> -> memref<1x128xi32, #tpu.memory_space<vmem>>
        %dma_start3A_118 = tpu.memref_squeeze %dma_start3A_117 : memref<1x128xi32, #tpu.memory_space<vmem>> -> memref<128xi32, #tpu.memory_space<vmem>>
        %dma_start3A_119 = arith.constant 0 : i32
        %dma_start3A_120 = tpu.memref_slice %arg20[%dma_start3A_119] : memref<10240xf32, #tpu.memory_space<vmem_shared>> -> memref<10240xf32, #tpu.memory_space<vmem_shared>>
        tpu.enqueue_indirect_dma source(%arg15 : memref<128xf32, #tpu.memory_space<vmem>>) target(%dma_start3A_120 : memref<10240xf32, #tpu.memory_space<vmem_shared>>) offsets(%dma_start3A_118 : memref<128xi32, #tpu.memory_space<vmem>>) semaphore(%run_scoped3A_116 : memref<!tpu.dma_semaphore, #tpu.memory_space<semaphore_mem>>) {add = true}
        %dma_wait3A = arith.constant 0 : i32
        %dma_wait3A_121 = tpu.memref_slice %arg14[%run_scoped3A_110, %dma_wait3A] : memref<8x128xi32, #tpu.memory_space<vmem>> -> memref<1x128xi32, #tpu.memory_space<vmem>>
        %dma_wait3A_122 = tpu.memref_squeeze %dma_wait3A_121 : memref<1x128xi32, #tpu.memory_space<vmem>> -> memref<128xi32, #tpu.memory_space<vmem>>
        %dma_wait3A_123 = arith.constant 0 : i32
        %dma_wait3A_124 = tpu.memref_slice %arg20[%dma_wait3A_123] : memref<10240xf32, #tpu.memory_space<vmem_shared>> -> memref<10240xf32, #tpu.memory_space<vmem_shared>>
        tpu.wait_indirect_dma semaphore(%run_scoped3A_116 : memref<!tpu.dma_semaphore, #tpu.memory_space<semaphore_mem>>) src(%arg15 : memref<128xf32, #tpu.memory_space<vmem>>) dst(%dma_wait3A_124 : memref<10240xf32, #tpu.memory_space<vmem_shared>>)
        tpu.yield
      }) : () -> ()
      %run_scoped3A_111 = arith.constant 3 : i32
      "tpu.region"() ({
        %run_scoped3A_116 = tpu.sem_alloc : memref<!tpu.dma_semaphore, #tpu.memory_space<semaphore_mem>>
        %dma_start3A = arith.constant 0 : i32
        %dma_start3A_117 = tpu.memref_slice %arg14[%run_scoped3A_111, %dma_start3A] : memref<8x128xi32, #tpu.memory_space<vmem>> -> memref<1x128xi32, #tpu.memory_space<vmem>>
        %dma_start3A_118 = tpu.memref_squeeze %dma_start3A_117 : memref<1x128xi32, #tpu.memory_space<vmem>> -> memref<128xi32, #tpu.memory_space<vmem>>
        %dma_start3A_119 = arith.constant 0 : i32
        %dma_start3A_120 = tpu.memref_slice %arg20[%dma_start3A_119] : memref<10240xf32, #tpu.memory_space<vmem_shared>> -> memref<10240xf32, #tpu.memory_space<vmem_shared>>
        tpu.enqueue_indirect_dma source(%arg15 : memref<128xf32, #tpu.memory_space<vmem>>) target(%dma_start3A_120 : memref<10240xf32, #tpu.memory_space<vmem_shared>>) offsets(%dma_start3A_118 : memref<128xi32, #tpu.memory_space<vmem>>) semaphore(%run_scoped3A_116 : memref<!tpu.dma_semaphore, #tpu.memory_space<semaphore_mem>>) {add = true}
        %dma_wait3A = arith.constant 0 : i32
        %dma_wait3A_121 = tpu.memref_slice %arg14[%run_scoped3A_111, %dma_wait3A] : memref<8x128xi32, #tpu.memory_space<vmem>> -> memref<1x128xi32, #tpu.memory_space<vmem>>
        %dma_wait3A_122 = tpu.memref_squeeze %dma_wait3A_121 : memref<1x128xi32, #tpu.memory_space<vmem>> -> memref<128xi32, #tpu.memory_space<vmem>>
        %dma_wait3A_123 = arith.constant 0 : i32
        %dma_wait3A_124 = tpu.memref_slice %arg20[%dma_wait3A_123] : memref<10240xf32, #tpu.memory_space<vmem_shared>> -> memref<10240xf32, #tpu.memory_space<vmem_shared>>
        tpu.wait_indirect_dma semaphore(%run_scoped3A_116 : memref<!tpu.dma_semaphore, #tpu.memory_space<semaphore_mem>>) src(%arg15 : memref<128xf32, #tpu.memory_space<vmem>>) dst(%dma_wait3A_124 : memref<10240xf32, #tpu.memory_space<vmem_shared>>)
        tpu.yield
      }) : () -> ()
      %run_scoped3A_112 = arith.constant 4 : i32
      "tpu.region"() ({
        %run_scoped3A_116 = tpu.sem_alloc : memref<!tpu.dma_semaphore, #tpu.memory_space<semaphore_mem>>
        %dma_start3A = arith.constant 0 : i32
        %dma_start3A_117 = tpu.memref_slice %arg14[%run_scoped3A_112, %dma_start3A] : memref<8x128xi32, #tpu.memory_space<vmem>> -> memref<1x128xi32, #tpu.memory_space<vmem>>
        %dma_start3A_118 = tpu.memref_squeeze %dma_start3A_117 : memref<1x128xi32, #tpu.memory_space<vmem>> -> memref<128xi32, #tpu.memory_space<vmem>>
        %dma_start3A_119 = arith.constant 0 : i32
        %dma_start3A_120 = tpu.memref_slice %arg20[%dma_start3A_119] : memref<10240xf32, #tpu.memory_space<vmem_shared>> -> memref<10240xf32, #tpu.memory_space<vmem_shared>>
        tpu.enqueue_indirect_dma source(%arg15 : memref<128xf32, #tpu.memory_space<vmem>>) target(%dma_start3A_120 : memref<10240xf32, #tpu.memory_space<vmem_shared>>) offsets(%dma_start3A_118 : memref<128xi32, #tpu.memory_space<vmem>>) semaphore(%run_scoped3A_116 : memref<!tpu.dma_semaphore, #tpu.memory_space<semaphore_mem>>) {add = true}
        %dma_wait3A = arith.constant 0 : i32
        %dma_wait3A_121 = tpu.memref_slice %arg14[%run_scoped3A_112, %dma_wait3A] : memref<8x128xi32, #tpu.memory_space<vmem>> -> memref<1x128xi32, #tpu.memory_space<vmem>>
        %dma_wait3A_122 = tpu.memref_squeeze %dma_wait3A_121 : memref<1x128xi32, #tpu.memory_space<vmem>> -> memref<128xi32, #tpu.memory_space<vmem>>
        %dma_wait3A_123 = arith.constant 0 : i32
        %dma_wait3A_124 = tpu.memref_slice %arg20[%dma_wait3A_123] : memref<10240xf32, #tpu.memory_space<vmem_shared>> -> memref<10240xf32, #tpu.memory_space<vmem_shared>>
        tpu.wait_indirect_dma semaphore(%run_scoped3A_116 : memref<!tpu.dma_semaphore, #tpu.memory_space<semaphore_mem>>) src(%arg15 : memref<128xf32, #tpu.memory_space<vmem>>) dst(%dma_wait3A_124 : memref<10240xf32, #tpu.memory_space<vmem_shared>>)
        tpu.yield
      }) : () -> ()
      %run_scoped3A_113 = arith.constant 5 : i32
      "tpu.region"() ({
        %run_scoped3A_116 = tpu.sem_alloc : memref<!tpu.dma_semaphore, #tpu.memory_space<semaphore_mem>>
        %dma_start3A = arith.constant 0 : i32
        %dma_start3A_117 = tpu.memref_slice %arg14[%run_scoped3A_113, %dma_start3A] : memref<8x128xi32, #tpu.memory_space<vmem>> -> memref<1x128xi32, #tpu.memory_space<vmem>>
        %dma_start3A_118 = tpu.memref_squeeze %dma_start3A_117 : memref<1x128xi32, #tpu.memory_space<vmem>> -> memref<128xi32, #tpu.memory_space<vmem>>
        %dma_start3A_119 = arith.constant 0 : i32
        %dma_start3A_120 = tpu.memref_slice %arg20[%dma_start3A_119] : memref<10240xf32, #tpu.memory_space<vmem_shared>> -> memref<10240xf32, #tpu.memory_space<vmem_shared>>
        tpu.enqueue_indirect_dma source(%arg15 : memref<128xf32, #tpu.memory_space<vmem>>) target(%dma_start3A_120 : memref<10240xf32, #tpu.memory_space<vmem_shared>>) offsets(%dma_start3A_118 : memref<128xi32, #tpu.memory_space<vmem>>) semaphore(%run_scoped3A_116 : memref<!tpu.dma_semaphore, #tpu.memory_space<semaphore_mem>>) {add = true}
        %dma_wait3A = arith.constant 0 : i32
        %dma_wait3A_121 = tpu.memref_slice %arg14[%run_scoped3A_113, %dma_wait3A] : memref<8x128xi32, #tpu.memory_space<vmem>> -> memref<1x128xi32, #tpu.memory_space<vmem>>
        %dma_wait3A_122 = tpu.memref_squeeze %dma_wait3A_121 : memref<1x128xi32, #tpu.memory_space<vmem>> -> memref<128xi32, #tpu.memory_space<vmem>>
        %dma_wait3A_123 = arith.constant 0 : i32
        %dma_wait3A_124 = tpu.memref_slice %arg20[%dma_wait3A_123] : memref<10240xf32, #tpu.memory_space<vmem_shared>> -> memref<10240xf32, #tpu.memory_space<vmem_shared>>
        tpu.wait_indirect_dma semaphore(%run_scoped3A_116 : memref<!tpu.dma_semaphore, #tpu.memory_space<semaphore_mem>>) src(%arg15 : memref<128xf32, #tpu.memory_space<vmem>>) dst(%dma_wait3A_124 : memref<10240xf32, #tpu.memory_space<vmem_shared>>)
        tpu.yield
      }) : () -> ()
      %run_scoped3A_114 = arith.constant 6 : i32
      "tpu.region"() ({
        %run_scoped3A_116 = tpu.sem_alloc : memref<!tpu.dma_semaphore, #tpu.memory_space<semaphore_mem>>
        %dma_start3A = arith.constant 0 : i32
        %dma_start3A_117 = tpu.memref_slice %arg14[%run_scoped3A_114, %dma_start3A] : memref<8x128xi32, #tpu.memory_space<vmem>> -> memref<1x128xi32, #tpu.memory_space<vmem>>
        %dma_start3A_118 = tpu.memref_squeeze %dma_start3A_117 : memref<1x128xi32, #tpu.memory_space<vmem>> -> memref<128xi32, #tpu.memory_space<vmem>>
        %dma_start3A_119 = arith.constant 0 : i32
        %dma_start3A_120 = tpu.memref_slice %arg20[%dma_start3A_119] : memref<10240xf32, #tpu.memory_space<vmem_shared>> -> memref<10240xf32, #tpu.memory_space<vmem_shared>>
        tpu.enqueue_indirect_dma source(%arg15 : memref<128xf32, #tpu.memory_space<vmem>>) target(%dma_start3A_120 : memref<10240xf32, #tpu.memory_space<vmem_shared>>) offsets(%dma_start3A_118 : memref<128xi32, #tpu.memory_space<vmem>>) semaphore(%run_scoped3A_116 : memref<!tpu.dma_semaphore, #tpu.memory_space<semaphore_mem>>) {add = true}
        %dma_wait3A = arith.constant 0 : i32
        %dma_wait3A_121 = tpu.memref_slice %arg14[%run_scoped3A_114, %dma_wait3A] : memref<8x128xi32, #tpu.memory_space<vmem>> -> memref<1x128xi32, #tpu.memory_space<vmem>>
        %dma_wait3A_122 = tpu.memref_squeeze %dma_wait3A_121 : memref<1x128xi32, #tpu.memory_space<vmem>> -> memref<128xi32, #tpu.memory_space<vmem>>
        %dma_wait3A_123 = arith.constant 0 : i32
        %dma_wait3A_124 = tpu.memref_slice %arg20[%dma_wait3A_123] : memref<10240xf32, #tpu.memory_space<vmem_shared>> -> memref<10240xf32, #tpu.memory_space<vmem_shared>>
        tpu.wait_indirect_dma semaphore(%run_scoped3A_116 : memref<!tpu.dma_semaphore, #tpu.memory_space<semaphore_mem>>) src(%arg15 : memref<128xf32, #tpu.memory_space<vmem>>) dst(%dma_wait3A_124 : memref<10240xf32, #tpu.memory_space<vmem_shared>>)
        tpu.yield
      }) : () -> ()
      %run_scoped3A_115 = arith.constant 7 : i32
      "tpu.region"() ({
        %run_scoped3A_116 = tpu.sem_alloc : memref<!tpu.dma_semaphore, #tpu.memory_space<semaphore_mem>>
        %dma_start3A = arith.constant 0 : i32
        %dma_start3A_117 = tpu.memref_slice %arg14[%run_scoped3A_115, %dma_start3A] : memref<8x128xi32, #tpu.memory_space<vmem>> -> memref<1x128xi32, #tpu.memory_space<vmem>>
        %dma_start3A_118 = tpu.memref_squeeze %dma_start3A_117 : memref<1x128xi32, #tpu.memory_space<vmem>> -> memref<128xi32, #tpu.memory_space<vmem>>
        %dma_start3A_119 = arith.constant 0 : i32
        %dma_start3A_120 = tpu.memref_slice %arg20[%dma_start3A_119] : memref<10240xf32, #tpu.memory_space<vmem_shared>> -> memref<10240xf32, #tpu.memory_space<vmem_shared>>
        tpu.enqueue_indirect_dma source(%arg15 : memref<128xf32, #tpu.memory_space<vmem>>) target(%dma_start3A_120 : memref<10240xf32, #tpu.memory_space<vmem_shared>>) offsets(%dma_start3A_118 : memref<128xi32, #tpu.memory_space<vmem>>) semaphore(%run_scoped3A_116 : memref<!tpu.dma_semaphore, #tpu.memory_space<semaphore_mem>>) {add = true}
        %dma_wait3A = arith.constant 0 : i32
        %dma_wait3A_121 = tpu.memref_slice %arg14[%run_scoped3A_115, %dma_wait3A] : memref<8x128xi32, #tpu.memory_space<vmem>> -> memref<1x128xi32, #tpu.memory_space<vmem>>
        %dma_wait3A_122 = tpu.memref_squeeze %dma_wait3A_121 : memref<1x128xi32, #tpu.memory_space<vmem>> -> memref<128xi32, #tpu.memory_space<vmem>>
        %dma_wait3A_123 = arith.constant 0 : i32
        %dma_wait3A_124 = tpu.memref_slice %arg20[%dma_wait3A_123] : memref<10240xf32, #tpu.memory_space<vmem_shared>> -> memref<10240xf32, #tpu.memory_space<vmem_shared>>
        tpu.wait_indirect_dma semaphore(%run_scoped3A_116 : memref<!tpu.dma_semaphore, #tpu.memory_space<semaphore_mem>>) src(%arg15 : memref<128xf32, #tpu.memory_space<vmem>>) dst(%dma_wait3A_124 : memref<10240xf32, #tpu.memory_space<vmem_shared>>)
        tpu.yield
      }) : () -> ()
    }
    %scan3A_49 = arith.constant 10 : i32
    %scan3A_50 = arith.constant 0 : i32
    %scan3A_51 = arith.constant 0 : i32
    %scan3A_52 = arith.constant 10 : i32
    %scan3A_53 = arith.addi %scan3A_51, %scan3A_52 : i32
    %scan3A_54 = arith.constant 1 : i32
    scf.for %scan3A_105 = %scan3A_51 to %scan3A_53 step %scan3A_54  : i32 {
      %mul3A_106 = arith.constant 8 : i32
      %mul3A_107 = arith.muli %scan3A_105, %mul3A_106 : i32
      %add3A_108 = arith.addi %mul3A_25, %mul3A_107 : i32
      "tpu.region"() ({
        %run_scoped3A_116 = tpu.sem_alloc : memref<!tpu.dma_semaphore, #tpu.memory_space<semaphore_mem>>
        %dma_start3A = arith.constant 0 : i32
        %dma_start3A_117 = tpu.memref_slice %arg6[%add3A_108, %dma_start3A] : memref<2560x128xi32, #tpu.memory_space<hbm>> -> memref<8x128xi32, #tpu.memory_space<hbm>>
        %dma_start3A_118 = arith.constant 0 : i32
        %dma_start3A_119 = tpu.memref_slice %arg6[%add3A_108, %dma_start3A_118] : memref<2560x128xi32, #tpu.memory_space<hbm>> -> memref<8x128xi32, #tpu.memory_space<hbm>>
        tpu.enqueue_dma source(%dma_start3A_119 : memref<8x128xi32, #tpu.memory_space<hbm>>) target(%arg14 : memref<8x128xi32, #tpu.memory_space<vmem>>) target_semaphore(%run_scoped3A_116 : memref<!tpu.dma_semaphore, #tpu.memory_space<semaphore_mem>>)
        %dma_wait3A = arith.constant 0 : i32
        %dma_wait3A_120 = tpu.memref_slice %arg6[%add3A_108, %dma_wait3A] : memref<2560x128xi32, #tpu.memory_space<hbm>> -> memref<8x128xi32, #tpu.memory_space<hbm>>
        %dma_wait3A_121 = arith.constant 0 : i32
        %dma_wait3A_122 = tpu.memref_slice %arg6[%add3A_108, %dma_wait3A_121] : memref<2560x128xi32, #tpu.memory_space<hbm>> -> memref<8x128xi32, #tpu.memory_space<hbm>>
        tpu.wait_dma2 semaphore(%run_scoped3A_116 : memref<!tpu.dma_semaphore, #tpu.memory_space<semaphore_mem>>) src(%dma_wait3A_122 : memref<8x128xi32, #tpu.memory_space<hbm>>) dst(%arg14 : memref<8x128xi32, #tpu.memory_space<vmem>>)
        tpu.yield
      }) : () -> ()
      %run_scoped3A = arith.constant 0 : i32
      "tpu.region"() ({
        %run_scoped3A_116 = tpu.sem_alloc : memref<!tpu.dma_semaphore, #tpu.memory_space<semaphore_mem>>
        %dma_start3A = arith.constant 0 : i32
        %dma_start3A_117 = tpu.memref_slice %arg14[%run_scoped3A, %dma_start3A] : memref<8x128xi32, #tpu.memory_space<vmem>> -> memref<1x128xi32, #tpu.memory_space<vmem>>
        %dma_start3A_118 = tpu.memref_squeeze %dma_start3A_117 : memref<1x128xi32, #tpu.memory_space<vmem>> -> memref<128xi32, #tpu.memory_space<vmem>>
        %dma_start3A_119 = arith.constant 0 : i32
        %dma_start3A_120 = tpu.memref_slice %arg21[%dma_start3A_119] : memref<10240xf32, #tpu.memory_space<vmem_shared>> -> memref<10240xf32, #tpu.memory_space<vmem_shared>>
        tpu.enqueue_indirect_dma source(%arg15 : memref<128xf32, #tpu.memory_space<vmem>>) target(%dma_start3A_120 : memref<10240xf32, #tpu.memory_space<vmem_shared>>) offsets(%dma_start3A_118 : memref<128xi32, #tpu.memory_space<vmem>>) semaphore(%run_scoped3A_116 : memref<!tpu.dma_semaphore, #tpu.memory_space<semaphore_mem>>) {add = true}
        %dma_wait3A = arith.constant 0 : i32
        %dma_wait3A_121 = tpu.memref_slice %arg14[%run_scoped3A, %dma_wait3A] : memref<8x128xi32, #tpu.memory_space<vmem>> -> memref<1x128xi32, #tpu.memory_space<vmem>>
        %dma_wait3A_122 = tpu.memref_squeeze %dma_wait3A_121 : memref<1x128xi32, #tpu.memory_space<vmem>> -> memref<128xi32, #tpu.memory_space<vmem>>
        %dma_wait3A_123 = arith.constant 0 : i32
        %dma_wait3A_124 = tpu.memref_slice %arg21[%dma_wait3A_123] : memref<10240xf32, #tpu.memory_space<vmem_shared>> -> memref<10240xf32, #tpu.memory_space<vmem_shared>>
        tpu.wait_indirect_dma semaphore(%run_scoped3A_116 : memref<!tpu.dma_semaphore, #tpu.memory_space<semaphore_mem>>) src(%arg15 : memref<128xf32, #tpu.memory_space<vmem>>) dst(%dma_wait3A_124 : memref<10240xf32, #tpu.memory_space<vmem_shared>>)
        tpu.yield
      }) : () -> ()
      %run_scoped3A_109 = arith.constant 1 : i32
      "tpu.region"() ({
        %run_scoped3A_116 = tpu.sem_alloc : memref<!tpu.dma_semaphore, #tpu.memory_space<semaphore_mem>>
        %dma_start3A = arith.constant 0 : i32
        %dma_start3A_117 = tpu.memref_slice %arg14[%run_scoped3A_109, %dma_start3A] : memref<8x128xi32, #tpu.memory_space<vmem>> -> memref<1x128xi32, #tpu.memory_space<vmem>>
        %dma_start3A_118 = tpu.memref_squeeze %dma_start3A_117 : memref<1x128xi32, #tpu.memory_space<vmem>> -> memref<128xi32, #tpu.memory_space<vmem>>
        %dma_start3A_119 = arith.constant 0 : i32
        %dma_start3A_120 = tpu.memref_slice %arg21[%dma_start3A_119] : memref<10240xf32, #tpu.memory_space<vmem_shared>> -> memref<10240xf32, #tpu.memory_space<vmem_shared>>
        tpu.enqueue_indirect_dma source(%arg15 : memref<128xf32, #tpu.memory_space<vmem>>) target(%dma_start3A_120 : memref<10240xf32, #tpu.memory_space<vmem_shared>>) offsets(%dma_start3A_118 : memref<128xi32, #tpu.memory_space<vmem>>) semaphore(%run_scoped3A_116 : memref<!tpu.dma_semaphore, #tpu.memory_space<semaphore_mem>>) {add = true}
        %dma_wait3A = arith.constant 0 : i32
        %dma_wait3A_121 = tpu.memref_slice %arg14[%run_scoped3A_109, %dma_wait3A] : memref<8x128xi32, #tpu.memory_space<vmem>> -> memref<1x128xi32, #tpu.memory_space<vmem>>
        %dma_wait3A_122 = tpu.memref_squeeze %dma_wait3A_121 : memref<1x128xi32, #tpu.memory_space<vmem>> -> memref<128xi32, #tpu.memory_space<vmem>>
        %dma_wait3A_123 = arith.constant 0 : i32
        %dma_wait3A_124 = tpu.memref_slice %arg21[%dma_wait3A_123] : memref<10240xf32, #tpu.memory_space<vmem_shared>> -> memref<10240xf32, #tpu.memory_space<vmem_shared>>
        tpu.wait_indirect_dma semaphore(%run_scoped3A_116 : memref<!tpu.dma_semaphore, #tpu.memory_space<semaphore_mem>>) src(%arg15 : memref<128xf32, #tpu.memory_space<vmem>>) dst(%dma_wait3A_124 : memref<10240xf32, #tpu.memory_space<vmem_shared>>)
        tpu.yield
      }) : () -> ()
      %run_scoped3A_110 = arith.constant 2 : i32
      "tpu.region"() ({
        %run_scoped3A_116 = tpu.sem_alloc : memref<!tpu.dma_semaphore, #tpu.memory_space<semaphore_mem>>
        %dma_start3A = arith.constant 0 : i32
        %dma_start3A_117 = tpu.memref_slice %arg14[%run_scoped3A_110, %dma_start3A] : memref<8x128xi32, #tpu.memory_space<vmem>> -> memref<1x128xi32, #tpu.memory_space<vmem>>
        %dma_start3A_118 = tpu.memref_squeeze %dma_start3A_117 : memref<1x128xi32, #tpu.memory_space<vmem>> -> memref<128xi32, #tpu.memory_space<vmem>>
        %dma_start3A_119 = arith.constant 0 : i32
        %dma_start3A_120 = tpu.memref_slice %arg21[%dma_start3A_119] : memref<10240xf32, #tpu.memory_space<vmem_shared>> -> memref<10240xf32, #tpu.memory_space<vmem_shared>>
        tpu.enqueue_indirect_dma source(%arg15 : memref<128xf32, #tpu.memory_space<vmem>>) target(%dma_start3A_120 : memref<10240xf32, #tpu.memory_space<vmem_shared>>) offsets(%dma_start3A_118 : memref<128xi32, #tpu.memory_space<vmem>>) semaphore(%run_scoped3A_116 : memref<!tpu.dma_semaphore, #tpu.memory_space<semaphore_mem>>) {add = true}
        %dma_wait3A = arith.constant 0 : i32
        %dma_wait3A_121 = tpu.memref_slice %arg14[%run_scoped3A_110, %dma_wait3A] : memref<8x128xi32, #tpu.memory_space<vmem>> -> memref<1x128xi32, #tpu.memory_space<vmem>>
        %dma_wait3A_122 = tpu.memref_squeeze %dma_wait3A_121 : memref<1x128xi32, #tpu.memory_space<vmem>> -> memref<128xi32, #tpu.memory_space<vmem>>
        %dma_wait3A_123 = arith.constant 0 : i32
        %dma_wait3A_124 = tpu.memref_slice %arg21[%dma_wait3A_123] : memref<10240xf32, #tpu.memory_space<vmem_shared>> -> memref<10240xf32, #tpu.memory_space<vmem_shared>>
        tpu.wait_indirect_dma semaphore(%run_scoped3A_116 : memref<!tpu.dma_semaphore, #tpu.memory_space<semaphore_mem>>) src(%arg15 : memref<128xf32, #tpu.memory_space<vmem>>) dst(%dma_wait3A_124 : memref<10240xf32, #tpu.memory_space<vmem_shared>>)
        tpu.yield
      }) : () -> ()
      %run_scoped3A_111 = arith.constant 3 : i32
      "tpu.region"() ({
        %run_scoped3A_116 = tpu.sem_alloc : memref<!tpu.dma_semaphore, #tpu.memory_space<semaphore_mem>>
        %dma_start3A = arith.constant 0 : i32
        %dma_start3A_117 = tpu.memref_slice %arg14[%run_scoped3A_111, %dma_start3A] : memref<8x128xi32, #tpu.memory_space<vmem>> -> memref<1x128xi32, #tpu.memory_space<vmem>>
        %dma_start3A_118 = tpu.memref_squeeze %dma_start3A_117 : memref<1x128xi32, #tpu.memory_space<vmem>> -> memref<128xi32, #tpu.memory_space<vmem>>
        %dma_start3A_119 = arith.constant 0 : i32
        %dma_start3A_120 = tpu.memref_slice %arg21[%dma_start3A_119] : memref<10240xf32, #tpu.memory_space<vmem_shared>> -> memref<10240xf32, #tpu.memory_space<vmem_shared>>
        tpu.enqueue_indirect_dma source(%arg15 : memref<128xf32, #tpu.memory_space<vmem>>) target(%dma_start3A_120 : memref<10240xf32, #tpu.memory_space<vmem_shared>>) offsets(%dma_start3A_118 : memref<128xi32, #tpu.memory_space<vmem>>) semaphore(%run_scoped3A_116 : memref<!tpu.dma_semaphore, #tpu.memory_space<semaphore_mem>>) {add = true}
        %dma_wait3A = arith.constant 0 : i32
        %dma_wait3A_121 = tpu.memref_slice %arg14[%run_scoped3A_111, %dma_wait3A] : memref<8x128xi32, #tpu.memory_space<vmem>> -> memref<1x128xi32, #tpu.memory_space<vmem>>
        %dma_wait3A_122 = tpu.memref_squeeze %dma_wait3A_121 : memref<1x128xi32, #tpu.memory_space<vmem>> -> memref<128xi32, #tpu.memory_space<vmem>>
        %dma_wait3A_123 = arith.constant 0 : i32
        %dma_wait3A_124 = tpu.memref_slice %arg21[%dma_wait3A_123] : memref<10240xf32, #tpu.memory_space<vmem_shared>> -> memref<10240xf32, #tpu.memory_space<vmem_shared>>
        tpu.wait_indirect_dma semaphore(%run_scoped3A_116 : memref<!tpu.dma_semaphore, #tpu.memory_space<semaphore_mem>>) src(%arg15 : memref<128xf32, #tpu.memory_space<vmem>>) dst(%dma_wait3A_124 : memref<10240xf32, #tpu.memory_space<vmem_shared>>)
        tpu.yield
      }) : () -> ()
      %run_scoped3A_112 = arith.constant 4 : i32
      "tpu.region"() ({
        %run_scoped3A_116 = tpu.sem_alloc : memref<!tpu.dma_semaphore, #tpu.memory_space<semaphore_mem>>
        %dma_start3A = arith.constant 0 : i32
        %dma_start3A_117 = tpu.memref_slice %arg14[%run_scoped3A_112, %dma_start3A] : memref<8x128xi32, #tpu.memory_space<vmem>> -> memref<1x128xi32, #tpu.memory_space<vmem>>
        %dma_start3A_118 = tpu.memref_squeeze %dma_start3A_117 : memref<1x128xi32, #tpu.memory_space<vmem>> -> memref<128xi32, #tpu.memory_space<vmem>>
        %dma_start3A_119 = arith.constant 0 : i32
        %dma_start3A_120 = tpu.memref_slice %arg21[%dma_start3A_119] : memref<10240xf32, #tpu.memory_space<vmem_shared>> -> memref<10240xf32, #tpu.memory_space<vmem_shared>>
        tpu.enqueue_indirect_dma source(%arg15 : memref<128xf32, #tpu.memory_space<vmem>>) target(%dma_start3A_120 : memref<10240xf32, #tpu.memory_space<vmem_shared>>) offsets(%dma_start3A_118 : memref<128xi32, #tpu.memory_space<vmem>>) semaphore(%run_scoped3A_116 : memref<!tpu.dma_semaphore, #tpu.memory_space<semaphore_mem>>) {add = true}
        %dma_wait3A = arith.constant 0 : i32
        %dma_wait3A_121 = tpu.memref_slice %arg14[%run_scoped3A_112, %dma_wait3A] : memref<8x128xi32, #tpu.memory_space<vmem>> -> memref<1x128xi32, #tpu.memory_space<vmem>>
        %dma_wait3A_122 = tpu.memref_squeeze %dma_wait3A_121 : memref<1x128xi32, #tpu.memory_space<vmem>> -> memref<128xi32, #tpu.memory_space<vmem>>
        %dma_wait3A_123 = arith.constant 0 : i32
        %dma_wait3A_124 = tpu.memref_slice %arg21[%dma_wait3A_123] : memref<10240xf32, #tpu.memory_space<vmem_shared>> -> memref<10240xf32, #tpu.memory_space<vmem_shared>>
        tpu.wait_indirect_dma semaphore(%run_scoped3A_116 : memref<!tpu.dma_semaphore, #tpu.memory_space<semaphore_mem>>) src(%arg15 : memref<128xf32, #tpu.memory_space<vmem>>) dst(%dma_wait3A_124 : memref<10240xf32, #tpu.memory_space<vmem_shared>>)
        tpu.yield
      }) : () -> ()
      %run_scoped3A_113 = arith.constant 5 : i32
      "tpu.region"() ({
        %run_scoped3A_116 = tpu.sem_alloc : memref<!tpu.dma_semaphore, #tpu.memory_space<semaphore_mem>>
        %dma_start3A = arith.constant 0 : i32
        %dma_start3A_117 = tpu.memref_slice %arg14[%run_scoped3A_113, %dma_start3A] : memref<8x128xi32, #tpu.memory_space<vmem>> -> memref<1x128xi32, #tpu.memory_space<vmem>>
        %dma_start3A_118 = tpu.memref_squeeze %dma_start3A_117 : memref<1x128xi32, #tpu.memory_space<vmem>> -> memref<128xi32, #tpu.memory_space<vmem>>
        %dma_start3A_119 = arith.constant 0 : i32
        %dma_start3A_120 = tpu.memref_slice %arg21[%dma_start3A_119] : memref<10240xf32, #tpu.memory_space<vmem_shared>> -> memref<10240xf32, #tpu.memory_space<vmem_shared>>
        tpu.enqueue_indirect_dma source(%arg15 : memref<128xf32, #tpu.memory_space<vmem>>) target(%dma_start3A_120 : memref<10240xf32, #tpu.memory_space<vmem_shared>>) offsets(%dma_start3A_118 : memref<128xi32, #tpu.memory_space<vmem>>) semaphore(%run_scoped3A_116 : memref<!tpu.dma_semaphore, #tpu.memory_space<semaphore_mem>>) {add = true}
        %dma_wait3A = arith.constant 0 : i32
        %dma_wait3A_121 = tpu.memref_slice %arg14[%run_scoped3A_113, %dma_wait3A] : memref<8x128xi32, #tpu.memory_space<vmem>> -> memref<1x128xi32, #tpu.memory_space<vmem>>
        %dma_wait3A_122 = tpu.memref_squeeze %dma_wait3A_121 : memref<1x128xi32, #tpu.memory_space<vmem>> -> memref<128xi32, #tpu.memory_space<vmem>>
        %dma_wait3A_123 = arith.constant 0 : i32
        %dma_wait3A_124 = tpu.memref_slice %arg21[%dma_wait3A_123] : memref<10240xf32, #tpu.memory_space<vmem_shared>> -> memref<10240xf32, #tpu.memory_space<vmem_shared>>
        tpu.wait_indirect_dma semaphore(%run_scoped3A_116 : memref<!tpu.dma_semaphore, #tpu.memory_space<semaphore_mem>>) src(%arg15 : memref<128xf32, #tpu.memory_space<vmem>>) dst(%dma_wait3A_124 : memref<10240xf32, #tpu.memory_space<vmem_shared>>)
        tpu.yield
      }) : () -> ()
      %run_scoped3A_114 = arith.constant 6 : i32
      "tpu.region"() ({
        %run_scoped3A_116 = tpu.sem_alloc : memref<!tpu.dma_semaphore, #tpu.memory_space<semaphore_mem>>
        %dma_start3A = arith.constant 0 : i32
        %dma_start3A_117 = tpu.memref_slice %arg14[%run_scoped3A_114, %dma_start3A] : memref<8x128xi32, #tpu.memory_space<vmem>> -> memref<1x128xi32, #tpu.memory_space<vmem>>
        %dma_start3A_118 = tpu.memref_squeeze %dma_start3A_117 : memref<1x128xi32, #tpu.memory_space<vmem>> -> memref<128xi32, #tpu.memory_space<vmem>>
        %dma_start3A_119 = arith.constant 0 : i32
        %dma_start3A_120 = tpu.memref_slice %arg21[%dma_start3A_119] : memref<10240xf32, #tpu.memory_space<vmem_shared>> -> memref<10240xf32, #tpu.memory_space<vmem_shared>>
        tpu.enqueue_indirect_dma source(%arg15 : memref<128xf32, #tpu.memory_space<vmem>>) target(%dma_start3A_120 : memref<10240xf32, #tpu.memory_space<vmem_shared>>) offsets(%dma_start3A_118 : memref<128xi32, #tpu.memory_space<vmem>>) semaphore(%run_scoped3A_116 : memref<!tpu.dma_semaphore, #tpu.memory_space<semaphore_mem>>) {add = true}
        %dma_wait3A = arith.constant 0 : i32
        %dma_wait3A_121 = tpu.memref_slice %arg14[%run_scoped3A_114, %dma_wait3A] : memref<8x128xi32, #tpu.memory_space<vmem>> -> memref<1x128xi32, #tpu.memory_space<vmem>>
        %dma_wait3A_122 = tpu.memref_squeeze %dma_wait3A_121 : memref<1x128xi32, #tpu.memory_space<vmem>> -> memref<128xi32, #tpu.memory_space<vmem>>
        %dma_wait3A_123 = arith.constant 0 : i32
        %dma_wait3A_124 = tpu.memref_slice %arg21[%dma_wait3A_123] : memref<10240xf32, #tpu.memory_space<vmem_shared>> -> memref<10240xf32, #tpu.memory_space<vmem_shared>>
        tpu.wait_indirect_dma semaphore(%run_scoped3A_116 : memref<!tpu.dma_semaphore, #tpu.memory_space<semaphore_mem>>) src(%arg15 : memref<128xf32, #tpu.memory_space<vmem>>) dst(%dma_wait3A_124 : memref<10240xf32, #tpu.memory_space<vmem_shared>>)
        tpu.yield
      }) : () -> ()
      %run_scoped3A_115 = arith.constant 7 : i32
      "tpu.region"() ({
        %run_scoped3A_116 = tpu.sem_alloc : memref<!tpu.dma_semaphore, #tpu.memory_space<semaphore_mem>>
        %dma_start3A = arith.constant 0 : i32
        %dma_start3A_117 = tpu.memref_slice %arg14[%run_scoped3A_115, %dma_start3A] : memref<8x128xi32, #tpu.memory_space<vmem>> -> memref<1x128xi32, #tpu.memory_space<vmem>>
        %dma_start3A_118 = tpu.memref_squeeze %dma_start3A_117 : memref<1x128xi32, #tpu.memory_space<vmem>> -> memref<128xi32, #tpu.memory_space<vmem>>
        %dma_start3A_119 = arith.constant 0 : i32
        %dma_start3A_120 = tpu.memref_slice %arg21[%dma_start3A_119] : memref<10240xf32, #tpu.memory_space<vmem_shared>> -> memref<10240xf32, #tpu.memory_space<vmem_shared>>
        tpu.enqueue_indirect_dma source(%arg15 : memref<128xf32, #tpu.memory_space<vmem>>) target(%dma_start3A_120 : memref<10240xf32, #tpu.memory_space<vmem_shared>>) offsets(%dma_start3A_118 : memref<128xi32, #tpu.memory_space<vmem>>) semaphore(%run_scoped3A_116 : memref<!tpu.dma_semaphore, #tpu.memory_space<semaphore_mem>>) {add = true}
        %dma_wait3A = arith.constant 0 : i32
        %dma_wait3A_121 = tpu.memref_slice %arg14[%run_scoped3A_115, %dma_wait3A] : memref<8x128xi32, #tpu.memory_space<vmem>> -> memref<1x128xi32, #tpu.memory_space<vmem>>
        %dma_wait3A_122 = tpu.memref_squeeze %dma_wait3A_121 : memref<1x128xi32, #tpu.memory_space<vmem>> -> memref<128xi32, #tpu.memory_space<vmem>>
        %dma_wait3A_123 = arith.constant 0 : i32
        %dma_wait3A_124 = tpu.memref_slice %arg21[%dma_wait3A_123] : memref<10240xf32, #tpu.memory_space<vmem_shared>> -> memref<10240xf32, #tpu.memory_space<vmem_shared>>
        tpu.wait_indirect_dma semaphore(%run_scoped3A_116 : memref<!tpu.dma_semaphore, #tpu.memory_space<semaphore_mem>>) src(%arg15 : memref<128xf32, #tpu.memory_space<vmem>>) dst(%dma_wait3A_124 : memref<10240xf32, #tpu.memory_space<vmem_shared>>)
        tpu.yield
      }) : () -> ()
    }
    %scan3A_55 = arith.constant 10 : i32
    %scan3A_56 = arith.constant 0 : i32
    %scan3A_57 = arith.constant 0 : i32
    %scan3A_58 = arith.constant 10 : i32
    %scan3A_59 = arith.addi %scan3A_57, %scan3A_58 : i32
    %scan3A_60 = arith.constant 1 : i32
    scf.for %scan3A_105 = %scan3A_57 to %scan3A_59 step %scan3A_60  : i32 {
      %mul3A_106 = arith.constant 8 : i32
      %mul3A_107 = arith.muli %scan3A_105, %mul3A_106 : i32
      %add3A_108 = arith.addi %mul3A_25, %mul3A_107 : i32
      "tpu.region"() ({
        %run_scoped3A_116 = tpu.sem_alloc : memref<!tpu.dma_semaphore, #tpu.memory_space<semaphore_mem>>
        %dma_start3A = arith.constant 0 : i32
        %dma_start3A_117 = tpu.memref_slice %arg7[%add3A_108, %dma_start3A] : memref<2560x128xi32, #tpu.memory_space<hbm>> -> memref<8x128xi32, #tpu.memory_space<hbm>>
        %dma_start3A_118 = arith.constant 0 : i32
        %dma_start3A_119 = tpu.memref_slice %arg7[%add3A_108, %dma_start3A_118] : memref<2560x128xi32, #tpu.memory_space<hbm>> -> memref<8x128xi32, #tpu.memory_space<hbm>>
        tpu.enqueue_dma source(%dma_start3A_119 : memref<8x128xi32, #tpu.memory_space<hbm>>) target(%arg14 : memref<8x128xi32, #tpu.memory_space<vmem>>) target_semaphore(%run_scoped3A_116 : memref<!tpu.dma_semaphore, #tpu.memory_space<semaphore_mem>>)
        %dma_wait3A = arith.constant 0 : i32
        %dma_wait3A_120 = tpu.memref_slice %arg7[%add3A_108, %dma_wait3A] : memref<2560x128xi32, #tpu.memory_space<hbm>> -> memref<8x128xi32, #tpu.memory_space<hbm>>
        %dma_wait3A_121 = arith.constant 0 : i32
        %dma_wait3A_122 = tpu.memref_slice %arg7[%add3A_108, %dma_wait3A_121] : memref<2560x128xi32, #tpu.memory_space<hbm>> -> memref<8x128xi32, #tpu.memory_space<hbm>>
        tpu.wait_dma2 semaphore(%run_scoped3A_116 : memref<!tpu.dma_semaphore, #tpu.memory_space<semaphore_mem>>) src(%dma_wait3A_122 : memref<8x128xi32, #tpu.memory_space<hbm>>) dst(%arg14 : memref<8x128xi32, #tpu.memory_space<vmem>>)
        tpu.yield
      }) : () -> ()
      %run_scoped3A = arith.constant 0 : i32
      "tpu.region"() ({
        %run_scoped3A_116 = tpu.sem_alloc : memref<!tpu.dma_semaphore, #tpu.memory_space<semaphore_mem>>
        %dma_start3A = arith.constant 0 : i32
        %dma_start3A_117 = tpu.memref_slice %arg14[%run_scoped3A, %dma_start3A] : memref<8x128xi32, #tpu.memory_space<vmem>> -> memref<1x128xi32, #tpu.memory_space<vmem>>
        %dma_start3A_118 = tpu.memref_squeeze %dma_start3A_117 : memref<1x128xi32, #tpu.memory_space<vmem>> -> memref<128xi32, #tpu.memory_space<vmem>>
        %dma_start3A_119 = arith.constant 0 : i32
        %dma_start3A_120 = tpu.memref_slice %arg22[%dma_start3A_119] : memref<10240xf32, #tpu.memory_space<vmem_shared>> -> memref<10240xf32, #tpu.memory_space<vmem_shared>>
        tpu.enqueue_indirect_dma source(%arg15 : memref<128xf32, #tpu.memory_space<vmem>>) target(%dma_start3A_120 : memref<10240xf32, #tpu.memory_space<vmem_shared>>) offsets(%dma_start3A_118 : memref<128xi32, #tpu.memory_space<vmem>>) semaphore(%run_scoped3A_116 : memref<!tpu.dma_semaphore, #tpu.memory_space<semaphore_mem>>) {add = true}
        %dma_wait3A = arith.constant 0 : i32
        %dma_wait3A_121 = tpu.memref_slice %arg14[%run_scoped3A, %dma_wait3A] : memref<8x128xi32, #tpu.memory_space<vmem>> -> memref<1x128xi32, #tpu.memory_space<vmem>>
        %dma_wait3A_122 = tpu.memref_squeeze %dma_wait3A_121 : memref<1x128xi32, #tpu.memory_space<vmem>> -> memref<128xi32, #tpu.memory_space<vmem>>
        %dma_wait3A_123 = arith.constant 0 : i32
        %dma_wait3A_124 = tpu.memref_slice %arg22[%dma_wait3A_123] : memref<10240xf32, #tpu.memory_space<vmem_shared>> -> memref<10240xf32, #tpu.memory_space<vmem_shared>>
        tpu.wait_indirect_dma semaphore(%run_scoped3A_116 : memref<!tpu.dma_semaphore, #tpu.memory_space<semaphore_mem>>) src(%arg15 : memref<128xf32, #tpu.memory_space<vmem>>) dst(%dma_wait3A_124 : memref<10240xf32, #tpu.memory_space<vmem_shared>>)
        tpu.yield
      }) : () -> ()
      %run_scoped3A_109 = arith.constant 1 : i32
      "tpu.region"() ({
        %run_scoped3A_116 = tpu.sem_alloc : memref<!tpu.dma_semaphore, #tpu.memory_space<semaphore_mem>>
        %dma_start3A = arith.constant 0 : i32
        %dma_start3A_117 = tpu.memref_slice %arg14[%run_scoped3A_109, %dma_start3A] : memref<8x128xi32, #tpu.memory_space<vmem>> -> memref<1x128xi32, #tpu.memory_space<vmem>>
        %dma_start3A_118 = tpu.memref_squeeze %dma_start3A_117 : memref<1x128xi32, #tpu.memory_space<vmem>> -> memref<128xi32, #tpu.memory_space<vmem>>
        %dma_start3A_119 = arith.constant 0 : i32
        %dma_start3A_120 = tpu.memref_slice %arg22[%dma_start3A_119] : memref<10240xf32, #tpu.memory_space<vmem_shared>> -> memref<10240xf32, #tpu.memory_space<vmem_shared>>
        tpu.enqueue_indirect_dma source(%arg15 : memref<128xf32, #tpu.memory_space<vmem>>) target(%dma_start3A_120 : memref<10240xf32, #tpu.memory_space<vmem_shared>>) offsets(%dma_start3A_118 : memref<128xi32, #tpu.memory_space<vmem>>) semaphore(%run_scoped3A_116 : memref<!tpu.dma_semaphore, #tpu.memory_space<semaphore_mem>>) {add = true}
        %dma_wait3A = arith.constant 0 : i32
        %dma_wait3A_121 = tpu.memref_slice %arg14[%run_scoped3A_109, %dma_wait3A] : memref<8x128xi32, #tpu.memory_space<vmem>> -> memref<1x128xi32, #tpu.memory_space<vmem>>
        %dma_wait3A_122 = tpu.memref_squeeze %dma_wait3A_121 : memref<1x128xi32, #tpu.memory_space<vmem>> -> memref<128xi32, #tpu.memory_space<vmem>>
        %dma_wait3A_123 = arith.constant 0 : i32
        %dma_wait3A_124 = tpu.memref_slice %arg22[%dma_wait3A_123] : memref<10240xf32, #tpu.memory_space<vmem_shared>> -> memref<10240xf32, #tpu.memory_space<vmem_shared>>
        tpu.wait_indirect_dma semaphore(%run_scoped3A_116 : memref<!tpu.dma_semaphore, #tpu.memory_space<semaphore_mem>>) src(%arg15 : memref<128xf32, #tpu.memory_space<vmem>>) dst(%dma_wait3A_124 : memref<10240xf32, #tpu.memory_space<vmem_shared>>)
        tpu.yield
      }) : () -> ()
      %run_scoped3A_110 = arith.constant 2 : i32
      "tpu.region"() ({
        %run_scoped3A_116 = tpu.sem_alloc : memref<!tpu.dma_semaphore, #tpu.memory_space<semaphore_mem>>
        %dma_start3A = arith.constant 0 : i32
        %dma_start3A_117 = tpu.memref_slice %arg14[%run_scoped3A_110, %dma_start3A] : memref<8x128xi32, #tpu.memory_space<vmem>> -> memref<1x128xi32, #tpu.memory_space<vmem>>
        %dma_start3A_118 = tpu.memref_squeeze %dma_start3A_117 : memref<1x128xi32, #tpu.memory_space<vmem>> -> memref<128xi32, #tpu.memory_space<vmem>>
        %dma_start3A_119 = arith.constant 0 : i32
        %dma_start3A_120 = tpu.memref_slice %arg22[%dma_start3A_119] : memref<10240xf32, #tpu.memory_space<vmem_shared>> -> memref<10240xf32, #tpu.memory_space<vmem_shared>>
        tpu.enqueue_indirect_dma source(%arg15 : memref<128xf32, #tpu.memory_space<vmem>>) target(%dma_start3A_120 : memref<10240xf32, #tpu.memory_space<vmem_shared>>) offsets(%dma_start3A_118 : memref<128xi32, #tpu.memory_space<vmem>>) semaphore(%run_scoped3A_116 : memref<!tpu.dma_semaphore, #tpu.memory_space<semaphore_mem>>) {add = true}
        %dma_wait3A = arith.constant 0 : i32
        %dma_wait3A_121 = tpu.memref_slice %arg14[%run_scoped3A_110, %dma_wait3A] : memref<8x128xi32, #tpu.memory_space<vmem>> -> memref<1x128xi32, #tpu.memory_space<vmem>>
        %dma_wait3A_122 = tpu.memref_squeeze %dma_wait3A_121 : memref<1x128xi32, #tpu.memory_space<vmem>> -> memref<128xi32, #tpu.memory_space<vmem>>
        %dma_wait3A_123 = arith.constant 0 : i32
        %dma_wait3A_124 = tpu.memref_slice %arg22[%dma_wait3A_123] : memref<10240xf32, #tpu.memory_space<vmem_shared>> -> memref<10240xf32, #tpu.memory_space<vmem_shared>>
        tpu.wait_indirect_dma semaphore(%run_scoped3A_116 : memref<!tpu.dma_semaphore, #tpu.memory_space<semaphore_mem>>) src(%arg15 : memref<128xf32, #tpu.memory_space<vmem>>) dst(%dma_wait3A_124 : memref<10240xf32, #tpu.memory_space<vmem_shared>>)
        tpu.yield
      }) : () -> ()
      %run_scoped3A_111 = arith.constant 3 : i32
      "tpu.region"() ({
        %run_scoped3A_116 = tpu.sem_alloc : memref<!tpu.dma_semaphore, #tpu.memory_space<semaphore_mem>>
        %dma_start3A = arith.constant 0 : i32
        %dma_start3A_117 = tpu.memref_slice %arg14[%run_scoped3A_111, %dma_start3A] : memref<8x128xi32, #tpu.memory_space<vmem>> -> memref<1x128xi32, #tpu.memory_space<vmem>>
        %dma_start3A_118 = tpu.memref_squeeze %dma_start3A_117 : memref<1x128xi32, #tpu.memory_space<vmem>> -> memref<128xi32, #tpu.memory_space<vmem>>
        %dma_start3A_119 = arith.constant 0 : i32
        %dma_start3A_120 = tpu.memref_slice %arg22[%dma_start3A_119] : memref<10240xf32, #tpu.memory_space<vmem_shared>> -> memref<10240xf32, #tpu.memory_space<vmem_shared>>
        tpu.enqueue_indirect_dma source(%arg15 : memref<128xf32, #tpu.memory_space<vmem>>) target(%dma_start3A_120 : memref<10240xf32, #tpu.memory_space<vmem_shared>>) offsets(%dma_start3A_118 : memref<128xi32, #tpu.memory_space<vmem>>) semaphore(%run_scoped3A_116 : memref<!tpu.dma_semaphore, #tpu.memory_space<semaphore_mem>>) {add = true}
        %dma_wait3A = arith.constant 0 : i32
        %dma_wait3A_121 = tpu.memref_slice %arg14[%run_scoped3A_111, %dma_wait3A] : memref<8x128xi32, #tpu.memory_space<vmem>> -> memref<1x128xi32, #tpu.memory_space<vmem>>
        %dma_wait3A_122 = tpu.memref_squeeze %dma_wait3A_121 : memref<1x128xi32, #tpu.memory_space<vmem>> -> memref<128xi32, #tpu.memory_space<vmem>>
        %dma_wait3A_123 = arith.constant 0 : i32
        %dma_wait3A_124 = tpu.memref_slice %arg22[%dma_wait3A_123] : memref<10240xf32, #tpu.memory_space<vmem_shared>> -> memref<10240xf32, #tpu.memory_space<vmem_shared>>
        tpu.wait_indirect_dma semaphore(%run_scoped3A_116 : memref<!tpu.dma_semaphore, #tpu.memory_space<semaphore_mem>>) src(%arg15 : memref<128xf32, #tpu.memory_space<vmem>>) dst(%dma_wait3A_124 : memref<10240xf32, #tpu.memory_space<vmem_shared>>)
        tpu.yield
      }) : () -> ()
      %run_scoped3A_112 = arith.constant 4 : i32
      "tpu.region"() ({
        %run_scoped3A_116 = tpu.sem_alloc : memref<!tpu.dma_semaphore, #tpu.memory_space<semaphore_mem>>
        %dma_start3A = arith.constant 0 : i32
        %dma_start3A_117 = tpu.memref_slice %arg14[%run_scoped3A_112, %dma_start3A] : memref<8x128xi32, #tpu.memory_space<vmem>> -> memref<1x128xi32, #tpu.memory_space<vmem>>
        %dma_start3A_118 = tpu.memref_squeeze %dma_start3A_117 : memref<1x128xi32, #tpu.memory_space<vmem>> -> memref<128xi32, #tpu.memory_space<vmem>>
        %dma_start3A_119 = arith.constant 0 : i32
        %dma_start3A_120 = tpu.memref_slice %arg22[%dma_start3A_119] : memref<10240xf32, #tpu.memory_space<vmem_shared>> -> memref<10240xf32, #tpu.memory_space<vmem_shared>>
        tpu.enqueue_indirect_dma source(%arg15 : memref<128xf32, #tpu.memory_space<vmem>>) target(%dma_start3A_120 : memref<10240xf32, #tpu.memory_space<vmem_shared>>) offsets(%dma_start3A_118 : memref<128xi32, #tpu.memory_space<vmem>>) semaphore(%run_scoped3A_116 : memref<!tpu.dma_semaphore, #tpu.memory_space<semaphore_mem>>) {add = true}
        %dma_wait3A = arith.constant 0 : i32
        %dma_wait3A_121 = tpu.memref_slice %arg14[%run_scoped3A_112, %dma_wait3A] : memref<8x128xi32, #tpu.memory_space<vmem>> -> memref<1x128xi32, #tpu.memory_space<vmem>>
        %dma_wait3A_122 = tpu.memref_squeeze %dma_wait3A_121 : memref<1x128xi32, #tpu.memory_space<vmem>> -> memref<128xi32, #tpu.memory_space<vmem>>
        %dma_wait3A_123 = arith.constant 0 : i32
        %dma_wait3A_124 = tpu.memref_slice %arg22[%dma_wait3A_123] : memref<10240xf32, #tpu.memory_space<vmem_shared>> -> memref<10240xf32, #tpu.memory_space<vmem_shared>>
        tpu.wait_indirect_dma semaphore(%run_scoped3A_116 : memref<!tpu.dma_semaphore, #tpu.memory_space<semaphore_mem>>) src(%arg15 : memref<128xf32, #tpu.memory_space<vmem>>) dst(%dma_wait3A_124 : memref<10240xf32, #tpu.memory_space<vmem_shared>>)
        tpu.yield
      }) : () -> ()
      %run_scoped3A_113 = arith.constant 5 : i32
      "tpu.region"() ({
        %run_scoped3A_116 = tpu.sem_alloc : memref<!tpu.dma_semaphore, #tpu.memory_space<semaphore_mem>>
        %dma_start3A = arith.constant 0 : i32
        %dma_start3A_117 = tpu.memref_slice %arg14[%run_scoped3A_113, %dma_start3A] : memref<8x128xi32, #tpu.memory_space<vmem>> -> memref<1x128xi32, #tpu.memory_space<vmem>>
        %dma_start3A_118 = tpu.memref_squeeze %dma_start3A_117 : memref<1x128xi32, #tpu.memory_space<vmem>> -> memref<128xi32, #tpu.memory_space<vmem>>
        %dma_start3A_119 = arith.constant 0 : i32
        %dma_start3A_120 = tpu.memref_slice %arg22[%dma_start3A_119] : memref<10240xf32, #tpu.memory_space<vmem_shared>> -> memref<10240xf32, #tpu.memory_space<vmem_shared>>
        tpu.enqueue_indirect_dma source(%arg15 : memref<128xf32, #tpu.memory_space<vmem>>) target(%dma_start3A_120 : memref<10240xf32, #tpu.memory_space<vmem_shared>>) offsets(%dma_start3A_118 : memref<128xi32, #tpu.memory_space<vmem>>) semaphore(%run_scoped3A_116 : memref<!tpu.dma_semaphore, #tpu.memory_space<semaphore_mem>>) {add = true}
        %dma_wait3A = arith.constant 0 : i32
        %dma_wait3A_121 = tpu.memref_slice %arg14[%run_scoped3A_113, %dma_wait3A] : memref<8x128xi32, #tpu.memory_space<vmem>> -> memref<1x128xi32, #tpu.memory_space<vmem>>
        %dma_wait3A_122 = tpu.memref_squeeze %dma_wait3A_121 : memref<1x128xi32, #tpu.memory_space<vmem>> -> memref<128xi32, #tpu.memory_space<vmem>>
        %dma_wait3A_123 = arith.constant 0 : i32
        %dma_wait3A_124 = tpu.memref_slice %arg22[%dma_wait3A_123] : memref<10240xf32, #tpu.memory_space<vmem_shared>> -> memref<10240xf32, #tpu.memory_space<vmem_shared>>
        tpu.wait_indirect_dma semaphore(%run_scoped3A_116 : memref<!tpu.dma_semaphore, #tpu.memory_space<semaphore_mem>>) src(%arg15 : memref<128xf32, #tpu.memory_space<vmem>>) dst(%dma_wait3A_124 : memref<10240xf32, #tpu.memory_space<vmem_shared>>)
        tpu.yield
      }) : () -> ()
      %run_scoped3A_114 = arith.constant 6 : i32
      "tpu.region"() ({
        %run_scoped3A_116 = tpu.sem_alloc : memref<!tpu.dma_semaphore, #tpu.memory_space<semaphore_mem>>
        %dma_start3A = arith.constant 0 : i32
        %dma_start3A_117 = tpu.memref_slice %arg14[%run_scoped3A_114, %dma_start3A] : memref<8x128xi32, #tpu.memory_space<vmem>> -> memref<1x128xi32, #tpu.memory_space<vmem>>
        %dma_start3A_118 = tpu.memref_squeeze %dma_start3A_117 : memref<1x128xi32, #tpu.memory_space<vmem>> -> memref<128xi32, #tpu.memory_space<vmem>>
        %dma_start3A_119 = arith.constant 0 : i32
        %dma_start3A_120 = tpu.memref_slice %arg22[%dma_start3A_119] : memref<10240xf32, #tpu.memory_space<vmem_shared>> -> memref<10240xf32, #tpu.memory_space<vmem_shared>>
        tpu.enqueue_indirect_dma source(%arg15 : memref<128xf32, #tpu.memory_space<vmem>>) target(%dma_start3A_120 : memref<10240xf32, #tpu.memory_space<vmem_shared>>) offsets(%dma_start3A_118 : memref<128xi32, #tpu.memory_space<vmem>>) semaphore(%run_scoped3A_116 : memref<!tpu.dma_semaphore, #tpu.memory_space<semaphore_mem>>) {add = true}
        %dma_wait3A = arith.constant 0 : i32
        %dma_wait3A_121 = tpu.memref_slice %arg14[%run_scoped3A_114, %dma_wait3A] : memref<8x128xi32, #tpu.memory_space<vmem>> -> memref<1x128xi32, #tpu.memory_space<vmem>>
        %dma_wait3A_122 = tpu.memref_squeeze %dma_wait3A_121 : memref<1x128xi32, #tpu.memory_space<vmem>> -> memref<128xi32, #tpu.memory_space<vmem>>
        %dma_wait3A_123 = arith.constant 0 : i32
        %dma_wait3A_124 = tpu.memref_slice %arg22[%dma_wait3A_123] : memref<10240xf32, #tpu.memory_space<vmem_shared>> -> memref<10240xf32, #tpu.memory_space<vmem_shared>>
        tpu.wait_indirect_dma semaphore(%run_scoped3A_116 : memref<!tpu.dma_semaphore, #tpu.memory_space<semaphore_mem>>) src(%arg15 : memref<128xf32, #tpu.memory_space<vmem>>) dst(%dma_wait3A_124 : memref<10240xf32, #tpu.memory_space<vmem_shared>>)
        tpu.yield
      }) : () -> ()
      %run_scoped3A_115 = arith.constant 7 : i32
      "tpu.region"() ({
        %run_scoped3A_116 = tpu.sem_alloc : memref<!tpu.dma_semaphore, #tpu.memory_space<semaphore_mem>>
        %dma_start3A = arith.constant 0 : i32
        %dma_start3A_117 = tpu.memref_slice %arg14[%run_scoped3A_115, %dma_start3A] : memref<8x128xi32, #tpu.memory_space<vmem>> -> memref<1x128xi32, #tpu.memory_space<vmem>>
        %dma_start3A_118 = tpu.memref_squeeze %dma_start3A_117 : memref<1x128xi32, #tpu.memory_space<vmem>> -> memref<128xi32, #tpu.memory_space<vmem>>
        %dma_start3A_119 = arith.constant 0 : i32
        %dma_start3A_120 = tpu.memref_slice %arg22[%dma_start3A_119] : memref<10240xf32, #tpu.memory_space<vmem_shared>> -> memref<10240xf32, #tpu.memory_space<vmem_shared>>
        tpu.enqueue_indirect_dma source(%arg15 : memref<128xf32, #tpu.memory_space<vmem>>) target(%dma_start3A_120 : memref<10240xf32, #tpu.memory_space<vmem_shared>>) offsets(%dma_start3A_118 : memref<128xi32, #tpu.memory_space<vmem>>) semaphore(%run_scoped3A_116 : memref<!tpu.dma_semaphore, #tpu.memory_space<semaphore_mem>>) {add = true}
        %dma_wait3A = arith.constant 0 : i32
        %dma_wait3A_121 = tpu.memref_slice %arg14[%run_scoped3A_115, %dma_wait3A] : memref<8x128xi32, #tpu.memory_space<vmem>> -> memref<1x128xi32, #tpu.memory_space<vmem>>
        %dma_wait3A_122 = tpu.memref_squeeze %dma_wait3A_121 : memref<1x128xi32, #tpu.memory_space<vmem>> -> memref<128xi32, #tpu.memory_space<vmem>>
        %dma_wait3A_123 = arith.constant 0 : i32
        %dma_wait3A_124 = tpu.memref_slice %arg22[%dma_wait3A_123] : memref<10240xf32, #tpu.memory_space<vmem_shared>> -> memref<10240xf32, #tpu.memory_space<vmem_shared>>
        tpu.wait_indirect_dma semaphore(%run_scoped3A_116 : memref<!tpu.dma_semaphore, #tpu.memory_space<semaphore_mem>>) src(%arg15 : memref<128xf32, #tpu.memory_space<vmem>>) dst(%dma_wait3A_124 : memref<10240xf32, #tpu.memory_space<vmem_shared>>)
        tpu.yield
      }) : () -> ()
    }
    %scan3A_61 = arith.constant 10 : i32
    %barrier3A_62 = arith.constant 0 : index
    tpu.barrier barrier_id(%barrier3A_62)
    %mul3A_63 = arith.constant 640 : i32
    %mul3A_64 = arith.muli %arg1, %mul3A_63 : i32
    %mul3A_65 = arith.constant 10240 : i32
    %mul3A_66 = arith.muli %arg0, %mul3A_65 : i32
    %mul3A_67 = arith.constant 640 : i32
    %mul3A_68 = arith.muli %arg1, %mul3A_67 : i32
    %add3A_69 = arith.addi %mul3A_66, %mul3A_68 : i32
    "tpu.region"() ({
      %run_scoped3A = tpu.sem_alloc : memref<!tpu.dma_semaphore, #tpu.memory_space<semaphore_mem>>
      %dma_start3A = tpu.memref_slice %arg8[%add3A_69] : memref<20480xf32, #tpu.memory_space<hbm>> -> memref<640xf32, #tpu.memory_space<hbm>>
      %dma_start3A_105 = tpu.memref_slice %arg17[%mul3A_64] : memref<10240xf32, #tpu.memory_space<vmem_shared>> -> memref<640xf32, #tpu.memory_space<vmem_shared>>
      tpu.enqueue_dma source(%dma_start3A_105 : memref<640xf32, #tpu.memory_space<vmem_shared>>) target(%dma_start3A : memref<640xf32, #tpu.memory_space<hbm>>) target_semaphore(%run_scoped3A : memref<!tpu.dma_semaphore, #tpu.memory_space<semaphore_mem>>)
      %dma_wait3A = tpu.memref_slice %arg8[%add3A_69] : memref<20480xf32, #tpu.memory_space<hbm>> -> memref<640xf32, #tpu.memory_space<hbm>>
      %dma_wait3A_106 = tpu.memref_slice %arg17[%mul3A_64] : memref<10240xf32, #tpu.memory_space<vmem_shared>> -> memref<640xf32, #tpu.memory_space<vmem_shared>>
      tpu.wait_dma2 semaphore(%run_scoped3A : memref<!tpu.dma_semaphore, #tpu.memory_space<semaphore_mem>>) src(%dma_wait3A_106 : memref<640xf32, #tpu.memory_space<vmem_shared>>) dst(%dma_wait3A : memref<640xf32, #tpu.memory_space<hbm>>)
      tpu.yield
    }) : () -> ()
    %mul3A_70 = arith.constant 640 : i32
    %mul3A_71 = arith.muli %arg1, %mul3A_70 : i32
    %mul3A_72 = arith.constant 10240 : i32
    %mul3A_73 = arith.muli %arg0, %mul3A_72 : i32
    %mul3A_74 = arith.constant 640 : i32
    %mul3A_75 = arith.muli %arg1, %mul3A_74 : i32
    %add3A_76 = arith.addi %mul3A_73, %mul3A_75 : i32
    "tpu.region"() ({
      %run_scoped3A = tpu.sem_alloc : memref<!tpu.dma_semaphore, #tpu.memory_space<semaphore_mem>>
      %dma_start3A = tpu.memref_slice %arg9[%add3A_76] : memref<20480xf32, #tpu.memory_space<hbm>> -> memref<640xf32, #tpu.memory_space<hbm>>
      %dma_start3A_105 = tpu.memref_slice %arg18[%mul3A_71] : memref<10240xf32, #tpu.memory_space<vmem_shared>> -> memref<640xf32, #tpu.memory_space<vmem_shared>>
      tpu.enqueue_dma source(%dma_start3A_105 : memref<640xf32, #tpu.memory_space<vmem_shared>>) target(%dma_start3A : memref<640xf32, #tpu.memory_space<hbm>>) target_semaphore(%run_scoped3A : memref<!tpu.dma_semaphore, #tpu.memory_space<semaphore_mem>>)
      %dma_wait3A = tpu.memref_slice %arg9[%add3A_76] : memref<20480xf32, #tpu.memory_space<hbm>> -> memref<640xf32, #tpu.memory_space<hbm>>
      %dma_wait3A_106 = tpu.memref_slice %arg18[%mul3A_71] : memref<10240xf32, #tpu.memory_space<vmem_shared>> -> memref<640xf32, #tpu.memory_space<vmem_shared>>
      tpu.wait_dma2 semaphore(%run_scoped3A : memref<!tpu.dma_semaphore, #tpu.memory_space<semaphore_mem>>) src(%dma_wait3A_106 : memref<640xf32, #tpu.memory_space<vmem_shared>>) dst(%dma_wait3A : memref<640xf32, #tpu.memory_space<hbm>>)
      tpu.yield
    }) : () -> ()
    %mul3A_77 = arith.constant 640 : i32
    %mul3A_78 = arith.muli %arg1, %mul3A_77 : i32
    %mul3A_79 = arith.constant 10240 : i32
    %mul3A_80 = arith.muli %arg0, %mul3A_79 : i32
    %mul3A_81 = arith.constant 640 : i32
    %mul3A_82 = arith.muli %arg1, %mul3A_81 : i32
    %add3A_83 = arith.addi %mul3A_80, %mul3A_82 : i32
    "tpu.region"() ({
      %run_scoped3A = tpu.sem_alloc : memref<!tpu.dma_semaphore, #tpu.memory_space<semaphore_mem>>
      %dma_start3A = tpu.memref_slice %arg10[%add3A_83] : memref<20480xf32, #tpu.memory_space<hbm>> -> memref<640xf32, #tpu.memory_space<hbm>>
      %dma_start3A_105 = tpu.memref_slice %arg19[%mul3A_78] : memref<10240xf32, #tpu.memory_space<vmem_shared>> -> memref<640xf32, #tpu.memory_space<vmem_shared>>
      tpu.enqueue_dma source(%dma_start3A_105 : memref<640xf32, #tpu.memory_space<vmem_shared>>) target(%dma_start3A : memref<640xf32, #tpu.memory_space<hbm>>) target_semaphore(%run_scoped3A : memref<!tpu.dma_semaphore, #tpu.memory_space<semaphore_mem>>)
      %dma_wait3A = tpu.memref_slice %arg10[%add3A_83] : memref<20480xf32, #tpu.memory_space<hbm>> -> memref<640xf32, #tpu.memory_space<hbm>>
      %dma_wait3A_106 = tpu.memref_slice %arg19[%mul3A_78] : memref<10240xf32, #tpu.memory_space<vmem_shared>> -> memref<640xf32, #tpu.memory_space<vmem_shared>>
      tpu.wait_dma2 semaphore(%run_scoped3A : memref<!tpu.dma_semaphore, #tpu.memory_space<semaphore_mem>>) src(%dma_wait3A_106 : memref<640xf32, #tpu.memory_space<vmem_shared>>) dst(%dma_wait3A : memref<640xf32, #tpu.memory_space<hbm>>)
      tpu.yield
    }) : () -> ()
    %mul3A_84 = arith.constant 640 : i32
    %mul3A_85 = arith.muli %arg1, %mul3A_84 : i32
    %mul3A_86 = arith.constant 10240 : i32
    %mul3A_87 = arith.muli %arg0, %mul3A_86 : i32
    %mul3A_88 = arith.constant 640 : i32
    %mul3A_89 = arith.muli %arg1, %mul3A_88 : i32
    %add3A_90 = arith.addi %mul3A_87, %mul3A_89 : i32
    "tpu.region"() ({
      %run_scoped3A = tpu.sem_alloc : memref<!tpu.dma_semaphore, #tpu.memory_space<semaphore_mem>>
      %dma_start3A = tpu.memref_slice %arg11[%add3A_90] : memref<20480xf32, #tpu.memory_space<hbm>> -> memref<640xf32, #tpu.memory_space<hbm>>
      %dma_start3A_105 = tpu.memref_slice %arg20[%mul3A_85] : memref<10240xf32, #tpu.memory_space<vmem_shared>> -> memref<640xf32, #tpu.memory_space<vmem_shared>>
      tpu.enqueue_dma source(%dma_start3A_105 : memref<640xf32, #tpu.memory_space<vmem_shared>>) target(%dma_start3A : memref<640xf32, #tpu.memory_space<hbm>>) target_semaphore(%run_scoped3A : memref<!tpu.dma_semaphore, #tpu.memory_space<semaphore_mem>>)
      %dma_wait3A = tpu.memref_slice %arg11[%add3A_90] : memref<20480xf32, #tpu.memory_space<hbm>> -> memref<640xf32, #tpu.memory_space<hbm>>
      %dma_wait3A_106 = tpu.memref_slice %arg20[%mul3A_85] : memref<10240xf32, #tpu.memory_space<vmem_shared>> -> memref<640xf32, #tpu.memory_space<vmem_shared>>
      tpu.wait_dma2 semaphore(%run_scoped3A : memref<!tpu.dma_semaphore, #tpu.memory_space<semaphore_mem>>) src(%dma_wait3A_106 : memref<640xf32, #tpu.memory_space<vmem_shared>>) dst(%dma_wait3A : memref<640xf32, #tpu.memory_space<hbm>>)
      tpu.yield
    }) : () -> ()
    %mul3A_91 = arith.constant 640 : i32
    %mul3A_92 = arith.muli %arg1, %mul3A_91 : i32
    %mul3A_93 = arith.constant 10240 : i32
    %mul3A_94 = arith.muli %arg0, %mul3A_93 : i32
    %mul3A_95 = arith.constant 640 : i32
    %mul3A_96 = arith.muli %arg1, %mul3A_95 : i32
    %add3A_97 = arith.addi %mul3A_94, %mul3A_96 : i32
    "tpu.region"() ({
      %run_scoped3A = tpu.sem_alloc : memref<!tpu.dma_semaphore, #tpu.memory_space<semaphore_mem>>
      %dma_start3A = tpu.memref_slice %arg12[%add3A_97] : memref<20480xf32, #tpu.memory_space<hbm>> -> memref<640xf32, #tpu.memory_space<hbm>>
      %dma_start3A_105 = tpu.memref_slice %arg21[%mul3A_92] : memref<10240xf32, #tpu.memory_space<vmem_shared>> -> memref<640xf32, #tpu.memory_space<vmem_shared>>
      tpu.enqueue_dma source(%dma_start3A_105 : memref<640xf32, #tpu.memory_space<vmem_shared>>) target(%dma_start3A : memref<640xf32, #tpu.memory_space<hbm>>) target_semaphore(%run_scoped3A : memref<!tpu.dma_semaphore, #tpu.memory_space<semaphore_mem>>)
      %dma_wait3A = tpu.memref_slice %arg12[%add3A_97] : memref<20480xf32, #tpu.memory_space<hbm>> -> memref<640xf32, #tpu.memory_space<hbm>>
      %dma_wait3A_106 = tpu.memref_slice %arg21[%mul3A_92] : memref<10240xf32, #tpu.memory_space<vmem_shared>> -> memref<640xf32, #tpu.memory_space<vmem_shared>>
      tpu.wait_dma2 semaphore(%run_scoped3A : memref<!tpu.dma_semaphore, #tpu.memory_space<semaphore_mem>>) src(%dma_wait3A_106 : memref<640xf32, #tpu.memory_space<vmem_shared>>) dst(%dma_wait3A : memref<640xf32, #tpu.memory_space<hbm>>)
      tpu.yield
    }) : () -> ()
    %mul3A_98 = arith.constant 640 : i32
    %mul3A_99 = arith.muli %arg1, %mul3A_98 : i32
    %mul3A_100 = arith.constant 10240 : i32
    %mul3A_101 = arith.muli %arg0, %mul3A_100 : i32
    %mul3A_102 = arith.constant 640 : i32
    %mul3A_103 = arith.muli %arg1, %mul3A_102 : i32
    %add3A_104 = arith.addi %mul3A_101, %mul3A_103 : i32
    "tpu.region"() ({
      %run_scoped3A = tpu.sem_alloc : memref<!tpu.dma_semaphore, #tpu.memory_space<semaphore_mem>>
      %dma_start3A = tpu.memref_slice %arg13[%add3A_104] : memref<20480xf32, #tpu.memory_space<hbm>> -> memref<640xf32, #tpu.memory_space<hbm>>
      %dma_start3A_105 = tpu.memref_slice %arg22[%mul3A_99] : memref<10240xf32, #tpu.memory_space<vmem_shared>> -> memref<640xf32, #tpu.memory_space<vmem_shared>>
      tpu.enqueue_dma source(%dma_start3A_105 : memref<640xf32, #tpu.memory_space<vmem_shared>>) target(%dma_start3A : memref<640xf32, #tpu.memory_space<hbm>>) target_semaphore(%run_scoped3A : memref<!tpu.dma_semaphore, #tpu.memory_space<semaphore_mem>>)
      %dma_wait3A = tpu.memref_slice %arg13[%add3A_104] : memref<20480xf32, #tpu.memory_space<hbm>> -> memref<640xf32, #tpu.memory_space<hbm>>
      %dma_wait3A_106 = tpu.memref_slice %arg22[%mul3A_99] : memref<10240xf32, #tpu.memory_space<vmem_shared>> -> memref<640xf32, #tpu.memory_space<vmem_shared>>
      tpu.wait_dma2 semaphore(%run_scoped3A : memref<!tpu.dma_semaphore, #tpu.memory_space<semaphore_mem>>) src(%dma_wait3A_106 : memref<640xf32, #tpu.memory_space<vmem_shared>>) dst(%dma_wait3A : memref<640xf32, #tpu.memory_space<hbm>>)
      tpu.yield
    }) : () -> ()
    return
  }
}

#map = affine_map<(d0, d1) -> (0, 0)>
module attributes {stable_mosaic.version = 14 : i64} {
  func.func @_agg_body(%arg0: i32, %arg1: i32, %arg2: memref<10240x128xf32, #tpu.memory_space<hbm>>, %arg3: memref<10240x128xf32, #tpu.memory_space<hbm>>, %arg4: memref<10240x128xf32, #tpu.memory_space<hbm>>, %arg5: memref<2560x128xi32, #tpu.memory_space<hbm>>, %arg6: memref<2560x128xi32, #tpu.memory_space<hbm>>, %arg7: memref<2560x128xi32, #tpu.memory_space<hbm>>, %arg8: memref<2560x128xi32, #tpu.memory_space<hbm>>, %arg9: memref<2560x128xi32, #tpu.memory_space<hbm>>, %arg10: memref<2560x128xi32, #tpu.memory_space<hbm>>, %arg11: memref<20480x128xf32, #tpu.memory_space<hbm>>, %arg12: memref<20480x128xf32, #tpu.memory_space<hbm>>, %arg13: memref<20480x128xf32, #tpu.memory_space<hbm>>, %arg14: memref<8x128xi32, #tpu.memory_space<vmem>>, %arg15: memref<8x128xi32, #tpu.memory_space<vmem>>, %arg16: memref<128x128xf32, #tpu.memory_space<vmem>>, %arg17: memref<80x128xf32, #tpu.memory_space<vmem>>, %arg18: memref<10240x128xf32, #tpu.memory_space<vmem_shared>>) attributes {dimension_semantics = [#tpu.dimension_semantics<core_parallel>, #tpu.dimension_semantics<subcore_parallel>], iteration_bounds = array<i64: 2, 16>, scalar_prefetch = 0 : i64, scratch_operands = 5 : i64, tpu.core_type = #tpu.core_type<sc_vector_subcore>, window_params = [{transform_indices = #map}, {transform_indices = #map}, {transform_indices = #map}, {transform_indices = #map}, {transform_indices = #map}, {transform_indices = #map}, {transform_indices = #map}, {transform_indices = #map}, {transform_indices = #map}, {transform_indices = #map}, {transform_indices = #map}, {transform_indices = #map}]} {
    %scan3A = arith.constant 0 : i32
    %scan3A_0 = arith.constant 0 : i32
    %scan3A_1 = arith.constant 640 : i32
    %scan3A_2 = arith.addi %scan3A_0, %scan3A_1 : i32
    %scan3A_3 = arith.constant 1 : i32
    scf.for %scan3A_151 = %scan3A_0 to %scan3A_2 step %scan3A_3  : i32 {
      %jit3A = arith.constant 8 : i32
      %div3A = arith.divsi %scan3A_151, %jit3A : i32
      %sign3A = arith.constant 0 : i32
      %sign3A_152 = arith.cmpi sgt, %scan3A_151, %sign3A : i32
      %sign3A_153 = arith.extui %sign3A_152 : i1 to i32
      %sign3A_154 = arith.constant 0 : i32
      %sign3A_155 = arith.cmpi slt, %scan3A_151, %sign3A_154 : i32
      %sign3A_156 = arith.extui %sign3A_155 : i1 to i32
      %sign3A_157 = arith.subi %sign3A_153, %sign3A_156 : i32
      %sign3A_158 = arith.constant 0 : i32
      %sign3A_159 = arith.cmpi sgt, %jit3A, %sign3A_158 : i32
      %sign3A_160 = arith.extui %sign3A_159 : i1 to i32
      %sign3A_161 = arith.constant 0 : i32
      %sign3A_162 = arith.cmpi slt, %jit3A, %sign3A_161 : i32
      %sign3A_163 = arith.extui %sign3A_162 : i1 to i32
      %sign3A_164 = arith.subi %sign3A_160, %sign3A_163 : i32
      %ne3A = arith.cmpi ne, %sign3A_157, %sign3A_164 : i32
      %rem3A = arith.remsi %scan3A_151, %jit3A : i32
      %ne3A_165 = arith.constant 0 : i32
      %ne3A_166 = arith.cmpi ne, %rem3A, %ne3A_165 : i32
      %and3A = arith.andi %ne3A, %ne3A_166 : i1
      %sub3A = arith.constant 1 : i32
      %sub3A_167 = arith.subi %div3A, %sub3A : i32
      %select_n3A = arith.select %and3A, %sub3A_167, %div3A : i32
      %jit3A_168 = arith.constant 8 : i32
      %eq3A = arith.constant 0 : i32
      %eq3A_169 = arith.cmpi eq, %jit3A_168, %eq3A : i32
      %jit3A_170 = arith.constant 1 : i32
      %select_n3A_171 = arith.select %eq3A_169, %jit3A_170, %jit3A_168 : i32
      %rem3A_172 = arith.remsi %scan3A_151, %select_n3A_171 : i32
      %ne3A_173 = arith.constant 0 : i32
      %ne3A_174 = arith.cmpi ne, %rem3A_172, %ne3A_173 : i32
      %lt3A = arith.constant 0 : i32
      %lt3A_175 = arith.cmpi slt, %rem3A_172, %lt3A : i32
      %lt3A_176 = arith.constant 0 : i32
      %lt3A_177 = arith.cmpi slt, %select_n3A_171, %lt3A_176 : i32
      %ne3A_178 = arith.xori %lt3A_175, %lt3A_177 : i1
      %and3A_179 = arith.andi %ne3A_178, %ne3A_174 : i1
      %add3A_180 = arith.addi %rem3A_172, %select_n3A_171 : i32
      %select_n3A_181 = arith.select %and3A_179, %add3A_180, %rem3A_172 : i32
      %broadcast_in_dim3A = arith.constant 0.000000e+00 : f32
      %broadcast_in_dim3A_182 = vector.broadcast %broadcast_in_dim3A : f32 to vector<16xf32>
      %mul3A_183 = arith.constant 16 : i32
      %mul3A_184 = arith.muli %select_n3A_181, %mul3A_183 : i32
      %swap3A = arith.index_cast %select_n3A : i32 to index
      %swap3A_185 = arith.index_cast %mul3A_184 : i32 to index
      %swap3A_186 = tpu.vector_load %arg17[%swap3A, %swap3A_185] {strides = array<i32>} : memref<80x128xf32, #tpu.memory_space<vmem>>, vector<1x16xf32>,
      %swap3A_187 = vector.shape_cast %swap3A_186 : vector<1x16xf32> to vector<16xf32>
      %swap3A_188 = vector.shape_cast %broadcast_in_dim3A_182 : vector<16xf32> to vector<1x16xf32>
      tpu.vector_store %arg17[%swap3A, %swap3A_185], %swap3A_188 {strides = array<i32>} : memref<80x128xf32, #tpu.memory_space<vmem>>, vector<1x16xf32>,
    }
    %scan3A_4 = arith.constant 640 : i32
    %mul3A = arith.constant 16 : i32
    %mul3A_5 = arith.muli %arg0, %mul3A : i32
    %add3A = arith.addi %mul3A_5, %arg1 : i32
    %mul3A_6 = arith.constant 80 : i32
    %mul3A_7 = arith.muli %add3A, %mul3A_6 : i32
    %mul3A_8 = arith.constant 640 : i32
    %mul3A_9 = arith.muli %arg1, %mul3A_8 : i32
    %add3A_10 = arith.constant 0 : i32
    %add3A_11 = arith.addi %mul3A_9, %add3A_10 : i32
    "tpu.region"() ({
      %run_scoped3A = tpu.sem_alloc : memref<!tpu.dma_semaphore, #tpu.memory_space<semaphore_mem>>
      %dma_start3A = arith.constant 0 : i32
      %dma_start3A_151 = tpu.memref_slice %arg18[%add3A_11, %dma_start3A] : memref<10240x128xf32, #tpu.memory_space<vmem_shared>> -> memref<80x128xf32, #tpu.memory_space<vmem_shared>>
      %dma_start3A_152 = arith.constant 0 : i32
      %dma_start3A_153 = tpu.memref_slice %arg18[%add3A_11, %dma_start3A_152] : memref<10240x128xf32, #tpu.memory_space<vmem_shared>> -> memref<80x128xf32, #tpu.memory_space<vmem_shared>>
      tpu.enqueue_dma source(%arg17 : memref<80x128xf32, #tpu.memory_space<vmem>>) target(%dma_start3A_153 : memref<80x128xf32, #tpu.memory_space<vmem_shared>>) target_semaphore(%run_scoped3A : memref<!tpu.dma_semaphore, #tpu.memory_space<semaphore_mem>>)
      %dma_wait3A = arith.constant 0 : i32
      %dma_wait3A_154 = tpu.memref_slice %arg18[%add3A_11, %dma_wait3A] : memref<10240x128xf32, #tpu.memory_space<vmem_shared>> -> memref<80x128xf32, #tpu.memory_space<vmem_shared>>
      %dma_wait3A_155 = arith.constant 0 : i32
      %dma_wait3A_156 = tpu.memref_slice %arg18[%add3A_11, %dma_wait3A_155] : memref<10240x128xf32, #tpu.memory_space<vmem_shared>> -> memref<80x128xf32, #tpu.memory_space<vmem_shared>>
      tpu.wait_dma2 semaphore(%run_scoped3A : memref<!tpu.dma_semaphore, #tpu.memory_space<semaphore_mem>>) src(%arg17 : memref<80x128xf32, #tpu.memory_space<vmem>>) dst(%dma_wait3A_156 : memref<80x128xf32, #tpu.memory_space<vmem_shared>>)
      tpu.yield
    }) : () -> ()
    %mul3A_12 = arith.constant 640 : i32
    %mul3A_13 = arith.muli %arg1, %mul3A_12 : i32
    %add3A_14 = arith.constant 80 : i32
    %add3A_15 = arith.addi %mul3A_13, %add3A_14 : i32
    "tpu.region"() ({
      %run_scoped3A = tpu.sem_alloc : memref<!tpu.dma_semaphore, #tpu.memory_space<semaphore_mem>>
      %dma_start3A = arith.constant 0 : i32
      %dma_start3A_151 = tpu.memref_slice %arg18[%add3A_15, %dma_start3A] : memref<10240x128xf32, #tpu.memory_space<vmem_shared>> -> memref<80x128xf32, #tpu.memory_space<vmem_shared>>
      %dma_start3A_152 = arith.constant 0 : i32
      %dma_start3A_153 = tpu.memref_slice %arg18[%add3A_15, %dma_start3A_152] : memref<10240x128xf32, #tpu.memory_space<vmem_shared>> -> memref<80x128xf32, #tpu.memory_space<vmem_shared>>
      tpu.enqueue_dma source(%arg17 : memref<80x128xf32, #tpu.memory_space<vmem>>) target(%dma_start3A_153 : memref<80x128xf32, #tpu.memory_space<vmem_shared>>) target_semaphore(%run_scoped3A : memref<!tpu.dma_semaphore, #tpu.memory_space<semaphore_mem>>)
      %dma_wait3A = arith.constant 0 : i32
      %dma_wait3A_154 = tpu.memref_slice %arg18[%add3A_15, %dma_wait3A] : memref<10240x128xf32, #tpu.memory_space<vmem_shared>> -> memref<80x128xf32, #tpu.memory_space<vmem_shared>>
      %dma_wait3A_155 = arith.constant 0 : i32
      %dma_wait3A_156 = tpu.memref_slice %arg18[%add3A_15, %dma_wait3A_155] : memref<10240x128xf32, #tpu.memory_space<vmem_shared>> -> memref<80x128xf32, #tpu.memory_space<vmem_shared>>
      tpu.wait_dma2 semaphore(%run_scoped3A : memref<!tpu.dma_semaphore, #tpu.memory_space<semaphore_mem>>) src(%arg17 : memref<80x128xf32, #tpu.memory_space<vmem>>) dst(%dma_wait3A_156 : memref<80x128xf32, #tpu.memory_space<vmem_shared>>)
      tpu.yield
    }) : () -> ()
    %mul3A_16 = arith.constant 640 : i32
    %mul3A_17 = arith.muli %arg1, %mul3A_16 : i32
    %add3A_18 = arith.constant 160 : i32
    %add3A_19 = arith.addi %mul3A_17, %add3A_18 : i32
    "tpu.region"() ({
      %run_scoped3A = tpu.sem_alloc : memref<!tpu.dma_semaphore, #tpu.memory_space<semaphore_mem>>
      %dma_start3A = arith.constant 0 : i32
      %dma_start3A_151 = tpu.memref_slice %arg18[%add3A_19, %dma_start3A] : memref<10240x128xf32, #tpu.memory_space<vmem_shared>> -> memref<80x128xf32, #tpu.memory_space<vmem_shared>>
      %dma_start3A_152 = arith.constant 0 : i32
      %dma_start3A_153 = tpu.memref_slice %arg18[%add3A_19, %dma_start3A_152] : memref<10240x128xf32, #tpu.memory_space<vmem_shared>> -> memref<80x128xf32, #tpu.memory_space<vmem_shared>>
      tpu.enqueue_dma source(%arg17 : memref<80x128xf32, #tpu.memory_space<vmem>>) target(%dma_start3A_153 : memref<80x128xf32, #tpu.memory_space<vmem_shared>>) target_semaphore(%run_scoped3A : memref<!tpu.dma_semaphore, #tpu.memory_space<semaphore_mem>>)
      %dma_wait3A = arith.constant 0 : i32
      %dma_wait3A_154 = tpu.memref_slice %arg18[%add3A_19, %dma_wait3A] : memref<10240x128xf32, #tpu.memory_space<vmem_shared>> -> memref<80x128xf32, #tpu.memory_space<vmem_shared>>
      %dma_wait3A_155 = arith.constant 0 : i32
      %dma_wait3A_156 = tpu.memref_slice %arg18[%add3A_19, %dma_wait3A_155] : memref<10240x128xf32, #tpu.memory_space<vmem_shared>> -> memref<80x128xf32, #tpu.memory_space<vmem_shared>>
      tpu.wait_dma2 semaphore(%run_scoped3A : memref<!tpu.dma_semaphore, #tpu.memory_space<semaphore_mem>>) src(%arg17 : memref<80x128xf32, #tpu.memory_space<vmem>>) dst(%dma_wait3A_156 : memref<80x128xf32, #tpu.memory_space<vmem_shared>>)
      tpu.yield
    }) : () -> ()
    %mul3A_20 = arith.constant 640 : i32
    %mul3A_21 = arith.muli %arg1, %mul3A_20 : i32
    %add3A_22 = arith.constant 240 : i32
    %add3A_23 = arith.addi %mul3A_21, %add3A_22 : i32
    "tpu.region"() ({
      %run_scoped3A = tpu.sem_alloc : memref<!tpu.dma_semaphore, #tpu.memory_space<semaphore_mem>>
      %dma_start3A = arith.constant 0 : i32
      %dma_start3A_151 = tpu.memref_slice %arg18[%add3A_23, %dma_start3A] : memref<10240x128xf32, #tpu.memory_space<vmem_shared>> -> memref<80x128xf32, #tpu.memory_space<vmem_shared>>
      %dma_start3A_152 = arith.constant 0 : i32
      %dma_start3A_153 = tpu.memref_slice %arg18[%add3A_23, %dma_start3A_152] : memref<10240x128xf32, #tpu.memory_space<vmem_shared>> -> memref<80x128xf32, #tpu.memory_space<vmem_shared>>
      tpu.enqueue_dma source(%arg17 : memref<80x128xf32, #tpu.memory_space<vmem>>) target(%dma_start3A_153 : memref<80x128xf32, #tpu.memory_space<vmem_shared>>) target_semaphore(%run_scoped3A : memref<!tpu.dma_semaphore, #tpu.memory_space<semaphore_mem>>)
      %dma_wait3A = arith.constant 0 : i32
      %dma_wait3A_154 = tpu.memref_slice %arg18[%add3A_23, %dma_wait3A] : memref<10240x128xf32, #tpu.memory_space<vmem_shared>> -> memref<80x128xf32, #tpu.memory_space<vmem_shared>>
      %dma_wait3A_155 = arith.constant 0 : i32
      %dma_wait3A_156 = tpu.memref_slice %arg18[%add3A_23, %dma_wait3A_155] : memref<10240x128xf32, #tpu.memory_space<vmem_shared>> -> memref<80x128xf32, #tpu.memory_space<vmem_shared>>
      tpu.wait_dma2 semaphore(%run_scoped3A : memref<!tpu.dma_semaphore, #tpu.memory_space<semaphore_mem>>) src(%arg17 : memref<80x128xf32, #tpu.memory_space<vmem>>) dst(%dma_wait3A_156 : memref<80x128xf32, #tpu.memory_space<vmem_shared>>)
      tpu.yield
    }) : () -> ()
    %mul3A_24 = arith.constant 640 : i32
    %mul3A_25 = arith.muli %arg1, %mul3A_24 : i32
    %add3A_26 = arith.constant 320 : i32
    %add3A_27 = arith.addi %mul3A_25, %add3A_26 : i32
    "tpu.region"() ({
      %run_scoped3A = tpu.sem_alloc : memref<!tpu.dma_semaphore, #tpu.memory_space<semaphore_mem>>
      %dma_start3A = arith.constant 0 : i32
      %dma_start3A_151 = tpu.memref_slice %arg18[%add3A_27, %dma_start3A] : memref<10240x128xf32, #tpu.memory_space<vmem_shared>> -> memref<80x128xf32, #tpu.memory_space<vmem_shared>>
      %dma_start3A_152 = arith.constant 0 : i32
      %dma_start3A_153 = tpu.memref_slice %arg18[%add3A_27, %dma_start3A_152] : memref<10240x128xf32, #tpu.memory_space<vmem_shared>> -> memref<80x128xf32, #tpu.memory_space<vmem_shared>>
      tpu.enqueue_dma source(%arg17 : memref<80x128xf32, #tpu.memory_space<vmem>>) target(%dma_start3A_153 : memref<80x128xf32, #tpu.memory_space<vmem_shared>>) target_semaphore(%run_scoped3A : memref<!tpu.dma_semaphore, #tpu.memory_space<semaphore_mem>>)
      %dma_wait3A = arith.constant 0 : i32
      %dma_wait3A_154 = tpu.memref_slice %arg18[%add3A_27, %dma_wait3A] : memref<10240x128xf32, #tpu.memory_space<vmem_shared>> -> memref<80x128xf32, #tpu.memory_space<vmem_shared>>
      %dma_wait3A_155 = arith.constant 0 : i32
      %dma_wait3A_156 = tpu.memref_slice %arg18[%add3A_27, %dma_wait3A_155] : memref<10240x128xf32, #tpu.memory_space<vmem_shared>> -> memref<80x128xf32, #tpu.memory_space<vmem_shared>>
      tpu.wait_dma2 semaphore(%run_scoped3A : memref<!tpu.dma_semaphore, #tpu.memory_space<semaphore_mem>>) src(%arg17 : memref<80x128xf32, #tpu.memory_space<vmem>>) dst(%dma_wait3A_156 : memref<80x128xf32, #tpu.memory_space<vmem_shared>>)
      tpu.yield
    }) : () -> ()
    %mul3A_28 = arith.constant 640 : i32
    %mul3A_29 = arith.muli %arg1, %mul3A_28 : i32
    %add3A_30 = arith.constant 400 : i32
    %add3A_31 = arith.addi %mul3A_29, %add3A_30 : i32
    "tpu.region"() ({
      %run_scoped3A = tpu.sem_alloc : memref<!tpu.dma_semaphore, #tpu.memory_space<semaphore_mem>>
      %dma_start3A = arith.constant 0 : i32
      %dma_start3A_151 = tpu.memref_slice %arg18[%add3A_31, %dma_start3A] : memref<10240x128xf32, #tpu.memory_space<vmem_shared>> -> memref<80x128xf32, #tpu.memory_space<vmem_shared>>
      %dma_start3A_152 = arith.constant 0 : i32
      %dma_start3A_153 = tpu.memref_slice %arg18[%add3A_31, %dma_start3A_152] : memref<10240x128xf32, #tpu.memory_space<vmem_shared>> -> memref<80x128xf32, #tpu.memory_space<vmem_shared>>
      tpu.enqueue_dma source(%arg17 : memref<80x128xf32, #tpu.memory_space<vmem>>) target(%dma_start3A_153 : memref<80x128xf32, #tpu.memory_space<vmem_shared>>) target_semaphore(%run_scoped3A : memref<!tpu.dma_semaphore, #tpu.memory_space<semaphore_mem>>)
      %dma_wait3A = arith.constant 0 : i32
      %dma_wait3A_154 = tpu.memref_slice %arg18[%add3A_31, %dma_wait3A] : memref<10240x128xf32, #tpu.memory_space<vmem_shared>> -> memref<80x128xf32, #tpu.memory_space<vmem_shared>>
      %dma_wait3A_155 = arith.constant 0 : i32
      %dma_wait3A_156 = tpu.memref_slice %arg18[%add3A_31, %dma_wait3A_155] : memref<10240x128xf32, #tpu.memory_space<vmem_shared>> -> memref<80x128xf32, #tpu.memory_space<vmem_shared>>
      tpu.wait_dma2 semaphore(%run_scoped3A : memref<!tpu.dma_semaphore, #tpu.memory_space<semaphore_mem>>) src(%arg17 : memref<80x128xf32, #tpu.memory_space<vmem>>) dst(%dma_wait3A_156 : memref<80x128xf32, #tpu.memory_space<vmem_shared>>)
      tpu.yield
    }) : () -> ()
    %mul3A_32 = arith.constant 640 : i32
    %mul3A_33 = arith.muli %arg1, %mul3A_32 : i32
    %add3A_34 = arith.constant 480 : i32
    %add3A_35 = arith.addi %mul3A_33, %add3A_34 : i32
    "tpu.region"() ({
      %run_scoped3A = tpu.sem_alloc : memref<!tpu.dma_semaphore, #tpu.memory_space<semaphore_mem>>
      %dma_start3A = arith.constant 0 : i32
      %dma_start3A_151 = tpu.memref_slice %arg18[%add3A_35, %dma_start3A] : memref<10240x128xf32, #tpu.memory_space<vmem_shared>> -> memref<80x128xf32, #tpu.memory_space<vmem_shared>>
      %dma_start3A_152 = arith.constant 0 : i32
      %dma_start3A_153 = tpu.memref_slice %arg18[%add3A_35, %dma_start3A_152] : memref<10240x128xf32, #tpu.memory_space<vmem_shared>> -> memref<80x128xf32, #tpu.memory_space<vmem_shared>>
      tpu.enqueue_dma source(%arg17 : memref<80x128xf32, #tpu.memory_space<vmem>>) target(%dma_start3A_153 : memref<80x128xf32, #tpu.memory_space<vmem_shared>>) target_semaphore(%run_scoped3A : memref<!tpu.dma_semaphore, #tpu.memory_space<semaphore_mem>>)
      %dma_wait3A = arith.constant 0 : i32
      %dma_wait3A_154 = tpu.memref_slice %arg18[%add3A_35, %dma_wait3A] : memref<10240x128xf32, #tpu.memory_space<vmem_shared>> -> memref<80x128xf32, #tpu.memory_space<vmem_shared>>
      %dma_wait3A_155 = arith.constant 0 : i32
      %dma_wait3A_156 = tpu.memref_slice %arg18[%add3A_35, %dma_wait3A_155] : memref<10240x128xf32, #tpu.memory_space<vmem_shared>> -> memref<80x128xf32, #tpu.memory_space<vmem_shared>>
      tpu.wait_dma2 semaphore(%run_scoped3A : memref<!tpu.dma_semaphore, #tpu.memory_space<semaphore_mem>>) src(%arg17 : memref<80x128xf32, #tpu.memory_space<vmem>>) dst(%dma_wait3A_156 : memref<80x128xf32, #tpu.memory_space<vmem_shared>>)
      tpu.yield
    }) : () -> ()
    %mul3A_36 = arith.constant 640 : i32
    %mul3A_37 = arith.muli %arg1, %mul3A_36 : i32
    %add3A_38 = arith.constant 560 : i32
    %add3A_39 = arith.addi %mul3A_37, %add3A_38 : i32
    "tpu.region"() ({
      %run_scoped3A = tpu.sem_alloc : memref<!tpu.dma_semaphore, #tpu.memory_space<semaphore_mem>>
      %dma_start3A = arith.constant 0 : i32
      %dma_start3A_151 = tpu.memref_slice %arg18[%add3A_39, %dma_start3A] : memref<10240x128xf32, #tpu.memory_space<vmem_shared>> -> memref<80x128xf32, #tpu.memory_space<vmem_shared>>
      %dma_start3A_152 = arith.constant 0 : i32
      %dma_start3A_153 = tpu.memref_slice %arg18[%add3A_39, %dma_start3A_152] : memref<10240x128xf32, #tpu.memory_space<vmem_shared>> -> memref<80x128xf32, #tpu.memory_space<vmem_shared>>
      tpu.enqueue_dma source(%arg17 : memref<80x128xf32, #tpu.memory_space<vmem>>) target(%dma_start3A_153 : memref<80x128xf32, #tpu.memory_space<vmem_shared>>) target_semaphore(%run_scoped3A : memref<!tpu.dma_semaphore, #tpu.memory_space<semaphore_mem>>)
      %dma_wait3A = arith.constant 0 : i32
      %dma_wait3A_154 = tpu.memref_slice %arg18[%add3A_39, %dma_wait3A] : memref<10240x128xf32, #tpu.memory_space<vmem_shared>> -> memref<80x128xf32, #tpu.memory_space<vmem_shared>>
      %dma_wait3A_155 = arith.constant 0 : i32
      %dma_wait3A_156 = tpu.memref_slice %arg18[%add3A_39, %dma_wait3A_155] : memref<10240x128xf32, #tpu.memory_space<vmem_shared>> -> memref<80x128xf32, #tpu.memory_space<vmem_shared>>
      tpu.wait_dma2 semaphore(%run_scoped3A : memref<!tpu.dma_semaphore, #tpu.memory_space<semaphore_mem>>) src(%arg17 : memref<80x128xf32, #tpu.memory_space<vmem>>) dst(%dma_wait3A_156 : memref<80x128xf32, #tpu.memory_space<vmem_shared>>)
      tpu.yield
    }) : () -> ()
    %barrier3A = arith.constant 0 : index
    tpu.barrier barrier_id(%barrier3A)
    %scan3A_40 = arith.constant 0 : i32
    %scan3A_41 = arith.constant 0 : i32
    %scan3A_42 = arith.constant 10 : i32
    %scan3A_43 = arith.addi %scan3A_41, %scan3A_42 : i32
    %scan3A_44 = arith.constant 1 : i32
    scf.for %scan3A_151 = %scan3A_41 to %scan3A_43 step %scan3A_44  : i32 {
      %mul3A_152 = arith.constant 8 : i32
      %mul3A_153 = arith.muli %scan3A_151, %mul3A_152 : i32
      %add3A_154 = arith.addi %mul3A_7, %mul3A_153 : i32
      "tpu.region"() ({
        %run_scoped3A_173 = tpu.sem_alloc : memref<!tpu.dma_semaphore, #tpu.memory_space<semaphore_mem>>
        %dma_start3A = arith.constant 0 : i32
        %dma_start3A_174 = tpu.memref_slice %arg5[%add3A_154, %dma_start3A] : memref<2560x128xi32, #tpu.memory_space<hbm>> -> memref<8x128xi32, #tpu.memory_space<hbm>>
        %dma_start3A_175 = arith.constant 0 : i32
        %dma_start3A_176 = tpu.memref_slice %arg5[%add3A_154, %dma_start3A_175] : memref<2560x128xi32, #tpu.memory_space<hbm>> -> memref<8x128xi32, #tpu.memory_space<hbm>>
        tpu.enqueue_dma source(%dma_start3A_176 : memref<8x128xi32, #tpu.memory_space<hbm>>) target(%arg14 : memref<8x128xi32, #tpu.memory_space<vmem>>) target_semaphore(%run_scoped3A_173 : memref<!tpu.dma_semaphore, #tpu.memory_space<semaphore_mem>>)
        %dma_wait3A = arith.constant 0 : i32
        %dma_wait3A_177 = tpu.memref_slice %arg5[%add3A_154, %dma_wait3A] : memref<2560x128xi32, #tpu.memory_space<hbm>> -> memref<8x128xi32, #tpu.memory_space<hbm>>
        %dma_wait3A_178 = arith.constant 0 : i32
        %dma_wait3A_179 = tpu.memref_slice %arg5[%add3A_154, %dma_wait3A_178] : memref<2560x128xi32, #tpu.memory_space<hbm>> -> memref<8x128xi32, #tpu.memory_space<hbm>>
        tpu.wait_dma2 semaphore(%run_scoped3A_173 : memref<!tpu.dma_semaphore, #tpu.memory_space<semaphore_mem>>) src(%dma_wait3A_179 : memref<8x128xi32, #tpu.memory_space<hbm>>) dst(%arg14 : memref<8x128xi32, #tpu.memory_space<vmem>>)
        tpu.yield
      }) : () -> ()
      %mul3A_155 = arith.constant 8 : i32
      %mul3A_156 = arith.muli %scan3A_151, %mul3A_155 : i32
      %add3A_157 = arith.addi %mul3A_7, %mul3A_156 : i32
      "tpu.region"() ({
        %run_scoped3A_173 = tpu.sem_alloc : memref<!tpu.dma_semaphore, #tpu.memory_space<semaphore_mem>>
        %dma_start3A = arith.constant 0 : i32
        %dma_start3A_174 = tpu.memref_slice %arg6[%add3A_157, %dma_start3A] : memref<2560x128xi32, #tpu.memory_space<hbm>> -> memref<8x128xi32, #tpu.memory_space<hbm>>
        %dma_start3A_175 = arith.constant 0 : i32
        %dma_start3A_176 = tpu.memref_slice %arg6[%add3A_157, %dma_start3A_175] : memref<2560x128xi32, #tpu.memory_space<hbm>> -> memref<8x128xi32, #tpu.memory_space<hbm>>
        tpu.enqueue_dma source(%dma_start3A_176 : memref<8x128xi32, #tpu.memory_space<hbm>>) target(%arg15 : memref<8x128xi32, #tpu.memory_space<vmem>>) target_semaphore(%run_scoped3A_173 : memref<!tpu.dma_semaphore, #tpu.memory_space<semaphore_mem>>)
        %dma_wait3A = arith.constant 0 : i32
        %dma_wait3A_177 = tpu.memref_slice %arg6[%add3A_157, %dma_wait3A] : memref<2560x128xi32, #tpu.memory_space<hbm>> -> memref<8x128xi32, #tpu.memory_space<hbm>>
        %dma_wait3A_178 = arith.constant 0 : i32
        %dma_wait3A_179 = tpu.memref_slice %arg6[%add3A_157, %dma_wait3A_178] : memref<2560x128xi32, #tpu.memory_space<hbm>> -> memref<8x128xi32, #tpu.memory_space<hbm>>
        tpu.wait_dma2 semaphore(%run_scoped3A_173 : memref<!tpu.dma_semaphore, #tpu.memory_space<semaphore_mem>>) src(%dma_wait3A_179 : memref<8x128xi32, #tpu.memory_space<hbm>>) dst(%arg15 : memref<8x128xi32, #tpu.memory_space<vmem>>)
        tpu.yield
      }) : () -> ()
      %run_scoped3A = arith.constant 0 : i32
      "tpu.region"() ({
        %run_scoped3A_173 = tpu.sem_alloc : memref<!tpu.dma_semaphore, #tpu.memory_space<semaphore_mem>>
        %dma_start3A = arith.constant 0 : i32
        %dma_start3A_174 = tpu.memref_slice %arg14[%run_scoped3A, %dma_start3A] : memref<8x128xi32, #tpu.memory_space<vmem>> -> memref<1x128xi32, #tpu.memory_space<vmem>>
        %dma_start3A_175 = tpu.memref_squeeze %dma_start3A_174 : memref<1x128xi32, #tpu.memory_space<vmem>> -> memref<128xi32, #tpu.memory_space<vmem>>
        %dma_start3A_176 = arith.constant 0 : i32
        %dma_start3A_177 = arith.constant 0 : i32
        %dma_start3A_178 = tpu.memref_slice %arg2[%dma_start3A_176, %dma_start3A_177] : memref<10240x128xf32, #tpu.memory_space<hbm>> -> memref<10240x128xf32, #tpu.memory_space<hbm>>
        tpu.enqueue_indirect_dma source(%dma_start3A_178 : memref<10240x128xf32, #tpu.memory_space<hbm>>) target(%arg16 : memref<128x128xf32, #tpu.memory_space<vmem>>) offsets(%dma_start3A_175 : memref<128xi32, #tpu.memory_space<vmem>>) semaphore(%run_scoped3A_173 : memref<!tpu.dma_semaphore, #tpu.memory_space<semaphore_mem>>)
        %dma_wait3A = arith.constant 0 : i32
        %dma_wait3A_179 = tpu.memref_slice %arg14[%run_scoped3A, %dma_wait3A] : memref<8x128xi32, #tpu.memory_space<vmem>> -> memref<1x128xi32, #tpu.memory_space<vmem>>
        %dma_wait3A_180 = tpu.memref_squeeze %dma_wait3A_179 : memref<1x128xi32, #tpu.memory_space<vmem>> -> memref<128xi32, #tpu.memory_space<vmem>>
        %dma_wait3A_181 = arith.constant 0 : i32
        %dma_wait3A_182 = arith.constant 0 : i32
        %dma_wait3A_183 = tpu.memref_slice %arg2[%dma_wait3A_181, %dma_wait3A_182] : memref<10240x128xf32, #tpu.memory_space<hbm>> -> memref<10240x128xf32, #tpu.memory_space<hbm>>
        tpu.wait_indirect_dma semaphore(%run_scoped3A_173 : memref<!tpu.dma_semaphore, #tpu.memory_space<semaphore_mem>>) src(%dma_wait3A_183 : memref<10240x128xf32, #tpu.memory_space<hbm>>) dst(%arg16 : memref<128x128xf32, #tpu.memory_space<vmem>>)
        tpu.yield
      }) : () -> ()
      %run_scoped3A_158 = arith.constant 0 : i32
      "tpu.region"() ({
        %run_scoped3A_173 = tpu.sem_alloc : memref<!tpu.dma_semaphore, #tpu.memory_space<semaphore_mem>>
        %dma_start3A = arith.constant 0 : i32
        %dma_start3A_174 = tpu.memref_slice %arg15[%run_scoped3A_158, %dma_start3A] : memref<8x128xi32, #tpu.memory_space<vmem>> -> memref<1x128xi32, #tpu.memory_space<vmem>>
        %dma_start3A_175 = tpu.memref_squeeze %dma_start3A_174 : memref<1x128xi32, #tpu.memory_space<vmem>> -> memref<128xi32, #tpu.memory_space<vmem>>
        %dma_start3A_176 = arith.constant 0 : i32
        %dma_start3A_177 = arith.constant 0 : i32
        %dma_start3A_178 = tpu.memref_slice %arg18[%dma_start3A_176, %dma_start3A_177] : memref<10240x128xf32, #tpu.memory_space<vmem_shared>> -> memref<10240x128xf32, #tpu.memory_space<vmem_shared>>
        tpu.enqueue_indirect_dma source(%arg16 : memref<128x128xf32, #tpu.memory_space<vmem>>) target(%dma_start3A_178 : memref<10240x128xf32, #tpu.memory_space<vmem_shared>>) offsets(%dma_start3A_175 : memref<128xi32, #tpu.memory_space<vmem>>) semaphore(%run_scoped3A_173 : memref<!tpu.dma_semaphore, #tpu.memory_space<semaphore_mem>>) {add = true}
        %dma_wait3A = arith.constant 0 : i32
        %dma_wait3A_179 = tpu.memref_slice %arg15[%run_scoped3A_158, %dma_wait3A] : memref<8x128xi32, #tpu.memory_space<vmem>> -> memref<1x128xi32, #tpu.memory_space<vmem>>
        %dma_wait3A_180 = tpu.memref_squeeze %dma_wait3A_179 : memref<1x128xi32, #tpu.memory_space<vmem>> -> memref<128xi32, #tpu.memory_space<vmem>>
        %dma_wait3A_181 = arith.constant 0 : i32
        %dma_wait3A_182 = arith.constant 0 : i32
        %dma_wait3A_183 = tpu.memref_slice %arg18[%dma_wait3A_181, %dma_wait3A_182] : memref<10240x128xf32, #tpu.memory_space<vmem_shared>> -> memref<10240x128xf32, #tpu.memory_space<vmem_shared>>
        tpu.wait_indirect_dma semaphore(%run_scoped3A_173 : memref<!tpu.dma_semaphore, #tpu.memory_space<semaphore_mem>>) src(%arg16 : memref<128x128xf32, #tpu.memory_space<vmem>>) dst(%dma_wait3A_183 : memref<10240x128xf32, #tpu.memory_space<vmem_shared>>)
        tpu.yield
      }) : () -> ()
      %run_scoped3A_159 = arith.constant 1 : i32
      "tpu.region"() ({
        %run_scoped3A_173 = tpu.sem_alloc : memref<!tpu.dma_semaphore, #tpu.memory_space<semaphore_mem>>
        %dma_start3A = arith.constant 0 : i32
        %dma_start3A_174 = tpu.memref_slice %arg14[%run_scoped3A_159, %dma_start3A] : memref<8x128xi32, #tpu.memory_space<vmem>> -> memref<1x128xi32, #tpu.memory_space<vmem>>
        %dma_start3A_175 = tpu.memref_squeeze %dma_start3A_174 : memref<1x128xi32, #tpu.memory_space<vmem>> -> memref<128xi32, #tpu.memory_space<vmem>>
        %dma_start3A_176 = arith.constant 0 : i32
        %dma_start3A_177 = arith.constant 0 : i32
        %dma_start3A_178 = tpu.memref_slice %arg2[%dma_start3A_176, %dma_start3A_177] : memref<10240x128xf32, #tpu.memory_space<hbm>> -> memref<10240x128xf32, #tpu.memory_space<hbm>>
        tpu.enqueue_indirect_dma source(%dma_start3A_178 : memref<10240x128xf32, #tpu.memory_space<hbm>>) target(%arg16 : memref<128x128xf32, #tpu.memory_space<vmem>>) offsets(%dma_start3A_175 : memref<128xi32, #tpu.memory_space<vmem>>) semaphore(%run_scoped3A_173 : memref<!tpu.dma_semaphore, #tpu.memory_space<semaphore_mem>>)
        %dma_wait3A = arith.constant 0 : i32
        %dma_wait3A_179 = tpu.memref_slice %arg14[%run_scoped3A_159, %dma_wait3A] : memref<8x128xi32, #tpu.memory_space<vmem>> -> memref<1x128xi32, #tpu.memory_space<vmem>>
        %dma_wait3A_180 = tpu.memref_squeeze %dma_wait3A_179 : memref<1x128xi32, #tpu.memory_space<vmem>> -> memref<128xi32, #tpu.memory_space<vmem>>
        %dma_wait3A_181 = arith.constant 0 : i32
        %dma_wait3A_182 = arith.constant 0 : i32
        %dma_wait3A_183 = tpu.memref_slice %arg2[%dma_wait3A_181, %dma_wait3A_182] : memref<10240x128xf32, #tpu.memory_space<hbm>> -> memref<10240x128xf32, #tpu.memory_space<hbm>>
        tpu.wait_indirect_dma semaphore(%run_scoped3A_173 : memref<!tpu.dma_semaphore, #tpu.memory_space<semaphore_mem>>) src(%dma_wait3A_183 : memref<10240x128xf32, #tpu.memory_space<hbm>>) dst(%arg16 : memref<128x128xf32, #tpu.memory_space<vmem>>)
        tpu.yield
      }) : () -> ()
      %run_scoped3A_160 = arith.constant 1 : i32
      "tpu.region"() ({
        %run_scoped3A_173 = tpu.sem_alloc : memref<!tpu.dma_semaphore, #tpu.memory_space<semaphore_mem>>
        %dma_start3A = arith.constant 0 : i32
        %dma_start3A_174 = tpu.memref_slice %arg15[%run_scoped3A_160, %dma_start3A] : memref<8x128xi32, #tpu.memory_space<vmem>> -> memref<1x128xi32, #tpu.memory_space<vmem>>
        %dma_start3A_175 = tpu.memref_squeeze %dma_start3A_174 : memref<1x128xi32, #tpu.memory_space<vmem>> -> memref<128xi32, #tpu.memory_space<vmem>>
        %dma_start3A_176 = arith.constant 0 : i32
        %dma_start3A_177 = arith.constant 0 : i32
        %dma_start3A_178 = tpu.memref_slice %arg18[%dma_start3A_176, %dma_start3A_177] : memref<10240x128xf32, #tpu.memory_space<vmem_shared>> -> memref<10240x128xf32, #tpu.memory_space<vmem_shared>>
        tpu.enqueue_indirect_dma source(%arg16 : memref<128x128xf32, #tpu.memory_space<vmem>>) target(%dma_start3A_178 : memref<10240x128xf32, #tpu.memory_space<vmem_shared>>) offsets(%dma_start3A_175 : memref<128xi32, #tpu.memory_space<vmem>>) semaphore(%run_scoped3A_173 : memref<!tpu.dma_semaphore, #tpu.memory_space<semaphore_mem>>) {add = true}
        %dma_wait3A = arith.constant 0 : i32
        %dma_wait3A_179 = tpu.memref_slice %arg15[%run_scoped3A_160, %dma_wait3A] : memref<8x128xi32, #tpu.memory_space<vmem>> -> memref<1x128xi32, #tpu.memory_space<vmem>>
        %dma_wait3A_180 = tpu.memref_squeeze %dma_wait3A_179 : memref<1x128xi32, #tpu.memory_space<vmem>> -> memref<128xi32, #tpu.memory_space<vmem>>
        %dma_wait3A_181 = arith.constant 0 : i32
        %dma_wait3A_182 = arith.constant 0 : i32
        %dma_wait3A_183 = tpu.memref_slice %arg18[%dma_wait3A_181, %dma_wait3A_182] : memref<10240x128xf32, #tpu.memory_space<vmem_shared>> -> memref<10240x128xf32, #tpu.memory_space<vmem_shared>>
        tpu.wait_indirect_dma semaphore(%run_scoped3A_173 : memref<!tpu.dma_semaphore, #tpu.memory_space<semaphore_mem>>) src(%arg16 : memref<128x128xf32, #tpu.memory_space<vmem>>) dst(%dma_wait3A_183 : memref<10240x128xf32, #tpu.memory_space<vmem_shared>>)
        tpu.yield
      }) : () -> ()
      %run_scoped3A_161 = arith.constant 2 : i32
      "tpu.region"() ({
        %run_scoped3A_173 = tpu.sem_alloc : memref<!tpu.dma_semaphore, #tpu.memory_space<semaphore_mem>>
        %dma_start3A = arith.constant 0 : i32
        %dma_start3A_174 = tpu.memref_slice %arg14[%run_scoped3A_161, %dma_start3A] : memref<8x128xi32, #tpu.memory_space<vmem>> -> memref<1x128xi32, #tpu.memory_space<vmem>>
        %dma_start3A_175 = tpu.memref_squeeze %dma_start3A_174 : memref<1x128xi32, #tpu.memory_space<vmem>> -> memref<128xi32, #tpu.memory_space<vmem>>
        %dma_start3A_176 = arith.constant 0 : i32
        %dma_start3A_177 = arith.constant 0 : i32
        %dma_start3A_178 = tpu.memref_slice %arg2[%dma_start3A_176, %dma_start3A_177] : memref<10240x128xf32, #tpu.memory_space<hbm>> -> memref<10240x128xf32, #tpu.memory_space<hbm>>
        tpu.enqueue_indirect_dma source(%dma_start3A_178 : memref<10240x128xf32, #tpu.memory_space<hbm>>) target(%arg16 : memref<128x128xf32, #tpu.memory_space<vmem>>) offsets(%dma_start3A_175 : memref<128xi32, #tpu.memory_space<vmem>>) semaphore(%run_scoped3A_173 : memref<!tpu.dma_semaphore, #tpu.memory_space<semaphore_mem>>)
        %dma_wait3A = arith.constant 0 : i32
        %dma_wait3A_179 = tpu.memref_slice %arg14[%run_scoped3A_161, %dma_wait3A] : memref<8x128xi32, #tpu.memory_space<vmem>> -> memref<1x128xi32, #tpu.memory_space<vmem>>
        %dma_wait3A_180 = tpu.memref_squeeze %dma_wait3A_179 : memref<1x128xi32, #tpu.memory_space<vmem>> -> memref<128xi32, #tpu.memory_space<vmem>>
        %dma_wait3A_181 = arith.constant 0 : i32
        %dma_wait3A_182 = arith.constant 0 : i32
        %dma_wait3A_183 = tpu.memref_slice %arg2[%dma_wait3A_181, %dma_wait3A_182] : memref<10240x128xf32, #tpu.memory_space<hbm>> -> memref<10240x128xf32, #tpu.memory_space<hbm>>
        tpu.wait_indirect_dma semaphore(%run_scoped3A_173 : memref<!tpu.dma_semaphore, #tpu.memory_space<semaphore_mem>>) src(%dma_wait3A_183 : memref<10240x128xf32, #tpu.memory_space<hbm>>) dst(%arg16 : memref<128x128xf32, #tpu.memory_space<vmem>>)
        tpu.yield
      }) : () -> ()
      %run_scoped3A_162 = arith.constant 2 : i32
      "tpu.region"() ({
        %run_scoped3A_173 = tpu.sem_alloc : memref<!tpu.dma_semaphore, #tpu.memory_space<semaphore_mem>>
        %dma_start3A = arith.constant 0 : i32
        %dma_start3A_174 = tpu.memref_slice %arg15[%run_scoped3A_162, %dma_start3A] : memref<8x128xi32, #tpu.memory_space<vmem>> -> memref<1x128xi32, #tpu.memory_space<vmem>>
        %dma_start3A_175 = tpu.memref_squeeze %dma_start3A_174 : memref<1x128xi32, #tpu.memory_space<vmem>> -> memref<128xi32, #tpu.memory_space<vmem>>
        %dma_start3A_176 = arith.constant 0 : i32
        %dma_start3A_177 = arith.constant 0 : i32
        %dma_start3A_178 = tpu.memref_slice %arg18[%dma_start3A_176, %dma_start3A_177] : memref<10240x128xf32, #tpu.memory_space<vmem_shared>> -> memref<10240x128xf32, #tpu.memory_space<vmem_shared>>
        tpu.enqueue_indirect_dma source(%arg16 : memref<128x128xf32, #tpu.memory_space<vmem>>) target(%dma_start3A_178 : memref<10240x128xf32, #tpu.memory_space<vmem_shared>>) offsets(%dma_start3A_175 : memref<128xi32, #tpu.memory_space<vmem>>) semaphore(%run_scoped3A_173 : memref<!tpu.dma_semaphore, #tpu.memory_space<semaphore_mem>>) {add = true}
        %dma_wait3A = arith.constant 0 : i32
        %dma_wait3A_179 = tpu.memref_slice %arg15[%run_scoped3A_162, %dma_wait3A] : memref<8x128xi32, #tpu.memory_space<vmem>> -> memref<1x128xi32, #tpu.memory_space<vmem>>
        %dma_wait3A_180 = tpu.memref_squeeze %dma_wait3A_179 : memref<1x128xi32, #tpu.memory_space<vmem>> -> memref<128xi32, #tpu.memory_space<vmem>>
        %dma_wait3A_181 = arith.constant 0 : i32
        %dma_wait3A_182 = arith.constant 0 : i32
        %dma_wait3A_183 = tpu.memref_slice %arg18[%dma_wait3A_181, %dma_wait3A_182] : memref<10240x128xf32, #tpu.memory_space<vmem_shared>> -> memref<10240x128xf32, #tpu.memory_space<vmem_shared>>
        tpu.wait_indirect_dma semaphore(%run_scoped3A_173 : memref<!tpu.dma_semaphore, #tpu.memory_space<semaphore_mem>>) src(%arg16 : memref<128x128xf32, #tpu.memory_space<vmem>>) dst(%dma_wait3A_183 : memref<10240x128xf32, #tpu.memory_space<vmem_shared>>)
        tpu.yield
      }) : () -> ()
      %run_scoped3A_163 = arith.constant 3 : i32
      "tpu.region"() ({
        %run_scoped3A_173 = tpu.sem_alloc : memref<!tpu.dma_semaphore, #tpu.memory_space<semaphore_mem>>
        %dma_start3A = arith.constant 0 : i32
        %dma_start3A_174 = tpu.memref_slice %arg14[%run_scoped3A_163, %dma_start3A] : memref<8x128xi32, #tpu.memory_space<vmem>> -> memref<1x128xi32, #tpu.memory_space<vmem>>
        %dma_start3A_175 = tpu.memref_squeeze %dma_start3A_174 : memref<1x128xi32, #tpu.memory_space<vmem>> -> memref<128xi32, #tpu.memory_space<vmem>>
        %dma_start3A_176 = arith.constant 0 : i32
        %dma_start3A_177 = arith.constant 0 : i32
        %dma_start3A_178 = tpu.memref_slice %arg2[%dma_start3A_176, %dma_start3A_177] : memref<10240x128xf32, #tpu.memory_space<hbm>> -> memref<10240x128xf32, #tpu.memory_space<hbm>>
        tpu.enqueue_indirect_dma source(%dma_start3A_178 : memref<10240x128xf32, #tpu.memory_space<hbm>>) target(%arg16 : memref<128x128xf32, #tpu.memory_space<vmem>>) offsets(%dma_start3A_175 : memref<128xi32, #tpu.memory_space<vmem>>) semaphore(%run_scoped3A_173 : memref<!tpu.dma_semaphore, #tpu.memory_space<semaphore_mem>>)
        %dma_wait3A = arith.constant 0 : i32
        %dma_wait3A_179 = tpu.memref_slice %arg14[%run_scoped3A_163, %dma_wait3A] : memref<8x128xi32, #tpu.memory_space<vmem>> -> memref<1x128xi32, #tpu.memory_space<vmem>>
        %dma_wait3A_180 = tpu.memref_squeeze %dma_wait3A_179 : memref<1x128xi32, #tpu.memory_space<vmem>> -> memref<128xi32, #tpu.memory_space<vmem>>
        %dma_wait3A_181 = arith.constant 0 : i32
        %dma_wait3A_182 = arith.constant 0 : i32
        %dma_wait3A_183 = tpu.memref_slice %arg2[%dma_wait3A_181, %dma_wait3A_182] : memref<10240x128xf32, #tpu.memory_space<hbm>> -> memref<10240x128xf32, #tpu.memory_space<hbm>>
        tpu.wait_indirect_dma semaphore(%run_scoped3A_173 : memref<!tpu.dma_semaphore, #tpu.memory_space<semaphore_mem>>) src(%dma_wait3A_183 : memref<10240x128xf32, #tpu.memory_space<hbm>>) dst(%arg16 : memref<128x128xf32, #tpu.memory_space<vmem>>)
        tpu.yield
      }) : () -> ()
      %run_scoped3A_164 = arith.constant 3 : i32
      "tpu.region"() ({
        %run_scoped3A_173 = tpu.sem_alloc : memref<!tpu.dma_semaphore, #tpu.memory_space<semaphore_mem>>
        %dma_start3A = arith.constant 0 : i32
        %dma_start3A_174 = tpu.memref_slice %arg15[%run_scoped3A_164, %dma_start3A] : memref<8x128xi32, #tpu.memory_space<vmem>> -> memref<1x128xi32, #tpu.memory_space<vmem>>
        %dma_start3A_175 = tpu.memref_squeeze %dma_start3A_174 : memref<1x128xi32, #tpu.memory_space<vmem>> -> memref<128xi32, #tpu.memory_space<vmem>>
        %dma_start3A_176 = arith.constant 0 : i32
        %dma_start3A_177 = arith.constant 0 : i32
        %dma_start3A_178 = tpu.memref_slice %arg18[%dma_start3A_176, %dma_start3A_177] : memref<10240x128xf32, #tpu.memory_space<vmem_shared>> -> memref<10240x128xf32, #tpu.memory_space<vmem_shared>>
        tpu.enqueue_indirect_dma source(%arg16 : memref<128x128xf32, #tpu.memory_space<vmem>>) target(%dma_start3A_178 : memref<10240x128xf32, #tpu.memory_space<vmem_shared>>) offsets(%dma_start3A_175 : memref<128xi32, #tpu.memory_space<vmem>>) semaphore(%run_scoped3A_173 : memref<!tpu.dma_semaphore, #tpu.memory_space<semaphore_mem>>) {add = true}
        %dma_wait3A = arith.constant 0 : i32
        %dma_wait3A_179 = tpu.memref_slice %arg15[%run_scoped3A_164, %dma_wait3A] : memref<8x128xi32, #tpu.memory_space<vmem>> -> memref<1x128xi32, #tpu.memory_space<vmem>>
        %dma_wait3A_180 = tpu.memref_squeeze %dma_wait3A_179 : memref<1x128xi32, #tpu.memory_space<vmem>> -> memref<128xi32, #tpu.memory_space<vmem>>
        %dma_wait3A_181 = arith.constant 0 : i32
        %dma_wait3A_182 = arith.constant 0 : i32
        %dma_wait3A_183 = tpu.memref_slice %arg18[%dma_wait3A_181, %dma_wait3A_182] : memref<10240x128xf32, #tpu.memory_space<vmem_shared>> -> memref<10240x128xf32, #tpu.memory_space<vmem_shared>>
        tpu.wait_indirect_dma semaphore(%run_scoped3A_173 : memref<!tpu.dma_semaphore, #tpu.memory_space<semaphore_mem>>) src(%arg16 : memref<128x128xf32, #tpu.memory_space<vmem>>) dst(%dma_wait3A_183 : memref<10240x128xf32, #tpu.memory_space<vmem_shared>>)
        tpu.yield
      }) : () -> ()
      %run_scoped3A_165 = arith.constant 4 : i32
      "tpu.region"() ({
        %run_scoped3A_173 = tpu.sem_alloc : memref<!tpu.dma_semaphore, #tpu.memory_space<semaphore_mem>>
        %dma_start3A = arith.constant 0 : i32
        %dma_start3A_174 = tpu.memref_slice %arg14[%run_scoped3A_165, %dma_start3A] : memref<8x128xi32, #tpu.memory_space<vmem>> -> memref<1x128xi32, #tpu.memory_space<vmem>>
        %dma_start3A_175 = tpu.memref_squeeze %dma_start3A_174 : memref<1x128xi32, #tpu.memory_space<vmem>> -> memref<128xi32, #tpu.memory_space<vmem>>
        %dma_start3A_176 = arith.constant 0 : i32
        %dma_start3A_177 = arith.constant 0 : i32
        %dma_start3A_178 = tpu.memref_slice %arg2[%dma_start3A_176, %dma_start3A_177] : memref<10240x128xf32, #tpu.memory_space<hbm>> -> memref<10240x128xf32, #tpu.memory_space<hbm>>
        tpu.enqueue_indirect_dma source(%dma_start3A_178 : memref<10240x128xf32, #tpu.memory_space<hbm>>) target(%arg16 : memref<128x128xf32, #tpu.memory_space<vmem>>) offsets(%dma_start3A_175 : memref<128xi32, #tpu.memory_space<vmem>>) semaphore(%run_scoped3A_173 : memref<!tpu.dma_semaphore, #tpu.memory_space<semaphore_mem>>)
        %dma_wait3A = arith.constant 0 : i32
        %dma_wait3A_179 = tpu.memref_slice %arg14[%run_scoped3A_165, %dma_wait3A] : memref<8x128xi32, #tpu.memory_space<vmem>> -> memref<1x128xi32, #tpu.memory_space<vmem>>
        %dma_wait3A_180 = tpu.memref_squeeze %dma_wait3A_179 : memref<1x128xi32, #tpu.memory_space<vmem>> -> memref<128xi32, #tpu.memory_space<vmem>>
        %dma_wait3A_181 = arith.constant 0 : i32
        %dma_wait3A_182 = arith.constant 0 : i32
        %dma_wait3A_183 = tpu.memref_slice %arg2[%dma_wait3A_181, %dma_wait3A_182] : memref<10240x128xf32, #tpu.memory_space<hbm>> -> memref<10240x128xf32, #tpu.memory_space<hbm>>
        tpu.wait_indirect_dma semaphore(%run_scoped3A_173 : memref<!tpu.dma_semaphore, #tpu.memory_space<semaphore_mem>>) src(%dma_wait3A_183 : memref<10240x128xf32, #tpu.memory_space<hbm>>) dst(%arg16 : memref<128x128xf32, #tpu.memory_space<vmem>>)
        tpu.yield
      }) : () -> ()
      %run_scoped3A_166 = arith.constant 4 : i32
      "tpu.region"() ({
        %run_scoped3A_173 = tpu.sem_alloc : memref<!tpu.dma_semaphore, #tpu.memory_space<semaphore_mem>>
        %dma_start3A = arith.constant 0 : i32
        %dma_start3A_174 = tpu.memref_slice %arg15[%run_scoped3A_166, %dma_start3A] : memref<8x128xi32, #tpu.memory_space<vmem>> -> memref<1x128xi32, #tpu.memory_space<vmem>>
        %dma_start3A_175 = tpu.memref_squeeze %dma_start3A_174 : memref<1x128xi32, #tpu.memory_space<vmem>> -> memref<128xi32, #tpu.memory_space<vmem>>
        %dma_start3A_176 = arith.constant 0 : i32
        %dma_start3A_177 = arith.constant 0 : i32
        %dma_start3A_178 = tpu.memref_slice %arg18[%dma_start3A_176, %dma_start3A_177] : memref<10240x128xf32, #tpu.memory_space<vmem_shared>> -> memref<10240x128xf32, #tpu.memory_space<vmem_shared>>
        tpu.enqueue_indirect_dma source(%arg16 : memref<128x128xf32, #tpu.memory_space<vmem>>) target(%dma_start3A_178 : memref<10240x128xf32, #tpu.memory_space<vmem_shared>>) offsets(%dma_start3A_175 : memref<128xi32, #tpu.memory_space<vmem>>) semaphore(%run_scoped3A_173 : memref<!tpu.dma_semaphore, #tpu.memory_space<semaphore_mem>>) {add = true}
        %dma_wait3A = arith.constant 0 : i32
        %dma_wait3A_179 = tpu.memref_slice %arg15[%run_scoped3A_166, %dma_wait3A] : memref<8x128xi32, #tpu.memory_space<vmem>> -> memref<1x128xi32, #tpu.memory_space<vmem>>
        %dma_wait3A_180 = tpu.memref_squeeze %dma_wait3A_179 : memref<1x128xi32, #tpu.memory_space<vmem>> -> memref<128xi32, #tpu.memory_space<vmem>>
        %dma_wait3A_181 = arith.constant 0 : i32
        %dma_wait3A_182 = arith.constant 0 : i32
        %dma_wait3A_183 = tpu.memref_slice %arg18[%dma_wait3A_181, %dma_wait3A_182] : memref<10240x128xf32, #tpu.memory_space<vmem_shared>> -> memref<10240x128xf32, #tpu.memory_space<vmem_shared>>
        tpu.wait_indirect_dma semaphore(%run_scoped3A_173 : memref<!tpu.dma_semaphore, #tpu.memory_space<semaphore_mem>>) src(%arg16 : memref<128x128xf32, #tpu.memory_space<vmem>>) dst(%dma_wait3A_183 : memref<10240x128xf32, #tpu.memory_space<vmem_shared>>)
        tpu.yield
      }) : () -> ()
      %run_scoped3A_167 = arith.constant 5 : i32
      "tpu.region"() ({
        %run_scoped3A_173 = tpu.sem_alloc : memref<!tpu.dma_semaphore, #tpu.memory_space<semaphore_mem>>
        %dma_start3A = arith.constant 0 : i32
        %dma_start3A_174 = tpu.memref_slice %arg14[%run_scoped3A_167, %dma_start3A] : memref<8x128xi32, #tpu.memory_space<vmem>> -> memref<1x128xi32, #tpu.memory_space<vmem>>
        %dma_start3A_175 = tpu.memref_squeeze %dma_start3A_174 : memref<1x128xi32, #tpu.memory_space<vmem>> -> memref<128xi32, #tpu.memory_space<vmem>>
        %dma_start3A_176 = arith.constant 0 : i32
        %dma_start3A_177 = arith.constant 0 : i32
        %dma_start3A_178 = tpu.memref_slice %arg2[%dma_start3A_176, %dma_start3A_177] : memref<10240x128xf32, #tpu.memory_space<hbm>> -> memref<10240x128xf32, #tpu.memory_space<hbm>>
        tpu.enqueue_indirect_dma source(%dma_start3A_178 : memref<10240x128xf32, #tpu.memory_space<hbm>>) target(%arg16 : memref<128x128xf32, #tpu.memory_space<vmem>>) offsets(%dma_start3A_175 : memref<128xi32, #tpu.memory_space<vmem>>) semaphore(%run_scoped3A_173 : memref<!tpu.dma_semaphore, #tpu.memory_space<semaphore_mem>>)
        %dma_wait3A = arith.constant 0 : i32
        %dma_wait3A_179 = tpu.memref_slice %arg14[%run_scoped3A_167, %dma_wait3A] : memref<8x128xi32, #tpu.memory_space<vmem>> -> memref<1x128xi32, #tpu.memory_space<vmem>>
        %dma_wait3A_180 = tpu.memref_squeeze %dma_wait3A_179 : memref<1x128xi32, #tpu.memory_space<vmem>> -> memref<128xi32, #tpu.memory_space<vmem>>
        %dma_wait3A_181 = arith.constant 0 : i32
        %dma_wait3A_182 = arith.constant 0 : i32
        %dma_wait3A_183 = tpu.memref_slice %arg2[%dma_wait3A_181, %dma_wait3A_182] : memref<10240x128xf32, #tpu.memory_space<hbm>> -> memref<10240x128xf32, #tpu.memory_space<hbm>>
        tpu.wait_indirect_dma semaphore(%run_scoped3A_173 : memref<!tpu.dma_semaphore, #tpu.memory_space<semaphore_mem>>) src(%dma_wait3A_183 : memref<10240x128xf32, #tpu.memory_space<hbm>>) dst(%arg16 : memref<128x128xf32, #tpu.memory_space<vmem>>)
        tpu.yield
      }) : () -> ()
      %run_scoped3A_168 = arith.constant 5 : i32
      "tpu.region"() ({
        %run_scoped3A_173 = tpu.sem_alloc : memref<!tpu.dma_semaphore, #tpu.memory_space<semaphore_mem>>
        %dma_start3A = arith.constant 0 : i32
        %dma_start3A_174 = tpu.memref_slice %arg15[%run_scoped3A_168, %dma_start3A] : memref<8x128xi32, #tpu.memory_space<vmem>> -> memref<1x128xi32, #tpu.memory_space<vmem>>
        %dma_start3A_175 = tpu.memref_squeeze %dma_start3A_174 : memref<1x128xi32, #tpu.memory_space<vmem>> -> memref<128xi32, #tpu.memory_space<vmem>>
        %dma_start3A_176 = arith.constant 0 : i32
        %dma_start3A_177 = arith.constant 0 : i32
        %dma_start3A_178 = tpu.memref_slice %arg18[%dma_start3A_176, %dma_start3A_177] : memref<10240x128xf32, #tpu.memory_space<vmem_shared>> -> memref<10240x128xf32, #tpu.memory_space<vmem_shared>>
        tpu.enqueue_indirect_dma source(%arg16 : memref<128x128xf32, #tpu.memory_space<vmem>>) target(%dma_start3A_178 : memref<10240x128xf32, #tpu.memory_space<vmem_shared>>) offsets(%dma_start3A_175 : memref<128xi32, #tpu.memory_space<vmem>>) semaphore(%run_scoped3A_173 : memref<!tpu.dma_semaphore, #tpu.memory_space<semaphore_mem>>) {add = true}
        %dma_wait3A = arith.constant 0 : i32
        %dma_wait3A_179 = tpu.memref_slice %arg15[%run_scoped3A_168, %dma_wait3A] : memref<8x128xi32, #tpu.memory_space<vmem>> -> memref<1x128xi32, #tpu.memory_space<vmem>>
        %dma_wait3A_180 = tpu.memref_squeeze %dma_wait3A_179 : memref<1x128xi32, #tpu.memory_space<vmem>> -> memref<128xi32, #tpu.memory_space<vmem>>
        %dma_wait3A_181 = arith.constant 0 : i32
        %dma_wait3A_182 = arith.constant 0 : i32
        %dma_wait3A_183 = tpu.memref_slice %arg18[%dma_wait3A_181, %dma_wait3A_182] : memref<10240x128xf32, #tpu.memory_space<vmem_shared>> -> memref<10240x128xf32, #tpu.memory_space<vmem_shared>>
        tpu.wait_indirect_dma semaphore(%run_scoped3A_173 : memref<!tpu.dma_semaphore, #tpu.memory_space<semaphore_mem>>) src(%arg16 : memref<128x128xf32, #tpu.memory_space<vmem>>) dst(%dma_wait3A_183 : memref<10240x128xf32, #tpu.memory_space<vmem_shared>>)
        tpu.yield
      }) : () -> ()
      %run_scoped3A_169 = arith.constant 6 : i32
      "tpu.region"() ({
        %run_scoped3A_173 = tpu.sem_alloc : memref<!tpu.dma_semaphore, #tpu.memory_space<semaphore_mem>>
        %dma_start3A = arith.constant 0 : i32
        %dma_start3A_174 = tpu.memref_slice %arg14[%run_scoped3A_169, %dma_start3A] : memref<8x128xi32, #tpu.memory_space<vmem>> -> memref<1x128xi32, #tpu.memory_space<vmem>>
        %dma_start3A_175 = tpu.memref_squeeze %dma_start3A_174 : memref<1x128xi32, #tpu.memory_space<vmem>> -> memref<128xi32, #tpu.memory_space<vmem>>
        %dma_start3A_176 = arith.constant 0 : i32
        %dma_start3A_177 = arith.constant 0 : i32
        %dma_start3A_178 = tpu.memref_slice %arg2[%dma_start3A_176, %dma_start3A_177] : memref<10240x128xf32, #tpu.memory_space<hbm>> -> memref<10240x128xf32, #tpu.memory_space<hbm>>
        tpu.enqueue_indirect_dma source(%dma_start3A_178 : memref<10240x128xf32, #tpu.memory_space<hbm>>) target(%arg16 : memref<128x128xf32, #tpu.memory_space<vmem>>) offsets(%dma_start3A_175 : memref<128xi32, #tpu.memory_space<vmem>>) semaphore(%run_scoped3A_173 : memref<!tpu.dma_semaphore, #tpu.memory_space<semaphore_mem>>)
        %dma_wait3A = arith.constant 0 : i32
        %dma_wait3A_179 = tpu.memref_slice %arg14[%run_scoped3A_169, %dma_wait3A] : memref<8x128xi32, #tpu.memory_space<vmem>> -> memref<1x128xi32, #tpu.memory_space<vmem>>
        %dma_wait3A_180 = tpu.memref_squeeze %dma_wait3A_179 : memref<1x128xi32, #tpu.memory_space<vmem>> -> memref<128xi32, #tpu.memory_space<vmem>>
        %dma_wait3A_181 = arith.constant 0 : i32
        %dma_wait3A_182 = arith.constant 0 : i32
        %dma_wait3A_183 = tpu.memref_slice %arg2[%dma_wait3A_181, %dma_wait3A_182] : memref<10240x128xf32, #tpu.memory_space<hbm>> -> memref<10240x128xf32, #tpu.memory_space<hbm>>
        tpu.wait_indirect_dma semaphore(%run_scoped3A_173 : memref<!tpu.dma_semaphore, #tpu.memory_space<semaphore_mem>>) src(%dma_wait3A_183 : memref<10240x128xf32, #tpu.memory_space<hbm>>) dst(%arg16 : memref<128x128xf32, #tpu.memory_space<vmem>>)
        tpu.yield
      }) : () -> ()
      %run_scoped3A_170 = arith.constant 6 : i32
      "tpu.region"() ({
        %run_scoped3A_173 = tpu.sem_alloc : memref<!tpu.dma_semaphore, #tpu.memory_space<semaphore_mem>>
        %dma_start3A = arith.constant 0 : i32
        %dma_start3A_174 = tpu.memref_slice %arg15[%run_scoped3A_170, %dma_start3A] : memref<8x128xi32, #tpu.memory_space<vmem>> -> memref<1x128xi32, #tpu.memory_space<vmem>>
        %dma_start3A_175 = tpu.memref_squeeze %dma_start3A_174 : memref<1x128xi32, #tpu.memory_space<vmem>> -> memref<128xi32, #tpu.memory_space<vmem>>
        %dma_start3A_176 = arith.constant 0 : i32
        %dma_start3A_177 = arith.constant 0 : i32
        %dma_start3A_178 = tpu.memref_slice %arg18[%dma_start3A_176, %dma_start3A_177] : memref<10240x128xf32, #tpu.memory_space<vmem_shared>> -> memref<10240x128xf32, #tpu.memory_space<vmem_shared>>
        tpu.enqueue_indirect_dma source(%arg16 : memref<128x128xf32, #tpu.memory_space<vmem>>) target(%dma_start3A_178 : memref<10240x128xf32, #tpu.memory_space<vmem_shared>>) offsets(%dma_start3A_175 : memref<128xi32, #tpu.memory_space<vmem>>) semaphore(%run_scoped3A_173 : memref<!tpu.dma_semaphore, #tpu.memory_space<semaphore_mem>>) {add = true}
        %dma_wait3A = arith.constant 0 : i32
        %dma_wait3A_179 = tpu.memref_slice %arg15[%run_scoped3A_170, %dma_wait3A] : memref<8x128xi32, #tpu.memory_space<vmem>> -> memref<1x128xi32, #tpu.memory_space<vmem>>
        %dma_wait3A_180 = tpu.memref_squeeze %dma_wait3A_179 : memref<1x128xi32, #tpu.memory_space<vmem>> -> memref<128xi32, #tpu.memory_space<vmem>>
        %dma_wait3A_181 = arith.constant 0 : i32
        %dma_wait3A_182 = arith.constant 0 : i32
        %dma_wait3A_183 = tpu.memref_slice %arg18[%dma_wait3A_181, %dma_wait3A_182] : memref<10240x128xf32, #tpu.memory_space<vmem_shared>> -> memref<10240x128xf32, #tpu.memory_space<vmem_shared>>
        tpu.wait_indirect_dma semaphore(%run_scoped3A_173 : memref<!tpu.dma_semaphore, #tpu.memory_space<semaphore_mem>>) src(%arg16 : memref<128x128xf32, #tpu.memory_space<vmem>>) dst(%dma_wait3A_183 : memref<10240x128xf32, #tpu.memory_space<vmem_shared>>)
        tpu.yield
      }) : () -> ()
      %run_scoped3A_171 = arith.constant 7 : i32
      "tpu.region"() ({
        %run_scoped3A_173 = tpu.sem_alloc : memref<!tpu.dma_semaphore, #tpu.memory_space<semaphore_mem>>
        %dma_start3A = arith.constant 0 : i32
        %dma_start3A_174 = tpu.memref_slice %arg14[%run_scoped3A_171, %dma_start3A] : memref<8x128xi32, #tpu.memory_space<vmem>> -> memref<1x128xi32, #tpu.memory_space<vmem>>
        %dma_start3A_175 = tpu.memref_squeeze %dma_start3A_174 : memref<1x128xi32, #tpu.memory_space<vmem>> -> memref<128xi32, #tpu.memory_space<vmem>>
        %dma_start3A_176 = arith.constant 0 : i32
        %dma_start3A_177 = arith.constant 0 : i32
        %dma_start3A_178 = tpu.memref_slice %arg2[%dma_start3A_176, %dma_start3A_177] : memref<10240x128xf32, #tpu.memory_space<hbm>> -> memref<10240x128xf32, #tpu.memory_space<hbm>>
        tpu.enqueue_indirect_dma source(%dma_start3A_178 : memref<10240x128xf32, #tpu.memory_space<hbm>>) target(%arg16 : memref<128x128xf32, #tpu.memory_space<vmem>>) offsets(%dma_start3A_175 : memref<128xi32, #tpu.memory_space<vmem>>) semaphore(%run_scoped3A_173 : memref<!tpu.dma_semaphore, #tpu.memory_space<semaphore_mem>>)
        %dma_wait3A = arith.constant 0 : i32
        %dma_wait3A_179 = tpu.memref_slice %arg14[%run_scoped3A_171, %dma_wait3A] : memref<8x128xi32, #tpu.memory_space<vmem>> -> memref<1x128xi32, #tpu.memory_space<vmem>>
        %dma_wait3A_180 = tpu.memref_squeeze %dma_wait3A_179 : memref<1x128xi32, #tpu.memory_space<vmem>> -> memref<128xi32, #tpu.memory_space<vmem>>
        %dma_wait3A_181 = arith.constant 0 : i32
        %dma_wait3A_182 = arith.constant 0 : i32
        %dma_wait3A_183 = tpu.memref_slice %arg2[%dma_wait3A_181, %dma_wait3A_182] : memref<10240x128xf32, #tpu.memory_space<hbm>> -> memref<10240x128xf32, #tpu.memory_space<hbm>>
        tpu.wait_indirect_dma semaphore(%run_scoped3A_173 : memref<!tpu.dma_semaphore, #tpu.memory_space<semaphore_mem>>) src(%dma_wait3A_183 : memref<10240x128xf32, #tpu.memory_space<hbm>>) dst(%arg16 : memref<128x128xf32, #tpu.memory_space<vmem>>)
        tpu.yield
      }) : () -> ()
      %run_scoped3A_172 = arith.constant 7 : i32
      "tpu.region"() ({
        %run_scoped3A_173 = tpu.sem_alloc : memref<!tpu.dma_semaphore, #tpu.memory_space<semaphore_mem>>
        %dma_start3A = arith.constant 0 : i32
        %dma_start3A_174 = tpu.memref_slice %arg15[%run_scoped3A_172, %dma_start3A] : memref<8x128xi32, #tpu.memory_space<vmem>> -> memref<1x128xi32, #tpu.memory_space<vmem>>
        %dma_start3A_175 = tpu.memref_squeeze %dma_start3A_174 : memref<1x128xi32, #tpu.memory_space<vmem>> -> memref<128xi32, #tpu.memory_space<vmem>>
        %dma_start3A_176 = arith.constant 0 : i32
        %dma_start3A_177 = arith.constant 0 : i32
        %dma_start3A_178 = tpu.memref_slice %arg18[%dma_start3A_176, %dma_start3A_177] : memref<10240x128xf32, #tpu.memory_space<vmem_shared>> -> memref<10240x128xf32, #tpu.memory_space<vmem_shared>>
        tpu.enqueue_indirect_dma source(%arg16 : memref<128x128xf32, #tpu.memory_space<vmem>>) target(%dma_start3A_178 : memref<10240x128xf32, #tpu.memory_space<vmem_shared>>) offsets(%dma_start3A_175 : memref<128xi32, #tpu.memory_space<vmem>>) semaphore(%run_scoped3A_173 : memref<!tpu.dma_semaphore, #tpu.memory_space<semaphore_mem>>) {add = true}
        %dma_wait3A = arith.constant 0 : i32
        %dma_wait3A_179 = tpu.memref_slice %arg15[%run_scoped3A_172, %dma_wait3A] : memref<8x128xi32, #tpu.memory_space<vmem>> -> memref<1x128xi32, #tpu.memory_space<vmem>>
        %dma_wait3A_180 = tpu.memref_squeeze %dma_wait3A_179 : memref<1x128xi32, #tpu.memory_space<vmem>> -> memref<128xi32, #tpu.memory_space<vmem>>
        %dma_wait3A_181 = arith.constant 0 : i32
        %dma_wait3A_182 = arith.constant 0 : i32
        %dma_wait3A_183 = tpu.memref_slice %arg18[%dma_wait3A_181, %dma_wait3A_182] : memref<10240x128xf32, #tpu.memory_space<vmem_shared>> -> memref<10240x128xf32, #tpu.memory_space<vmem_shared>>
        tpu.wait_indirect_dma semaphore(%run_scoped3A_173 : memref<!tpu.dma_semaphore, #tpu.memory_space<semaphore_mem>>) src(%arg16 : memref<128x128xf32, #tpu.memory_space<vmem>>) dst(%dma_wait3A_183 : memref<10240x128xf32, #tpu.memory_space<vmem_shared>>)
        tpu.yield
      }) : () -> ()
    }
    %scan3A_45 = arith.constant 10 : i32
    %barrier3A_46 = arith.constant 0 : index
    tpu.barrier barrier_id(%barrier3A_46)
    %mul3A_47 = arith.constant 640 : i32
    %mul3A_48 = arith.muli %arg1, %mul3A_47 : i32
    %mul3A_49 = arith.constant 10240 : i32
    %mul3A_50 = arith.muli %arg0, %mul3A_49 : i32
    %mul3A_51 = arith.constant 640 : i32
    %mul3A_52 = arith.muli %arg1, %mul3A_51 : i32
    %add3A_53 = arith.addi %mul3A_50, %mul3A_52 : i32
    "tpu.region"() ({
      %run_scoped3A = tpu.sem_alloc : memref<!tpu.dma_semaphore, #tpu.memory_space<semaphore_mem>>
      %dma_start3A = arith.constant 0 : i32
      %dma_start3A_151 = tpu.memref_slice %arg11[%add3A_53, %dma_start3A] : memref<20480x128xf32, #tpu.memory_space<hbm>> -> memref<640x128xf32, #tpu.memory_space<hbm>>
      %dma_start3A_152 = arith.constant 0 : i32
      %dma_start3A_153 = tpu.memref_slice %arg18[%mul3A_48, %dma_start3A_152] : memref<10240x128xf32, #tpu.memory_space<vmem_shared>> -> memref<640x128xf32, #tpu.memory_space<vmem_shared>>
      tpu.enqueue_dma source(%dma_start3A_153 : memref<640x128xf32, #tpu.memory_space<vmem_shared>>) target(%dma_start3A_151 : memref<640x128xf32, #tpu.memory_space<hbm>>) target_semaphore(%run_scoped3A : memref<!tpu.dma_semaphore, #tpu.memory_space<semaphore_mem>>)
      %dma_wait3A = arith.constant 0 : i32
      %dma_wait3A_154 = tpu.memref_slice %arg11[%add3A_53, %dma_wait3A] : memref<20480x128xf32, #tpu.memory_space<hbm>> -> memref<640x128xf32, #tpu.memory_space<hbm>>
      %dma_wait3A_155 = arith.constant 0 : i32
      %dma_wait3A_156 = tpu.memref_slice %arg18[%mul3A_48, %dma_wait3A_155] : memref<10240x128xf32, #tpu.memory_space<vmem_shared>> -> memref<640x128xf32, #tpu.memory_space<vmem_shared>>
      tpu.wait_dma2 semaphore(%run_scoped3A : memref<!tpu.dma_semaphore, #tpu.memory_space<semaphore_mem>>) src(%dma_wait3A_156 : memref<640x128xf32, #tpu.memory_space<vmem_shared>>) dst(%dma_wait3A_154 : memref<640x128xf32, #tpu.memory_space<hbm>>)
      tpu.yield
    }) : () -> ()
    %barrier3A_54 = arith.constant 0 : index
    tpu.barrier barrier_id(%barrier3A_54)
    %mul3A_55 = arith.constant 640 : i32
    %mul3A_56 = arith.muli %arg1, %mul3A_55 : i32
    %add3A_57 = arith.constant 0 : i32
    %add3A_58 = arith.addi %mul3A_56, %add3A_57 : i32
    "tpu.region"() ({
      %run_scoped3A = tpu.sem_alloc : memref<!tpu.dma_semaphore, #tpu.memory_space<semaphore_mem>>
      %dma_start3A = arith.constant 0 : i32
      %dma_start3A_151 = tpu.memref_slice %arg18[%add3A_58, %dma_start3A] : memref<10240x128xf32, #tpu.memory_space<vmem_shared>> -> memref<80x128xf32, #tpu.memory_space<vmem_shared>>
      %dma_start3A_152 = arith.constant 0 : i32
      %dma_start3A_153 = tpu.memref_slice %arg18[%add3A_58, %dma_start3A_152] : memref<10240x128xf32, #tpu.memory_space<vmem_shared>> -> memref<80x128xf32, #tpu.memory_space<vmem_shared>>
      tpu.enqueue_dma source(%arg17 : memref<80x128xf32, #tpu.memory_space<vmem>>) target(%dma_start3A_153 : memref<80x128xf32, #tpu.memory_space<vmem_shared>>) target_semaphore(%run_scoped3A : memref<!tpu.dma_semaphore, #tpu.memory_space<semaphore_mem>>)
      %dma_wait3A = arith.constant 0 : i32
      %dma_wait3A_154 = tpu.memref_slice %arg18[%add3A_58, %dma_wait3A] : memref<10240x128xf32, #tpu.memory_space<vmem_shared>> -> memref<80x128xf32, #tpu.memory_space<vmem_shared>>
      %dma_wait3A_155 = arith.constant 0 : i32
      %dma_wait3A_156 = tpu.memref_slice %arg18[%add3A_58, %dma_wait3A_155] : memref<10240x128xf32, #tpu.memory_space<vmem_shared>> -> memref<80x128xf32, #tpu.memory_space<vmem_shared>>
      tpu.wait_dma2 semaphore(%run_scoped3A : memref<!tpu.dma_semaphore, #tpu.memory_space<semaphore_mem>>) src(%arg17 : memref<80x128xf32, #tpu.memory_space<vmem>>) dst(%dma_wait3A_156 : memref<80x128xf32, #tpu.memory_space<vmem_shared>>)
      tpu.yield
    }) : () -> ()
    %mul3A_59 = arith.constant 640 : i32
    %mul3A_60 = arith.muli %arg1, %mul3A_59 : i32
    %add3A_61 = arith.constant 80 : i32
    %add3A_62 = arith.addi %mul3A_60, %add3A_61 : i32
    "tpu.region"() ({
      %run_scoped3A = tpu.sem_alloc : memref<!tpu.dma_semaphore, #tpu.memory_space<semaphore_mem>>
      %dma_start3A = arith.constant 0 : i32
      %dma_start3A_151 = tpu.memref_slice %arg18[%add3A_62, %dma_start3A] : memref<10240x128xf32, #tpu.memory_space<vmem_shared>> -> memref<80x128xf32, #tpu.memory_space<vmem_shared>>
      %dma_start3A_152 = arith.constant 0 : i32
      %dma_start3A_153 = tpu.memref_slice %arg18[%add3A_62, %dma_start3A_152] : memref<10240x128xf32, #tpu.memory_space<vmem_shared>> -> memref<80x128xf32, #tpu.memory_space<vmem_shared>>
      tpu.enqueue_dma source(%arg17 : memref<80x128xf32, #tpu.memory_space<vmem>>) target(%dma_start3A_153 : memref<80x128xf32, #tpu.memory_space<vmem_shared>>) target_semaphore(%run_scoped3A : memref<!tpu.dma_semaphore, #tpu.memory_space<semaphore_mem>>)
      %dma_wait3A = arith.constant 0 : i32
      %dma_wait3A_154 = tpu.memref_slice %arg18[%add3A_62, %dma_wait3A] : memref<10240x128xf32, #tpu.memory_space<vmem_shared>> -> memref<80x128xf32, #tpu.memory_space<vmem_shared>>
      %dma_wait3A_155 = arith.constant 0 : i32
      %dma_wait3A_156 = tpu.memref_slice %arg18[%add3A_62, %dma_wait3A_155] : memref<10240x128xf32, #tpu.memory_space<vmem_shared>> -> memref<80x128xf32, #tpu.memory_space<vmem_shared>>
      tpu.wait_dma2 semaphore(%run_scoped3A : memref<!tpu.dma_semaphore, #tpu.memory_space<semaphore_mem>>) src(%arg17 : memref<80x128xf32, #tpu.memory_space<vmem>>) dst(%dma_wait3A_156 : memref<80x128xf32, #tpu.memory_space<vmem_shared>>)
      tpu.yield
    }) : () -> ()
    %mul3A_63 = arith.constant 640 : i32
    %mul3A_64 = arith.muli %arg1, %mul3A_63 : i32
    %add3A_65 = arith.constant 160 : i32
    %add3A_66 = arith.addi %mul3A_64, %add3A_65 : i32
    "tpu.region"() ({
      %run_scoped3A = tpu.sem_alloc : memref<!tpu.dma_semaphore, #tpu.memory_space<semaphore_mem>>
      %dma_start3A = arith.constant 0 : i32
      %dma_start3A_151 = tpu.memref_slice %arg18[%add3A_66, %dma_start3A] : memref<10240x128xf32, #tpu.memory_space<vmem_shared>> -> memref<80x128xf32, #tpu.memory_space<vmem_shared>>
      %dma_start3A_152 = arith.constant 0 : i32
      %dma_start3A_153 = tpu.memref_slice %arg18[%add3A_66, %dma_start3A_152] : memref<10240x128xf32, #tpu.memory_space<vmem_shared>> -> memref<80x128xf32, #tpu.memory_space<vmem_shared>>
      tpu.enqueue_dma source(%arg17 : memref<80x128xf32, #tpu.memory_space<vmem>>) target(%dma_start3A_153 : memref<80x128xf32, #tpu.memory_space<vmem_shared>>) target_semaphore(%run_scoped3A : memref<!tpu.dma_semaphore, #tpu.memory_space<semaphore_mem>>)
      %dma_wait3A = arith.constant 0 : i32
      %dma_wait3A_154 = tpu.memref_slice %arg18[%add3A_66, %dma_wait3A] : memref<10240x128xf32, #tpu.memory_space<vmem_shared>> -> memref<80x128xf32, #tpu.memory_space<vmem_shared>>
      %dma_wait3A_155 = arith.constant 0 : i32
      %dma_wait3A_156 = tpu.memref_slice %arg18[%add3A_66, %dma_wait3A_155] : memref<10240x128xf32, #tpu.memory_space<vmem_shared>> -> memref<80x128xf32, #tpu.memory_space<vmem_shared>>
      tpu.wait_dma2 semaphore(%run_scoped3A : memref<!tpu.dma_semaphore, #tpu.memory_space<semaphore_mem>>) src(%arg17 : memref<80x128xf32, #tpu.memory_space<vmem>>) dst(%dma_wait3A_156 : memref<80x128xf32, #tpu.memory_space<vmem_shared>>)
      tpu.yield
    }) : () -> ()
    %mul3A_67 = arith.constant 640 : i32
    %mul3A_68 = arith.muli %arg1, %mul3A_67 : i32
    %add3A_69 = arith.constant 240 : i32
    %add3A_70 = arith.addi %mul3A_68, %add3A_69 : i32
    "tpu.region"() ({
      %run_scoped3A = tpu.sem_alloc : memref<!tpu.dma_semaphore, #tpu.memory_space<semaphore_mem>>
      %dma_start3A = arith.constant 0 : i32
      %dma_start3A_151 = tpu.memref_slice %arg18[%add3A_70, %dma_start3A] : memref<10240x128xf32, #tpu.memory_space<vmem_shared>> -> memref<80x128xf32, #tpu.memory_space<vmem_shared>>
      %dma_start3A_152 = arith.constant 0 : i32
      %dma_start3A_153 = tpu.memref_slice %arg18[%add3A_70, %dma_start3A_152] : memref<10240x128xf32, #tpu.memory_space<vmem_shared>> -> memref<80x128xf32, #tpu.memory_space<vmem_shared>>
      tpu.enqueue_dma source(%arg17 : memref<80x128xf32, #tpu.memory_space<vmem>>) target(%dma_start3A_153 : memref<80x128xf32, #tpu.memory_space<vmem_shared>>) target_semaphore(%run_scoped3A : memref<!tpu.dma_semaphore, #tpu.memory_space<semaphore_mem>>)
      %dma_wait3A = arith.constant 0 : i32
      %dma_wait3A_154 = tpu.memref_slice %arg18[%add3A_70, %dma_wait3A] : memref<10240x128xf32, #tpu.memory_space<vmem_shared>> -> memref<80x128xf32, #tpu.memory_space<vmem_shared>>
      %dma_wait3A_155 = arith.constant 0 : i32
      %dma_wait3A_156 = tpu.memref_slice %arg18[%add3A_70, %dma_wait3A_155] : memref<10240x128xf32, #tpu.memory_space<vmem_shared>> -> memref<80x128xf32, #tpu.memory_space<vmem_shared>>
      tpu.wait_dma2 semaphore(%run_scoped3A : memref<!tpu.dma_semaphore, #tpu.memory_space<semaphore_mem>>) src(%arg17 : memref<80x128xf32, #tpu.memory_space<vmem>>) dst(%dma_wait3A_156 : memref<80x128xf32, #tpu.memory_space<vmem_shared>>)
      tpu.yield
    }) : () -> ()
    %mul3A_71 = arith.constant 640 : i32
    %mul3A_72 = arith.muli %arg1, %mul3A_71 : i32
    %add3A_73 = arith.constant 320 : i32
    %add3A_74 = arith.addi %mul3A_72, %add3A_73 : i32
    "tpu.region"() ({
      %run_scoped3A = tpu.sem_alloc : memref<!tpu.dma_semaphore, #tpu.memory_space<semaphore_mem>>
      %dma_start3A = arith.constant 0 : i32
      %dma_start3A_151 = tpu.memref_slice %arg18[%add3A_74, %dma_start3A] : memref<10240x128xf32, #tpu.memory_space<vmem_shared>> -> memref<80x128xf32, #tpu.memory_space<vmem_shared>>
      %dma_start3A_152 = arith.constant 0 : i32
      %dma_start3A_153 = tpu.memref_slice %arg18[%add3A_74, %dma_start3A_152] : memref<10240x128xf32, #tpu.memory_space<vmem_shared>> -> memref<80x128xf32, #tpu.memory_space<vmem_shared>>
      tpu.enqueue_dma source(%arg17 : memref<80x128xf32, #tpu.memory_space<vmem>>) target(%dma_start3A_153 : memref<80x128xf32, #tpu.memory_space<vmem_shared>>) target_semaphore(%run_scoped3A : memref<!tpu.dma_semaphore, #tpu.memory_space<semaphore_mem>>)
      %dma_wait3A = arith.constant 0 : i32
      %dma_wait3A_154 = tpu.memref_slice %arg18[%add3A_74, %dma_wait3A] : memref<10240x128xf32, #tpu.memory_space<vmem_shared>> -> memref<80x128xf32, #tpu.memory_space<vmem_shared>>
      %dma_wait3A_155 = arith.constant 0 : i32
      %dma_wait3A_156 = tpu.memref_slice %arg18[%add3A_74, %dma_wait3A_155] : memref<10240x128xf32, #tpu.memory_space<vmem_shared>> -> memref<80x128xf32, #tpu.memory_space<vmem_shared>>
      tpu.wait_dma2 semaphore(%run_scoped3A : memref<!tpu.dma_semaphore, #tpu.memory_space<semaphore_mem>>) src(%arg17 : memref<80x128xf32, #tpu.memory_space<vmem>>) dst(%dma_wait3A_156 : memref<80x128xf32, #tpu.memory_space<vmem_shared>>)
      tpu.yield
    }) : () -> ()
    %mul3A_75 = arith.constant 640 : i32
    %mul3A_76 = arith.muli %arg1, %mul3A_75 : i32
    %add3A_77 = arith.constant 400 : i32
    %add3A_78 = arith.addi %mul3A_76, %add3A_77 : i32
    "tpu.region"() ({
      %run_scoped3A = tpu.sem_alloc : memref<!tpu.dma_semaphore, #tpu.memory_space<semaphore_mem>>
      %dma_start3A = arith.constant 0 : i32
      %dma_start3A_151 = tpu.memref_slice %arg18[%add3A_78, %dma_start3A] : memref<10240x128xf32, #tpu.memory_space<vmem_shared>> -> memref<80x128xf32, #tpu.memory_space<vmem_shared>>
      %dma_start3A_152 = arith.constant 0 : i32
      %dma_start3A_153 = tpu.memref_slice %arg18[%add3A_78, %dma_start3A_152] : memref<10240x128xf32, #tpu.memory_space<vmem_shared>> -> memref<80x128xf32, #tpu.memory_space<vmem_shared>>
      tpu.enqueue_dma source(%arg17 : memref<80x128xf32, #tpu.memory_space<vmem>>) target(%dma_start3A_153 : memref<80x128xf32, #tpu.memory_space<vmem_shared>>) target_semaphore(%run_scoped3A : memref<!tpu.dma_semaphore, #tpu.memory_space<semaphore_mem>>)
      %dma_wait3A = arith.constant 0 : i32
      %dma_wait3A_154 = tpu.memref_slice %arg18[%add3A_78, %dma_wait3A] : memref<10240x128xf32, #tpu.memory_space<vmem_shared>> -> memref<80x128xf32, #tpu.memory_space<vmem_shared>>
      %dma_wait3A_155 = arith.constant 0 : i32
      %dma_wait3A_156 = tpu.memref_slice %arg18[%add3A_78, %dma_wait3A_155] : memref<10240x128xf32, #tpu.memory_space<vmem_shared>> -> memref<80x128xf32, #tpu.memory_space<vmem_shared>>
      tpu.wait_dma2 semaphore(%run_scoped3A : memref<!tpu.dma_semaphore, #tpu.memory_space<semaphore_mem>>) src(%arg17 : memref<80x128xf32, #tpu.memory_space<vmem>>) dst(%dma_wait3A_156 : memref<80x128xf32, #tpu.memory_space<vmem_shared>>)
      tpu.yield
    }) : () -> ()
    %mul3A_79 = arith.constant 640 : i32
    %mul3A_80 = arith.muli %arg1, %mul3A_79 : i32
    %add3A_81 = arith.constant 480 : i32
    %add3A_82 = arith.addi %mul3A_80, %add3A_81 : i32
    "tpu.region"() ({
      %run_scoped3A = tpu.sem_alloc : memref<!tpu.dma_semaphore, #tpu.memory_space<semaphore_mem>>
      %dma_start3A = arith.constant 0 : i32
      %dma_start3A_151 = tpu.memref_slice %arg18[%add3A_82, %dma_start3A] : memref<10240x128xf32, #tpu.memory_space<vmem_shared>> -> memref<80x128xf32, #tpu.memory_space<vmem_shared>>
      %dma_start3A_152 = arith.constant 0 : i32
      %dma_start3A_153 = tpu.memref_slice %arg18[%add3A_82, %dma_start3A_152] : memref<10240x128xf32, #tpu.memory_space<vmem_shared>> -> memref<80x128xf32, #tpu.memory_space<vmem_shared>>
      tpu.enqueue_dma source(%arg17 : memref<80x128xf32, #tpu.memory_space<vmem>>) target(%dma_start3A_153 : memref<80x128xf32, #tpu.memory_space<vmem_shared>>) target_semaphore(%run_scoped3A : memref<!tpu.dma_semaphore, #tpu.memory_space<semaphore_mem>>)
      %dma_wait3A = arith.constant 0 : i32
      %dma_wait3A_154 = tpu.memref_slice %arg18[%add3A_82, %dma_wait3A] : memref<10240x128xf32, #tpu.memory_space<vmem_shared>> -> memref<80x128xf32, #tpu.memory_space<vmem_shared>>
      %dma_wait3A_155 = arith.constant 0 : i32
      %dma_wait3A_156 = tpu.memref_slice %arg18[%add3A_82, %dma_wait3A_155] : memref<10240x128xf32, #tpu.memory_space<vmem_shared>> -> memref<80x128xf32, #tpu.memory_space<vmem_shared>>
      tpu.wait_dma2 semaphore(%run_scoped3A : memref<!tpu.dma_semaphore, #tpu.memory_space<semaphore_mem>>) src(%arg17 : memref<80x128xf32, #tpu.memory_space<vmem>>) dst(%dma_wait3A_156 : memref<80x128xf32, #tpu.memory_space<vmem_shared>>)
      tpu.yield
    }) : () -> ()
    %mul3A_83 = arith.constant 640 : i32
    %mul3A_84 = arith.muli %arg1, %mul3A_83 : i32
    %add3A_85 = arith.constant 560 : i32
    %add3A_86 = arith.addi %mul3A_84, %add3A_85 : i32
    "tpu.region"() ({
      %run_scoped3A = tpu.sem_alloc : memref<!tpu.dma_semaphore, #tpu.memory_space<semaphore_mem>>
      %dma_start3A = arith.constant 0 : i32
      %dma_start3A_151 = tpu.memref_slice %arg18[%add3A_86, %dma_start3A] : memref<10240x128xf32, #tpu.memory_space<vmem_shared>> -> memref<80x128xf32, #tpu.memory_space<vmem_shared>>
      %dma_start3A_152 = arith.constant 0 : i32
      %dma_start3A_153 = tpu.memref_slice %arg18[%add3A_86, %dma_start3A_152] : memref<10240x128xf32, #tpu.memory_space<vmem_shared>> -> memref<80x128xf32, #tpu.memory_space<vmem_shared>>
      tpu.enqueue_dma source(%arg17 : memref<80x128xf32, #tpu.memory_space<vmem>>) target(%dma_start3A_153 : memref<80x128xf32, #tpu.memory_space<vmem_shared>>) target_semaphore(%run_scoped3A : memref<!tpu.dma_semaphore, #tpu.memory_space<semaphore_mem>>)
      %dma_wait3A = arith.constant 0 : i32
      %dma_wait3A_154 = tpu.memref_slice %arg18[%add3A_86, %dma_wait3A] : memref<10240x128xf32, #tpu.memory_space<vmem_shared>> -> memref<80x128xf32, #tpu.memory_space<vmem_shared>>
      %dma_wait3A_155 = arith.constant 0 : i32
      %dma_wait3A_156 = tpu.memref_slice %arg18[%add3A_86, %dma_wait3A_155] : memref<10240x128xf32, #tpu.memory_space<vmem_shared>> -> memref<80x128xf32, #tpu.memory_space<vmem_shared>>
      tpu.wait_dma2 semaphore(%run_scoped3A : memref<!tpu.dma_semaphore, #tpu.memory_space<semaphore_mem>>) src(%arg17 : memref<80x128xf32, #tpu.memory_space<vmem>>) dst(%dma_wait3A_156 : memref<80x128xf32, #tpu.memory_space<vmem_shared>>)
      tpu.yield
    }) : () -> ()
    %barrier3A_87 = arith.constant 0 : index
    tpu.barrier barrier_id(%barrier3A_87)
    %scan3A_88 = arith.constant 0 : i32
    %scan3A_89 = arith.constant 0 : i32
    %scan3A_90 = arith.constant 10 : i32
    %scan3A_91 = arith.addi %scan3A_89, %scan3A_90 : i32
    %scan3A_92 = arith.constant 1 : i32
    scf.for %scan3A_151 = %scan3A_89 to %scan3A_91 step %scan3A_92  : i32 {
      %mul3A_152 = arith.constant 8 : i32
      %mul3A_153 = arith.muli %scan3A_151, %mul3A_152 : i32
      %add3A_154 = arith.addi %mul3A_7, %mul3A_153 : i32
      "tpu.region"() ({
        %run_scoped3A_173 = tpu.sem_alloc : memref<!tpu.dma_semaphore, #tpu.memory_space<semaphore_mem>>
        %dma_start3A = arith.constant 0 : i32
        %dma_start3A_174 = tpu.memref_slice %arg7[%add3A_154, %dma_start3A] : memref<2560x128xi32, #tpu.memory_space<hbm>> -> memref<8x128xi32, #tpu.memory_space<hbm>>
        %dma_start3A_175 = arith.constant 0 : i32
        %dma_start3A_176 = tpu.memref_slice %arg7[%add3A_154, %dma_start3A_175] : memref<2560x128xi32, #tpu.memory_space<hbm>> -> memref<8x128xi32, #tpu.memory_space<hbm>>
        tpu.enqueue_dma source(%dma_start3A_176 : memref<8x128xi32, #tpu.memory_space<hbm>>) target(%arg14 : memref<8x128xi32, #tpu.memory_space<vmem>>) target_semaphore(%run_scoped3A_173 : memref<!tpu.dma_semaphore, #tpu.memory_space<semaphore_mem>>)
        %dma_wait3A = arith.constant 0 : i32
        %dma_wait3A_177 = tpu.memref_slice %arg7[%add3A_154, %dma_wait3A] : memref<2560x128xi32, #tpu.memory_space<hbm>> -> memref<8x128xi32, #tpu.memory_space<hbm>>
        %dma_wait3A_178 = arith.constant 0 : i32
        %dma_wait3A_179 = tpu.memref_slice %arg7[%add3A_154, %dma_wait3A_178] : memref<2560x128xi32, #tpu.memory_space<hbm>> -> memref<8x128xi32, #tpu.memory_space<hbm>>
        tpu.wait_dma2 semaphore(%run_scoped3A_173 : memref<!tpu.dma_semaphore, #tpu.memory_space<semaphore_mem>>) src(%dma_wait3A_179 : memref<8x128xi32, #tpu.memory_space<hbm>>) dst(%arg14 : memref<8x128xi32, #tpu.memory_space<vmem>>)
        tpu.yield
      }) : () -> ()
      %mul3A_155 = arith.constant 8 : i32
      %mul3A_156 = arith.muli %scan3A_151, %mul3A_155 : i32
      %add3A_157 = arith.addi %mul3A_7, %mul3A_156 : i32
      "tpu.region"() ({
        %run_scoped3A_173 = tpu.sem_alloc : memref<!tpu.dma_semaphore, #tpu.memory_space<semaphore_mem>>
        %dma_start3A = arith.constant 0 : i32
        %dma_start3A_174 = tpu.memref_slice %arg8[%add3A_157, %dma_start3A] : memref<2560x128xi32, #tpu.memory_space<hbm>> -> memref<8x128xi32, #tpu.memory_space<hbm>>
        %dma_start3A_175 = arith.constant 0 : i32
        %dma_start3A_176 = tpu.memref_slice %arg8[%add3A_157, %dma_start3A_175] : memref<2560x128xi32, #tpu.memory_space<hbm>> -> memref<8x128xi32, #tpu.memory_space<hbm>>
        tpu.enqueue_dma source(%dma_start3A_176 : memref<8x128xi32, #tpu.memory_space<hbm>>) target(%arg15 : memref<8x128xi32, #tpu.memory_space<vmem>>) target_semaphore(%run_scoped3A_173 : memref<!tpu.dma_semaphore, #tpu.memory_space<semaphore_mem>>)
        %dma_wait3A = arith.constant 0 : i32
        %dma_wait3A_177 = tpu.memref_slice %arg8[%add3A_157, %dma_wait3A] : memref<2560x128xi32, #tpu.memory_space<hbm>> -> memref<8x128xi32, #tpu.memory_space<hbm>>
        %dma_wait3A_178 = arith.constant 0 : i32
        %dma_wait3A_179 = tpu.memref_slice %arg8[%add3A_157, %dma_wait3A_178] : memref<2560x128xi32, #tpu.memory_space<hbm>> -> memref<8x128xi32, #tpu.memory_space<hbm>>
        tpu.wait_dma2 semaphore(%run_scoped3A_173 : memref<!tpu.dma_semaphore, #tpu.memory_space<semaphore_mem>>) src(%dma_wait3A_179 : memref<8x128xi32, #tpu.memory_space<hbm>>) dst(%arg15 : memref<8x128xi32, #tpu.memory_space<vmem>>)
        tpu.yield
      }) : () -> ()
      %run_scoped3A = arith.constant 0 : i32
      "tpu.region"() ({
        %run_scoped3A_173 = tpu.sem_alloc : memref<!tpu.dma_semaphore, #tpu.memory_space<semaphore_mem>>
        %dma_start3A = arith.constant 0 : i32
        %dma_start3A_174 = tpu.memref_slice %arg14[%run_scoped3A, %dma_start3A] : memref<8x128xi32, #tpu.memory_space<vmem>> -> memref<1x128xi32, #tpu.memory_space<vmem>>
        %dma_start3A_175 = tpu.memref_squeeze %dma_start3A_174 : memref<1x128xi32, #tpu.memory_space<vmem>> -> memref<128xi32, #tpu.memory_space<vmem>>
        %dma_start3A_176 = arith.constant 0 : i32
        %dma_start3A_177 = arith.constant 0 : i32
        %dma_start3A_178 = tpu.memref_slice %arg3[%dma_start3A_176, %dma_start3A_177] : memref<10240x128xf32, #tpu.memory_space<hbm>> -> memref<10240x128xf32, #tpu.memory_space<hbm>>
        tpu.enqueue_indirect_dma source(%dma_start3A_178 : memref<10240x128xf32, #tpu.memory_space<hbm>>) target(%arg16 : memref<128x128xf32, #tpu.memory_space<vmem>>) offsets(%dma_start3A_175 : memref<128xi32, #tpu.memory_space<vmem>>) semaphore(%run_scoped3A_173 : memref<!tpu.dma_semaphore, #tpu.memory_space<semaphore_mem>>)
        %dma_wait3A = arith.constant 0 : i32
        %dma_wait3A_179 = tpu.memref_slice %arg14[%run_scoped3A, %dma_wait3A] : memref<8x128xi32, #tpu.memory_space<vmem>> -> memref<1x128xi32, #tpu.memory_space<vmem>>
        %dma_wait3A_180 = tpu.memref_squeeze %dma_wait3A_179 : memref<1x128xi32, #tpu.memory_space<vmem>> -> memref<128xi32, #tpu.memory_space<vmem>>
        %dma_wait3A_181 = arith.constant 0 : i32
        %dma_wait3A_182 = arith.constant 0 : i32
        %dma_wait3A_183 = tpu.memref_slice %arg3[%dma_wait3A_181, %dma_wait3A_182] : memref<10240x128xf32, #tpu.memory_space<hbm>> -> memref<10240x128xf32, #tpu.memory_space<hbm>>
        tpu.wait_indirect_dma semaphore(%run_scoped3A_173 : memref<!tpu.dma_semaphore, #tpu.memory_space<semaphore_mem>>) src(%dma_wait3A_183 : memref<10240x128xf32, #tpu.memory_space<hbm>>) dst(%arg16 : memref<128x128xf32, #tpu.memory_space<vmem>>)
        tpu.yield
      }) : () -> ()
      %run_scoped3A_158 = arith.constant 0 : i32
      "tpu.region"() ({
        %run_scoped3A_173 = tpu.sem_alloc : memref<!tpu.dma_semaphore, #tpu.memory_space<semaphore_mem>>
        %dma_start3A = arith.constant 0 : i32
        %dma_start3A_174 = tpu.memref_slice %arg15[%run_scoped3A_158, %dma_start3A] : memref<8x128xi32, #tpu.memory_space<vmem>> -> memref<1x128xi32, #tpu.memory_space<vmem>>
        %dma_start3A_175 = tpu.memref_squeeze %dma_start3A_174 : memref<1x128xi32, #tpu.memory_space<vmem>> -> memref<128xi32, #tpu.memory_space<vmem>>
        %dma_start3A_176 = arith.constant 0 : i32
        %dma_start3A_177 = arith.constant 0 : i32
        %dma_start3A_178 = tpu.memref_slice %arg18[%dma_start3A_176, %dma_start3A_177] : memref<10240x128xf32, #tpu.memory_space<vmem_shared>> -> memref<10240x128xf32, #tpu.memory_space<vmem_shared>>
        tpu.enqueue_indirect_dma source(%arg16 : memref<128x128xf32, #tpu.memory_space<vmem>>) target(%dma_start3A_178 : memref<10240x128xf32, #tpu.memory_space<vmem_shared>>) offsets(%dma_start3A_175 : memref<128xi32, #tpu.memory_space<vmem>>) semaphore(%run_scoped3A_173 : memref<!tpu.dma_semaphore, #tpu.memory_space<semaphore_mem>>) {add = true}
        %dma_wait3A = arith.constant 0 : i32
        %dma_wait3A_179 = tpu.memref_slice %arg15[%run_scoped3A_158, %dma_wait3A] : memref<8x128xi32, #tpu.memory_space<vmem>> -> memref<1x128xi32, #tpu.memory_space<vmem>>
        %dma_wait3A_180 = tpu.memref_squeeze %dma_wait3A_179 : memref<1x128xi32, #tpu.memory_space<vmem>> -> memref<128xi32, #tpu.memory_space<vmem>>
        %dma_wait3A_181 = arith.constant 0 : i32
        %dma_wait3A_182 = arith.constant 0 : i32
        %dma_wait3A_183 = tpu.memref_slice %arg18[%dma_wait3A_181, %dma_wait3A_182] : memref<10240x128xf32, #tpu.memory_space<vmem_shared>> -> memref<10240x128xf32, #tpu.memory_space<vmem_shared>>
        tpu.wait_indirect_dma semaphore(%run_scoped3A_173 : memref<!tpu.dma_semaphore, #tpu.memory_space<semaphore_mem>>) src(%arg16 : memref<128x128xf32, #tpu.memory_space<vmem>>) dst(%dma_wait3A_183 : memref<10240x128xf32, #tpu.memory_space<vmem_shared>>)
        tpu.yield
      }) : () -> ()
      %run_scoped3A_159 = arith.constant 1 : i32
      "tpu.region"() ({
        %run_scoped3A_173 = tpu.sem_alloc : memref<!tpu.dma_semaphore, #tpu.memory_space<semaphore_mem>>
        %dma_start3A = arith.constant 0 : i32
        %dma_start3A_174 = tpu.memref_slice %arg14[%run_scoped3A_159, %dma_start3A] : memref<8x128xi32, #tpu.memory_space<vmem>> -> memref<1x128xi32, #tpu.memory_space<vmem>>
        %dma_start3A_175 = tpu.memref_squeeze %dma_start3A_174 : memref<1x128xi32, #tpu.memory_space<vmem>> -> memref<128xi32, #tpu.memory_space<vmem>>
        %dma_start3A_176 = arith.constant 0 : i32
        %dma_start3A_177 = arith.constant 0 : i32
        %dma_start3A_178 = tpu.memref_slice %arg3[%dma_start3A_176, %dma_start3A_177] : memref<10240x128xf32, #tpu.memory_space<hbm>> -> memref<10240x128xf32, #tpu.memory_space<hbm>>
        tpu.enqueue_indirect_dma source(%dma_start3A_178 : memref<10240x128xf32, #tpu.memory_space<hbm>>) target(%arg16 : memref<128x128xf32, #tpu.memory_space<vmem>>) offsets(%dma_start3A_175 : memref<128xi32, #tpu.memory_space<vmem>>) semaphore(%run_scoped3A_173 : memref<!tpu.dma_semaphore, #tpu.memory_space<semaphore_mem>>)
        %dma_wait3A = arith.constant 0 : i32
        %dma_wait3A_179 = tpu.memref_slice %arg14[%run_scoped3A_159, %dma_wait3A] : memref<8x128xi32, #tpu.memory_space<vmem>> -> memref<1x128xi32, #tpu.memory_space<vmem>>
        %dma_wait3A_180 = tpu.memref_squeeze %dma_wait3A_179 : memref<1x128xi32, #tpu.memory_space<vmem>> -> memref<128xi32, #tpu.memory_space<vmem>>
        %dma_wait3A_181 = arith.constant 0 : i32
        %dma_wait3A_182 = arith.constant 0 : i32
        %dma_wait3A_183 = tpu.memref_slice %arg3[%dma_wait3A_181, %dma_wait3A_182] : memref<10240x128xf32, #tpu.memory_space<hbm>> -> memref<10240x128xf32, #tpu.memory_space<hbm>>
        tpu.wait_indirect_dma semaphore(%run_scoped3A_173 : memref<!tpu.dma_semaphore, #tpu.memory_space<semaphore_mem>>) src(%dma_wait3A_183 : memref<10240x128xf32, #tpu.memory_space<hbm>>) dst(%arg16 : memref<128x128xf32, #tpu.memory_space<vmem>>)
        tpu.yield
      }) : () -> ()
      %run_scoped3A_160 = arith.constant 1 : i32
      "tpu.region"() ({
        %run_scoped3A_173 = tpu.sem_alloc : memref<!tpu.dma_semaphore, #tpu.memory_space<semaphore_mem>>
        %dma_start3A = arith.constant 0 : i32
        %dma_start3A_174 = tpu.memref_slice %arg15[%run_scoped3A_160, %dma_start3A] : memref<8x128xi32, #tpu.memory_space<vmem>> -> memref<1x128xi32, #tpu.memory_space<vmem>>
        %dma_start3A_175 = tpu.memref_squeeze %dma_start3A_174 : memref<1x128xi32, #tpu.memory_space<vmem>> -> memref<128xi32, #tpu.memory_space<vmem>>
        %dma_start3A_176 = arith.constant 0 : i32
        %dma_start3A_177 = arith.constant 0 : i32
        %dma_start3A_178 = tpu.memref_slice %arg18[%dma_start3A_176, %dma_start3A_177] : memref<10240x128xf32, #tpu.memory_space<vmem_shared>> -> memref<10240x128xf32, #tpu.memory_space<vmem_shared>>
        tpu.enqueue_indirect_dma source(%arg16 : memref<128x128xf32, #tpu.memory_space<vmem>>) target(%dma_start3A_178 : memref<10240x128xf32, #tpu.memory_space<vmem_shared>>) offsets(%dma_start3A_175 : memref<128xi32, #tpu.memory_space<vmem>>) semaphore(%run_scoped3A_173 : memref<!tpu.dma_semaphore, #tpu.memory_space<semaphore_mem>>) {add = true}
        %dma_wait3A = arith.constant 0 : i32
        %dma_wait3A_179 = tpu.memref_slice %arg15[%run_scoped3A_160, %dma_wait3A] : memref<8x128xi32, #tpu.memory_space<vmem>> -> memref<1x128xi32, #tpu.memory_space<vmem>>
        %dma_wait3A_180 = tpu.memref_squeeze %dma_wait3A_179 : memref<1x128xi32, #tpu.memory_space<vmem>> -> memref<128xi32, #tpu.memory_space<vmem>>
        %dma_wait3A_181 = arith.constant 0 : i32
        %dma_wait3A_182 = arith.constant 0 : i32
        %dma_wait3A_183 = tpu.memref_slice %arg18[%dma_wait3A_181, %dma_wait3A_182] : memref<10240x128xf32, #tpu.memory_space<vmem_shared>> -> memref<10240x128xf32, #tpu.memory_space<vmem_shared>>
        tpu.wait_indirect_dma semaphore(%run_scoped3A_173 : memref<!tpu.dma_semaphore, #tpu.memory_space<semaphore_mem>>) src(%arg16 : memref<128x128xf32, #tpu.memory_space<vmem>>) dst(%dma_wait3A_183 : memref<10240x128xf32, #tpu.memory_space<vmem_shared>>)
        tpu.yield
      }) : () -> ()
      %run_scoped3A_161 = arith.constant 2 : i32
      "tpu.region"() ({
        %run_scoped3A_173 = tpu.sem_alloc : memref<!tpu.dma_semaphore, #tpu.memory_space<semaphore_mem>>
        %dma_start3A = arith.constant 0 : i32
        %dma_start3A_174 = tpu.memref_slice %arg14[%run_scoped3A_161, %dma_start3A] : memref<8x128xi32, #tpu.memory_space<vmem>> -> memref<1x128xi32, #tpu.memory_space<vmem>>
        %dma_start3A_175 = tpu.memref_squeeze %dma_start3A_174 : memref<1x128xi32, #tpu.memory_space<vmem>> -> memref<128xi32, #tpu.memory_space<vmem>>
        %dma_start3A_176 = arith.constant 0 : i32
        %dma_start3A_177 = arith.constant 0 : i32
        %dma_start3A_178 = tpu.memref_slice %arg3[%dma_start3A_176, %dma_start3A_177] : memref<10240x128xf32, #tpu.memory_space<hbm>> -> memref<10240x128xf32, #tpu.memory_space<hbm>>
        tpu.enqueue_indirect_dma source(%dma_start3A_178 : memref<10240x128xf32, #tpu.memory_space<hbm>>) target(%arg16 : memref<128x128xf32, #tpu.memory_space<vmem>>) offsets(%dma_start3A_175 : memref<128xi32, #tpu.memory_space<vmem>>) semaphore(%run_scoped3A_173 : memref<!tpu.dma_semaphore, #tpu.memory_space<semaphore_mem>>)
        %dma_wait3A = arith.constant 0 : i32
        %dma_wait3A_179 = tpu.memref_slice %arg14[%run_scoped3A_161, %dma_wait3A] : memref<8x128xi32, #tpu.memory_space<vmem>> -> memref<1x128xi32, #tpu.memory_space<vmem>>
        %dma_wait3A_180 = tpu.memref_squeeze %dma_wait3A_179 : memref<1x128xi32, #tpu.memory_space<vmem>> -> memref<128xi32, #tpu.memory_space<vmem>>
        %dma_wait3A_181 = arith.constant 0 : i32
        %dma_wait3A_182 = arith.constant 0 : i32
        %dma_wait3A_183 = tpu.memref_slice %arg3[%dma_wait3A_181, %dma_wait3A_182] : memref<10240x128xf32, #tpu.memory_space<hbm>> -> memref<10240x128xf32, #tpu.memory_space<hbm>>
        tpu.wait_indirect_dma semaphore(%run_scoped3A_173 : memref<!tpu.dma_semaphore, #tpu.memory_space<semaphore_mem>>) src(%dma_wait3A_183 : memref<10240x128xf32, #tpu.memory_space<hbm>>) dst(%arg16 : memref<128x128xf32, #tpu.memory_space<vmem>>)
        tpu.yield
      }) : () -> ()
      %run_scoped3A_162 = arith.constant 2 : i32
      "tpu.region"() ({
        %run_scoped3A_173 = tpu.sem_alloc : memref<!tpu.dma_semaphore, #tpu.memory_space<semaphore_mem>>
        %dma_start3A = arith.constant 0 : i32
        %dma_start3A_174 = tpu.memref_slice %arg15[%run_scoped3A_162, %dma_start3A] : memref<8x128xi32, #tpu.memory_space<vmem>> -> memref<1x128xi32, #tpu.memory_space<vmem>>
        %dma_start3A_175 = tpu.memref_squeeze %dma_start3A_174 : memref<1x128xi32, #tpu.memory_space<vmem>> -> memref<128xi32, #tpu.memory_space<vmem>>
        %dma_start3A_176 = arith.constant 0 : i32
        %dma_start3A_177 = arith.constant 0 : i32
        %dma_start3A_178 = tpu.memref_slice %arg18[%dma_start3A_176, %dma_start3A_177] : memref<10240x128xf32, #tpu.memory_space<vmem_shared>> -> memref<10240x128xf32, #tpu.memory_space<vmem_shared>>
        tpu.enqueue_indirect_dma source(%arg16 : memref<128x128xf32, #tpu.memory_space<vmem>>) target(%dma_start3A_178 : memref<10240x128xf32, #tpu.memory_space<vmem_shared>>) offsets(%dma_start3A_175 : memref<128xi32, #tpu.memory_space<vmem>>) semaphore(%run_scoped3A_173 : memref<!tpu.dma_semaphore, #tpu.memory_space<semaphore_mem>>) {add = true}
        %dma_wait3A = arith.constant 0 : i32
        %dma_wait3A_179 = tpu.memref_slice %arg15[%run_scoped3A_162, %dma_wait3A] : memref<8x128xi32, #tpu.memory_space<vmem>> -> memref<1x128xi32, #tpu.memory_space<vmem>>
        %dma_wait3A_180 = tpu.memref_squeeze %dma_wait3A_179 : memref<1x128xi32, #tpu.memory_space<vmem>> -> memref<128xi32, #tpu.memory_space<vmem>>
        %dma_wait3A_181 = arith.constant 0 : i32
        %dma_wait3A_182 = arith.constant 0 : i32
        %dma_wait3A_183 = tpu.memref_slice %arg18[%dma_wait3A_181, %dma_wait3A_182] : memref<10240x128xf32, #tpu.memory_space<vmem_shared>> -> memref<10240x128xf32, #tpu.memory_space<vmem_shared>>
        tpu.wait_indirect_dma semaphore(%run_scoped3A_173 : memref<!tpu.dma_semaphore, #tpu.memory_space<semaphore_mem>>) src(%arg16 : memref<128x128xf32, #tpu.memory_space<vmem>>) dst(%dma_wait3A_183 : memref<10240x128xf32, #tpu.memory_space<vmem_shared>>)
        tpu.yield
      }) : () -> ()
      %run_scoped3A_163 = arith.constant 3 : i32
      "tpu.region"() ({
        %run_scoped3A_173 = tpu.sem_alloc : memref<!tpu.dma_semaphore, #tpu.memory_space<semaphore_mem>>
        %dma_start3A = arith.constant 0 : i32
        %dma_start3A_174 = tpu.memref_slice %arg14[%run_scoped3A_163, %dma_start3A] : memref<8x128xi32, #tpu.memory_space<vmem>> -> memref<1x128xi32, #tpu.memory_space<vmem>>
        %dma_start3A_175 = tpu.memref_squeeze %dma_start3A_174 : memref<1x128xi32, #tpu.memory_space<vmem>> -> memref<128xi32, #tpu.memory_space<vmem>>
        %dma_start3A_176 = arith.constant 0 : i32
        %dma_start3A_177 = arith.constant 0 : i32
        %dma_start3A_178 = tpu.memref_slice %arg3[%dma_start3A_176, %dma_start3A_177] : memref<10240x128xf32, #tpu.memory_space<hbm>> -> memref<10240x128xf32, #tpu.memory_space<hbm>>
        tpu.enqueue_indirect_dma source(%dma_start3A_178 : memref<10240x128xf32, #tpu.memory_space<hbm>>) target(%arg16 : memref<128x128xf32, #tpu.memory_space<vmem>>) offsets(%dma_start3A_175 : memref<128xi32, #tpu.memory_space<vmem>>) semaphore(%run_scoped3A_173 : memref<!tpu.dma_semaphore, #tpu.memory_space<semaphore_mem>>)
        %dma_wait3A = arith.constant 0 : i32
        %dma_wait3A_179 = tpu.memref_slice %arg14[%run_scoped3A_163, %dma_wait3A] : memref<8x128xi32, #tpu.memory_space<vmem>> -> memref<1x128xi32, #tpu.memory_space<vmem>>
        %dma_wait3A_180 = tpu.memref_squeeze %dma_wait3A_179 : memref<1x128xi32, #tpu.memory_space<vmem>> -> memref<128xi32, #tpu.memory_space<vmem>>
        %dma_wait3A_181 = arith.constant 0 : i32
        %dma_wait3A_182 = arith.constant 0 : i32
        %dma_wait3A_183 = tpu.memref_slice %arg3[%dma_wait3A_181, %dma_wait3A_182] : memref<10240x128xf32, #tpu.memory_space<hbm>> -> memref<10240x128xf32, #tpu.memory_space<hbm>>
        tpu.wait_indirect_dma semaphore(%run_scoped3A_173 : memref<!tpu.dma_semaphore, #tpu.memory_space<semaphore_mem>>) src(%dma_wait3A_183 : memref<10240x128xf32, #tpu.memory_space<hbm>>) dst(%arg16 : memref<128x128xf32, #tpu.memory_space<vmem>>)
        tpu.yield
      }) : () -> ()
      %run_scoped3A_164 = arith.constant 3 : i32
      "tpu.region"() ({
        %run_scoped3A_173 = tpu.sem_alloc : memref<!tpu.dma_semaphore, #tpu.memory_space<semaphore_mem>>
        %dma_start3A = arith.constant 0 : i32
        %dma_start3A_174 = tpu.memref_slice %arg15[%run_scoped3A_164, %dma_start3A] : memref<8x128xi32, #tpu.memory_space<vmem>> -> memref<1x128xi32, #tpu.memory_space<vmem>>
        %dma_start3A_175 = tpu.memref_squeeze %dma_start3A_174 : memref<1x128xi32, #tpu.memory_space<vmem>> -> memref<128xi32, #tpu.memory_space<vmem>>
        %dma_start3A_176 = arith.constant 0 : i32
        %dma_start3A_177 = arith.constant 0 : i32
        %dma_start3A_178 = tpu.memref_slice %arg18[%dma_start3A_176, %dma_start3A_177] : memref<10240x128xf32, #tpu.memory_space<vmem_shared>> -> memref<10240x128xf32, #tpu.memory_space<vmem_shared>>
        tpu.enqueue_indirect_dma source(%arg16 : memref<128x128xf32, #tpu.memory_space<vmem>>) target(%dma_start3A_178 : memref<10240x128xf32, #tpu.memory_space<vmem_shared>>) offsets(%dma_start3A_175 : memref<128xi32, #tpu.memory_space<vmem>>) semaphore(%run_scoped3A_173 : memref<!tpu.dma_semaphore, #tpu.memory_space<semaphore_mem>>) {add = true}
        %dma_wait3A = arith.constant 0 : i32
        %dma_wait3A_179 = tpu.memref_slice %arg15[%run_scoped3A_164, %dma_wait3A] : memref<8x128xi32, #tpu.memory_space<vmem>> -> memref<1x128xi32, #tpu.memory_space<vmem>>
        %dma_wait3A_180 = tpu.memref_squeeze %dma_wait3A_179 : memref<1x128xi32, #tpu.memory_space<vmem>> -> memref<128xi32, #tpu.memory_space<vmem>>
        %dma_wait3A_181 = arith.constant 0 : i32
        %dma_wait3A_182 = arith.constant 0 : i32
        %dma_wait3A_183 = tpu.memref_slice %arg18[%dma_wait3A_181, %dma_wait3A_182] : memref<10240x128xf32, #tpu.memory_space<vmem_shared>> -> memref<10240x128xf32, #tpu.memory_space<vmem_shared>>
        tpu.wait_indirect_dma semaphore(%run_scoped3A_173 : memref<!tpu.dma_semaphore, #tpu.memory_space<semaphore_mem>>) src(%arg16 : memref<128x128xf32, #tpu.memory_space<vmem>>) dst(%dma_wait3A_183 : memref<10240x128xf32, #tpu.memory_space<vmem_shared>>)
        tpu.yield
      }) : () -> ()
      %run_scoped3A_165 = arith.constant 4 : i32
      "tpu.region"() ({
        %run_scoped3A_173 = tpu.sem_alloc : memref<!tpu.dma_semaphore, #tpu.memory_space<semaphore_mem>>
        %dma_start3A = arith.constant 0 : i32
        %dma_start3A_174 = tpu.memref_slice %arg14[%run_scoped3A_165, %dma_start3A] : memref<8x128xi32, #tpu.memory_space<vmem>> -> memref<1x128xi32, #tpu.memory_space<vmem>>
        %dma_start3A_175 = tpu.memref_squeeze %dma_start3A_174 : memref<1x128xi32, #tpu.memory_space<vmem>> -> memref<128xi32, #tpu.memory_space<vmem>>
        %dma_start3A_176 = arith.constant 0 : i32
        %dma_start3A_177 = arith.constant 0 : i32
        %dma_start3A_178 = tpu.memref_slice %arg3[%dma_start3A_176, %dma_start3A_177] : memref<10240x128xf32, #tpu.memory_space<hbm>> -> memref<10240x128xf32, #tpu.memory_space<hbm>>
        tpu.enqueue_indirect_dma source(%dma_start3A_178 : memref<10240x128xf32, #tpu.memory_space<hbm>>) target(%arg16 : memref<128x128xf32, #tpu.memory_space<vmem>>) offsets(%dma_start3A_175 : memref<128xi32, #tpu.memory_space<vmem>>) semaphore(%run_scoped3A_173 : memref<!tpu.dma_semaphore, #tpu.memory_space<semaphore_mem>>)
        %dma_wait3A = arith.constant 0 : i32
        %dma_wait3A_179 = tpu.memref_slice %arg14[%run_scoped3A_165, %dma_wait3A] : memref<8x128xi32, #tpu.memory_space<vmem>> -> memref<1x128xi32, #tpu.memory_space<vmem>>
        %dma_wait3A_180 = tpu.memref_squeeze %dma_wait3A_179 : memref<1x128xi32, #tpu.memory_space<vmem>> -> memref<128xi32, #tpu.memory_space<vmem>>
        %dma_wait3A_181 = arith.constant 0 : i32
        %dma_wait3A_182 = arith.constant 0 : i32
        %dma_wait3A_183 = tpu.memref_slice %arg3[%dma_wait3A_181, %dma_wait3A_182] : memref<10240x128xf32, #tpu.memory_space<hbm>> -> memref<10240x128xf32, #tpu.memory_space<hbm>>
        tpu.wait_indirect_dma semaphore(%run_scoped3A_173 : memref<!tpu.dma_semaphore, #tpu.memory_space<semaphore_mem>>) src(%dma_wait3A_183 : memref<10240x128xf32, #tpu.memory_space<hbm>>) dst(%arg16 : memref<128x128xf32, #tpu.memory_space<vmem>>)
        tpu.yield
      }) : () -> ()
      %run_scoped3A_166 = arith.constant 4 : i32
      "tpu.region"() ({
        %run_scoped3A_173 = tpu.sem_alloc : memref<!tpu.dma_semaphore, #tpu.memory_space<semaphore_mem>>
        %dma_start3A = arith.constant 0 : i32
        %dma_start3A_174 = tpu.memref_slice %arg15[%run_scoped3A_166, %dma_start3A] : memref<8x128xi32, #tpu.memory_space<vmem>> -> memref<1x128xi32, #tpu.memory_space<vmem>>
        %dma_start3A_175 = tpu.memref_squeeze %dma_start3A_174 : memref<1x128xi32, #tpu.memory_space<vmem>> -> memref<128xi32, #tpu.memory_space<vmem>>
        %dma_start3A_176 = arith.constant 0 : i32
        %dma_start3A_177 = arith.constant 0 : i32
        %dma_start3A_178 = tpu.memref_slice %arg18[%dma_start3A_176, %dma_start3A_177] : memref<10240x128xf32, #tpu.memory_space<vmem_shared>> -> memref<10240x128xf32, #tpu.memory_space<vmem_shared>>
        tpu.enqueue_indirect_dma source(%arg16 : memref<128x128xf32, #tpu.memory_space<vmem>>) target(%dma_start3A_178 : memref<10240x128xf32, #tpu.memory_space<vmem_shared>>) offsets(%dma_start3A_175 : memref<128xi32, #tpu.memory_space<vmem>>) semaphore(%run_scoped3A_173 : memref<!tpu.dma_semaphore, #tpu.memory_space<semaphore_mem>>) {add = true}
        %dma_wait3A = arith.constant 0 : i32
        %dma_wait3A_179 = tpu.memref_slice %arg15[%run_scoped3A_166, %dma_wait3A] : memref<8x128xi32, #tpu.memory_space<vmem>> -> memref<1x128xi32, #tpu.memory_space<vmem>>
        %dma_wait3A_180 = tpu.memref_squeeze %dma_wait3A_179 : memref<1x128xi32, #tpu.memory_space<vmem>> -> memref<128xi32, #tpu.memory_space<vmem>>
        %dma_wait3A_181 = arith.constant 0 : i32
        %dma_wait3A_182 = arith.constant 0 : i32
        %dma_wait3A_183 = tpu.memref_slice %arg18[%dma_wait3A_181, %dma_wait3A_182] : memref<10240x128xf32, #tpu.memory_space<vmem_shared>> -> memref<10240x128xf32, #tpu.memory_space<vmem_shared>>
        tpu.wait_indirect_dma semaphore(%run_scoped3A_173 : memref<!tpu.dma_semaphore, #tpu.memory_space<semaphore_mem>>) src(%arg16 : memref<128x128xf32, #tpu.memory_space<vmem>>) dst(%dma_wait3A_183 : memref<10240x128xf32, #tpu.memory_space<vmem_shared>>)
        tpu.yield
      }) : () -> ()
      %run_scoped3A_167 = arith.constant 5 : i32
      "tpu.region"() ({
        %run_scoped3A_173 = tpu.sem_alloc : memref<!tpu.dma_semaphore, #tpu.memory_space<semaphore_mem>>
        %dma_start3A = arith.constant 0 : i32
        %dma_start3A_174 = tpu.memref_slice %arg14[%run_scoped3A_167, %dma_start3A] : memref<8x128xi32, #tpu.memory_space<vmem>> -> memref<1x128xi32, #tpu.memory_space<vmem>>
        %dma_start3A_175 = tpu.memref_squeeze %dma_start3A_174 : memref<1x128xi32, #tpu.memory_space<vmem>> -> memref<128xi32, #tpu.memory_space<vmem>>
        %dma_start3A_176 = arith.constant 0 : i32
        %dma_start3A_177 = arith.constant 0 : i32
        %dma_start3A_178 = tpu.memref_slice %arg3[%dma_start3A_176, %dma_start3A_177] : memref<10240x128xf32, #tpu.memory_space<hbm>> -> memref<10240x128xf32, #tpu.memory_space<hbm>>
        tpu.enqueue_indirect_dma source(%dma_start3A_178 : memref<10240x128xf32, #tpu.memory_space<hbm>>) target(%arg16 : memref<128x128xf32, #tpu.memory_space<vmem>>) offsets(%dma_start3A_175 : memref<128xi32, #tpu.memory_space<vmem>>) semaphore(%run_scoped3A_173 : memref<!tpu.dma_semaphore, #tpu.memory_space<semaphore_mem>>)
        %dma_wait3A = arith.constant 0 : i32
        %dma_wait3A_179 = tpu.memref_slice %arg14[%run_scoped3A_167, %dma_wait3A] : memref<8x128xi32, #tpu.memory_space<vmem>> -> memref<1x128xi32, #tpu.memory_space<vmem>>
        %dma_wait3A_180 = tpu.memref_squeeze %dma_wait3A_179 : memref<1x128xi32, #tpu.memory_space<vmem>> -> memref<128xi32, #tpu.memory_space<vmem>>
        %dma_wait3A_181 = arith.constant 0 : i32
        %dma_wait3A_182 = arith.constant 0 : i32
        %dma_wait3A_183 = tpu.memref_slice %arg3[%dma_wait3A_181, %dma_wait3A_182] : memref<10240x128xf32, #tpu.memory_space<hbm>> -> memref<10240x128xf32, #tpu.memory_space<hbm>>
        tpu.wait_indirect_dma semaphore(%run_scoped3A_173 : memref<!tpu.dma_semaphore, #tpu.memory_space<semaphore_mem>>) src(%dma_wait3A_183 : memref<10240x128xf32, #tpu.memory_space<hbm>>) dst(%arg16 : memref<128x128xf32, #tpu.memory_space<vmem>>)
        tpu.yield
      }) : () -> ()
      %run_scoped3A_168 = arith.constant 5 : i32
      "tpu.region"() ({
        %run_scoped3A_173 = tpu.sem_alloc : memref<!tpu.dma_semaphore, #tpu.memory_space<semaphore_mem>>
        %dma_start3A = arith.constant 0 : i32
        %dma_start3A_174 = tpu.memref_slice %arg15[%run_scoped3A_168, %dma_start3A] : memref<8x128xi32, #tpu.memory_space<vmem>> -> memref<1x128xi32, #tpu.memory_space<vmem>>
        %dma_start3A_175 = tpu.memref_squeeze %dma_start3A_174 : memref<1x128xi32, #tpu.memory_space<vmem>> -> memref<128xi32, #tpu.memory_space<vmem>>
        %dma_start3A_176 = arith.constant 0 : i32
        %dma_start3A_177 = arith.constant 0 : i32
        %dma_start3A_178 = tpu.memref_slice %arg18[%dma_start3A_176, %dma_start3A_177] : memref<10240x128xf32, #tpu.memory_space<vmem_shared>> -> memref<10240x128xf32, #tpu.memory_space<vmem_shared>>
        tpu.enqueue_indirect_dma source(%arg16 : memref<128x128xf32, #tpu.memory_space<vmem>>) target(%dma_start3A_178 : memref<10240x128xf32, #tpu.memory_space<vmem_shared>>) offsets(%dma_start3A_175 : memref<128xi32, #tpu.memory_space<vmem>>) semaphore(%run_scoped3A_173 : memref<!tpu.dma_semaphore, #tpu.memory_space<semaphore_mem>>) {add = true}
        %dma_wait3A = arith.constant 0 : i32
        %dma_wait3A_179 = tpu.memref_slice %arg15[%run_scoped3A_168, %dma_wait3A] : memref<8x128xi32, #tpu.memory_space<vmem>> -> memref<1x128xi32, #tpu.memory_space<vmem>>
        %dma_wait3A_180 = tpu.memref_squeeze %dma_wait3A_179 : memref<1x128xi32, #tpu.memory_space<vmem>> -> memref<128xi32, #tpu.memory_space<vmem>>
        %dma_wait3A_181 = arith.constant 0 : i32
        %dma_wait3A_182 = arith.constant 0 : i32
        %dma_wait3A_183 = tpu.memref_slice %arg18[%dma_wait3A_181, %dma_wait3A_182] : memref<10240x128xf32, #tpu.memory_space<vmem_shared>> -> memref<10240x128xf32, #tpu.memory_space<vmem_shared>>
        tpu.wait_indirect_dma semaphore(%run_scoped3A_173 : memref<!tpu.dma_semaphore, #tpu.memory_space<semaphore_mem>>) src(%arg16 : memref<128x128xf32, #tpu.memory_space<vmem>>) dst(%dma_wait3A_183 : memref<10240x128xf32, #tpu.memory_space<vmem_shared>>)
        tpu.yield
      }) : () -> ()
      %run_scoped3A_169 = arith.constant 6 : i32
      "tpu.region"() ({
        %run_scoped3A_173 = tpu.sem_alloc : memref<!tpu.dma_semaphore, #tpu.memory_space<semaphore_mem>>
        %dma_start3A = arith.constant 0 : i32
        %dma_start3A_174 = tpu.memref_slice %arg14[%run_scoped3A_169, %dma_start3A] : memref<8x128xi32, #tpu.memory_space<vmem>> -> memref<1x128xi32, #tpu.memory_space<vmem>>
        %dma_start3A_175 = tpu.memref_squeeze %dma_start3A_174 : memref<1x128xi32, #tpu.memory_space<vmem>> -> memref<128xi32, #tpu.memory_space<vmem>>
        %dma_start3A_176 = arith.constant 0 : i32
        %dma_start3A_177 = arith.constant 0 : i32
        %dma_start3A_178 = tpu.memref_slice %arg3[%dma_start3A_176, %dma_start3A_177] : memref<10240x128xf32, #tpu.memory_space<hbm>> -> memref<10240x128xf32, #tpu.memory_space<hbm>>
        tpu.enqueue_indirect_dma source(%dma_start3A_178 : memref<10240x128xf32, #tpu.memory_space<hbm>>) target(%arg16 : memref<128x128xf32, #tpu.memory_space<vmem>>) offsets(%dma_start3A_175 : memref<128xi32, #tpu.memory_space<vmem>>) semaphore(%run_scoped3A_173 : memref<!tpu.dma_semaphore, #tpu.memory_space<semaphore_mem>>)
        %dma_wait3A = arith.constant 0 : i32
        %dma_wait3A_179 = tpu.memref_slice %arg14[%run_scoped3A_169, %dma_wait3A] : memref<8x128xi32, #tpu.memory_space<vmem>> -> memref<1x128xi32, #tpu.memory_space<vmem>>
        %dma_wait3A_180 = tpu.memref_squeeze %dma_wait3A_179 : memref<1x128xi32, #tpu.memory_space<vmem>> -> memref<128xi32, #tpu.memory_space<vmem>>
        %dma_wait3A_181 = arith.constant 0 : i32
        %dma_wait3A_182 = arith.constant 0 : i32
        %dma_wait3A_183 = tpu.memref_slice %arg3[%dma_wait3A_181, %dma_wait3A_182] : memref<10240x128xf32, #tpu.memory_space<hbm>> -> memref<10240x128xf32, #tpu.memory_space<hbm>>
        tpu.wait_indirect_dma semaphore(%run_scoped3A_173 : memref<!tpu.dma_semaphore, #tpu.memory_space<semaphore_mem>>) src(%dma_wait3A_183 : memref<10240x128xf32, #tpu.memory_space<hbm>>) dst(%arg16 : memref<128x128xf32, #tpu.memory_space<vmem>>)
        tpu.yield
      }) : () -> ()
      %run_scoped3A_170 = arith.constant 6 : i32
      "tpu.region"() ({
        %run_scoped3A_173 = tpu.sem_alloc : memref<!tpu.dma_semaphore, #tpu.memory_space<semaphore_mem>>
        %dma_start3A = arith.constant 0 : i32
        %dma_start3A_174 = tpu.memref_slice %arg15[%run_scoped3A_170, %dma_start3A] : memref<8x128xi32, #tpu.memory_space<vmem>> -> memref<1x128xi32, #tpu.memory_space<vmem>>
        %dma_start3A_175 = tpu.memref_squeeze %dma_start3A_174 : memref<1x128xi32, #tpu.memory_space<vmem>> -> memref<128xi32, #tpu.memory_space<vmem>>
        %dma_start3A_176 = arith.constant 0 : i32
        %dma_start3A_177 = arith.constant 0 : i32
        %dma_start3A_178 = tpu.memref_slice %arg18[%dma_start3A_176, %dma_start3A_177] : memref<10240x128xf32, #tpu.memory_space<vmem_shared>> -> memref<10240x128xf32, #tpu.memory_space<vmem_shared>>
        tpu.enqueue_indirect_dma source(%arg16 : memref<128x128xf32, #tpu.memory_space<vmem>>) target(%dma_start3A_178 : memref<10240x128xf32, #tpu.memory_space<vmem_shared>>) offsets(%dma_start3A_175 : memref<128xi32, #tpu.memory_space<vmem>>) semaphore(%run_scoped3A_173 : memref<!tpu.dma_semaphore, #tpu.memory_space<semaphore_mem>>) {add = true}
        %dma_wait3A = arith.constant 0 : i32
        %dma_wait3A_179 = tpu.memref_slice %arg15[%run_scoped3A_170, %dma_wait3A] : memref<8x128xi32, #tpu.memory_space<vmem>> -> memref<1x128xi32, #tpu.memory_space<vmem>>
        %dma_wait3A_180 = tpu.memref_squeeze %dma_wait3A_179 : memref<1x128xi32, #tpu.memory_space<vmem>> -> memref<128xi32, #tpu.memory_space<vmem>>
        %dma_wait3A_181 = arith.constant 0 : i32
        %dma_wait3A_182 = arith.constant 0 : i32
        %dma_wait3A_183 = tpu.memref_slice %arg18[%dma_wait3A_181, %dma_wait3A_182] : memref<10240x128xf32, #tpu.memory_space<vmem_shared>> -> memref<10240x128xf32, #tpu.memory_space<vmem_shared>>
        tpu.wait_indirect_dma semaphore(%run_scoped3A_173 : memref<!tpu.dma_semaphore, #tpu.memory_space<semaphore_mem>>) src(%arg16 : memref<128x128xf32, #tpu.memory_space<vmem>>) dst(%dma_wait3A_183 : memref<10240x128xf32, #tpu.memory_space<vmem_shared>>)
        tpu.yield
      }) : () -> ()
      %run_scoped3A_171 = arith.constant 7 : i32
      "tpu.region"() ({
        %run_scoped3A_173 = tpu.sem_alloc : memref<!tpu.dma_semaphore, #tpu.memory_space<semaphore_mem>>
        %dma_start3A = arith.constant 0 : i32
        %dma_start3A_174 = tpu.memref_slice %arg14[%run_scoped3A_171, %dma_start3A] : memref<8x128xi32, #tpu.memory_space<vmem>> -> memref<1x128xi32, #tpu.memory_space<vmem>>
        %dma_start3A_175 = tpu.memref_squeeze %dma_start3A_174 : memref<1x128xi32, #tpu.memory_space<vmem>> -> memref<128xi32, #tpu.memory_space<vmem>>
        %dma_start3A_176 = arith.constant 0 : i32
        %dma_start3A_177 = arith.constant 0 : i32
        %dma_start3A_178 = tpu.memref_slice %arg3[%dma_start3A_176, %dma_start3A_177] : memref<10240x128xf32, #tpu.memory_space<hbm>> -> memref<10240x128xf32, #tpu.memory_space<hbm>>
        tpu.enqueue_indirect_dma source(%dma_start3A_178 : memref<10240x128xf32, #tpu.memory_space<hbm>>) target(%arg16 : memref<128x128xf32, #tpu.memory_space<vmem>>) offsets(%dma_start3A_175 : memref<128xi32, #tpu.memory_space<vmem>>) semaphore(%run_scoped3A_173 : memref<!tpu.dma_semaphore, #tpu.memory_space<semaphore_mem>>)
        %dma_wait3A = arith.constant 0 : i32
        %dma_wait3A_179 = tpu.memref_slice %arg14[%run_scoped3A_171, %dma_wait3A] : memref<8x128xi32, #tpu.memory_space<vmem>> -> memref<1x128xi32, #tpu.memory_space<vmem>>
        %dma_wait3A_180 = tpu.memref_squeeze %dma_wait3A_179 : memref<1x128xi32, #tpu.memory_space<vmem>> -> memref<128xi32, #tpu.memory_space<vmem>>
        %dma_wait3A_181 = arith.constant 0 : i32
        %dma_wait3A_182 = arith.constant 0 : i32
        %dma_wait3A_183 = tpu.memref_slice %arg3[%dma_wait3A_181, %dma_wait3A_182] : memref<10240x128xf32, #tpu.memory_space<hbm>> -> memref<10240x128xf32, #tpu.memory_space<hbm>>
        tpu.wait_indirect_dma semaphore(%run_scoped3A_173 : memref<!tpu.dma_semaphore, #tpu.memory_space<semaphore_mem>>) src(%dma_wait3A_183 : memref<10240x128xf32, #tpu.memory_space<hbm>>) dst(%arg16 : memref<128x128xf32, #tpu.memory_space<vmem>>)
        tpu.yield
      }) : () -> ()
      %run_scoped3A_172 = arith.constant 7 : i32
      "tpu.region"() ({
        %run_scoped3A_173 = tpu.sem_alloc : memref<!tpu.dma_semaphore, #tpu.memory_space<semaphore_mem>>
        %dma_start3A = arith.constant 0 : i32
        %dma_start3A_174 = tpu.memref_slice %arg15[%run_scoped3A_172, %dma_start3A] : memref<8x128xi32, #tpu.memory_space<vmem>> -> memref<1x128xi32, #tpu.memory_space<vmem>>
        %dma_start3A_175 = tpu.memref_squeeze %dma_start3A_174 : memref<1x128xi32, #tpu.memory_space<vmem>> -> memref<128xi32, #tpu.memory_space<vmem>>
        %dma_start3A_176 = arith.constant 0 : i32
        %dma_start3A_177 = arith.constant 0 : i32
        %dma_start3A_178 = tpu.memref_slice %arg18[%dma_start3A_176, %dma_start3A_177] : memref<10240x128xf32, #tpu.memory_space<vmem_shared>> -> memref<10240x128xf32, #tpu.memory_space<vmem_shared>>
        tpu.enqueue_indirect_dma source(%arg16 : memref<128x128xf32, #tpu.memory_space<vmem>>) target(%dma_start3A_178 : memref<10240x128xf32, #tpu.memory_space<vmem_shared>>) offsets(%dma_start3A_175 : memref<128xi32, #tpu.memory_space<vmem>>) semaphore(%run_scoped3A_173 : memref<!tpu.dma_semaphore, #tpu.memory_space<semaphore_mem>>) {add = true}
        %dma_wait3A = arith.constant 0 : i32
        %dma_wait3A_179 = tpu.memref_slice %arg15[%run_scoped3A_172, %dma_wait3A] : memref<8x128xi32, #tpu.memory_space<vmem>> -> memref<1x128xi32, #tpu.memory_space<vmem>>
        %dma_wait3A_180 = tpu.memref_squeeze %dma_wait3A_179 : memref<1x128xi32, #tpu.memory_space<vmem>> -> memref<128xi32, #tpu.memory_space<vmem>>
        %dma_wait3A_181 = arith.constant 0 : i32
        %dma_wait3A_182 = arith.constant 0 : i32
        %dma_wait3A_183 = tpu.memref_slice %arg18[%dma_wait3A_181, %dma_wait3A_182] : memref<10240x128xf32, #tpu.memory_space<vmem_shared>> -> memref<10240x128xf32, #tpu.memory_space<vmem_shared>>
        tpu.wait_indirect_dma semaphore(%run_scoped3A_173 : memref<!tpu.dma_semaphore, #tpu.memory_space<semaphore_mem>>) src(%arg16 : memref<128x128xf32, #tpu.memory_space<vmem>>) dst(%dma_wait3A_183 : memref<10240x128xf32, #tpu.memory_space<vmem_shared>>)
        tpu.yield
      }) : () -> ()
    }
    %scan3A_93 = arith.constant 10 : i32
    %barrier3A_94 = arith.constant 0 : index
    tpu.barrier barrier_id(%barrier3A_94)
    %mul3A_95 = arith.constant 640 : i32
    %mul3A_96 = arith.muli %arg1, %mul3A_95 : i32
    %mul3A_97 = arith.constant 10240 : i32
    %mul3A_98 = arith.muli %arg0, %mul3A_97 : i32
    %mul3A_99 = arith.constant 640 : i32
    %mul3A_100 = arith.muli %arg1, %mul3A_99 : i32
    %add3A_101 = arith.addi %mul3A_98, %mul3A_100 : i32
    "tpu.region"() ({
      %run_scoped3A = tpu.sem_alloc : memref<!tpu.dma_semaphore, #tpu.memory_space<semaphore_mem>>
      %dma_start3A = arith.constant 0 : i32
      %dma_start3A_151 = tpu.memref_slice %arg12[%add3A_101, %dma_start3A] : memref<20480x128xf32, #tpu.memory_space<hbm>> -> memref<640x128xf32, #tpu.memory_space<hbm>>
      %dma_start3A_152 = arith.constant 0 : i32
      %dma_start3A_153 = tpu.memref_slice %arg18[%mul3A_96, %dma_start3A_152] : memref<10240x128xf32, #tpu.memory_space<vmem_shared>> -> memref<640x128xf32, #tpu.memory_space<vmem_shared>>
      tpu.enqueue_dma source(%dma_start3A_153 : memref<640x128xf32, #tpu.memory_space<vmem_shared>>) target(%dma_start3A_151 : memref<640x128xf32, #tpu.memory_space<hbm>>) target_semaphore(%run_scoped3A : memref<!tpu.dma_semaphore, #tpu.memory_space<semaphore_mem>>)
      %dma_wait3A = arith.constant 0 : i32
      %dma_wait3A_154 = tpu.memref_slice %arg12[%add3A_101, %dma_wait3A] : memref<20480x128xf32, #tpu.memory_space<hbm>> -> memref<640x128xf32, #tpu.memory_space<hbm>>
      %dma_wait3A_155 = arith.constant 0 : i32
      %dma_wait3A_156 = tpu.memref_slice %arg18[%mul3A_96, %dma_wait3A_155] : memref<10240x128xf32, #tpu.memory_space<vmem_shared>> -> memref<640x128xf32, #tpu.memory_space<vmem_shared>>
      tpu.wait_dma2 semaphore(%run_scoped3A : memref<!tpu.dma_semaphore, #tpu.memory_space<semaphore_mem>>) src(%dma_wait3A_156 : memref<640x128xf32, #tpu.memory_space<vmem_shared>>) dst(%dma_wait3A_154 : memref<640x128xf32, #tpu.memory_space<hbm>>)
      tpu.yield
    }) : () -> ()
    %barrier3A_102 = arith.constant 0 : index
    tpu.barrier barrier_id(%barrier3A_102)
    %mul3A_103 = arith.constant 640 : i32
    %mul3A_104 = arith.muli %arg1, %mul3A_103 : i32
    %add3A_105 = arith.constant 0 : i32
    %add3A_106 = arith.addi %mul3A_104, %add3A_105 : i32
    "tpu.region"() ({
      %run_scoped3A = tpu.sem_alloc : memref<!tpu.dma_semaphore, #tpu.memory_space<semaphore_mem>>
      %dma_start3A = arith.constant 0 : i32
      %dma_start3A_151 = tpu.memref_slice %arg18[%add3A_106, %dma_start3A] : memref<10240x128xf32, #tpu.memory_space<vmem_shared>> -> memref<80x128xf32, #tpu.memory_space<vmem_shared>>
      %dma_start3A_152 = arith.constant 0 : i32
      %dma_start3A_153 = tpu.memref_slice %arg18[%add3A_106, %dma_start3A_152] : memref<10240x128xf32, #tpu.memory_space<vmem_shared>> -> memref<80x128xf32, #tpu.memory_space<vmem_shared>>
      tpu.enqueue_dma source(%arg17 : memref<80x128xf32, #tpu.memory_space<vmem>>) target(%dma_start3A_153 : memref<80x128xf32, #tpu.memory_space<vmem_shared>>) target_semaphore(%run_scoped3A : memref<!tpu.dma_semaphore, #tpu.memory_space<semaphore_mem>>)
      %dma_wait3A = arith.constant 0 : i32
      %dma_wait3A_154 = tpu.memref_slice %arg18[%add3A_106, %dma_wait3A] : memref<10240x128xf32, #tpu.memory_space<vmem_shared>> -> memref<80x128xf32, #tpu.memory_space<vmem_shared>>
      %dma_wait3A_155 = arith.constant 0 : i32
      %dma_wait3A_156 = tpu.memref_slice %arg18[%add3A_106, %dma_wait3A_155] : memref<10240x128xf32, #tpu.memory_space<vmem_shared>> -> memref<80x128xf32, #tpu.memory_space<vmem_shared>>
      tpu.wait_dma2 semaphore(%run_scoped3A : memref<!tpu.dma_semaphore, #tpu.memory_space<semaphore_mem>>) src(%arg17 : memref<80x128xf32, #tpu.memory_space<vmem>>) dst(%dma_wait3A_156 : memref<80x128xf32, #tpu.memory_space<vmem_shared>>)
      tpu.yield
    }) : () -> ()
    %mul3A_107 = arith.constant 640 : i32
    %mul3A_108 = arith.muli %arg1, %mul3A_107 : i32
    %add3A_109 = arith.constant 80 : i32
    %add3A_110 = arith.addi %mul3A_108, %add3A_109 : i32
    "tpu.region"() ({
      %run_scoped3A = tpu.sem_alloc : memref<!tpu.dma_semaphore, #tpu.memory_space<semaphore_mem>>
      %dma_start3A = arith.constant 0 : i32
      %dma_start3A_151 = tpu.memref_slice %arg18[%add3A_110, %dma_start3A] : memref<10240x128xf32, #tpu.memory_space<vmem_shared>> -> memref<80x128xf32, #tpu.memory_space<vmem_shared>>
      %dma_start3A_152 = arith.constant 0 : i32
      %dma_start3A_153 = tpu.memref_slice %arg18[%add3A_110, %dma_start3A_152] : memref<10240x128xf32, #tpu.memory_space<vmem_shared>> -> memref<80x128xf32, #tpu.memory_space<vmem_shared>>
      tpu.enqueue_dma source(%arg17 : memref<80x128xf32, #tpu.memory_space<vmem>>) target(%dma_start3A_153 : memref<80x128xf32, #tpu.memory_space<vmem_shared>>) target_semaphore(%run_scoped3A : memref<!tpu.dma_semaphore, #tpu.memory_space<semaphore_mem>>)
      %dma_wait3A = arith.constant 0 : i32
      %dma_wait3A_154 = tpu.memref_slice %arg18[%add3A_110, %dma_wait3A] : memref<10240x128xf32, #tpu.memory_space<vmem_shared>> -> memref<80x128xf32, #tpu.memory_space<vmem_shared>>
      %dma_wait3A_155 = arith.constant 0 : i32
      %dma_wait3A_156 = tpu.memref_slice %arg18[%add3A_110, %dma_wait3A_155] : memref<10240x128xf32, #tpu.memory_space<vmem_shared>> -> memref<80x128xf32, #tpu.memory_space<vmem_shared>>
      tpu.wait_dma2 semaphore(%run_scoped3A : memref<!tpu.dma_semaphore, #tpu.memory_space<semaphore_mem>>) src(%arg17 : memref<80x128xf32, #tpu.memory_space<vmem>>) dst(%dma_wait3A_156 : memref<80x128xf32, #tpu.memory_space<vmem_shared>>)
      tpu.yield
    }) : () -> ()
    %mul3A_111 = arith.constant 640 : i32
    %mul3A_112 = arith.muli %arg1, %mul3A_111 : i32
    %add3A_113 = arith.constant 160 : i32
    %add3A_114 = arith.addi %mul3A_112, %add3A_113 : i32
    "tpu.region"() ({
      %run_scoped3A = tpu.sem_alloc : memref<!tpu.dma_semaphore, #tpu.memory_space<semaphore_mem>>
      %dma_start3A = arith.constant 0 : i32
      %dma_start3A_151 = tpu.memref_slice %arg18[%add3A_114, %dma_start3A] : memref<10240x128xf32, #tpu.memory_space<vmem_shared>> -> memref<80x128xf32, #tpu.memory_space<vmem_shared>>
      %dma_start3A_152 = arith.constant 0 : i32
      %dma_start3A_153 = tpu.memref_slice %arg18[%add3A_114, %dma_start3A_152] : memref<10240x128xf32, #tpu.memory_space<vmem_shared>> -> memref<80x128xf32, #tpu.memory_space<vmem_shared>>
      tpu.enqueue_dma source(%arg17 : memref<80x128xf32, #tpu.memory_space<vmem>>) target(%dma_start3A_153 : memref<80x128xf32, #tpu.memory_space<vmem_shared>>) target_semaphore(%run_scoped3A : memref<!tpu.dma_semaphore, #tpu.memory_space<semaphore_mem>>)
      %dma_wait3A = arith.constant 0 : i32
      %dma_wait3A_154 = tpu.memref_slice %arg18[%add3A_114, %dma_wait3A] : memref<10240x128xf32, #tpu.memory_space<vmem_shared>> -> memref<80x128xf32, #tpu.memory_space<vmem_shared>>
      %dma_wait3A_155 = arith.constant 0 : i32
      %dma_wait3A_156 = tpu.memref_slice %arg18[%add3A_114, %dma_wait3A_155] : memref<10240x128xf32, #tpu.memory_space<vmem_shared>> -> memref<80x128xf32, #tpu.memory_space<vmem_shared>>
      tpu.wait_dma2 semaphore(%run_scoped3A : memref<!tpu.dma_semaphore, #tpu.memory_space<semaphore_mem>>) src(%arg17 : memref<80x128xf32, #tpu.memory_space<vmem>>) dst(%dma_wait3A_156 : memref<80x128xf32, #tpu.memory_space<vmem_shared>>)
      tpu.yield
    }) : () -> ()
    %mul3A_115 = arith.constant 640 : i32
    %mul3A_116 = arith.muli %arg1, %mul3A_115 : i32
    %add3A_117 = arith.constant 240 : i32
    %add3A_118 = arith.addi %mul3A_116, %add3A_117 : i32
    "tpu.region"() ({
      %run_scoped3A = tpu.sem_alloc : memref<!tpu.dma_semaphore, #tpu.memory_space<semaphore_mem>>
      %dma_start3A = arith.constant 0 : i32
      %dma_start3A_151 = tpu.memref_slice %arg18[%add3A_118, %dma_start3A] : memref<10240x128xf32, #tpu.memory_space<vmem_shared>> -> memref<80x128xf32, #tpu.memory_space<vmem_shared>>
      %dma_start3A_152 = arith.constant 0 : i32
      %dma_start3A_153 = tpu.memref_slice %arg18[%add3A_118, %dma_start3A_152] : memref<10240x128xf32, #tpu.memory_space<vmem_shared>> -> memref<80x128xf32, #tpu.memory_space<vmem_shared>>
      tpu.enqueue_dma source(%arg17 : memref<80x128xf32, #tpu.memory_space<vmem>>) target(%dma_start3A_153 : memref<80x128xf32, #tpu.memory_space<vmem_shared>>) target_semaphore(%run_scoped3A : memref<!tpu.dma_semaphore, #tpu.memory_space<semaphore_mem>>)
      %dma_wait3A = arith.constant 0 : i32
      %dma_wait3A_154 = tpu.memref_slice %arg18[%add3A_118, %dma_wait3A] : memref<10240x128xf32, #tpu.memory_space<vmem_shared>> -> memref<80x128xf32, #tpu.memory_space<vmem_shared>>
      %dma_wait3A_155 = arith.constant 0 : i32
      %dma_wait3A_156 = tpu.memref_slice %arg18[%add3A_118, %dma_wait3A_155] : memref<10240x128xf32, #tpu.memory_space<vmem_shared>> -> memref<80x128xf32, #tpu.memory_space<vmem_shared>>
      tpu.wait_dma2 semaphore(%run_scoped3A : memref<!tpu.dma_semaphore, #tpu.memory_space<semaphore_mem>>) src(%arg17 : memref<80x128xf32, #tpu.memory_space<vmem>>) dst(%dma_wait3A_156 : memref<80x128xf32, #tpu.memory_space<vmem_shared>>)
      tpu.yield
    }) : () -> ()
    %mul3A_119 = arith.constant 640 : i32
    %mul3A_120 = arith.muli %arg1, %mul3A_119 : i32
    %add3A_121 = arith.constant 320 : i32
    %add3A_122 = arith.addi %mul3A_120, %add3A_121 : i32
    "tpu.region"() ({
      %run_scoped3A = tpu.sem_alloc : memref<!tpu.dma_semaphore, #tpu.memory_space<semaphore_mem>>
      %dma_start3A = arith.constant 0 : i32
      %dma_start3A_151 = tpu.memref_slice %arg18[%add3A_122, %dma_start3A] : memref<10240x128xf32, #tpu.memory_space<vmem_shared>> -> memref<80x128xf32, #tpu.memory_space<vmem_shared>>
      %dma_start3A_152 = arith.constant 0 : i32
      %dma_start3A_153 = tpu.memref_slice %arg18[%add3A_122, %dma_start3A_152] : memref<10240x128xf32, #tpu.memory_space<vmem_shared>> -> memref<80x128xf32, #tpu.memory_space<vmem_shared>>
      tpu.enqueue_dma source(%arg17 : memref<80x128xf32, #tpu.memory_space<vmem>>) target(%dma_start3A_153 : memref<80x128xf32, #tpu.memory_space<vmem_shared>>) target_semaphore(%run_scoped3A : memref<!tpu.dma_semaphore, #tpu.memory_space<semaphore_mem>>)
      %dma_wait3A = arith.constant 0 : i32
      %dma_wait3A_154 = tpu.memref_slice %arg18[%add3A_122, %dma_wait3A] : memref<10240x128xf32, #tpu.memory_space<vmem_shared>> -> memref<80x128xf32, #tpu.memory_space<vmem_shared>>
      %dma_wait3A_155 = arith.constant 0 : i32
      %dma_wait3A_156 = tpu.memref_slice %arg18[%add3A_122, %dma_wait3A_155] : memref<10240x128xf32, #tpu.memory_space<vmem_shared>> -> memref<80x128xf32, #tpu.memory_space<vmem_shared>>
      tpu.wait_dma2 semaphore(%run_scoped3A : memref<!tpu.dma_semaphore, #tpu.memory_space<semaphore_mem>>) src(%arg17 : memref<80x128xf32, #tpu.memory_space<vmem>>) dst(%dma_wait3A_156 : memref<80x128xf32, #tpu.memory_space<vmem_shared>>)
      tpu.yield
    }) : () -> ()
    %mul3A_123 = arith.constant 640 : i32
    %mul3A_124 = arith.muli %arg1, %mul3A_123 : i32
    %add3A_125 = arith.constant 400 : i32
    %add3A_126 = arith.addi %mul3A_124, %add3A_125 : i32
    "tpu.region"() ({
      %run_scoped3A = tpu.sem_alloc : memref<!tpu.dma_semaphore, #tpu.memory_space<semaphore_mem>>
      %dma_start3A = arith.constant 0 : i32
      %dma_start3A_151 = tpu.memref_slice %arg18[%add3A_126, %dma_start3A] : memref<10240x128xf32, #tpu.memory_space<vmem_shared>> -> memref<80x128xf32, #tpu.memory_space<vmem_shared>>
      %dma_start3A_152 = arith.constant 0 : i32
      %dma_start3A_153 = tpu.memref_slice %arg18[%add3A_126, %dma_start3A_152] : memref<10240x128xf32, #tpu.memory_space<vmem_shared>> -> memref<80x128xf32, #tpu.memory_space<vmem_shared>>
      tpu.enqueue_dma source(%arg17 : memref<80x128xf32, #tpu.memory_space<vmem>>) target(%dma_start3A_153 : memref<80x128xf32, #tpu.memory_space<vmem_shared>>) target_semaphore(%run_scoped3A : memref<!tpu.dma_semaphore, #tpu.memory_space<semaphore_mem>>)
      %dma_wait3A = arith.constant 0 : i32
      %dma_wait3A_154 = tpu.memref_slice %arg18[%add3A_126, %dma_wait3A] : memref<10240x128xf32, #tpu.memory_space<vmem_shared>> -> memref<80x128xf32, #tpu.memory_space<vmem_shared>>
      %dma_wait3A_155 = arith.constant 0 : i32
      %dma_wait3A_156 = tpu.memref_slice %arg18[%add3A_126, %dma_wait3A_155] : memref<10240x128xf32, #tpu.memory_space<vmem_shared>> -> memref<80x128xf32, #tpu.memory_space<vmem_shared>>
      tpu.wait_dma2 semaphore(%run_scoped3A : memref<!tpu.dma_semaphore, #tpu.memory_space<semaphore_mem>>) src(%arg17 : memref<80x128xf32, #tpu.memory_space<vmem>>) dst(%dma_wait3A_156 : memref<80x128xf32, #tpu.memory_space<vmem_shared>>)
      tpu.yield
    }) : () -> ()
    %mul3A_127 = arith.constant 640 : i32
    %mul3A_128 = arith.muli %arg1, %mul3A_127 : i32
    %add3A_129 = arith.constant 480 : i32
    %add3A_130 = arith.addi %mul3A_128, %add3A_129 : i32
    "tpu.region"() ({
      %run_scoped3A = tpu.sem_alloc : memref<!tpu.dma_semaphore, #tpu.memory_space<semaphore_mem>>
      %dma_start3A = arith.constant 0 : i32
      %dma_start3A_151 = tpu.memref_slice %arg18[%add3A_130, %dma_start3A] : memref<10240x128xf32, #tpu.memory_space<vmem_shared>> -> memref<80x128xf32, #tpu.memory_space<vmem_shared>>
      %dma_start3A_152 = arith.constant 0 : i32
      %dma_start3A_153 = tpu.memref_slice %arg18[%add3A_130, %dma_start3A_152] : memref<10240x128xf32, #tpu.memory_space<vmem_shared>> -> memref<80x128xf32, #tpu.memory_space<vmem_shared>>
      tpu.enqueue_dma source(%arg17 : memref<80x128xf32, #tpu.memory_space<vmem>>) target(%dma_start3A_153 : memref<80x128xf32, #tpu.memory_space<vmem_shared>>) target_semaphore(%run_scoped3A : memref<!tpu.dma_semaphore, #tpu.memory_space<semaphore_mem>>)
      %dma_wait3A = arith.constant 0 : i32
      %dma_wait3A_154 = tpu.memref_slice %arg18[%add3A_130, %dma_wait3A] : memref<10240x128xf32, #tpu.memory_space<vmem_shared>> -> memref<80x128xf32, #tpu.memory_space<vmem_shared>>
      %dma_wait3A_155 = arith.constant 0 : i32
      %dma_wait3A_156 = tpu.memref_slice %arg18[%add3A_130, %dma_wait3A_155] : memref<10240x128xf32, #tpu.memory_space<vmem_shared>> -> memref<80x128xf32, #tpu.memory_space<vmem_shared>>
      tpu.wait_dma2 semaphore(%run_scoped3A : memref<!tpu.dma_semaphore, #tpu.memory_space<semaphore_mem>>) src(%arg17 : memref<80x128xf32, #tpu.memory_space<vmem>>) dst(%dma_wait3A_156 : memref<80x128xf32, #tpu.memory_space<vmem_shared>>)
      tpu.yield
    }) : () -> ()
    %mul3A_131 = arith.constant 640 : i32
    %mul3A_132 = arith.muli %arg1, %mul3A_131 : i32
    %add3A_133 = arith.constant 560 : i32
    %add3A_134 = arith.addi %mul3A_132, %add3A_133 : i32
    "tpu.region"() ({
      %run_scoped3A = tpu.sem_alloc : memref<!tpu.dma_semaphore, #tpu.memory_space<semaphore_mem>>
      %dma_start3A = arith.constant 0 : i32
      %dma_start3A_151 = tpu.memref_slice %arg18[%add3A_134, %dma_start3A] : memref<10240x128xf32, #tpu.memory_space<vmem_shared>> -> memref<80x128xf32, #tpu.memory_space<vmem_shared>>
      %dma_start3A_152 = arith.constant 0 : i32
      %dma_start3A_153 = tpu.memref_slice %arg18[%add3A_134, %dma_start3A_152] : memref<10240x128xf32, #tpu.memory_space<vmem_shared>> -> memref<80x128xf32, #tpu.memory_space<vmem_shared>>
      tpu.enqueue_dma source(%arg17 : memref<80x128xf32, #tpu.memory_space<vmem>>) target(%dma_start3A_153 : memref<80x128xf32, #tpu.memory_space<vmem_shared>>) target_semaphore(%run_scoped3A : memref<!tpu.dma_semaphore, #tpu.memory_space<semaphore_mem>>)
      %dma_wait3A = arith.constant 0 : i32
      %dma_wait3A_154 = tpu.memref_slice %arg18[%add3A_134, %dma_wait3A] : memref<10240x128xf32, #tpu.memory_space<vmem_shared>> -> memref<80x128xf32, #tpu.memory_space<vmem_shared>>
      %dma_wait3A_155 = arith.constant 0 : i32
      %dma_wait3A_156 = tpu.memref_slice %arg18[%add3A_134, %dma_wait3A_155] : memref<10240x128xf32, #tpu.memory_space<vmem_shared>> -> memref<80x128xf32, #tpu.memory_space<vmem_shared>>
      tpu.wait_dma2 semaphore(%run_scoped3A : memref<!tpu.dma_semaphore, #tpu.memory_space<semaphore_mem>>) src(%arg17 : memref<80x128xf32, #tpu.memory_space<vmem>>) dst(%dma_wait3A_156 : memref<80x128xf32, #tpu.memory_space<vmem_shared>>)
      tpu.yield
    }) : () -> ()
    %barrier3A_135 = arith.constant 0 : index
    tpu.barrier barrier_id(%barrier3A_135)
    %scan3A_136 = arith.constant 0 : i32
    %scan3A_137 = arith.constant 0 : i32
    %scan3A_138 = arith.constant 10 : i32
    %scan3A_139 = arith.addi %scan3A_137, %scan3A_138 : i32
    %scan3A_140 = arith.constant 1 : i32
    scf.for %scan3A_151 = %scan3A_137 to %scan3A_139 step %scan3A_140  : i32 {
      %mul3A_152 = arith.constant 8 : i32
      %mul3A_153 = arith.muli %scan3A_151, %mul3A_152 : i32
      %add3A_154 = arith.addi %mul3A_7, %mul3A_153 : i32
      "tpu.region"() ({
        %run_scoped3A_173 = tpu.sem_alloc : memref<!tpu.dma_semaphore, #tpu.memory_space<semaphore_mem>>
        %dma_start3A = arith.constant 0 : i32
        %dma_start3A_174 = tpu.memref_slice %arg9[%add3A_154, %dma_start3A] : memref<2560x128xi32, #tpu.memory_space<hbm>> -> memref<8x128xi32, #tpu.memory_space<hbm>>
        %dma_start3A_175 = arith.constant 0 : i32
        %dma_start3A_176 = tpu.memref_slice %arg9[%add3A_154, %dma_start3A_175] : memref<2560x128xi32, #tpu.memory_space<hbm>> -> memref<8x128xi32, #tpu.memory_space<hbm>>
        tpu.enqueue_dma source(%dma_start3A_176 : memref<8x128xi32, #tpu.memory_space<hbm>>) target(%arg14 : memref<8x128xi32, #tpu.memory_space<vmem>>) target_semaphore(%run_scoped3A_173 : memref<!tpu.dma_semaphore, #tpu.memory_space<semaphore_mem>>)
        %dma_wait3A = arith.constant 0 : i32
        %dma_wait3A_177 = tpu.memref_slice %arg9[%add3A_154, %dma_wait3A] : memref<2560x128xi32, #tpu.memory_space<hbm>> -> memref<8x128xi32, #tpu.memory_space<hbm>>
        %dma_wait3A_178 = arith.constant 0 : i32
        %dma_wait3A_179 = tpu.memref_slice %arg9[%add3A_154, %dma_wait3A_178] : memref<2560x128xi32, #tpu.memory_space<hbm>> -> memref<8x128xi32, #tpu.memory_space<hbm>>
        tpu.wait_dma2 semaphore(%run_scoped3A_173 : memref<!tpu.dma_semaphore, #tpu.memory_space<semaphore_mem>>) src(%dma_wait3A_179 : memref<8x128xi32, #tpu.memory_space<hbm>>) dst(%arg14 : memref<8x128xi32, #tpu.memory_space<vmem>>)
        tpu.yield
      }) : () -> ()
      %mul3A_155 = arith.constant 8 : i32
      %mul3A_156 = arith.muli %scan3A_151, %mul3A_155 : i32
      %add3A_157 = arith.addi %mul3A_7, %mul3A_156 : i32
      "tpu.region"() ({
        %run_scoped3A_173 = tpu.sem_alloc : memref<!tpu.dma_semaphore, #tpu.memory_space<semaphore_mem>>
        %dma_start3A = arith.constant 0 : i32
        %dma_start3A_174 = tpu.memref_slice %arg10[%add3A_157, %dma_start3A] : memref<2560x128xi32, #tpu.memory_space<hbm>> -> memref<8x128xi32, #tpu.memory_space<hbm>>
        %dma_start3A_175 = arith.constant 0 : i32
        %dma_start3A_176 = tpu.memref_slice %arg10[%add3A_157, %dma_start3A_175] : memref<2560x128xi32, #tpu.memory_space<hbm>> -> memref<8x128xi32, #tpu.memory_space<hbm>>
        tpu.enqueue_dma source(%dma_start3A_176 : memref<8x128xi32, #tpu.memory_space<hbm>>) target(%arg15 : memref<8x128xi32, #tpu.memory_space<vmem>>) target_semaphore(%run_scoped3A_173 : memref<!tpu.dma_semaphore, #tpu.memory_space<semaphore_mem>>)
        %dma_wait3A = arith.constant 0 : i32
        %dma_wait3A_177 = tpu.memref_slice %arg10[%add3A_157, %dma_wait3A] : memref<2560x128xi32, #tpu.memory_space<hbm>> -> memref<8x128xi32, #tpu.memory_space<hbm>>
        %dma_wait3A_178 = arith.constant 0 : i32
        %dma_wait3A_179 = tpu.memref_slice %arg10[%add3A_157, %dma_wait3A_178] : memref<2560x128xi32, #tpu.memory_space<hbm>> -> memref<8x128xi32, #tpu.memory_space<hbm>>
        tpu.wait_dma2 semaphore(%run_scoped3A_173 : memref<!tpu.dma_semaphore, #tpu.memory_space<semaphore_mem>>) src(%dma_wait3A_179 : memref<8x128xi32, #tpu.memory_space<hbm>>) dst(%arg15 : memref<8x128xi32, #tpu.memory_space<vmem>>)
        tpu.yield
      }) : () -> ()
      %run_scoped3A = arith.constant 0 : i32
      "tpu.region"() ({
        %run_scoped3A_173 = tpu.sem_alloc : memref<!tpu.dma_semaphore, #tpu.memory_space<semaphore_mem>>
        %dma_start3A = arith.constant 0 : i32
        %dma_start3A_174 = tpu.memref_slice %arg14[%run_scoped3A, %dma_start3A] : memref<8x128xi32, #tpu.memory_space<vmem>> -> memref<1x128xi32, #tpu.memory_space<vmem>>
        %dma_start3A_175 = tpu.memref_squeeze %dma_start3A_174 : memref<1x128xi32, #tpu.memory_space<vmem>> -> memref<128xi32, #tpu.memory_space<vmem>>
        %dma_start3A_176 = arith.constant 0 : i32
        %dma_start3A_177 = arith.constant 0 : i32
        %dma_start3A_178 = tpu.memref_slice %arg4[%dma_start3A_176, %dma_start3A_177] : memref<10240x128xf32, #tpu.memory_space<hbm>> -> memref<10240x128xf32, #tpu.memory_space<hbm>>
        tpu.enqueue_indirect_dma source(%dma_start3A_178 : memref<10240x128xf32, #tpu.memory_space<hbm>>) target(%arg16 : memref<128x128xf32, #tpu.memory_space<vmem>>) offsets(%dma_start3A_175 : memref<128xi32, #tpu.memory_space<vmem>>) semaphore(%run_scoped3A_173 : memref<!tpu.dma_semaphore, #tpu.memory_space<semaphore_mem>>)
        %dma_wait3A = arith.constant 0 : i32
        %dma_wait3A_179 = tpu.memref_slice %arg14[%run_scoped3A, %dma_wait3A] : memref<8x128xi32, #tpu.memory_space<vmem>> -> memref<1x128xi32, #tpu.memory_space<vmem>>
        %dma_wait3A_180 = tpu.memref_squeeze %dma_wait3A_179 : memref<1x128xi32, #tpu.memory_space<vmem>> -> memref<128xi32, #tpu.memory_space<vmem>>
        %dma_wait3A_181 = arith.constant 0 : i32
        %dma_wait3A_182 = arith.constant 0 : i32
        %dma_wait3A_183 = tpu.memref_slice %arg4[%dma_wait3A_181, %dma_wait3A_182] : memref<10240x128xf32, #tpu.memory_space<hbm>> -> memref<10240x128xf32, #tpu.memory_space<hbm>>
        tpu.wait_indirect_dma semaphore(%run_scoped3A_173 : memref<!tpu.dma_semaphore, #tpu.memory_space<semaphore_mem>>) src(%dma_wait3A_183 : memref<10240x128xf32, #tpu.memory_space<hbm>>) dst(%arg16 : memref<128x128xf32, #tpu.memory_space<vmem>>)
        tpu.yield
      }) : () -> ()
      %run_scoped3A_158 = arith.constant 0 : i32
      "tpu.region"() ({
        %run_scoped3A_173 = tpu.sem_alloc : memref<!tpu.dma_semaphore, #tpu.memory_space<semaphore_mem>>
        %dma_start3A = arith.constant 0 : i32
        %dma_start3A_174 = tpu.memref_slice %arg15[%run_scoped3A_158, %dma_start3A] : memref<8x128xi32, #tpu.memory_space<vmem>> -> memref<1x128xi32, #tpu.memory_space<vmem>>
        %dma_start3A_175 = tpu.memref_squeeze %dma_start3A_174 : memref<1x128xi32, #tpu.memory_space<vmem>> -> memref<128xi32, #tpu.memory_space<vmem>>
        %dma_start3A_176 = arith.constant 0 : i32
        %dma_start3A_177 = arith.constant 0 : i32
        %dma_start3A_178 = tpu.memref_slice %arg18[%dma_start3A_176, %dma_start3A_177] : memref<10240x128xf32, #tpu.memory_space<vmem_shared>> -> memref<10240x128xf32, #tpu.memory_space<vmem_shared>>
        tpu.enqueue_indirect_dma source(%arg16 : memref<128x128xf32, #tpu.memory_space<vmem>>) target(%dma_start3A_178 : memref<10240x128xf32, #tpu.memory_space<vmem_shared>>) offsets(%dma_start3A_175 : memref<128xi32, #tpu.memory_space<vmem>>) semaphore(%run_scoped3A_173 : memref<!tpu.dma_semaphore, #tpu.memory_space<semaphore_mem>>) {add = true}
        %dma_wait3A = arith.constant 0 : i32
        %dma_wait3A_179 = tpu.memref_slice %arg15[%run_scoped3A_158, %dma_wait3A] : memref<8x128xi32, #tpu.memory_space<vmem>> -> memref<1x128xi32, #tpu.memory_space<vmem>>
        %dma_wait3A_180 = tpu.memref_squeeze %dma_wait3A_179 : memref<1x128xi32, #tpu.memory_space<vmem>> -> memref<128xi32, #tpu.memory_space<vmem>>
        %dma_wait3A_181 = arith.constant 0 : i32
        %dma_wait3A_182 = arith.constant 0 : i32
        %dma_wait3A_183 = tpu.memref_slice %arg18[%dma_wait3A_181, %dma_wait3A_182] : memref<10240x128xf32, #tpu.memory_space<vmem_shared>> -> memref<10240x128xf32, #tpu.memory_space<vmem_shared>>
        tpu.wait_indirect_dma semaphore(%run_scoped3A_173 : memref<!tpu.dma_semaphore, #tpu.memory_space<semaphore_mem>>) src(%arg16 : memref<128x128xf32, #tpu.memory_space<vmem>>) dst(%dma_wait3A_183 : memref<10240x128xf32, #tpu.memory_space<vmem_shared>>)
        tpu.yield
      }) : () -> ()
      %run_scoped3A_159 = arith.constant 1 : i32
      "tpu.region"() ({
        %run_scoped3A_173 = tpu.sem_alloc : memref<!tpu.dma_semaphore, #tpu.memory_space<semaphore_mem>>
        %dma_start3A = arith.constant 0 : i32
        %dma_start3A_174 = tpu.memref_slice %arg14[%run_scoped3A_159, %dma_start3A] : memref<8x128xi32, #tpu.memory_space<vmem>> -> memref<1x128xi32, #tpu.memory_space<vmem>>
        %dma_start3A_175 = tpu.memref_squeeze %dma_start3A_174 : memref<1x128xi32, #tpu.memory_space<vmem>> -> memref<128xi32, #tpu.memory_space<vmem>>
        %dma_start3A_176 = arith.constant 0 : i32
        %dma_start3A_177 = arith.constant 0 : i32
        %dma_start3A_178 = tpu.memref_slice %arg4[%dma_start3A_176, %dma_start3A_177] : memref<10240x128xf32, #tpu.memory_space<hbm>> -> memref<10240x128xf32, #tpu.memory_space<hbm>>
        tpu.enqueue_indirect_dma source(%dma_start3A_178 : memref<10240x128xf32, #tpu.memory_space<hbm>>) target(%arg16 : memref<128x128xf32, #tpu.memory_space<vmem>>) offsets(%dma_start3A_175 : memref<128xi32, #tpu.memory_space<vmem>>) semaphore(%run_scoped3A_173 : memref<!tpu.dma_semaphore, #tpu.memory_space<semaphore_mem>>)
        %dma_wait3A = arith.constant 0 : i32
        %dma_wait3A_179 = tpu.memref_slice %arg14[%run_scoped3A_159, %dma_wait3A] : memref<8x128xi32, #tpu.memory_space<vmem>> -> memref<1x128xi32, #tpu.memory_space<vmem>>
        %dma_wait3A_180 = tpu.memref_squeeze %dma_wait3A_179 : memref<1x128xi32, #tpu.memory_space<vmem>> -> memref<128xi32, #tpu.memory_space<vmem>>
        %dma_wait3A_181 = arith.constant 0 : i32
        %dma_wait3A_182 = arith.constant 0 : i32
        %dma_wait3A_183 = tpu.memref_slice %arg4[%dma_wait3A_181, %dma_wait3A_182] : memref<10240x128xf32, #tpu.memory_space<hbm>> -> memref<10240x128xf32, #tpu.memory_space<hbm>>
        tpu.wait_indirect_dma semaphore(%run_scoped3A_173 : memref<!tpu.dma_semaphore, #tpu.memory_space<semaphore_mem>>) src(%dma_wait3A_183 : memref<10240x128xf32, #tpu.memory_space<hbm>>) dst(%arg16 : memref<128x128xf32, #tpu.memory_space<vmem>>)
        tpu.yield
      }) : () -> ()
      %run_scoped3A_160 = arith.constant 1 : i32
      "tpu.region"() ({
        %run_scoped3A_173 = tpu.sem_alloc : memref<!tpu.dma_semaphore, #tpu.memory_space<semaphore_mem>>
        %dma_start3A = arith.constant 0 : i32
        %dma_start3A_174 = tpu.memref_slice %arg15[%run_scoped3A_160, %dma_start3A] : memref<8x128xi32, #tpu.memory_space<vmem>> -> memref<1x128xi32, #tpu.memory_space<vmem>>
        %dma_start3A_175 = tpu.memref_squeeze %dma_start3A_174 : memref<1x128xi32, #tpu.memory_space<vmem>> -> memref<128xi32, #tpu.memory_space<vmem>>
        %dma_start3A_176 = arith.constant 0 : i32
        %dma_start3A_177 = arith.constant 0 : i32
        %dma_start3A_178 = tpu.memref_slice %arg18[%dma_start3A_176, %dma_start3A_177] : memref<10240x128xf32, #tpu.memory_space<vmem_shared>> -> memref<10240x128xf32, #tpu.memory_space<vmem_shared>>
        tpu.enqueue_indirect_dma source(%arg16 : memref<128x128xf32, #tpu.memory_space<vmem>>) target(%dma_start3A_178 : memref<10240x128xf32, #tpu.memory_space<vmem_shared>>) offsets(%dma_start3A_175 : memref<128xi32, #tpu.memory_space<vmem>>) semaphore(%run_scoped3A_173 : memref<!tpu.dma_semaphore, #tpu.memory_space<semaphore_mem>>) {add = true}
        %dma_wait3A = arith.constant 0 : i32
        %dma_wait3A_179 = tpu.memref_slice %arg15[%run_scoped3A_160, %dma_wait3A] : memref<8x128xi32, #tpu.memory_space<vmem>> -> memref<1x128xi32, #tpu.memory_space<vmem>>
        %dma_wait3A_180 = tpu.memref_squeeze %dma_wait3A_179 : memref<1x128xi32, #tpu.memory_space<vmem>> -> memref<128xi32, #tpu.memory_space<vmem>>
        %dma_wait3A_181 = arith.constant 0 : i32
        %dma_wait3A_182 = arith.constant 0 : i32
        %dma_wait3A_183 = tpu.memref_slice %arg18[%dma_wait3A_181, %dma_wait3A_182] : memref<10240x128xf32, #tpu.memory_space<vmem_shared>> -> memref<10240x128xf32, #tpu.memory_space<vmem_shared>>
        tpu.wait_indirect_dma semaphore(%run_scoped3A_173 : memref<!tpu.dma_semaphore, #tpu.memory_space<semaphore_mem>>) src(%arg16 : memref<128x128xf32, #tpu.memory_space<vmem>>) dst(%dma_wait3A_183 : memref<10240x128xf32, #tpu.memory_space<vmem_shared>>)
        tpu.yield
      }) : () -> ()
      %run_scoped3A_161 = arith.constant 2 : i32
      "tpu.region"() ({
        %run_scoped3A_173 = tpu.sem_alloc : memref<!tpu.dma_semaphore, #tpu.memory_space<semaphore_mem>>
        %dma_start3A = arith.constant 0 : i32
        %dma_start3A_174 = tpu.memref_slice %arg14[%run_scoped3A_161, %dma_start3A] : memref<8x128xi32, #tpu.memory_space<vmem>> -> memref<1x128xi32, #tpu.memory_space<vmem>>
        %dma_start3A_175 = tpu.memref_squeeze %dma_start3A_174 : memref<1x128xi32, #tpu.memory_space<vmem>> -> memref<128xi32, #tpu.memory_space<vmem>>
        %dma_start3A_176 = arith.constant 0 : i32
        %dma_start3A_177 = arith.constant 0 : i32
        %dma_start3A_178 = tpu.memref_slice %arg4[%dma_start3A_176, %dma_start3A_177] : memref<10240x128xf32, #tpu.memory_space<hbm>> -> memref<10240x128xf32, #tpu.memory_space<hbm>>
        tpu.enqueue_indirect_dma source(%dma_start3A_178 : memref<10240x128xf32, #tpu.memory_space<hbm>>) target(%arg16 : memref<128x128xf32, #tpu.memory_space<vmem>>) offsets(%dma_start3A_175 : memref<128xi32, #tpu.memory_space<vmem>>) semaphore(%run_scoped3A_173 : memref<!tpu.dma_semaphore, #tpu.memory_space<semaphore_mem>>)
        %dma_wait3A = arith.constant 0 : i32
        %dma_wait3A_179 = tpu.memref_slice %arg14[%run_scoped3A_161, %dma_wait3A] : memref<8x128xi32, #tpu.memory_space<vmem>> -> memref<1x128xi32, #tpu.memory_space<vmem>>
        %dma_wait3A_180 = tpu.memref_squeeze %dma_wait3A_179 : memref<1x128xi32, #tpu.memory_space<vmem>> -> memref<128xi32, #tpu.memory_space<vmem>>
        %dma_wait3A_181 = arith.constant 0 : i32
        %dma_wait3A_182 = arith.constant 0 : i32
        %dma_wait3A_183 = tpu.memref_slice %arg4[%dma_wait3A_181, %dma_wait3A_182] : memref<10240x128xf32, #tpu.memory_space<hbm>> -> memref<10240x128xf32, #tpu.memory_space<hbm>>
        tpu.wait_indirect_dma semaphore(%run_scoped3A_173 : memref<!tpu.dma_semaphore, #tpu.memory_space<semaphore_mem>>) src(%dma_wait3A_183 : memref<10240x128xf32, #tpu.memory_space<hbm>>) dst(%arg16 : memref<128x128xf32, #tpu.memory_space<vmem>>)
        tpu.yield
      }) : () -> ()
      %run_scoped3A_162 = arith.constant 2 : i32
      "tpu.region"() ({
        %run_scoped3A_173 = tpu.sem_alloc : memref<!tpu.dma_semaphore, #tpu.memory_space<semaphore_mem>>
        %dma_start3A = arith.constant 0 : i32
        %dma_start3A_174 = tpu.memref_slice %arg15[%run_scoped3A_162, %dma_start3A] : memref<8x128xi32, #tpu.memory_space<vmem>> -> memref<1x128xi32, #tpu.memory_space<vmem>>
        %dma_start3A_175 = tpu.memref_squeeze %dma_start3A_174 : memref<1x128xi32, #tpu.memory_space<vmem>> -> memref<128xi32, #tpu.memory_space<vmem>>
        %dma_start3A_176 = arith.constant 0 : i32
        %dma_start3A_177 = arith.constant 0 : i32
        %dma_start3A_178 = tpu.memref_slice %arg18[%dma_start3A_176, %dma_start3A_177] : memref<10240x128xf32, #tpu.memory_space<vmem_shared>> -> memref<10240x128xf32, #tpu.memory_space<vmem_shared>>
        tpu.enqueue_indirect_dma source(%arg16 : memref<128x128xf32, #tpu.memory_space<vmem>>) target(%dma_start3A_178 : memref<10240x128xf32, #tpu.memory_space<vmem_shared>>) offsets(%dma_start3A_175 : memref<128xi32, #tpu.memory_space<vmem>>) semaphore(%run_scoped3A_173 : memref<!tpu.dma_semaphore, #tpu.memory_space<semaphore_mem>>) {add = true}
        %dma_wait3A = arith.constant 0 : i32
        %dma_wait3A_179 = tpu.memref_slice %arg15[%run_scoped3A_162, %dma_wait3A] : memref<8x128xi32, #tpu.memory_space<vmem>> -> memref<1x128xi32, #tpu.memory_space<vmem>>
        %dma_wait3A_180 = tpu.memref_squeeze %dma_wait3A_179 : memref<1x128xi32, #tpu.memory_space<vmem>> -> memref<128xi32, #tpu.memory_space<vmem>>
        %dma_wait3A_181 = arith.constant 0 : i32
        %dma_wait3A_182 = arith.constant 0 : i32
        %dma_wait3A_183 = tpu.memref_slice %arg18[%dma_wait3A_181, %dma_wait3A_182] : memref<10240x128xf32, #tpu.memory_space<vmem_shared>> -> memref<10240x128xf32, #tpu.memory_space<vmem_shared>>
        tpu.wait_indirect_dma semaphore(%run_scoped3A_173 : memref<!tpu.dma_semaphore, #tpu.memory_space<semaphore_mem>>) src(%arg16 : memref<128x128xf32, #tpu.memory_space<vmem>>) dst(%dma_wait3A_183 : memref<10240x128xf32, #tpu.memory_space<vmem_shared>>)
        tpu.yield
      }) : () -> ()
      %run_scoped3A_163 = arith.constant 3 : i32
      "tpu.region"() ({
        %run_scoped3A_173 = tpu.sem_alloc : memref<!tpu.dma_semaphore, #tpu.memory_space<semaphore_mem>>
        %dma_start3A = arith.constant 0 : i32
        %dma_start3A_174 = tpu.memref_slice %arg14[%run_scoped3A_163, %dma_start3A] : memref<8x128xi32, #tpu.memory_space<vmem>> -> memref<1x128xi32, #tpu.memory_space<vmem>>
        %dma_start3A_175 = tpu.memref_squeeze %dma_start3A_174 : memref<1x128xi32, #tpu.memory_space<vmem>> -> memref<128xi32, #tpu.memory_space<vmem>>
        %dma_start3A_176 = arith.constant 0 : i32
        %dma_start3A_177 = arith.constant 0 : i32
        %dma_start3A_178 = tpu.memref_slice %arg4[%dma_start3A_176, %dma_start3A_177] : memref<10240x128xf32, #tpu.memory_space<hbm>> -> memref<10240x128xf32, #tpu.memory_space<hbm>>
        tpu.enqueue_indirect_dma source(%dma_start3A_178 : memref<10240x128xf32, #tpu.memory_space<hbm>>) target(%arg16 : memref<128x128xf32, #tpu.memory_space<vmem>>) offsets(%dma_start3A_175 : memref<128xi32, #tpu.memory_space<vmem>>) semaphore(%run_scoped3A_173 : memref<!tpu.dma_semaphore, #tpu.memory_space<semaphore_mem>>)
        %dma_wait3A = arith.constant 0 : i32
        %dma_wait3A_179 = tpu.memref_slice %arg14[%run_scoped3A_163, %dma_wait3A] : memref<8x128xi32, #tpu.memory_space<vmem>> -> memref<1x128xi32, #tpu.memory_space<vmem>>
        %dma_wait3A_180 = tpu.memref_squeeze %dma_wait3A_179 : memref<1x128xi32, #tpu.memory_space<vmem>> -> memref<128xi32, #tpu.memory_space<vmem>>
        %dma_wait3A_181 = arith.constant 0 : i32
        %dma_wait3A_182 = arith.constant 0 : i32
        %dma_wait3A_183 = tpu.memref_slice %arg4[%dma_wait3A_181, %dma_wait3A_182] : memref<10240x128xf32, #tpu.memory_space<hbm>> -> memref<10240x128xf32, #tpu.memory_space<hbm>>
        tpu.wait_indirect_dma semaphore(%run_scoped3A_173 : memref<!tpu.dma_semaphore, #tpu.memory_space<semaphore_mem>>) src(%dma_wait3A_183 : memref<10240x128xf32, #tpu.memory_space<hbm>>) dst(%arg16 : memref<128x128xf32, #tpu.memory_space<vmem>>)
        tpu.yield
      }) : () -> ()
      %run_scoped3A_164 = arith.constant 3 : i32
      "tpu.region"() ({
        %run_scoped3A_173 = tpu.sem_alloc : memref<!tpu.dma_semaphore, #tpu.memory_space<semaphore_mem>>
        %dma_start3A = arith.constant 0 : i32
        %dma_start3A_174 = tpu.memref_slice %arg15[%run_scoped3A_164, %dma_start3A] : memref<8x128xi32, #tpu.memory_space<vmem>> -> memref<1x128xi32, #tpu.memory_space<vmem>>
        %dma_start3A_175 = tpu.memref_squeeze %dma_start3A_174 : memref<1x128xi32, #tpu.memory_space<vmem>> -> memref<128xi32, #tpu.memory_space<vmem>>
        %dma_start3A_176 = arith.constant 0 : i32
        %dma_start3A_177 = arith.constant 0 : i32
        %dma_start3A_178 = tpu.memref_slice %arg18[%dma_start3A_176, %dma_start3A_177] : memref<10240x128xf32, #tpu.memory_space<vmem_shared>> -> memref<10240x128xf32, #tpu.memory_space<vmem_shared>>
        tpu.enqueue_indirect_dma source(%arg16 : memref<128x128xf32, #tpu.memory_space<vmem>>) target(%dma_start3A_178 : memref<10240x128xf32, #tpu.memory_space<vmem_shared>>) offsets(%dma_start3A_175 : memref<128xi32, #tpu.memory_space<vmem>>) semaphore(%run_scoped3A_173 : memref<!tpu.dma_semaphore, #tpu.memory_space<semaphore_mem>>) {add = true}
        %dma_wait3A = arith.constant 0 : i32
        %dma_wait3A_179 = tpu.memref_slice %arg15[%run_scoped3A_164, %dma_wait3A] : memref<8x128xi32, #tpu.memory_space<vmem>> -> memref<1x128xi32, #tpu.memory_space<vmem>>
        %dma_wait3A_180 = tpu.memref_squeeze %dma_wait3A_179 : memref<1x128xi32, #tpu.memory_space<vmem>> -> memref<128xi32, #tpu.memory_space<vmem>>
        %dma_wait3A_181 = arith.constant 0 : i32
        %dma_wait3A_182 = arith.constant 0 : i32
        %dma_wait3A_183 = tpu.memref_slice %arg18[%dma_wait3A_181, %dma_wait3A_182] : memref<10240x128xf32, #tpu.memory_space<vmem_shared>> -> memref<10240x128xf32, #tpu.memory_space<vmem_shared>>
        tpu.wait_indirect_dma semaphore(%run_scoped3A_173 : memref<!tpu.dma_semaphore, #tpu.memory_space<semaphore_mem>>) src(%arg16 : memref<128x128xf32, #tpu.memory_space<vmem>>) dst(%dma_wait3A_183 : memref<10240x128xf32, #tpu.memory_space<vmem_shared>>)
        tpu.yield
      }) : () -> ()
      %run_scoped3A_165 = arith.constant 4 : i32
      "tpu.region"() ({
        %run_scoped3A_173 = tpu.sem_alloc : memref<!tpu.dma_semaphore, #tpu.memory_space<semaphore_mem>>
        %dma_start3A = arith.constant 0 : i32
        %dma_start3A_174 = tpu.memref_slice %arg14[%run_scoped3A_165, %dma_start3A] : memref<8x128xi32, #tpu.memory_space<vmem>> -> memref<1x128xi32, #tpu.memory_space<vmem>>
        %dma_start3A_175 = tpu.memref_squeeze %dma_start3A_174 : memref<1x128xi32, #tpu.memory_space<vmem>> -> memref<128xi32, #tpu.memory_space<vmem>>
        %dma_start3A_176 = arith.constant 0 : i32
        %dma_start3A_177 = arith.constant 0 : i32
        %dma_start3A_178 = tpu.memref_slice %arg4[%dma_start3A_176, %dma_start3A_177] : memref<10240x128xf32, #tpu.memory_space<hbm>> -> memref<10240x128xf32, #tpu.memory_space<hbm>>
        tpu.enqueue_indirect_dma source(%dma_start3A_178 : memref<10240x128xf32, #tpu.memory_space<hbm>>) target(%arg16 : memref<128x128xf32, #tpu.memory_space<vmem>>) offsets(%dma_start3A_175 : memref<128xi32, #tpu.memory_space<vmem>>) semaphore(%run_scoped3A_173 : memref<!tpu.dma_semaphore, #tpu.memory_space<semaphore_mem>>)
        %dma_wait3A = arith.constant 0 : i32
        %dma_wait3A_179 = tpu.memref_slice %arg14[%run_scoped3A_165, %dma_wait3A] : memref<8x128xi32, #tpu.memory_space<vmem>> -> memref<1x128xi32, #tpu.memory_space<vmem>>
        %dma_wait3A_180 = tpu.memref_squeeze %dma_wait3A_179 : memref<1x128xi32, #tpu.memory_space<vmem>> -> memref<128xi32, #tpu.memory_space<vmem>>
        %dma_wait3A_181 = arith.constant 0 : i32
        %dma_wait3A_182 = arith.constant 0 : i32
        %dma_wait3A_183 = tpu.memref_slice %arg4[%dma_wait3A_181, %dma_wait3A_182] : memref<10240x128xf32, #tpu.memory_space<hbm>> -> memref<10240x128xf32, #tpu.memory_space<hbm>>
        tpu.wait_indirect_dma semaphore(%run_scoped3A_173 : memref<!tpu.dma_semaphore, #tpu.memory_space<semaphore_mem>>) src(%dma_wait3A_183 : memref<10240x128xf32, #tpu.memory_space<hbm>>) dst(%arg16 : memref<128x128xf32, #tpu.memory_space<vmem>>)
        tpu.yield
      }) : () -> ()
      %run_scoped3A_166 = arith.constant 4 : i32
      "tpu.region"() ({
        %run_scoped3A_173 = tpu.sem_alloc : memref<!tpu.dma_semaphore, #tpu.memory_space<semaphore_mem>>
        %dma_start3A = arith.constant 0 : i32
        %dma_start3A_174 = tpu.memref_slice %arg15[%run_scoped3A_166, %dma_start3A] : memref<8x128xi32, #tpu.memory_space<vmem>> -> memref<1x128xi32, #tpu.memory_space<vmem>>
        %dma_start3A_175 = tpu.memref_squeeze %dma_start3A_174 : memref<1x128xi32, #tpu.memory_space<vmem>> -> memref<128xi32, #tpu.memory_space<vmem>>
        %dma_start3A_176 = arith.constant 0 : i32
        %dma_start3A_177 = arith.constant 0 : i32
        %dma_start3A_178 = tpu.memref_slice %arg18[%dma_start3A_176, %dma_start3A_177] : memref<10240x128xf32, #tpu.memory_space<vmem_shared>> -> memref<10240x128xf32, #tpu.memory_space<vmem_shared>>
        tpu.enqueue_indirect_dma source(%arg16 : memref<128x128xf32, #tpu.memory_space<vmem>>) target(%dma_start3A_178 : memref<10240x128xf32, #tpu.memory_space<vmem_shared>>) offsets(%dma_start3A_175 : memref<128xi32, #tpu.memory_space<vmem>>) semaphore(%run_scoped3A_173 : memref<!tpu.dma_semaphore, #tpu.memory_space<semaphore_mem>>) {add = true}
        %dma_wait3A = arith.constant 0 : i32
        %dma_wait3A_179 = tpu.memref_slice %arg15[%run_scoped3A_166, %dma_wait3A] : memref<8x128xi32, #tpu.memory_space<vmem>> -> memref<1x128xi32, #tpu.memory_space<vmem>>
        %dma_wait3A_180 = tpu.memref_squeeze %dma_wait3A_179 : memref<1x128xi32, #tpu.memory_space<vmem>> -> memref<128xi32, #tpu.memory_space<vmem>>
        %dma_wait3A_181 = arith.constant 0 : i32
        %dma_wait3A_182 = arith.constant 0 : i32
        %dma_wait3A_183 = tpu.memref_slice %arg18[%dma_wait3A_181, %dma_wait3A_182] : memref<10240x128xf32, #tpu.memory_space<vmem_shared>> -> memref<10240x128xf32, #tpu.memory_space<vmem_shared>>
        tpu.wait_indirect_dma semaphore(%run_scoped3A_173 : memref<!tpu.dma_semaphore, #tpu.memory_space<semaphore_mem>>) src(%arg16 : memref<128x128xf32, #tpu.memory_space<vmem>>) dst(%dma_wait3A_183 : memref<10240x128xf32, #tpu.memory_space<vmem_shared>>)
        tpu.yield
      }) : () -> ()
      %run_scoped3A_167 = arith.constant 5 : i32
      "tpu.region"() ({
        %run_scoped3A_173 = tpu.sem_alloc : memref<!tpu.dma_semaphore, #tpu.memory_space<semaphore_mem>>
        %dma_start3A = arith.constant 0 : i32
        %dma_start3A_174 = tpu.memref_slice %arg14[%run_scoped3A_167, %dma_start3A] : memref<8x128xi32, #tpu.memory_space<vmem>> -> memref<1x128xi32, #tpu.memory_space<vmem>>
        %dma_start3A_175 = tpu.memref_squeeze %dma_start3A_174 : memref<1x128xi32, #tpu.memory_space<vmem>> -> memref<128xi32, #tpu.memory_space<vmem>>
        %dma_start3A_176 = arith.constant 0 : i32
        %dma_start3A_177 = arith.constant 0 : i32
        %dma_start3A_178 = tpu.memref_slice %arg4[%dma_start3A_176, %dma_start3A_177] : memref<10240x128xf32, #tpu.memory_space<hbm>> -> memref<10240x128xf32, #tpu.memory_space<hbm>>
        tpu.enqueue_indirect_dma source(%dma_start3A_178 : memref<10240x128xf32, #tpu.memory_space<hbm>>) target(%arg16 : memref<128x128xf32, #tpu.memory_space<vmem>>) offsets(%dma_start3A_175 : memref<128xi32, #tpu.memory_space<vmem>>) semaphore(%run_scoped3A_173 : memref<!tpu.dma_semaphore, #tpu.memory_space<semaphore_mem>>)
        %dma_wait3A = arith.constant 0 : i32
        %dma_wait3A_179 = tpu.memref_slice %arg14[%run_scoped3A_167, %dma_wait3A] : memref<8x128xi32, #tpu.memory_space<vmem>> -> memref<1x128xi32, #tpu.memory_space<vmem>>
        %dma_wait3A_180 = tpu.memref_squeeze %dma_wait3A_179 : memref<1x128xi32, #tpu.memory_space<vmem>> -> memref<128xi32, #tpu.memory_space<vmem>>
        %dma_wait3A_181 = arith.constant 0 : i32
        %dma_wait3A_182 = arith.constant 0 : i32
        %dma_wait3A_183 = tpu.memref_slice %arg4[%dma_wait3A_181, %dma_wait3A_182] : memref<10240x128xf32, #tpu.memory_space<hbm>> -> memref<10240x128xf32, #tpu.memory_space<hbm>>
        tpu.wait_indirect_dma semaphore(%run_scoped3A_173 : memref<!tpu.dma_semaphore, #tpu.memory_space<semaphore_mem>>) src(%dma_wait3A_183 : memref<10240x128xf32, #tpu.memory_space<hbm>>) dst(%arg16 : memref<128x128xf32, #tpu.memory_space<vmem>>)
        tpu.yield
      }) : () -> ()
      %run_scoped3A_168 = arith.constant 5 : i32
      "tpu.region"() ({
        %run_scoped3A_173 = tpu.sem_alloc : memref<!tpu.dma_semaphore, #tpu.memory_space<semaphore_mem>>
        %dma_start3A = arith.constant 0 : i32
        %dma_start3A_174 = tpu.memref_slice %arg15[%run_scoped3A_168, %dma_start3A] : memref<8x128xi32, #tpu.memory_space<vmem>> -> memref<1x128xi32, #tpu.memory_space<vmem>>
        %dma_start3A_175 = tpu.memref_squeeze %dma_start3A_174 : memref<1x128xi32, #tpu.memory_space<vmem>> -> memref<128xi32, #tpu.memory_space<vmem>>
        %dma_start3A_176 = arith.constant 0 : i32
        %dma_start3A_177 = arith.constant 0 : i32
        %dma_start3A_178 = tpu.memref_slice %arg18[%dma_start3A_176, %dma_start3A_177] : memref<10240x128xf32, #tpu.memory_space<vmem_shared>> -> memref<10240x128xf32, #tpu.memory_space<vmem_shared>>
        tpu.enqueue_indirect_dma source(%arg16 : memref<128x128xf32, #tpu.memory_space<vmem>>) target(%dma_start3A_178 : memref<10240x128xf32, #tpu.memory_space<vmem_shared>>) offsets(%dma_start3A_175 : memref<128xi32, #tpu.memory_space<vmem>>) semaphore(%run_scoped3A_173 : memref<!tpu.dma_semaphore, #tpu.memory_space<semaphore_mem>>) {add = true}
        %dma_wait3A = arith.constant 0 : i32
        %dma_wait3A_179 = tpu.memref_slice %arg15[%run_scoped3A_168, %dma_wait3A] : memref<8x128xi32, #tpu.memory_space<vmem>> -> memref<1x128xi32, #tpu.memory_space<vmem>>
        %dma_wait3A_180 = tpu.memref_squeeze %dma_wait3A_179 : memref<1x128xi32, #tpu.memory_space<vmem>> -> memref<128xi32, #tpu.memory_space<vmem>>
        %dma_wait3A_181 = arith.constant 0 : i32
        %dma_wait3A_182 = arith.constant 0 : i32
        %dma_wait3A_183 = tpu.memref_slice %arg18[%dma_wait3A_181, %dma_wait3A_182] : memref<10240x128xf32, #tpu.memory_space<vmem_shared>> -> memref<10240x128xf32, #tpu.memory_space<vmem_shared>>
        tpu.wait_indirect_dma semaphore(%run_scoped3A_173 : memref<!tpu.dma_semaphore, #tpu.memory_space<semaphore_mem>>) src(%arg16 : memref<128x128xf32, #tpu.memory_space<vmem>>) dst(%dma_wait3A_183 : memref<10240x128xf32, #tpu.memory_space<vmem_shared>>)
        tpu.yield
      }) : () -> ()
      %run_scoped3A_169 = arith.constant 6 : i32
      "tpu.region"() ({
        %run_scoped3A_173 = tpu.sem_alloc : memref<!tpu.dma_semaphore, #tpu.memory_space<semaphore_mem>>
        %dma_start3A = arith.constant 0 : i32
        %dma_start3A_174 = tpu.memref_slice %arg14[%run_scoped3A_169, %dma_start3A] : memref<8x128xi32, #tpu.memory_space<vmem>> -> memref<1x128xi32, #tpu.memory_space<vmem>>
        %dma_start3A_175 = tpu.memref_squeeze %dma_start3A_174 : memref<1x128xi32, #tpu.memory_space<vmem>> -> memref<128xi32, #tpu.memory_space<vmem>>
        %dma_start3A_176 = arith.constant 0 : i32
        %dma_start3A_177 = arith.constant 0 : i32
        %dma_start3A_178 = tpu.memref_slice %arg4[%dma_start3A_176, %dma_start3A_177] : memref<10240x128xf32, #tpu.memory_space<hbm>> -> memref<10240x128xf32, #tpu.memory_space<hbm>>
        tpu.enqueue_indirect_dma source(%dma_start3A_178 : memref<10240x128xf32, #tpu.memory_space<hbm>>) target(%arg16 : memref<128x128xf32, #tpu.memory_space<vmem>>) offsets(%dma_start3A_175 : memref<128xi32, #tpu.memory_space<vmem>>) semaphore(%run_scoped3A_173 : memref<!tpu.dma_semaphore, #tpu.memory_space<semaphore_mem>>)
        %dma_wait3A = arith.constant 0 : i32
        %dma_wait3A_179 = tpu.memref_slice %arg14[%run_scoped3A_169, %dma_wait3A] : memref<8x128xi32, #tpu.memory_space<vmem>> -> memref<1x128xi32, #tpu.memory_space<vmem>>
        %dma_wait3A_180 = tpu.memref_squeeze %dma_wait3A_179 : memref<1x128xi32, #tpu.memory_space<vmem>> -> memref<128xi32, #tpu.memory_space<vmem>>
        %dma_wait3A_181 = arith.constant 0 : i32
        %dma_wait3A_182 = arith.constant 0 : i32
        %dma_wait3A_183 = tpu.memref_slice %arg4[%dma_wait3A_181, %dma_wait3A_182] : memref<10240x128xf32, #tpu.memory_space<hbm>> -> memref<10240x128xf32, #tpu.memory_space<hbm>>
        tpu.wait_indirect_dma semaphore(%run_scoped3A_173 : memref<!tpu.dma_semaphore, #tpu.memory_space<semaphore_mem>>) src(%dma_wait3A_183 : memref<10240x128xf32, #tpu.memory_space<hbm>>) dst(%arg16 : memref<128x128xf32, #tpu.memory_space<vmem>>)
        tpu.yield
      }) : () -> ()
      %run_scoped3A_170 = arith.constant 6 : i32
      "tpu.region"() ({
        %run_scoped3A_173 = tpu.sem_alloc : memref<!tpu.dma_semaphore, #tpu.memory_space<semaphore_mem>>
        %dma_start3A = arith.constant 0 : i32
        %dma_start3A_174 = tpu.memref_slice %arg15[%run_scoped3A_170, %dma_start3A] : memref<8x128xi32, #tpu.memory_space<vmem>> -> memref<1x128xi32, #tpu.memory_space<vmem>>
        %dma_start3A_175 = tpu.memref_squeeze %dma_start3A_174 : memref<1x128xi32, #tpu.memory_space<vmem>> -> memref<128xi32, #tpu.memory_space<vmem>>
        %dma_start3A_176 = arith.constant 0 : i32
        %dma_start3A_177 = arith.constant 0 : i32
        %dma_start3A_178 = tpu.memref_slice %arg18[%dma_start3A_176, %dma_start3A_177] : memref<10240x128xf32, #tpu.memory_space<vmem_shared>> -> memref<10240x128xf32, #tpu.memory_space<vmem_shared>>
        tpu.enqueue_indirect_dma source(%arg16 : memref<128x128xf32, #tpu.memory_space<vmem>>) target(%dma_start3A_178 : memref<10240x128xf32, #tpu.memory_space<vmem_shared>>) offsets(%dma_start3A_175 : memref<128xi32, #tpu.memory_space<vmem>>) semaphore(%run_scoped3A_173 : memref<!tpu.dma_semaphore, #tpu.memory_space<semaphore_mem>>) {add = true}
        %dma_wait3A = arith.constant 0 : i32
        %dma_wait3A_179 = tpu.memref_slice %arg15[%run_scoped3A_170, %dma_wait3A] : memref<8x128xi32, #tpu.memory_space<vmem>> -> memref<1x128xi32, #tpu.memory_space<vmem>>
        %dma_wait3A_180 = tpu.memref_squeeze %dma_wait3A_179 : memref<1x128xi32, #tpu.memory_space<vmem>> -> memref<128xi32, #tpu.memory_space<vmem>>
        %dma_wait3A_181 = arith.constant 0 : i32
        %dma_wait3A_182 = arith.constant 0 : i32
        %dma_wait3A_183 = tpu.memref_slice %arg18[%dma_wait3A_181, %dma_wait3A_182] : memref<10240x128xf32, #tpu.memory_space<vmem_shared>> -> memref<10240x128xf32, #tpu.memory_space<vmem_shared>>
        tpu.wait_indirect_dma semaphore(%run_scoped3A_173 : memref<!tpu.dma_semaphore, #tpu.memory_space<semaphore_mem>>) src(%arg16 : memref<128x128xf32, #tpu.memory_space<vmem>>) dst(%dma_wait3A_183 : memref<10240x128xf32, #tpu.memory_space<vmem_shared>>)
        tpu.yield
      }) : () -> ()
      %run_scoped3A_171 = arith.constant 7 : i32
      "tpu.region"() ({
        %run_scoped3A_173 = tpu.sem_alloc : memref<!tpu.dma_semaphore, #tpu.memory_space<semaphore_mem>>
        %dma_start3A = arith.constant 0 : i32
        %dma_start3A_174 = tpu.memref_slice %arg14[%run_scoped3A_171, %dma_start3A] : memref<8x128xi32, #tpu.memory_space<vmem>> -> memref<1x128xi32, #tpu.memory_space<vmem>>
        %dma_start3A_175 = tpu.memref_squeeze %dma_start3A_174 : memref<1x128xi32, #tpu.memory_space<vmem>> -> memref<128xi32, #tpu.memory_space<vmem>>
        %dma_start3A_176 = arith.constant 0 : i32
        %dma_start3A_177 = arith.constant 0 : i32
        %dma_start3A_178 = tpu.memref_slice %arg4[%dma_start3A_176, %dma_start3A_177] : memref<10240x128xf32, #tpu.memory_space<hbm>> -> memref<10240x128xf32, #tpu.memory_space<hbm>>
        tpu.enqueue_indirect_dma source(%dma_start3A_178 : memref<10240x128xf32, #tpu.memory_space<hbm>>) target(%arg16 : memref<128x128xf32, #tpu.memory_space<vmem>>) offsets(%dma_start3A_175 : memref<128xi32, #tpu.memory_space<vmem>>) semaphore(%run_scoped3A_173 : memref<!tpu.dma_semaphore, #tpu.memory_space<semaphore_mem>>)
        %dma_wait3A = arith.constant 0 : i32
        %dma_wait3A_179 = tpu.memref_slice %arg14[%run_scoped3A_171, %dma_wait3A] : memref<8x128xi32, #tpu.memory_space<vmem>> -> memref<1x128xi32, #tpu.memory_space<vmem>>
        %dma_wait3A_180 = tpu.memref_squeeze %dma_wait3A_179 : memref<1x128xi32, #tpu.memory_space<vmem>> -> memref<128xi32, #tpu.memory_space<vmem>>
        %dma_wait3A_181 = arith.constant 0 : i32
        %dma_wait3A_182 = arith.constant 0 : i32
        %dma_wait3A_183 = tpu.memref_slice %arg4[%dma_wait3A_181, %dma_wait3A_182] : memref<10240x128xf32, #tpu.memory_space<hbm>> -> memref<10240x128xf32, #tpu.memory_space<hbm>>
        tpu.wait_indirect_dma semaphore(%run_scoped3A_173 : memref<!tpu.dma_semaphore, #tpu.memory_space<semaphore_mem>>) src(%dma_wait3A_183 : memref<10240x128xf32, #tpu.memory_space<hbm>>) dst(%arg16 : memref<128x128xf32, #tpu.memory_space<vmem>>)
        tpu.yield
      }) : () -> ()
      %run_scoped3A_172 = arith.constant 7 : i32
      "tpu.region"() ({
        %run_scoped3A_173 = tpu.sem_alloc : memref<!tpu.dma_semaphore, #tpu.memory_space<semaphore_mem>>
        %dma_start3A = arith.constant 0 : i32
        %dma_start3A_174 = tpu.memref_slice %arg15[%run_scoped3A_172, %dma_start3A] : memref<8x128xi32, #tpu.memory_space<vmem>> -> memref<1x128xi32, #tpu.memory_space<vmem>>
        %dma_start3A_175 = tpu.memref_squeeze %dma_start3A_174 : memref<1x128xi32, #tpu.memory_space<vmem>> -> memref<128xi32, #tpu.memory_space<vmem>>
        %dma_start3A_176 = arith.constant 0 : i32
        %dma_start3A_177 = arith.constant 0 : i32
        %dma_start3A_178 = tpu.memref_slice %arg18[%dma_start3A_176, %dma_start3A_177] : memref<10240x128xf32, #tpu.memory_space<vmem_shared>> -> memref<10240x128xf32, #tpu.memory_space<vmem_shared>>
        tpu.enqueue_indirect_dma source(%arg16 : memref<128x128xf32, #tpu.memory_space<vmem>>) target(%dma_start3A_178 : memref<10240x128xf32, #tpu.memory_space<vmem_shared>>) offsets(%dma_start3A_175 : memref<128xi32, #tpu.memory_space<vmem>>) semaphore(%run_scoped3A_173 : memref<!tpu.dma_semaphore, #tpu.memory_space<semaphore_mem>>) {add = true}
        %dma_wait3A = arith.constant 0 : i32
        %dma_wait3A_179 = tpu.memref_slice %arg15[%run_scoped3A_172, %dma_wait3A] : memref<8x128xi32, #tpu.memory_space<vmem>> -> memref<1x128xi32, #tpu.memory_space<vmem>>
        %dma_wait3A_180 = tpu.memref_squeeze %dma_wait3A_179 : memref<1x128xi32, #tpu.memory_space<vmem>> -> memref<128xi32, #tpu.memory_space<vmem>>
        %dma_wait3A_181 = arith.constant 0 : i32
        %dma_wait3A_182 = arith.constant 0 : i32
        %dma_wait3A_183 = tpu.memref_slice %arg18[%dma_wait3A_181, %dma_wait3A_182] : memref<10240x128xf32, #tpu.memory_space<vmem_shared>> -> memref<10240x128xf32, #tpu.memory_space<vmem_shared>>
        tpu.wait_indirect_dma semaphore(%run_scoped3A_173 : memref<!tpu.dma_semaphore, #tpu.memory_space<semaphore_mem>>) src(%arg16 : memref<128x128xf32, #tpu.memory_space<vmem>>) dst(%dma_wait3A_183 : memref<10240x128xf32, #tpu.memory_space<vmem_shared>>)
        tpu.yield
      }) : () -> ()
    }
    %scan3A_141 = arith.constant 10 : i32
    %barrier3A_142 = arith.constant 0 : index
    tpu.barrier barrier_id(%barrier3A_142)
    %mul3A_143 = arith.constant 640 : i32
    %mul3A_144 = arith.muli %arg1, %mul3A_143 : i32
    %mul3A_145 = arith.constant 10240 : i32
    %mul3A_146 = arith.muli %arg0, %mul3A_145 : i32
    %mul3A_147 = arith.constant 640 : i32
    %mul3A_148 = arith.muli %arg1, %mul3A_147 : i32
    %add3A_149 = arith.addi %mul3A_146, %mul3A_148 : i32
    "tpu.region"() ({
      %run_scoped3A = tpu.sem_alloc : memref<!tpu.dma_semaphore, #tpu.memory_space<semaphore_mem>>
      %dma_start3A = arith.constant 0 : i32
      %dma_start3A_151 = tpu.memref_slice %arg13[%add3A_149, %dma_start3A] : memref<20480x128xf32, #tpu.memory_space<hbm>> -> memref<640x128xf32, #tpu.memory_space<hbm>>
      %dma_start3A_152 = arith.constant 0 : i32
      %dma_start3A_153 = tpu.memref_slice %arg18[%mul3A_144, %dma_start3A_152] : memref<10240x128xf32, #tpu.memory_space<vmem_shared>> -> memref<640x128xf32, #tpu.memory_space<vmem_shared>>
      tpu.enqueue_dma source(%dma_start3A_153 : memref<640x128xf32, #tpu.memory_space<vmem_shared>>) target(%dma_start3A_151 : memref<640x128xf32, #tpu.memory_space<hbm>>) target_semaphore(%run_scoped3A : memref<!tpu.dma_semaphore, #tpu.memory_space<semaphore_mem>>)
      %dma_wait3A = arith.constant 0 : i32
      %dma_wait3A_154 = tpu.memref_slice %arg13[%add3A_149, %dma_wait3A] : memref<20480x128xf32, #tpu.memory_space<hbm>> -> memref<640x128xf32, #tpu.memory_space<hbm>>
      %dma_wait3A_155 = arith.constant 0 : i32
      %dma_wait3A_156 = tpu.memref_slice %arg18[%mul3A_144, %dma_wait3A_155] : memref<10240x128xf32, #tpu.memory_space<vmem_shared>> -> memref<640x128xf32, #tpu.memory_space<vmem_shared>>
      tpu.wait_dma2 semaphore(%run_scoped3A : memref<!tpu.dma_semaphore, #tpu.memory_space<semaphore_mem>>) src(%dma_wait3A_156 : memref<640x128xf32, #tpu.memory_space<vmem_shared>>) dst(%dma_wait3A_154 : memref<640x128xf32, #tpu.memory_space<hbm>>)
      tpu.yield
    }) : () -> ()
    %barrier3A_150 = arith.constant 0 : index
    tpu.barrier barrier_id(%barrier3A_150)
    return
  }
}

module attributes {stable_mosaic.version = 14 : i64} {
  func.func @_prescale_body(%arg0: i32, %arg1: memref<2x6x512xf32, #tpu.memory_space<vmem>>, %arg2: memref<512x128xf32, #tpu.memory_space<vmem>>, %arg3: memref<512x128xf32, #tpu.memory_space<vmem>>, %arg4: memref<512x128xf32, #tpu.memory_space<vmem>>, %arg5: memref<512x128xf32, #tpu.memory_space<vmem>>) attributes {dimension_semantics = [#tpu.dimension_semantics<arbitrary>], iteration_bounds = array<i64: 20>, scalar_prefetch = 0 : i64, scratch_operands = 0 : i64, tpu.core_type = #tpu.core_type<tc>, window_params = [{transform_indices = @transform_0, window_bounds = array<i64: 2, 6, 512>}, {transform_indices = @transform_1, window_bounds = array<i64: 512, 128>}, {transform_indices = @transform_2, window_bounds = array<i64: 512, 128>}, {transform_indices = @transform_3, window_bounds = array<i64: 512, 128>}, {transform_indices = @transform_4, window_bounds = array<i64: 512, 128>}]} {
    %get3A = arith.constant 0 : index
    %get3A_0 = arith.constant 0 : index
    %get3A_1 = arith.constant 0 : index
    %get3A_2 = vector.load %arg1[%get3A, %get3A_0, %get3A_1] : memref<2x6x512xf32, #tpu.memory_space<vmem>>, vector<2x6x512xf32>
    %slice3A = vector.extract_strided_slice %get3A_2 {offsets = [0, 0, 0], sizes = [1, 6, 512], strides = [1, 1, 1]} : vector<2x6x512xf32> to vector<1x6x512xf32>
    %squeeze3A = vector.shape_cast %slice3A : vector<1x6x512xf32> to vector<6x512xf32>
    %slice3A_3 = vector.extract_strided_slice %get3A_2 {offsets = [1, 0, 0], sizes = [1, 6, 512], strides = [1, 1, 1]} : vector<2x6x512xf32> to vector<1x6x512xf32>
    %squeeze3A_4 = vector.shape_cast %slice3A_3 : vector<1x6x512xf32> to vector<6x512xf32>
    %add3A = arith.addf %squeeze3A, %squeeze3A_4 : vector<6x512xf32>
    %get3A_5 = arith.constant 0 : index
    %get3A_6 = arith.constant 0 : index
    %get3A_7 = vector.load %arg2[%get3A_5, %get3A_6] : memref<512x128xf32, #tpu.memory_space<vmem>>, vector<512x128xf32>
    %slice3A_8 = vector.extract_strided_slice %add3A {offsets = [0, 0], sizes = [1, 512], strides = [1, 1]} : vector<6x512xf32> to vector<1x512xf32>
    %squeeze3A_9 = vector.shape_cast %slice3A_8 : vector<1x512xf32> to vector<512xf32>
    %max3A = arith.constant 1.000000e+00 : f32
    %max3A_10 = vector.broadcast %max3A : f32 to vector<512xf32>
    %max3A_11 = arith.maximumf %squeeze3A_9, %max3A_10 : vector<512xf32>
    %rsqrt3A = math.rsqrt %max3A_11 : vector<512xf32>
    %broadcast_in_dim3A = vector.shape_cast %rsqrt3A : vector<512xf32> to vector<512x1xf32>
    %mul3A = vector.broadcast %broadcast_in_dim3A : vector<512x1xf32> to vector<512x128xf32>
    %mul3A_12 = arith.mulf %get3A_7, %mul3A : vector<512x128xf32>
    %swap3A = arith.constant 0 : index
    %swap3A_13 = arith.constant 0 : index
    %swap3A_14 = vector.load %arg3[%swap3A, %swap3A_13] : memref<512x128xf32, #tpu.memory_space<vmem>>, vector<512x128xf32>
    tpu.vector_store %arg3[%swap3A, %swap3A_13], %mul3A_12 {strides = array<i32>} : memref<512x128xf32, #tpu.memory_space<vmem>>, vector<512x128xf32>,
    %slice3A_15 = vector.extract_strided_slice %add3A {offsets = [2, 0], sizes = [1, 512], strides = [1, 1]} : vector<6x512xf32> to vector<1x512xf32>
    %squeeze3A_16 = vector.shape_cast %slice3A_15 : vector<1x512xf32> to vector<512xf32>
    %max3A_17 = arith.constant 1.000000e+00 : f32
    %max3A_18 = vector.broadcast %max3A_17 : f32 to vector<512xf32>
    %max3A_19 = arith.maximumf %squeeze3A_16, %max3A_18 : vector<512xf32>
    %rsqrt3A_20 = math.rsqrt %max3A_19 : vector<512xf32>
    %broadcast_in_dim3A_21 = vector.shape_cast %rsqrt3A_20 : vector<512xf32> to vector<512x1xf32>
    %mul3A_22 = vector.broadcast %broadcast_in_dim3A_21 : vector<512x1xf32> to vector<512x128xf32>
    %mul3A_23 = arith.mulf %get3A_7, %mul3A_22 : vector<512x128xf32>
    %swap3A_24 = arith.constant 0 : index
    %swap3A_25 = arith.constant 0 : index
    %swap3A_26 = vector.load %arg4[%swap3A_24, %swap3A_25] : memref<512x128xf32, #tpu.memory_space<vmem>>, vector<512x128xf32>
    tpu.vector_store %arg4[%swap3A_24, %swap3A_25], %mul3A_23 {strides = array<i32>} : memref<512x128xf32, #tpu.memory_space<vmem>>, vector<512x128xf32>,
    %slice3A_27 = vector.extract_strided_slice %add3A {offsets = [4, 0], sizes = [1, 512], strides = [1, 1]} : vector<6x512xf32> to vector<1x512xf32>
    %squeeze3A_28 = vector.shape_cast %slice3A_27 : vector<1x512xf32> to vector<512xf32>
    %max3A_29 = arith.constant 1.000000e+00 : f32
    %max3A_30 = vector.broadcast %max3A_29 : f32 to vector<512xf32>
    %max3A_31 = arith.maximumf %squeeze3A_28, %max3A_30 : vector<512xf32>
    %rsqrt3A_32 = math.rsqrt %max3A_31 : vector<512xf32>
    %broadcast_in_dim3A_33 = vector.shape_cast %rsqrt3A_32 : vector<512xf32> to vector<512x1xf32>
    %mul3A_34 = vector.broadcast %broadcast_in_dim3A_33 : vector<512x1xf32> to vector<512x128xf32>
    %mul3A_35 = arith.mulf %get3A_7, %mul3A_34 : vector<512x128xf32>
    %swap3A_36 = arith.constant 0 : index
    %swap3A_37 = arith.constant 0 : index
    %swap3A_38 = vector.load %arg5[%swap3A_36, %swap3A_37] : memref<512x128xf32, #tpu.memory_space<vmem>>, vector<512x128xf32>
    tpu.vector_store %arg5[%swap3A_36, %swap3A_37], %mul3A_35 {strides = array<i32>} : memref<512x128xf32, #tpu.memory_space<vmem>>, vector<512x128xf32>,
    return
  }
  func.func @transform_0(%arg0: i32) -> (i32, i32, i32) {
    %c0_i32 = arith.constant 0 : i32
    %c0_i32_0 = arith.constant 0 : i32
    %c0_i32_1 = arith.constant 0 : i32
    return %c0_i32, %c0_i32_0, %arg0 : i32, i32, i32
  }
  func.func @transform_1(%arg0: i32) -> (i32, i32) {
    %c0_i32 = arith.constant 0 : i32
    %c0_i32_0 = arith.constant 0 : i32
    return %arg0, %c0_i32 : i32, i32
  }
  func.func @transform_2(%arg0: i32) -> (i32, i32) {
    %c0_i32 = arith.constant 0 : i32
    %c0_i32_0 = arith.constant 0 : i32
    return %arg0, %c0_i32 : i32, i32
  }
  func.func @transform_3(%arg0: i32) -> (i32, i32) {
    %c0_i32 = arith.constant 0 : i32
    %c0_i32_0 = arith.constant 0 : i32
    return %arg0, %c0_i32 : i32, i32
  }
  func.func @transform_4(%arg0: i32) -> (i32, i32) {
    %c0_i32 = arith.constant 0 : i32
    %c0_i32_0 = arith.constant 0 : i32
    return %arg0, %c0_i32 : i32, i32
  }
}

module attributes {stable_mosaic.version = 14 : i64} {
  func.func @_final_body(%arg0: i32, %arg1: memref<2x6x512xf32, #tpu.memory_space<vmem>>, %arg2: memref<2x512x128xf32, #tpu.memory_space<vmem>>, %arg3: memref<2x512x128xf32, #tpu.memory_space<vmem>>, %arg4: memref<2x512x128xf32, #tpu.memory_space<vmem>>, %arg5: memref<3x128x128xf32, #tpu.memory_space<vmem>>, %arg6: memref<512x128xf32, #tpu.memory_space<vmem>>) attributes {dimension_semantics = [#tpu.dimension_semantics<arbitrary>], iteration_bounds = array<i64: 20>, scalar_prefetch = 0 : i64, scratch_operands = 0 : i64, tpu.core_type = #tpu.core_type<tc>, window_params = [{transform_indices = @transform_0, window_bounds = array<i64: 2, 6, 512>}, {transform_indices = @transform_1, window_bounds = array<i64: 2, 512, 128>}, {transform_indices = @transform_2, window_bounds = array<i64: 2, 512, 128>}, {transform_indices = @transform_3, window_bounds = array<i64: 2, 512, 128>}, {pipeline_mode = #tpu.pipeline_mode<synchronous>, transform_indices = @transform_4, window_bounds = array<i64: 3, 128, 128>}, {transform_indices = @transform_5, window_bounds = array<i64: 512, 128>}]} {
    %get3A = arith.constant 0 : index
    %get3A_0 = arith.constant 0 : index
    %get3A_1 = arith.constant 0 : index
    %get3A_2 = vector.load %arg1[%get3A, %get3A_0, %get3A_1] : memref<2x6x512xf32, #tpu.memory_space<vmem>>, vector<2x6x512xf32>
    %broadcast_in_dim3A = arith.constant 0.000000e+00 : f32
    %broadcast_in_dim3A_3 = vector.broadcast %broadcast_in_dim3A : f32 to vector<512x128xf32>
    %get3A_4 = arith.constant 0 : index
    %get3A_5 = arith.constant 0 : index
    %get3A_6 = arith.constant 0 : index
    %get3A_7 = vector.load %arg2[%get3A_4, %get3A_5, %get3A_6] : memref<2x512x128xf32, #tpu.memory_space<vmem>>, vector<2x512x128xf32>
    %slice3A = vector.extract_strided_slice %get3A_2 {offsets = [0, 1, 0], sizes = [1, 1, 512], strides = [1, 1, 1]} : vector<2x6x512xf32> to vector<1x1x512xf32>
    %squeeze3A = vector.shape_cast %slice3A : vector<1x1x512xf32> to vector<512xf32>
    %slice3A_8 = vector.extract_strided_slice %get3A_2 {offsets = [1, 1, 0], sizes = [1, 1, 512], strides = [1, 1, 1]} : vector<2x6x512xf32> to vector<1x1x512xf32>
    %squeeze3A_9 = vector.shape_cast %slice3A_8 : vector<1x1x512xf32> to vector<512xf32>
    %add3A = arith.addf %squeeze3A, %squeeze3A_9 : vector<512xf32>
    %max3A = arith.constant 1.000000e+00 : f32
    %max3A_10 = vector.broadcast %max3A : f32 to vector<512xf32>
    %max3A_11 = arith.maximumf %add3A, %max3A_10 : vector<512xf32>
    %rsqrt3A = math.rsqrt %max3A_11 : vector<512xf32>
    %slice3A_12 = vector.extract_strided_slice %get3A_7 {offsets = [0, 0, 0], sizes = [1, 512, 128], strides = [1, 1, 1]} : vector<2x512x128xf32> to vector<1x512x128xf32>
    %squeeze3A_13 = vector.shape_cast %slice3A_12 : vector<1x512x128xf32> to vector<512x128xf32>
    %slice3A_14 = vector.extract_strided_slice %get3A_7 {offsets = [1, 0, 0], sizes = [1, 512, 128], strides = [1, 1, 1]} : vector<2x512x128xf32> to vector<1x512x128xf32>
    %squeeze3A_15 = vector.shape_cast %slice3A_14 : vector<1x512x128xf32> to vector<512x128xf32>
    %add3A_16 = arith.addf %squeeze3A_13, %squeeze3A_15 : vector<512x128xf32>
    %broadcast_in_dim3A_17 = vector.shape_cast %rsqrt3A : vector<512xf32> to vector<512x1xf32>
    %mul3A = vector.broadcast %broadcast_in_dim3A_17 : vector<512x1xf32> to vector<512x128xf32>
    %mul3A_18 = arith.mulf %add3A_16, %mul3A : vector<512x128xf32>
    %get3A_19 = arith.constant 0 : index
    %get3A_20 = arith.constant 0 : index
    %get3A_21 = arith.constant 0 : index
    %get3A_22 = vector.load %arg5[%get3A_19, %get3A_20, %get3A_21] : memref<3x128x128xf32, #tpu.memory_space<vmem>>, vector<1x128x128xf32>
    %get3A_23 = vector.shape_cast %get3A_22 : vector<1x128x128xf32> to vector<128x128xf32>
    %dot_general3A = arith.constant dense<0.000000e+00> : vector<512x128xf32>
    %dot_general3A_24 = tpu.matmul %mul3A_18, %get3A_23, %dot_general3A {dimension_numbers = #tpu.dot_dimension_numbers<[1], [0], [0], [1], [0, 0, 1, 1], [], []>, transpose_lhs_hint = false} : vector<512x128xf32>, vector<128x128xf32>, vector<512x128xf32> -> vector<512x128xf32>
    %add3A_25 = arith.addf %broadcast_in_dim3A_3, %dot_general3A_24 : vector<512x128xf32>
    %get3A_26 = arith.constant 0 : index
    %get3A_27 = arith.constant 0 : index
    %get3A_28 = arith.constant 0 : index
    %get3A_29 = vector.load %arg3[%get3A_26, %get3A_27, %get3A_28] : memref<2x512x128xf32, #tpu.memory_space<vmem>>, vector<2x512x128xf32>
    %slice3A_30 = vector.extract_strided_slice %get3A_2 {offsets = [0, 3, 0], sizes = [1, 1, 512], strides = [1, 1, 1]} : vector<2x6x512xf32> to vector<1x1x512xf32>
    %squeeze3A_31 = vector.shape_cast %slice3A_30 : vector<1x1x512xf32> to vector<512xf32>
    %slice3A_32 = vector.extract_strided_slice %get3A_2 {offsets = [1, 3, 0], sizes = [1, 1, 512], strides = [1, 1, 1]} : vector<2x6x512xf32> to vector<1x1x512xf32>
    %squeeze3A_33 = vector.shape_cast %slice3A_32 : vector<1x1x512xf32> to vector<512xf32>
    %add3A_34 = arith.addf %squeeze3A_31, %squeeze3A_33 : vector<512xf32>
    %max3A_35 = arith.constant 1.000000e+00 : f32
    %max3A_36 = vector.broadcast %max3A_35 : f32 to vector<512xf32>
    %max3A_37 = arith.maximumf %add3A_34, %max3A_36 : vector<512xf32>
    %rsqrt3A_38 = math.rsqrt %max3A_37 : vector<512xf32>
    %slice3A_39 = vector.extract_strided_slice %get3A_29 {offsets = [0, 0, 0], sizes = [1, 512, 128], strides = [1, 1, 1]} : vector<2x512x128xf32> to vector<1x512x128xf32>
    %squeeze3A_40 = vector.shape_cast %slice3A_39 : vector<1x512x128xf32> to vector<512x128xf32>
    %slice3A_41 = vector.extract_strided_slice %get3A_29 {offsets = [1, 0, 0], sizes = [1, 512, 128], strides = [1, 1, 1]} : vector<2x512x128xf32> to vector<1x512x128xf32>
    %squeeze3A_42 = vector.shape_cast %slice3A_41 : vector<1x512x128xf32> to vector<512x128xf32>
    %add3A_43 = arith.addf %squeeze3A_40, %squeeze3A_42 : vector<512x128xf32>
    %broadcast_in_dim3A_44 = vector.shape_cast %rsqrt3A_38 : vector<512xf32> to vector<512x1xf32>
    %mul3A_45 = vector.broadcast %broadcast_in_dim3A_44 : vector<512x1xf32> to vector<512x128xf32>
    %mul3A_46 = arith.mulf %add3A_43, %mul3A_45 : vector<512x128xf32>
    %get3A_47 = arith.constant 1 : index
    %get3A_48 = arith.constant 0 : index
    %get3A_49 = arith.constant 0 : index
    %get3A_50 = vector.load %arg5[%get3A_47, %get3A_48, %get3A_49] : memref<3x128x128xf32, #tpu.memory_space<vmem>>, vector<1x128x128xf32>
    %get3A_51 = vector.shape_cast %get3A_50 : vector<1x128x128xf32> to vector<128x128xf32>
    %dot_general3A_52 = arith.constant dense<0.000000e+00> : vector<512x128xf32>
    %dot_general3A_53 = tpu.matmul %mul3A_46, %get3A_51, %dot_general3A_52 {dimension_numbers = #tpu.dot_dimension_numbers<[1], [0], [0], [1], [0, 0, 1, 1], [], []>, transpose_lhs_hint = false} : vector<512x128xf32>, vector<128x128xf32>, vector<512x128xf32> -> vector<512x128xf32>
    %add3A_54 = arith.addf %add3A_25, %dot_general3A_53 : vector<512x128xf32>
    %get3A_55 = arith.constant 0 : index
    %get3A_56 = arith.constant 0 : index
    %get3A_57 = arith.constant 0 : index
    %get3A_58 = vector.load %arg4[%get3A_55, %get3A_56, %get3A_57] : memref<2x512x128xf32, #tpu.memory_space<vmem>>, vector<2x512x128xf32>
    %slice3A_59 = vector.extract_strided_slice %get3A_2 {offsets = [0, 5, 0], sizes = [1, 1, 512], strides = [1, 1, 1]} : vector<2x6x512xf32> to vector<1x1x512xf32>
    %squeeze3A_60 = vector.shape_cast %slice3A_59 : vector<1x1x512xf32> to vector<512xf32>
    %slice3A_61 = vector.extract_strided_slice %get3A_2 {offsets = [1, 5, 0], sizes = [1, 1, 512], strides = [1, 1, 1]} : vector<2x6x512xf32> to vector<1x1x512xf32>
    %squeeze3A_62 = vector.shape_cast %slice3A_61 : vector<1x1x512xf32> to vector<512xf32>
    %add3A_63 = arith.addf %squeeze3A_60, %squeeze3A_62 : vector<512xf32>
    %max3A_64 = arith.constant 1.000000e+00 : f32
    %max3A_65 = vector.broadcast %max3A_64 : f32 to vector<512xf32>
    %max3A_66 = arith.maximumf %add3A_63, %max3A_65 : vector<512xf32>
    %rsqrt3A_67 = math.rsqrt %max3A_66 : vector<512xf32>
    %slice3A_68 = vector.extract_strided_slice %get3A_58 {offsets = [0, 0, 0], sizes = [1, 512, 128], strides = [1, 1, 1]} : vector<2x512x128xf32> to vector<1x512x128xf32>
    %squeeze3A_69 = vector.shape_cast %slice3A_68 : vector<1x512x128xf32> to vector<512x128xf32>
    %slice3A_70 = vector.extract_strided_slice %get3A_58 {offsets = [1, 0, 0], sizes = [1, 512, 128], strides = [1, 1, 1]} : vector<2x512x128xf32> to vector<1x512x128xf32>
    %squeeze3A_71 = vector.shape_cast %slice3A_70 : vector<1x512x128xf32> to vector<512x128xf32>
    %add3A_72 = arith.addf %squeeze3A_69, %squeeze3A_71 : vector<512x128xf32>
    %broadcast_in_dim3A_73 = vector.shape_cast %rsqrt3A_67 : vector<512xf32> to vector<512x1xf32>
    %mul3A_74 = vector.broadcast %broadcast_in_dim3A_73 : vector<512x1xf32> to vector<512x128xf32>
    %mul3A_75 = arith.mulf %add3A_72, %mul3A_74 : vector<512x128xf32>
    %get3A_76 = arith.constant 2 : index
    %get3A_77 = arith.constant 0 : index
    %get3A_78 = arith.constant 0 : index
    %get3A_79 = vector.load %arg5[%get3A_76, %get3A_77, %get3A_78] : memref<3x128x128xf32, #tpu.memory_space<vmem>>, vector<1x128x128xf32>
    %get3A_80 = vector.shape_cast %get3A_79 : vector<1x128x128xf32> to vector<128x128xf32>
    %dot_general3A_81 = arith.constant dense<0.000000e+00> : vector<512x128xf32>
    %dot_general3A_82 = tpu.matmul %mul3A_75, %get3A_80, %dot_general3A_81 {dimension_numbers = #tpu.dot_dimension_numbers<[1], [0], [0], [1], [0, 0, 1, 1], [], []>, transpose_lhs_hint = false} : vector<512x128xf32>, vector<128x128xf32>, vector<512x128xf32> -> vector<512x128xf32>
    %add3A_83 = arith.addf %add3A_54, %dot_general3A_82 : vector<512x128xf32>
    %swap3A = arith.constant 0 : index
    %swap3A_84 = arith.constant 0 : index
    %swap3A_85 = vector.load %arg6[%swap3A, %swap3A_84] : memref<512x128xf32, #tpu.memory_space<vmem>>, vector<512x128xf32>
    tpu.vector_store %arg6[%swap3A, %swap3A_84], %add3A_83 {strides = array<i32>} : memref<512x128xf32, #tpu.memory_space<vmem>>, vector<512x128xf32>,
    return
  }
  func.func @transform_0(%arg0: i32) -> (i32, i32, i32) {
    %c0_i32 = arith.constant 0 : i32
    %c0_i32_0 = arith.constant 0 : i32
    %c0_i32_1 = arith.constant 0 : i32
    return %c0_i32, %c0_i32_0, %arg0 : i32, i32, i32
  }
  func.func @transform_1(%arg0: i32) -> (i32, i32, i32) {
    %c0_i32 = arith.constant 0 : i32
    %c0_i32_0 = arith.constant 0 : i32
    %c0_i32_1 = arith.constant 0 : i32
    return %c0_i32, %arg0, %c0_i32_0 : i32, i32, i32
  }
  func.func @transform_2(%arg0: i32) -> (i32, i32, i32) {
    %c0_i32 = arith.constant 0 : i32
    %c0_i32_0 = arith.constant 0 : i32
    %c0_i32_1 = arith.constant 0 : i32
    return %c0_i32, %arg0, %c0_i32_0 : i32, i32, i32
  }
  func.func @transform_3(%arg0: i32) -> (i32, i32, i32) {
    %c0_i32 = arith.constant 0 : i32
    %c0_i32_0 = arith.constant 0 : i32
    %c0_i32_1 = arith.constant 0 : i32
    return %c0_i32, %arg0, %c0_i32_0 : i32, i32, i32
  }
  func.func @transform_4(%arg0: i32) -> (i32, i32, i32) {
    %c0_i32 = arith.constant 0 : i32
    %c0_i32_0 = arith.constant 0 : i32
    %c0_i32_1 = arith.constant 0 : i32
    %c0_i32_2 = arith.constant 0 : i32
    return %c0_i32, %c0_i32_0, %c0_i32_1 : i32, i32, i32
  }
  func.func @transform_5(%arg0: i32) -> (i32, i32) {
    %c0_i32 = arith.constant 0 : i32
    %c0_i32_0 = arith.constant 0 : i32
    return %arg0, %c0_i32 : i32, i32
  }
}

</mosaic_0001>

<sc_bundles>
// kernel: kernel.6.cloned.1.call-start
scs
__scs_entry_jumppad:
0x0: {  	(pc) =	sbr.rel $0x88, $3  }
0x1: {  	(tag) =	ssettag $0x0;
	lr =	simm.s32 $0x1  }
0x2: {  	[smem:$0x3F9A] =	sst lr;
	_ =	strace $0xD0000000  }
0x3: {  	_ = 	snop  }
0x4: {  	_ = 	snop  }
0x5: {  	_ = 	snop  }
0x6: {  	_ = 	snop  }
0x7: {  	_ = 	snop  }
__scs_overlays_trampoline_lowered:
0x8: {  	[smem:$0x3FA9] =	sst s0  }
0x9: {  	[smem:$0x3FAA] =	sst s1  }
0xa: {  	[smem:$0x3FAB] =	sst s2  }
0xb: {  	[smem:$0x3FAC] =	sst s3  }
0xc: {  	[smem:$0x3FAD] =	sst s4  }
0xd: {  	[smem:$0x3FAE] =	sst s5  }
0xe: {  	[smem:$0x3FAF] =	sst s6  }
0xf: {  	[smem:$0x3FB0] =	sst s7  }
0x10: {  	[smem:$0x3FB1] =	sst s8  }
0x11: {  	[smem:$0x3FB2] =	sst s9;
	s0 =	simm.s32 @!p0 $0x0  }
0x12: {  	s1 =	sld [smem:$0x3F98];
	s0 =	simm.s32 @p0 $0x1  }
0x13: {  	[smem:$0x3FB3] =	sst s0;
	s0 =	simm.s32 @!p1 $0x0  }
0x14: {  	s2 =	sld [smem:$0x3F97];
	s0 =	simm.s32 @p1 $0x1  }
0x15: {  	[smem:$0x3FB4] =	sst s0;
	s0 =	simm.s32 @!p2 $0x0  }
0x16: {  	s3 =	sld [smem:$0x3FDB];
	s0 =	simm.s32 @p2 $0x1  }
0x17: {  	s4 =	simm.s32 $0x1BF5;
	[smem:$0x3FB6] =	sst s0  }
0x18: {  	s0 =	sld [smem:$0x3F99];
	_ =	swait.ge [sflag:s4], $0x0  }
0x19: {  	s7 =	sld [smem:$0x3F9A]  }
0x1a: {  	s8 =	sadd.s32 $0xFFFFE003, lr  }
0x1b: {  	s9 =	sadd.s32 $0xFFFFFEF7, lr;
	s5 =	simm.s32 $0xFFFFFFFF;
	p2 =	slt.u32 s8, $0xFFFFF086  }
0x1c: {  	p1 =	slt.u32 s9, $0xF7A;
	s5 =	simm.s32 @!p2 $0x0  }
0x1d: {  	s5 =	simm.s32 @p1 $0x1;
	p0 =	seq.s32 s7, s2  }
0x1e: {  	s7 =	smul.u32 @!p0 $0xF7A, s2;
	p2 =	seq.s32 @!p0 s5, $0x0  }
0x1f: {  	s9 =	smul.u32 $0xF7A, s1;
	s8 =	simm.s32 @!p0 $0x1BF5;
	p2 =	por !p2, p0  }
0x20: {  	[sflag:s8] =	ssyncset.s32 @!p0 $0xFFFFF086;
	s6 =	sadd.s32 @!p0 s3, s7;
	s7 =	simm.s32 @!p0 $0x108  }
0x21: {  	s3 =	sadd.s32 s3, s9;
	s6 =	sadd.s32 @!p0 $0x88, s6;
	s7 =	simm.s32 @p2 $0x1082  }
0x22: {  	[simem:s7], [sflag:s8] =	dma.local @!p0 [hbm:s6], $0xF7A  }
0x23: {  	s9 =	sor.u32 $0xD0000000, s2;
	s6 =	simm.s32 $0x108;
	_ =	swait.ge @!p0 [sflag:s8], $0x0  }
0x24: {  	s3 =	sadd.s32 $0x88, s3;
	s6 =	simm.s32 @!p1 $0x1082;
	[sflag:s4] =	ssyncset.s32 $0xFFFFF086  }
0x25: {  	[simem:s6], [sflag:s4] =	dma.local [hbm:s3], $0xF7A  }
0x26: {  	[smem:$0x3F9A] =	sst s1;
	(tag) =	ssettag s2;
	_ =	strace s9  }
0x27: {  	s1 =	sld [smem:$0x3FAA]  }
0x28: {  	s2 =	sld [smem:$0x3FAB]  }
0x29: {  	s4 =	sld [smem:$0x3FAD]  }
0x2a: {  	p0 =	seq.s32 s5, $0x0;
	s5 =	sld [smem:$0x3FAE]  }
0x2b: {  	s6 =	sld [smem:$0x3FAF]  }
0x2c: {  	s7 =	sld [smem:$0x3FB0]  }
0x2d: {  	s3 =	simm.s32 $0x108;
	s8 =	sld [smem:$0x3FB1]  }
0x2e: {  	s3 =	simm.s32 @!p0 $0x1082;
	s9 =	sld [smem:$0x3FB2]  }
0x2f: {  	lr =	sadd.s32 s0, s3;
	s0 =	sld [smem:$0x3FA9]  }
0x30: {  	s3 =	sld [smem:$0x3FAC]  }
0x31: {  	[smem:$0x3FB5] =	sst s10  }
0x32: {  	s10 =	sld [smem:$0x3FB3];
	_ =	sdelay $0x3  }
0x33: {  	p0 =	seq.s32 s10, $0x1;
	s10 =	sld [smem:$0x3FB5];
	_ =	sdelay $0x3  }
0x34: {  	[smem:$0x3FB5] =	sst s10  }
0x35: {  	s10 =	sld [smem:$0x3FB4];
	_ =	sdelay $0x3  }
0x36: {  	p1 =	seq.s32 s10, $0x1;
	s10 =	sld [smem:$0x3FB5];
	_ =	sdelay $0x3  }
0x37: {  	[smem:$0x3FB5] =	sst s10  }
0x38: {  	s10 =	sld [smem:$0x3FB6]  }
0x39: {  	_ = 	snop;
	(pc) =	sbr.ind lr, $3  }
0x3a: {  	_ = 	snop  }
0x3b: {  	_ = 	snop  }
0x3c: {  	p2 =	seq.s32 s10, $0x1;
	s10 =	sld [smem:$0x3FB5]  }
0x3d: {  	_ =	shalt  }
0x3e: {  	_ =	shalt  }
0x3f: {  	_ =	shalt  }
0x40: {  	_ =	shalt  }
0x41: {  	_ =	shalt  }
0x42: {  	_ =	shalt  }
0x43: {  	_ =	shalt  }
0x44: {  	_ =	shalt  }
0x45: {  	_ =	shalt  }
0x46: {  	_ =	shalt  }
0x47: {  	_ =	shalt  }
0x48: {  	_ =	shalt  }
0x49: {  	_ =	shalt  }
0x4a: {  	_ =	shalt  }
0x4b: {  	_ =	shalt  }
0x4c: {  	_ =	shalt  }
0x4d: {  	_ =	shalt  }
0x4e: {  	_ =	shalt  }
0x4f: {  	_ =	shalt  }
0x50: {  	_ =	shalt  }
0x51: {  	_ =	shalt  }
0x52: {  	_ =	shalt  }
0x53: {  	_ =	shalt  }
0x54: {  	_ =	shalt  }
0x55: {  	_ =	shalt  }
0x56: {  	_ =	shalt  }
0x57: {  	_ =	shalt  }
0x58: {  	_ =	shalt  }
0x59: {  	_ =	shalt  }
0x5a: {  	_ =	shalt  }
0x5b: {  	_ =	shalt  }
0x5c: {  	_ =	shalt  }
0x5d: {  	_ =	shalt  }
0x5e: {  	_ =	shalt  }
0x5f: {  	_ =	shalt  }
0x60: {  	_ =	shalt  }
0x61: {  	_ =	shalt  }
0x62: {  	_ =	shalt  }
0x63: {  	_ =	shalt  }
0x64: {  	_ =	shalt  }
0x65: {  	_ =	shalt  }
0x66: {  	_ =	shalt  }
0x67: {  	_ =	shalt  }
0x68: {  	_ =	shalt  }
0x69: {  	_ =	shalt  }
0x6a: {  	_ =	shalt  }
0x6b: {  	_ =	shalt  }
0x6c: {  	_ =	shalt  }
0x6d: {  	_ =	shalt  }
0x6e: {  	_ =	shalt  }
0x6f: {  	_ =	shalt  }
0x70: {  	_ =	shalt  }
0x71: {  	_ =	shalt  }
0x72: {  	_ =	shalt  }
0x73: {  	_ =	shalt  }
0x74: {  	_ =	shalt  }
0x75: {  	_ =	shalt  }
0x76: {  	_ =	shalt  }
0x77: {  	_ =	shalt  }
0x78: {  	_ =	shalt  }
0x79: {  	_ =	shalt  }
0x7a: {  	_ =	shalt  }
0x7b: {  	_ =	shalt  }
0x7c: {  	_ =	shalt  }
0x7d: {  	_ =	shalt  }
0x7e: {  	_ =	shalt  }
0x7f: {  	_ =	shalt  }
0x80: {  	_ =	shalt  }
0x81: {  	_ =	shalt  }
0x82: {  	_ =	shalt  }
0x83: {  	_ =	shalt  }
0x84: {  	_ =	shalt  }
0x85: {  	_ =	shalt  }
0x86: {  	_ =	shalt  }
0x87: {  	_ =	shalt  }
.Lfunc_end0:
.L_simem_size_0:
called_computation_lowered:
.L_overlay_start_0:
0x88: {  	s2 =	sld [smem:$0x3FD9]  }
0x89: {  	s3 =	sld [smem:$0x3FFE];
	_ =	sdelay $0x1  }
0x8a: {  	s1 =	srdreg.scid  }
0x8b: {  	s0 =	sand.u32 $0x1, s1  }
0x8c: {  	s17 =	sshll.u32 s0, $0xA;
	s2 =	sadd.s32 s3, s2  }
0x8d: {  	s2 =	sadd.s32 s2, s17  }
0x8e: {  	[smem:$0x3FC1] =	sst s2  }
0x8f: {  	_ = 	snop  }
0x90: {  	s2 =	sld [smem:$0x3FD0];
	(tm) =	ssettm $0x1  }
0x91: {  	s18 =	sld [smem:$0x3FFB];
	_ =	sdelay $0x3  }
0x92: {  	_ =	strace s18  }
0x93: {  	s3 =	sld [smem:$0x3FFC];
	_ =	sdelay $0x3  }
0x94: {  	_ =	strace s3  }
0x95: {  	s3 =	sld [smem:$0x3FFD];
	_ =	sdelay $0x3  }
0x96: {  	_ =	strace s3  }
0x97: {  	_ =	strace $0x8FFFFFFF  }
0x98: {  	s19 =	sld [smem:$0x3FDB];
	_ =	sdelay $0x1  }
0x99: {  	s4 =	simm.s32 $_scs_section_size  }
0x9a: {  	s5 =	simm.s32 $_size__tile_overlayer_lowered;
	s6 =	simm.s32 $_tile_overlayer_lowered  }
0x9b: {  	s22 =	simm.s32 $0x1BFF;
	s21 =	sshll.u32 s6, $0x1;
	s3 =	sadd.s32 s4, s19  }
0x9c: {  	s7 =	simm.s32 $0x0;
	s20 =	sshll.u32 s5, $0x1;
	s5 =	sadd.s32 s21, s3  }
0x9d: {  	[timem:s7], [sflag:s22] =	dma.local [hbm:s5], s20  }
0x9e: {  	_ =	swait.ge [sflag:s22], s20  }
0x9f: {  	s4 =	ssub.s32 $0x0, s20;
	[sflag:s22] =	ssyncset.done $0x0  }
0xa0: {  	[sflag:s22] =	ssyncadd.s32 s4;
	_ =	sdelay $0x1  }
0xa1: {  	s23 =	simm.s32 $0x1B8B  }
0xa2: {  	_ =	swait.ge [sflag:s23], $0x1  }
0xa3: {  	[sflag:s23] =	ssyncset.done $0x0  }
0xa4: {  	s25 =	simm.s32 $0x1B8E;
	s24 =	sld [smem:$0x3FFE];
	[sflag:s23] =	ssyncadd.s32 $0xFFFFFFFF  }
0xa5: {  	s26 =	simm.s32 $execute0_lowered;
	[smem:$0x3FD2] =	sst s25  }
0xa6: {  	s5 =	sshll.u32 s26, $0x1;
	_ =	strace $0x80000046;
	[dreg:$0x1] =	wrdreg $0xFFFFFFFF  }
0xa7: {  	s28 =	simm.s32 $_size_execute0_lowered;
	s3 =	sadd.s32 s3, s5;
	[dreg:$0x0] =	wrdreg $0x0  }
0xa8: {  	s5 =	sshll.u32 s28, $0x1;
	[dreg:$0x2] =	wrdreg s3  }
0xa9: {  	[dreg:$0x3] =	wrdreg s5  }
0xaa: {  	[dreg:$0x4] =	wrdreg $0xC0  }
0xab: {  	_ =	task [dreg:s7], $0x5FFFF  }
0xac: {  	[dreg:$0x1] =	wrdreg $0xFFFFFFFF  }
0xad: {  	[dreg:$0x0] =	wrdreg $0x60  }
0xae: {  	[dreg:$0x2] =	wrdreg s24  }
0xaf: {  	[dreg:$0x3] =	wrdreg s2  }
0xb0: {  	[dreg:$0x4] =	wrdreg $0x7000  }
0xb1: {  	[dreg:$0x5] =	wrdreg $0x9800  }
0xb2: {  	[dreg:$0x6] =	wrdreg $0xC000  }
0xb3: {  	[dreg:$0x7] =	wrdreg $0xE800  }
0xb4: {  	[dreg:$0x8] =	wrdreg $0x11000  }
0xb5: {  	[dreg:$0x9] =	wrdreg $0x13800  }
0xb6: {  	[dreg:$0xa] =	wrdreg $0x9  }
0xb7: {  	_ =	task.clear_ibuf [dreg:s7], $0xBFFFF;
	_ =	strace $0x90000046  }
0xb8: {  	s29 =	simm.s32 $0x9;
	_ =	strace $0x80000048  }
0xb9: {  	_ =	swait.ge [sflag:s29], $0x1  }
0xba: {  	[sflag:s29] =	ssyncadd.s32 $0xFFFFFFFF  }
0xbb: {  	_ =	strace $0x90000048  }
0xbc: {  	_ =	sfence  }
0xbd: {  	s30 =	sld [smem:$0x0];
	_ =	sdelay $0x2  }
0xbe: {  	s31 =	sshll.u32 s1, $0xD;
	s1 =	sshrl.u32 s1, $0x2  }
0xbf: {  	s3 =	sand.u32 $0x4000, s31;
	s1 =	sadd.s32 s1, s30  }
0xc0: {  	s0 =	sor.u32 s3, s0;
	s1 =	sshll.u32 s1, $0x11  }
0xc1: {  	s0 =	sor.u32 s1, s0  }
0xc2: {  	s0 =	sadd.s32 $0x8F2B, s0  }
0xc3: {  	[sflag:s0] =	ssyncadd.remote.s32 $0x1  }
0xc4: {  	_ =	sfence.sel $0xFFFF  }
0xc5: {  	[dreg:$0x0] =	wrdreg $0xFFFFFFFF;
	(pc) =	sbr.abs _section_cstart, $3  }
0xc6: {  	[dreg:$0x1] =	wrdreg $0xFFFFFFFF  }
0xc7: {  	_ =	task.clear_ibuf [dreg:s7], $0x2FFFF;
	_ =	strace $0x9FFFFFFF  }
0xc8: {  	(tm) =	ssettm $0x7FFFFFFF  }
0xc9: {  	_ =	shalt  }
tec
execute0_lowered:
.L_overlay_start_1:
0x0: {  	(tag) =	ssettag $0x1  }
0x1: {  	s2 =	rddreg [dreg:$0x0]  }
0x2: {  	s5 =	rddreg [dreg:$0x1]  }
0x3: {  	s0 =	rddreg [dreg:$0x2]  }
0x4: {  	s1 =	rddreg [dreg:$0x3]  }
0x5: {  	s3 =	rddreg [dreg:$0x4]  }
0x6: {  	s4 =	rddreg [dreg:$0x5]  }
0x7: {  	s6 =	rddreg [dreg:$0x6]  }
0x8: {  	s8 =	srdreg.scid;
	s17 =	stileid.u32  }
0x9: {  	s7 =	rddreg [dreg:$0x7];
	s10 =	smul.u32 $0x280, s17  }
0xa: {  	s30 =	simm.s32 $0x1;
	s9 =	sand.u32 $0x1, s8;
	s26 =	smul.u32 $0x500, s17  }
0xb: {  	s31 =	simm.s32 $0x80;
	s8 =	simm.s32 $0x0;
	s11 =	smul.u32 $0x2800, s9  }
0xc: {  	[smem:$0x7FF] =	sst s8;
	s15 =	smul.u32 $0x5000, s9;
	s9 =	ssub.s32 $0x2, s9  }
0xd: {  	s17 =	simm.s32 $0x280;
	_ =	strace $0x80000047;
	s12 =	sshrl.u32 s9, $0x1  }
0xe: {  	s21 =	sadd.s32 s10, s1;
	s13 =	sadd.s32 s10, s4;
	s14 =	sadd.s32 s10, s6  }
0xf: {  	s29 =	sadd.s32 s10, s7;
	s11 =	sadd.s32 s10, s11;
	[dreg:$0x15] =	wrdreg s14  }
0x10: {  	s16 =	sadd.s32 s15, s2;
	s9 =	ssub.s32 s9, s12;
	[dreg:$0xc] =	wrdreg s29  }
0x11: {  	s12 =	sadd.s32 s10, s3;
	s5 =	sadd.s32 s15, s5;
	[dreg:$0xa] =	wrdreg s13  }
0x12: {  	s11 =	sshrl.u32 s11, $0x3;
	s9 =	smax.u32 s9, $0x1;
	[dreg:$0x9] =	wrdreg s12  }
0x13: {  	s2 =	sadd.s32 s11, s2;
	s11 =	sadd.s32 s10, s0;
	[dreg:$0x13] =	wrdreg s9  }
0x14: {  	s15 =	simm.s32 $0x180;
	s24 =	sadd.s32 $0x33000, s2;
	[dreg:$0xb] =	wrdreg s11  }
0x15: {  	s20 =	sadd.s32 s26, s16;
	s25 =	sadd.s32 $0x33A00, s2;
	[dreg:$0xd] =	wrdreg s24  }
0x16: {  	s23 =	sadd.s32 s26, s5;
	s14 =	sadd.s32 $0x34400, s2;
	[dreg:$0xe] =	wrdreg s25  }
0x17: {  	s5 =	simm.s32 $0x400;
	s18 =	sadd.s32 $0x34E00, s2;
	[dreg:$0xf] =	wrdreg s14  }
0x18: {  	s16 =	simm.s32 $0x200;
	s19 =	sadd.s32 $0x35800, s2;
	[dreg:$0x10] =	wrdreg s18  }
0x19: {  	s22 =	sadd.s32 $0x29000, s20;
	s2 =	sadd.s32 $0x36200, s2;
	[dreg:$0x11] =	wrdreg s19  }
0x1a: {  	s26 =	sadd.s32 $0x15000, s20;
	s28 =	sadd.s32 $0x1F000, s20;
	[dreg:$0x12] =	wrdreg s2  }
0x1b: {  	s24 =	sadd.s32 $0x1000, s20;
	s25 =	sadd.s32 $0xB000, s20;
	s2 =	simm.s32 $0x100  }
0x1c: {  	v0 =	vimm.f32 $1.000000000e+00;
	v1 =	vimm.f32 $0.0e+00;
	s18 =	simm.s32 $0x300;
	s19 =	simm.s32 $0x380;
	s14 =	simm.s32 $0x0  }
.LBB2_1:
0x1d: {  	[tilespmem:$0x400] =	vst v0  }
0x1e: {  	[tilespmem:$0x410] =	vst v0  }
0x1f: {  	[tilespmem:$0x420] =	vst v0  }
0x20: {  	[tilespmem:$0x430] =	vst v0  }
0x21: {  	[tilespmem:$0x440] =	vst v0  }
0x22: {  	[tilespmem:$0x450] =	vst v0  }
0x23: {  	[tilespmem:$0x460] =	vst v0  }
0x24: {  	[tilespmem:$0x470] =	vst v0  }
0x25: {  	[tilespmem:$0x480] =	vst v1  }
0x26: {  	[tilespmem:$0x490] =	vst v1  }
0x27: {  	[tilespmem:$0x4A0] =	vst v1  }
0x28: {  	[tilespmem:$0x4B0] =	vst v1  }
0x29: {  	[tilespmem:$0x4C0] =	vst v1  }
0x2a: {  	[tilespmem:$0x4D0] =	vst v1  }
0x2b: {  	[tilespmem:$0x4E0] =	vst v1  }
0x2c: {  	[tilespmem:$0x4F0] =	vst v1  }
0x2d: {  	[tilespmem:$0x500] =	vst v1  }
0x2e: {  	[tilespmem:$0x510] =	vst v1  }
0x2f: {  	[tilespmem:$0x520] =	vst v1  }
0x30: {  	[tilespmem:$0x530] =	vst v1  }
0x31: {  	[tilespmem:$0x540] =	vst v1  }
0x32: {  	[tilespmem:$0x550] =	vst v1  }
0x33: {  	[tilespmem:$0x560] =	vst v1  }
0x34: {  	[tilespmem:$0x570] =	vst v1  }
0x35: {  	[tilespmem:$0x580] =	vst v1  }
0x36: {  	[tilespmem:$0x590] =	vst v1  }
0x37: {  	[tilespmem:$0x5A0] =	vst v1  }
0x38: {  	[tilespmem:$0x5B0] =	vst v1  }
0x39: {  	[tilespmem:$0x5C0] =	vst v1  }
0x3a: {  	[tilespmem:$0x5D0] =	vst v1  }
0x3b: {  	[tilespmem:$0x5E0] =	vst v1  }
0x3c: {  	[tilespmem:$0x5F0] =	vst v1  }
0x3d: {  	[tilespmem:$0x600] =	vst v1  }
0x3e: {  	[tilespmem:$0x610] =	vst v1  }
0x3f: {  	[tilespmem:$0x620] =	vst v1  }
0x40: {  	[tilespmem:$0x630] =	vst v1  }
0x41: {  	[tilespmem:$0x640] =	vst v1  }
0x42: {  	[tilespmem:$0x650] =	vst v1  }
0x43: {  	[tilespmem:$0x660] =	vst v1  }
0x44: {  	[tilespmem:$0x670] =	vst v1  }
0x45: {  	[tilespmem:$0x680] =	vst v1  }
0x46: {  	[tilespmem:$0x690] =	vst v1  }
0x47: {  	[tilespmem:$0x6A0] =	vst v1  }
0x48: {  	[tilespmem:$0x6B0] =	vst v1  }
0x49: {  	[tilespmem:$0x6C0] =	vst v1  }
0x4a: {  	[tilespmem:$0x6D0] =	vst v1  }
0x4b: {  	[tilespmem:$0x6E0] =	vst v1  }
0x4c: {  	[dreg:$0x14] =	wrdreg s14;
	[tilespmem:$0x6F0] =	vst v1;
	s20 =	simm.s32 $0x480  }
0x4d: {  	[spmem:s11] =	stream.linear.scatter [tilespmem:s20], [sflag:$0x1], $0x280, $0x38;
	[tilespmem:$0x1600] =	vst v63  }
0x4e: {  	_ =	swait.ge [sflag:s30], $0x280  }
0x4f: {  	[sflag:s30] =	ssyncset.done $0x0  }
0x50: {  	[sflag:s30] =	ssyncadd.s32 $0xFFFFFD80  }
0x51: {  	[spmem:s21] =	stream.linear.scatter [tilespmem:s20], [sflag:$0x1], $0x280, $0x38;
	[tilespmem:$0x1600] =	vst v63  }
0x52: {  	s10 =	rddreg [dreg:$0x15];
	_ =	swait.ge [sflag:s30], $0x280  }
0x53: {  	[sflag:s30] =	ssyncset.done $0x0  }
0x54: {  	[sflag:s30] =	ssyncadd.s32 $0xFFFFFD80  }
0x55: {  	[spmem:s12] =	stream.linear.scatter [tilespmem:s20], [sflag:$0x1], $0x280, $0x38;
	[tilespmem:$0x1600] =	vst v63  }
0x56: {  	_ =	swait.ge [sflag:s30], $0x280  }
0x57: {  	[sflag:s30] =	ssyncset.done $0x0  }
0x58: {  	[sflag:s30] =	ssyncadd.s32 $0xFFFFFD80  }
0x59: {  	[spmem:s13] =	stream.linear.scatter [tilespmem:s20], [sflag:$0x1], $0x280, $0x38;
	[tilespmem:$0x1600] =	vst v63  }
0x5a: {  	_ =	swait.ge [sflag:s30], $0x280  }
0x5b: {  	[sflag:s30] =	ssyncset.done $0x0  }
0x5c: {  	[sflag:s30] =	ssyncadd.s32 $0xFFFFFD80  }
0x5d: {  	[spmem:s10] =	stream.linear.scatter [tilespmem:s20], [sflag:$0x1], $0x280, $0x38;
	[tilespmem:$0x1600] =	vst v63  }
0x5e: {  	_ =	swait.ge [sflag:s30], $0x280  }
0x5f: {  	[sflag:s30] =	ssyncset.done $0x0  }
0x60: {  	[sflag:s30] =	ssyncadd.s32 $0xFFFFFD80  }
0x61: {  	[spmem:s29] =	stream.linear.scatter [tilespmem:s20], [sflag:$0x1], $0x280, $0x38;
	[tilespmem:$0x1600] =	vst v63  }
0x62: {  	_ =	swait.ge [sflag:s30], $0x280  }
0x63: {  	[sflag:s30] =	ssyncset.done $0x0  }
0x64: {  	[sflag:s30] =	ssyncadd.s32 $0xFFFFFD80  }
0x65: {  	s9 =	sadd.s32 $0x0, s22;
	[bflag:$0x0] =	sbarrier.arrive $0xFFFF  }
0x66: {  	[tilespmem:s8], [sflag:$0x1] =	stream.linear.gather [hbm4b:s9+s8], $0x400, $0x38;
	[tilespmem:$0x1600] =	vst v63  }
0x67: {  	_ =	swait.ge [sflag:s30], $0x400  }
0x68: {  	[sflag:s30] =	ssyncset.done $0x0  }
0x69: {  	[sflag:s30] =	ssyncadd.s32 $0xFFFFFC00  }
0x6a: {  	[spmem:s0] =	stream.indirect.scatter.add.f32 [tilespmem:s5], [sflag:$0x1], $0x1, s8, s31, $0xb8;
	[tilespmem:$0x1600] =	vst v63  }
0x6b: {  	_ =	swait.ge [sflag:s30], $0x80  }
0x6c: {  	[sflag:s30] =	ssyncset.done $0x0  }
0x6d: {  	[sflag:s30] =	ssyncadd.s32 $0xFFFFFF80  }
0x6e: {  	[spmem:s0] =	stream.indirect.scatter.add.f32 [tilespmem:s5], [sflag:$0x1], $0x1, s31, s31, $0xb8;
	[tilespmem:$0x1600] =	vst v63  }
0x6f: {  	_ =	swait.ge [sflag:s30], $0x80  }
0x70: {  	[sflag:s30] =	ssyncset.done $0x0  }
0x71: {  	[sflag:s30] =	ssyncadd.s32 $0xFFFFFF80  }
0x72: {  	[spmem:s0] =	stream.indirect.scatter.add.f32 [tilespmem:s5], [sflag:$0x1], $0x1, s2, s31, $0xb8;
	[tilespmem:$0x1600] =	vst v63  }
0x73: {  	_ =	swait.ge [sflag:s30], $0x80  }
0x74: {  	[sflag:s30] =	ssyncset.done $0x0  }
0x75: {  	[sflag:s30] =	ssyncadd.s32 $0xFFFFFF80  }
0x76: {  	[spmem:s0] =	stream.indirect.scatter.add.f32 [tilespmem:s5], [sflag:$0x1], $0x1, s15, s31, $0xb8;
	[tilespmem:$0x1600] =	vst v63  }
0x77: {  	_ =	swait.ge [sflag:s30], $0x80  }
0x78: {  	[sflag:s30] =	ssyncset.done $0x0  }
0x79: {  	[sflag:s30] =	ssyncadd.s32 $0xFFFFFF80  }
0x7a: {  	[spmem:s0] =	stream.indirect.scatter.add.f32 [tilespmem:s5], [sflag:$0x1], $0x1, s16, s31, $0xb8;
	[tilespmem:$0x1600] =	vst v63  }
0x7b: {  	_ =	swait.ge [sflag:s30], $0x80  }
0x7c: {  	[sflag:s30] =	ssyncset.done $0x0  }
0x7d: {  	[sflag:s30] =	ssyncadd.s32 $0xFFFFFF80  }
0x7e: {  	[spmem:s0] =	stream.indirect.scatter.add.f32 [tilespmem:s5], [sflag:$0x1], $0x1, s17, s31, $0xb8;
	[tilespmem:$0x1600] =	vst v63  }
0x7f: {  	_ =	swait.ge [sflag:s30], $0x80  }
0x80: {  	[sflag:s30] =	ssyncset.done $0x0  }
0x81: {  	[sflag:s30] =	ssyncadd.s32 $0xFFFFFF80  }
0x82: {  	[spmem:s0] =	stream.indirect.scatter.add.f32 [tilespmem:s5], [sflag:$0x1], $0x1, s18, s31, $0xb8;
	[tilespmem:$0x1600] =	vst v63  }
0x83: {  	_ =	swait.ge [sflag:s30], $0x80  }
0x84: {  	[sflag:s30] =	ssyncset.done $0x0  }
0x85: {  	[sflag:s30] =	ssyncadd.s32 $0xFFFFFF80  }
0x86: {  	[spmem:s0] =	stream.indirect.scatter.add.f32 [tilespmem:s5], [sflag:$0x1], $0x1, s19, s31, $0xb8;
	[tilespmem:$0x1600] =	vst v63  }
0x87: {  	s14 =	smov.u32 s21;
	s13 =	smov.u32 s10;
	_ =	swait.ge [sflag:s30], $0x80  }
0x88: {  	s10 =	sadd.s32 $0x80, s22;
	s9 =	simm.s32 $0x100;
	[sflag:s30] =	ssyncset.done $0x0  }
.LBB2_2:
0x89: {  	s11 =	sadd.s32 s9, s22;
	s21 =	simm.s32 $0x0;
	[sflag:s30] =	ssyncadd.s32 $0xFFFFFF80  }
0x8a: {  	[tilespmem:s21], [sflag:$0x1] =	stream.linear.gather [hbm4b:s10+s21], $0x400, $0x38;
	[tilespmem:$0x1600] =	vst v63  }
0x8b: {  	p0 =	sne.s32 s9, $0x480;
	s9 =	sadd.s32 $0x80, s9;
	_ =	swait.ge [sflag:s30], $0x400  }
0x8c: {  	s10 =	smov.u32 s11;
	[sflag:s30] =	ssyncset.done $0x0  }
0x8d: {  	[sflag:s30] =	ssyncadd.s32 $0xFFFFFC00  }
0x8e: {  	[spmem:s0] =	stream.indirect.scatter.add.f32 [tilespmem:s5], [sflag:$0x1], $0x1, s21, s31, $0xb8;
	[tilespmem:$0x1600] =	vst v63  }
0x8f: {  	_ =	swait.ge [sflag:s30], $0x80  }
0x90: {  	[sflag:s30] =	ssyncset.done $0x0  }
0x91: {  	[sflag:s30] =	ssyncadd.s32 $0xFFFFFF80  }
0x92: {  	[spmem:s0] =	stream.indirect.scatter.add.f32 [tilespmem:s5], [sflag:$0x1], $0x1, s31, s31, $0xb8;
	[tilespmem:$0x1600] =	vst v63  }
0x93: {  	_ =	swait.ge [sflag:s30], $0x80  }
0x94: {  	[sflag:s30] =	ssyncset.done $0x0  }
0x95: {  	[sflag:s30] =	ssyncadd.s32 $0xFFFFFF80  }
0x96: {  	[spmem:s0] =	stream.indirect.scatter.add.f32 [tilespmem:s5], [sflag:$0x1], $0x1, s2, s31, $0xb8;
	[tilespmem:$0x1600] =	vst v63  }
0x97: {  	_ =	swait.ge [sflag:s30], $0x80  }
0x98: {  	[sflag:s30] =	ssyncset.done $0x0  }
0x99: {  	[sflag:s30] =	ssyncadd.s32 $0xFFFFFF80  }
0x9a: {  	[spmem:s0] =	stream.indirect.scatter.add.f32 [tilespmem:s5], [sflag:$0x1], $0x1, s15, s31, $0xb8;
	[tilespmem:$0x1600] =	vst v63  }
0x9b: {  	_ =	swait.ge [sflag:s30], $0x80  }
0x9c: {  	[sflag:s30] =	ssyncset.done $0x0  }
0x9d: {  	[sflag:s30] =	ssyncadd.s32 $0xFFFFFF80  }
0x9e: {  	[spmem:s0] =	stream.indirect.scatter.add.f32 [tilespmem:s5], [sflag:$0x1], $0x1, s16, s31, $0xb8;
	[tilespmem:$0x1600] =	vst v63  }
0x9f: {  	_ =	swait.ge [sflag:s30], $0x80  }
0xa0: {  	[sflag:s30] =	ssyncset.done $0x0  }
0xa1: {  	[sflag:s30] =	ssyncadd.s32 $0xFFFFFF80  }
0xa2: {  	[spmem:s0] =	stream.indirect.scatter.add.f32 [tilespmem:s5], [sflag:$0x1], $0x1, s17, s31, $0xb8;
	[tilespmem:$0x1600] =	vst v63  }
0xa3: {  	_ =	swait.ge [sflag:s30], $0x80  }
0xa4: {  	[sflag:s30] =	ssyncset.done $0x0  }
0xa5: {  	[sflag:s30] =	ssyncadd.s32 $0xFFFFFF80  }
0xa6: {  	[spmem:s0] =	stream.indirect.scatter.add.f32 [tilespmem:s5], [sflag:$0x1], $0x1, s18, s31, $0xb8;
	[tilespmem:$0x1600] =	vst v63  }
0xa7: {  	_ =	swait.ge [sflag:s30], $0x80  }
.Ltmp0:
0xa8: {  	[sflag:s30] =	ssyncset.done $0x0;
	(pc) =	sbr.rel @p0 .LBB2_2-.Ltmp0, $4  }
0xa9: {  	[sflag:s30] =	ssyncadd.s32 $0xFFFFFF80  }
0xaa: {  	[spmem:s0] =	stream.indirect.scatter.add.f32 [tilespmem:s5], [sflag:$0x1], $0x1, s19, s31, $0xb8;
	[tilespmem:$0x1600] =	vst v63  }
0xab: {  	_ =	swait.ge [sflag:s30], $0x80  }
0xac: {  	[sflag:s30] =	ssyncset.done $0x0  }
0xad: {  	[sflag:s30] =	ssyncadd.s32 $0xFFFFFF80  }
0xae: {  	[tilespmem:s21], [sflag:$0x1] =	stream.linear.gather [hbm4b:s10+s21], $0x400, $0x38;
	[tilespmem:$0x1600] =	vst v63  }
0xaf: {  	_ =	swait.ge [sflag:s30], $0x400  }
0xb0: {  	[sflag:s30] =	ssyncset.done $0x0  }
0xb1: {  	[sflag:s30] =	ssyncadd.s32 $0xFFFFFC00  }
0xb2: {  	[spmem:s0] =	stream.indirect.scatter.add.f32 [tilespmem:s5], [sflag:$0x1], $0x1, s21, s31, $0xb8;
	[tilespmem:$0x1600] =	vst v63  }
0xb3: {  	_ =	swait.ge [sflag:s30], $0x80  }
0xb4: {  	[sflag:s30] =	ssyncset.done $0x0  }
0xb5: {  	[sflag:s30] =	ssyncadd.s32 $0xFFFFFF80  }
0xb6: {  	[spmem:s0] =	stream.indirect.scatter.add.f32 [tilespmem:s5], [sflag:$0x1], $0x1, s31, s31, $0xb8;
	[tilespmem:$0x1600] =	vst v63  }
0xb7: {  	_ =	swait.ge [sflag:s30], $0x80  }
0xb8: {  	[sflag:s30] =	ssyncset.done $0x0  }
0xb9: {  	[sflag:s30] =	ssyncadd.s32 $0xFFFFFF80  }
0xba: {  	[spmem:s0] =	stream.indirect.scatter.add.f32 [tilespmem:s5], [sflag:$0x1], $0x1, s2, s31, $0xb8;
	[tilespmem:$0x1600] =	vst v63  }
0xbb: {  	_ =	swait.ge [sflag:s30], $0x80  }
0xbc: {  	[sflag:s30] =	ssyncset.done $0x0  }
0xbd: {  	[sflag:s30] =	ssyncadd.s32 $0xFFFFFF80  }
0xbe: {  	[spmem:s0] =	stream.indirect.scatter.add.f32 [tilespmem:s5], [sflag:$0x1], $0x1, s15, s31, $0xb8;
	[tilespmem:$0x1600] =	vst v63  }
0xbf: {  	_ =	swait.ge [sflag:s30], $0x80  }
0xc0: {  	[sflag:s30] =	ssyncset.done $0x0  }
0xc1: {  	[sflag:s30] =	ssyncadd.s32 $0xFFFFFF80  }
0xc2: {  	[spmem:s0] =	stream.indirect.scatter.add.f32 [tilespmem:s5], [sflag:$0x1], $0x1, s16, s31, $0xb8;
	[tilespmem:$0x1600] =	vst v63  }
0xc3: {  	_ =	swait.ge [sflag:s30], $0x80  }
0xc4: {  	[sflag:s30] =	ssyncset.done $0x0  }
0xc5: {  	[sflag:s30] =	ssyncadd.s32 $0xFFFFFF80  }
0xc6: {  	[spmem:s0] =	stream.indirect.scatter.add.f32 [tilespmem:s5], [sflag:$0x1], $0x1, s17, s31, $0xb8;
	[tilespmem:$0x1600] =	vst v63  }
0xc7: {  	_ =	swait.ge [sflag:s30], $0x80  }
0xc8: {  	[sflag:s30] =	ssyncset.done $0x0  }
0xc9: {  	[sflag:s30] =	ssyncadd.s32 $0xFFFFFF80  }
0xca: {  	[spmem:s0] =	stream.indirect.scatter.add.f32 [tilespmem:s5], [sflag:$0x1], $0x1, s18, s31, $0xb8;
	[tilespmem:$0x1600] =	vst v63  }
0xcb: {  	_ =	swait.ge [sflag:s30], $0x80  }
0xcc: {  	p1 =	por $0x1, $0x1;
	[sflag:s30] =	ssyncset.done $0x0  }
.Ltmp1:
0xcd: {  	[sflag:s30] =	ssyncadd.s32 $0xFFFFFF80;
	(pc) =	sbr.rel @!p1 .LBB2_8-.Ltmp1, $4  }
0xce: {  	[spmem:s0] =	stream.indirect.scatter.add.f32 [tilespmem:s5], [sflag:$0x1], $0x1, s19, s31, $0xb8;
	[tilespmem:$0x1600] =	vst v63  }
0xcf: {  	_ =	swait.ge [sflag:s30], $0x80  }
0xd0: {  	s9 =	simm.s32 $0x80;
	p0 =	por $0x0, $0x0;
	[sflag:s30] =	ssyncset.done $0x0  }
0xd1: {  	p2 =	por $0x0, $0x0;
	s10 =	simm.s32 $0x0;
	[sflag:s30] =	ssyncadd.s32 $0xFFFFFF80  }
0xd2: {  	s10 =	sadd.s32 $0x0, s24  }
0xd3: {  	[tilespmem:s21], [sflag:$0x1] =	stream.linear.gather [hbm4b:s10+s21], $0x400, $0x38;
	[tilespmem:$0x1600] =	vst v63  }
0xd4: {  	_ =	swait.ge [sflag:s30], $0x400  }
0xd5: {  	[sflag:s30] =	ssyncset.done $0x0  }
0xd6: {  	[sflag:s30] =	ssyncadd.s32 $0xFFFFFC00  }
0xd7: {  	[spmem:s1] =	stream.indirect.scatter.add.f32 [tilespmem:s5], [sflag:$0x1], $0x1, s21, s31, $0xb8;
	[tilespmem:$0x1600] =	vst v63  }
0xd8: {  	_ =	swait.ge [sflag:s30], $0x80  }
0xd9: {  	[sflag:s30] =	ssyncset.done $0x0  }
0xda: {  	[sflag:s30] =	ssyncadd.s32 $0xFFFFFF80  }
0xdb: {  	[spmem:s1] =	stream.indirect.scatter.add.f32 [tilespmem:s5], [sflag:$0x1], $0x1, s31, s31, $0xb8;
	[tilespmem:$0x1600] =	vst v63  }
0xdc: {  	_ =	swait.ge [sflag:s30], $0x80  }
0xdd: {  	[sflag:s30] =	ssyncset.done $0x0  }
0xde: {  	[sflag:s30] =	ssyncadd.s32 $0xFFFFFF80  }
0xdf: {  	[spmem:s1] =	stream.indirect.scatter.add.f32 [tilespmem:s5], [sflag:$0x1], $0x1, s2, s31, $0xb8;
	[tilespmem:$0x1600] =	vst v63  }
0xe0: {  	_ =	swait.ge [sflag:s30], $0x80  }
0xe1: {  	[sflag:s30] =	ssyncset.done $0x0  }
0xe2: {  	[sflag:s30] =	ssyncadd.s32 $0xFFFFFF80  }
0xe3: {  	[spmem:s1] =	stream.indirect.scatter.add.f32 [tilespmem:s5], [sflag:$0x1], $0x1, s15, s31, $0xb8;
	[tilespmem:$0x1600] =	vst v63  }
0xe4: {  	_ =	swait.ge [sflag:s30], $0x80  }
0xe5: {  	[sflag:s30] =	ssyncset.done $0x0  }
0xe6: {  	[sflag:s30] =	ssyncadd.s32 $0xFFFFFF80  }
0xe7: {  	[spmem:s1] =	stream.indirect.scatter.add.f32 [tilespmem:s5], [sflag:$0x1], $0x1, s16, s31, $0xb8;
	[tilespmem:$0x1600] =	vst v63  }
0xe8: {  	_ =	swait.ge [sflag:s30], $0x80  }
0xe9: {  	[sflag:s30] =	ssyncset.done $0x0  }
0xea: {  	[sflag:s30] =	ssyncadd.s32 $0xFFFFFF80  }
0xeb: {  	[spmem:s1] =	stream.indirect.scatter.add.f32 [tilespmem:s5], [sflag:$0x1], $0x1, s17, s31, $0xb8;
	[tilespmem:$0x1600] =	vst v63  }
0xec: {  	_ =	swait.ge [sflag:s30], $0x80  }
0xed: {  	[sflag:s30] =	ssyncset.done $0x0  }
0xee: {  	[sflag:s30] =	ssyncadd.s32 $0xFFFFFF80  }
0xef: {  	[spmem:s1] =	stream.indirect.scatter.add.f32 [tilespmem:s5], [sflag:$0x1], $0x1, s18, s31, $0xb8;
	[tilespmem:$0x1600] =	vst v63  }
0xf0: {  	p3 =	por $0x1, $0x1;
	_ =	swait.ge [sflag:s30], $0x80  }
.Ltmp2:
0xf1: {  	[sflag:s30] =	ssyncset.done $0x0;
	(pc) =	sbr.rel @!p3 .LBB2_5-.Ltmp2, $4  }
0xf2: {  	[sflag:s30] =	ssyncadd.s32 $0xFFFFFF80  }
0xf3: {  	[spmem:s1] =	stream.indirect.scatter.add.f32 [tilespmem:s5], [sflag:$0x1], $0x1, s19, s31, $0xb8;
	[tilespmem:$0x1600] =	vst v63  }
0xf4: {  	_ =	swait.ge [sflag:s30], $0x80  }
0xf5: {  	p2 =	por $0x1, $0x1;
	s10 =	simm.s32 $0x100;
	[sflag:s30] =	ssyncset.done $0x0  }
.LBB2_6:
0xf6: {  	s12 =	sadd.s32 s9, s24  }
0xf7: {  	[sflag:s30] =	ssyncadd.s32 $0xFFFFFF80;
	s9 =	smov.u32 s10;
	s11 =	sadd.s32 $0x80, s10  }
0xf8: {  	[tilespmem:s21], [sflag:$0x1] =	stream.linear.gather [hbm4b:s12+s21], $0x400, $0x38;
	[tilespmem:$0x1600] =	vst v63  }
0xf9: {  	p3 =	sne.s32 s10, $0x480;
	_ =	swait.ge [sflag:s30], $0x400  }
0xfa: {  	[sflag:s30] =	ssyncset.done $0x0  }
0xfb: {  	[sflag:s30] =	ssyncadd.s32 $0xFFFFFC00  }
0xfc: {  	[spmem:s1] =	stream.indirect.scatter.add.f32 [tilespmem:s5], [sflag:$0x1], $0x1, s21, s31, $0xb8;
	[tilespmem:$0x1600] =	vst v63  }
0xfd: {  	_ =	swait.ge [sflag:s30], $0x80  }
0xfe: {  	[sflag:s30] =	ssyncset.done $0x0  }
0xff: {  	[sflag:s30] =	ssyncadd.s32 $0xFFFFFF80  }
0x100: {  	[spmem:s1] =	stream.indirect.scatter.add.f32 [tilespmem:s5], [sflag:$0x1], $0x1, s31, s31, $0xb8;
	[tilespmem:$0x1600] =	vst v63  }
0x101: {  	_ =	swait.ge [sflag:s30], $0x80  }
0x102: {  	[sflag:s30] =	ssyncset.done $0x0  }
0x103: {  	[sflag:s30] =	ssyncadd.s32 $0xFFFFFF80  }
0x104: {  	[spmem:s1] =	stream.indirect.scatter.add.f32 [tilespmem:s5], [sflag:$0x1], $0x1, s2, s31, $0xb8;
	[tilespmem:$0x1600] =	vst v63  }
0x105: {  	_ =	swait.ge [sflag:s30], $0x80  }
0x106: {  	[sflag:s30] =	ssyncset.done $0x0  }
0x107: {  	[sflag:s30] =	ssyncadd.s32 $0xFFFFFF80  }
0x108: {  	[spmem:s1] =	stream.indirect.scatter.add.f32 [tilespmem:s5], [sflag:$0x1], $0x1, s15, s31, $0xb8;
	[tilespmem:$0x1600] =	vst v63  }
0x109: {  	_ =	swait.ge [sflag:s30], $0x80  }
0x10a: {  	[sflag:s30] =	ssyncset.done $0x0  }
0x10b: {  	[sflag:s30] =	ssyncadd.s32 $0xFFFFFF80  }
0x10c: {  	[spmem:s1] =	stream.indirect.scatter.add.f32 [tilespmem:s5], [sflag:$0x1], $0x1, s16, s31, $0xb8;
	[tilespmem:$0x1600] =	vst v63  }
0x10d: {  	_ =	swait.ge [sflag:s30], $0x80  }
0x10e: {  	[sflag:s30] =	ssyncset.done $0x0  }
0x10f: {  	[sflag:s30] =	ssyncadd.s32 $0xFFFFFF80  }
0x110: {  	[spmem:s1] =	stream.indirect.scatter.add.f32 [tilespmem:s5], [sflag:$0x1], $0x1, s17, s31, $0xb8;
	[tilespmem:$0x1600] =	vst v63  }
0x111: {  	_ =	swait.ge [sflag:s30], $0x80  }
0x112: {  	[sflag:s30] =	ssyncset.done $0x0  }
0x113: {  	[sflag:s30] =	ssyncadd.s32 $0xFFFFFF80  }
0x114: {  	[spmem:s1] =	stream.indirect.scatter.add.f32 [tilespmem:s5], [sflag:$0x1], $0x1, s18, s31, $0xb8;
	[tilespmem:$0x1600] =	vst v63  }
0x115: {  	_ =	swait.ge [sflag:s30], $0x80  }
.Ltmp3:
0x116: {  	[sflag:s30] =	ssyncset.done $0x0;
	(pc) =	sbr.rel @p3 .LBB2_6-.Ltmp3, $4  }
0x117: {  	[sflag:s30] =	ssyncadd.s32 $0xFFFFFF80  }
0x118: {  	[spmem:s1] =	stream.indirect.scatter.add.f32 [tilespmem:s5], [sflag:$0x1], $0x1, s19, s31, $0xb8;
	[tilespmem:$0x1600] =	vst v63  }
0x119: {  	_ =	swait.ge [sflag:s30], $0x80  }
0x11a: {  	s10 =	smov.u32 s11;
	[sflag:s30] =	ssyncset.done $0x0  }
0x11b: {  	s10 =	smov.u32 s9  }
.LBB2_8:
0x11c: {  	s9 =	sadd.s32 s10, s24;
	[sflag:s30] =	ssyncadd.s32 @p2 $0xFFFFFF80  }
0x11d: {  	[tilespmem:s21], [sflag:$0x1] =	stream.linear.gather [hbm4b:s9+s21], $0x400, $0x38;
	[tilespmem:$0x1600] =	vst v63  }
0x11e: {  	_ =	swait.ge [sflag:s30], $0x400  }
0x11f: {  	[sflag:s30] =	ssyncset.done $0x0  }
0x120: {  	[sflag:s30] =	ssyncadd.s32 $0xFFFFFC00  }
0x121: {  	[spmem:s1] =	stream.indirect.scatter.add.f32 [tilespmem:s5], [sflag:$0x1], $0x1, s21, s31, $0xb8;
	[tilespmem:$0x1600] =	vst v63  }
0x122: {  	_ =	swait.ge [sflag:s30], $0x80  }
0x123: {  	[sflag:s30] =	ssyncset.done $0x0  }
0x124: {  	[sflag:s30] =	ssyncadd.s32 $0xFFFFFF80  }
0x125: {  	[spmem:s1] =	stream.indirect.scatter.add.f32 [tilespmem:s5], [sflag:$0x1], $0x1, s31, s31, $0xb8;
	[tilespmem:$0x1600] =	vst v63  }
0x126: {  	_ =	swait.ge [sflag:s30], $0x80  }
0x127: {  	[sflag:s30] =	ssyncset.done $0x0  }
0x128: {  	[sflag:s30] =	ssyncadd.s32 $0xFFFFFF80  }
0x129: {  	[spmem:s1] =	stream.indirect.scatter.add.f32 [tilespmem:s5], [sflag:$0x1], $0x1, s2, s31, $0xb8;
	[tilespmem:$0x1600] =	vst v63  }
0x12a: {  	_ =	swait.ge [sflag:s30], $0x80  }
0x12b: {  	[sflag:s30] =	ssyncset.done $0x0  }
0x12c: {  	[sflag:s30] =	ssyncadd.s32 $0xFFFFFF80  }
0x12d: {  	[spmem:s1] =	stream.indirect.scatter.add.f32 [tilespmem:s5], [sflag:$0x1], $0x1, s15, s31, $0xb8;
	[tilespmem:$0x1600] =	vst v63  }
0x12e: {  	_ =	swait.ge [sflag:s30], $0x80  }
0x12f: {  	[sflag:s30] =	ssyncset.done $0x0  }
0x130: {  	[sflag:s30] =	ssyncadd.s32 $0xFFFFFF80  }
0x131: {  	[spmem:s1] =	stream.indirect.scatter.add.f32 [tilespmem:s5], [sflag:$0x1], $0x1, s16, s31, $0xb8;
	[tilespmem:$0x1600] =	vst v63  }
0x132: {  	_ =	swait.ge [sflag:s30], $0x80  }
0x133: {  	[sflag:s30] =	ssyncset.done $0x0  }
0x134: {  	[sflag:s30] =	ssyncadd.s32 $0xFFFFFF80  }
0x135: {  	[spmem:s1] =	stream.indirect.scatter.add.f32 [tilespmem:s5], [sflag:$0x1], $0x1, s17, s31, $0xb8;
	[tilespmem:$0x1600] =	vst v63  }
0x136: {  	_ =	swait.ge [sflag:s30], $0x80  }
0x137: {  	[sflag:s30] =	ssyncset.done $0x0  }
0x138: {  	[sflag:s30] =	ssyncadd.s32 $0xFFFFFF80  }
0x139: {  	[spmem:s1] =	stream.indirect.scatter.add.f32 [tilespmem:s5], [sflag:$0x1], $0x1, s18, s31, $0xb8;
	[tilespmem:$0x1600] =	vst v63  }
0x13a: {  	_ =	swait.ge [sflag:s30], $0x80  }
0x13b: {  	[sflag:s30] =	ssyncset.done $0x0  }
.Ltmp4:
0x13c: {  	[sflag:s30] =	ssyncadd.s32 $0xFFFFFF80;
	(pc) =	sbr.rel @!p1 .LBB2_11-.Ltmp4, $4  }
0x13d: {  	[spmem:s1] =	stream.indirect.scatter.add.f32 [tilespmem:s5], [sflag:$0x1], $0x1, s19, s31, $0xb8;
	[tilespmem:$0x1600] =	vst v63  }
0x13e: {  	_ =	swait.ge [sflag:s30], $0x80  }
0x13f: {  	[sflag:s30] =	ssyncset.done $0x0  }
0x140: {  	s10 =	sadd.s32 $0x0, s25;
	[sflag:s30] =	ssyncadd.s32 $0xFFFFFF80  }
0x141: {  	s9 =	simm.s32 $0x0  }
0x142: {  	[tilespmem:s9], [sflag:$0x1] =	stream.linear.gather [hbm4b:s10+s9], $0x400, $0x38;
	[tilespmem:$0x1600] =	vst v63  }
0x143: {  	_ =	swait.ge [sflag:s30], $0x400  }
0x144: {  	[sflag:s30] =	ssyncset.done $0x0  }
0x145: {  	[sflag:s30] =	ssyncadd.s32 $0xFFFFFC00  }
0x146: {  	[spmem:s3] =	stream.indirect.scatter.add.f32 [tilespmem:s5], [sflag:$0x1], $0x1, s9, s31, $0xb8;
	[tilespmem:$0x1600] =	vst v63  }
0x147: {  	_ =	swait.ge [sflag:s30], $0x80  }
0x148: {  	[sflag:s30] =	ssyncset.done $0x0  }
0x149: {  	[sflag:s30] =	ssyncadd.s32 $0xFFFFFF80  }
0x14a: {  	[spmem:s3] =	stream.indirect.scatter.add.f32 [tilespmem:s5], [sflag:$0x1], $0x1, s31, s31, $0xb8;
	[tilespmem:$0x1600] =	vst v63  }
0x14b: {  	_ =	swait.ge [sflag:s30], $0x80  }
0x14c: {  	[sflag:s30] =	ssyncset.done $0x0  }
0x14d: {  	[sflag:s30] =	ssyncadd.s32 $0xFFFFFF80  }
0x14e: {  	[spmem:s3] =	stream.indirect.scatter.add.f32 [tilespmem:s5], [sflag:$0x1], $0x1, s2, s31, $0xb8;
	[tilespmem:$0x1600] =	vst v63  }
0x14f: {  	_ =	swait.ge [sflag:s30], $0x80  }
0x150: {  	[sflag:s30] =	ssyncset.done $0x0  }
0x151: {  	[sflag:s30] =	ssyncadd.s32 $0xFFFFFF80  }
0x152: {  	[spmem:s3] =	stream.indirect.scatter.add.f32 [tilespmem:s5], [sflag:$0x1], $0x1, s15, s31, $0xb8;
	[tilespmem:$0x1600] =	vst v63  }
0x153: {  	_ =	swait.ge [sflag:s30], $0x80  }
0x154: {  	[sflag:s30] =	ssyncset.done $0x0  }
0x155: {  	[sflag:s30] =	ssyncadd.s32 $0xFFFFFF80  }
0x156: {  	[spmem:s3] =	stream.indirect.scatter.add.f32 [tilespmem:s5], [sflag:$0x1], $0x1, s16, s31, $0xb8;
	[tilespmem:$0x1600] =	vst v63  }
0x157: {  	_ =	swait.ge [sflag:s30], $0x80  }
0x158: {  	[sflag:s30] =	ssyncset.done $0x0  }
0x159: {  	[sflag:s30] =	ssyncadd.s32 $0xFFFFFF80  }
0x15a: {  	[spmem:s3] =	stream.indirect.scatter.add.f32 [tilespmem:s5], [sflag:$0x1], $0x1, s17, s31, $0xb8;
	[tilespmem:$0x1600] =	vst v63  }
0x15b: {  	_ =	swait.ge [sflag:s30], $0x80  }
0x15c: {  	[sflag:s30] =	ssyncset.done $0x0  }
0x15d: {  	[sflag:s30] =	ssyncadd.s32 $0xFFFFFF80  }
0x15e: {  	[spmem:s3] =	stream.indirect.scatter.add.f32 [tilespmem:s5], [sflag:$0x1], $0x1, s18, s31, $0xb8;
	[tilespmem:$0x1600] =	vst v63  }
0x15f: {  	p1 =	por $0x1, $0x1;
	_ =	swait.ge [sflag:s30], $0x80  }
.Ltmp5:
0x160: {  	[sflag:s30] =	ssyncset.done $0x0;
	(pc) =	sbr.rel @!p1 .LBB2_11-.Ltmp5, $4  }
0x161: {  	[sflag:s30] =	ssyncadd.s32 $0xFFFFFF80  }
0x162: {  	[spmem:s3] =	stream.indirect.scatter.add.f32 [tilespmem:s5], [sflag:$0x1], $0x1, s19, s31, $0xb8;
	[tilespmem:$0x1600] =	vst v63  }
0x163: {  	s21 =	simm.s32 $0x100;
	_ =	swait.ge [sflag:s30], $0x80  }
0x164: {  	p0 =	por $0x1, $0x1;
	s10 =	sadd.s32 $0x80, s25;
	[sflag:s30] =	ssyncset.done $0x0  }
.LBB2_10:
0x165: {  	s11 =	sadd.s32 s21, s25;
	[sflag:s30] =	ssyncadd.s32 $0xFFFFFF80  }
0x166: {  	[tilespmem:s9], [sflag:$0x1] =	stream.linear.gather [hbm4b:s10+s9], $0x400, $0x38;
	[tilespmem:$0x1600] =	vst v63  }
0x167: {  	p1 =	sne.s32 s21, $0x480;
	s21 =	sadd.s32 $0x80, s21;
	_ =	swait.ge [sflag:s30], $0x400  }
0x168: {  	s10 =	smov.u32 s11;
	[sflag:s30] =	ssyncset.done $0x0  }
0x169: {  	[sflag:s30] =	ssyncadd.s32 $0xFFFFFC00  }
0x16a: {  	[spmem:s3] =	stream.indirect.scatter.add.f32 [tilespmem:s5], [sflag:$0x1], $0x1, s9, s31, $0xb8;
	[tilespmem:$0x1600] =	vst v63  }
0x16b: {  	_ =	swait.ge [sflag:s30], $0x80  }
0x16c: {  	[sflag:s30] =	ssyncset.done $0x0  }
0x16d: {  	[sflag:s30] =	ssyncadd.s32 $0xFFFFFF80  }
0x16e: {  	[spmem:s3] =	stream.indirect.scatter.add.f32 [tilespmem:s5], [sflag:$0x1], $0x1, s31, s31, $0xb8;
	[tilespmem:$0x1600] =	vst v63  }
0x16f: {  	_ =	swait.ge [sflag:s30], $0x80  }
0x170: {  	[sflag:s30] =	ssyncset.done $0x0  }
0x171: {  	[sflag:s30] =	ssyncadd.s32 $0xFFFFFF80  }
0x172: {  	[spmem:s3] =	stream.indirect.scatter.add.f32 [tilespmem:s5], [sflag:$0x1], $0x1, s2, s31, $0xb8;
	[tilespmem:$0x1600] =	vst v63  }
0x173: {  	_ =	swait.ge [sflag:s30], $0x80  }
0x174: {  	[sflag:s30] =	ssyncset.done $0x0  }
0x175: {  	[sflag:s30] =	ssyncadd.s32 $0xFFFFFF80  }
0x176: {  	[spmem:s3] =	stream.indirect.scatter.add.f32 [tilespmem:s5], [sflag:$0x1], $0x1, s15, s31, $0xb8;
	[tilespmem:$0x1600] =	vst v63  }
0x177: {  	_ =	swait.ge [sflag:s30], $0x80  }
0x178: {  	[sflag:s30] =	ssyncset.done $0x0  }
0x179: {  	[sflag:s30] =	ssyncadd.s32 $0xFFFFFF80  }
0x17a: {  	[spmem:s3] =	stream.indirect.scatter.add.f32 [tilespmem:s5], [sflag:$0x1], $0x1, s16, s31, $0xb8;
	[tilespmem:$0x1600] =	vst v63  }
0x17b: {  	_ =	swait.ge [sflag:s30], $0x80  }
0x17c: {  	[sflag:s30] =	ssyncset.done $0x0  }
0x17d: {  	[sflag:s30] =	ssyncadd.s32 $0xFFFFFF80  }
0x17e: {  	[spmem:s3] =	stream.indirect.scatter.add.f32 [tilespmem:s5], [sflag:$0x1], $0x1, s17, s31, $0xb8;
	[tilespmem:$0x1600] =	vst v63  }
0x17f: {  	_ =	swait.ge [sflag:s30], $0x80  }
0x180: {  	[sflag:s30] =	ssyncset.done $0x0  }
0x181: {  	[sflag:s30] =	ssyncadd.s32 $0xFFFFFF80  }
0x182: {  	[spmem:s3] =	stream.indirect.scatter.add.f32 [tilespmem:s5], [sflag:$0x1], $0x1, s18, s31, $0xb8;
	[tilespmem:$0x1600] =	vst v63  }
0x183: {  	_ =	swait.ge [sflag:s30], $0x80  }
.Ltmp6:
0x184: {  	[sflag:s30] =	ssyncset.done $0x0;
	(pc) =	sbr.rel @p1 .LBB2_10-.Ltmp6, $4  }
0x185: {  	[sflag:s30] =	ssyncadd.s32 $0xFFFFFF80  }
0x186: {  	[spmem:s3] =	stream.indirect.scatter.add.f32 [tilespmem:s5], [sflag:$0x1], $0x1, s19, s31, $0xb8;
	[tilespmem:$0x1600] =	vst v63  }
0x187: {  	_ =	swait.ge [sflag:s30], $0x80  }
0x188: {  	[sflag:s30] =	ssyncset.done $0x0  }
.LBB2_11:
0x189: {  	s21 =	simm.s32 $0x0;
	[sflag:s30] =	ssyncadd.s32 @p0 $0xFFFFFF80  }
0x18a: {  	[tilespmem:s21], [sflag:$0x1] =	stream.linear.gather [hbm4b:s10+s21], $0x400, $0x38;
	[tilespmem:$0x1600] =	vst v63  }
0x18b: {  	_ =	swait.ge [sflag:s30], $0x400  }
0x18c: {  	[sflag:s30] =	ssyncset.done $0x0  }
0x18d: {  	[sflag:s30] =	ssyncadd.s32 $0xFFFFFC00  }
0x18e: {  	[spmem:s3] =	stream.indirect.scatter.add.f32 [tilespmem:s5], [sflag:$0x1], $0x1, s21, s31, $0xb8;
	[tilespmem:$0x1600] =	vst v63  }
0x18f: {  	_ =	swait.ge [sflag:s30], $0x80  }
0x190: {  	[sflag:s30] =	ssyncset.done $0x0  }
0x191: {  	[sflag:s30] =	ssyncadd.s32 $0xFFFFFF80  }
0x192: {  	[spmem:s3] =	stream.indirect.scatter.add.f32 [tilespmem:s5], [sflag:$0x1], $0x1, s31, s31, $0xb8;
	[tilespmem:$0x1600] =	vst v63  }
0x193: {  	_ =	swait.ge [sflag:s30], $0x80  }
0x194: {  	[sflag:s30] =	ssyncset.done $0x0  }
0x195: {  	[sflag:s30] =	ssyncadd.s32 $0xFFFFFF80  }
0x196: {  	[spmem:s3] =	stream.indirect.scatter.add.f32 [tilespmem:s5], [sflag:$0x1], $0x1, s2, s31, $0xb8;
	[tilespmem:$0x1600] =	vst v63  }
0x197: {  	_ =	swait.ge [sflag:s30], $0x80  }
0x198: {  	[sflag:s30] =	ssyncset.done $0x0  }
0x199: {  	[sflag:s30] =	ssyncadd.s32 $0xFFFFFF80  }
0x19a: {  	[spmem:s3] =	stream.indirect.scatter.add.f32 [tilespmem:s5], [sflag:$0x1], $0x1, s15, s31, $0xb8;
	[tilespmem:$0x1600] =	vst v63  }
0x19b: {  	_ =	swait.ge [sflag:s30], $0x80  }
0x19c: {  	[sflag:s30] =	ssyncset.done $0x0  }
0x19d: {  	[sflag:s30] =	ssyncadd.s32 $0xFFFFFF80  }
0x19e: {  	[spmem:s3] =	stream.indirect.scatter.add.f32 [tilespmem:s5], [sflag:$0x1], $0x1, s16, s31, $0xb8;
	[tilespmem:$0x1600] =	vst v63  }
0x19f: {  	_ =	swait.ge [sflag:s30], $0x80  }
0x1a0: {  	[sflag:s30] =	ssyncset.done $0x0  }
0x1a1: {  	[sflag:s30] =	ssyncadd.s32 $0xFFFFFF80  }
0x1a2: {  	[spmem:s3] =	stream.indirect.scatter.add.f32 [tilespmem:s5], [sflag:$0x1], $0x1, s17, s31, $0xb8;
	[tilespmem:$0x1600] =	vst v63  }
0x1a3: {  	_ =	swait.ge [sflag:s30], $0x80  }
0x1a4: {  	[sflag:s30] =	ssyncset.done $0x0  }
0x1a5: {  	[sflag:s30] =	ssyncadd.s32 $0xFFFFFF80  }
0x1a6: {  	[spmem:s3] =	stream.indirect.scatter.add.f32 [tilespmem:s5], [sflag:$0x1], $0x1, s18, s31, $0xb8;
	[tilespmem:$0x1600] =	vst v63  }
0x1a7: {  	_ =	swait.ge [sflag:s30], $0x80  }
0x1a8: {  	p1 =	por $0x1, $0x1;
	[sflag:s30] =	ssyncset.done $0x0  }
.Ltmp7:
0x1a9: {  	[sflag:s30] =	ssyncadd.s32 $0xFFFFFF80;
	(pc) =	sbr.rel @!p1 .LBB2_16-.Ltmp7, $4  }
0x1aa: {  	[spmem:s3] =	stream.indirect.scatter.add.f32 [tilespmem:s5], [sflag:$0x1], $0x1, s19, s31, $0xb8;
	[tilespmem:$0x1600] =	vst v63  }
0x1ab: {  	_ =	swait.ge [sflag:s30], $0x80  }
0x1ac: {  	s9 =	simm.s32 $0x80;
	p0 =	por $0x0, $0x0;
	[sflag:s30] =	ssyncset.done $0x0  }
0x1ad: {  	p2 =	por $0x0, $0x0;
	s10 =	simm.s32 $0x0;
	[sflag:s30] =	ssyncadd.s32 $0xFFFFFF80  }
0x1ae: {  	s10 =	sadd.s32 $0x0, s26  }
0x1af: {  	[tilespmem:s21], [sflag:$0x1] =	stream.linear.gather [hbm4b:s10+s21], $0x400, $0x38;
	[tilespmem:$0x1600] =	vst v63  }
0x1b0: {  	_ =	swait.ge [sflag:s30], $0x400  }
0x1b1: {  	[sflag:s30] =	ssyncset.done $0x0  }
0x1b2: {  	[sflag:s30] =	ssyncadd.s32 $0xFFFFFC00  }
0x1b3: {  	[spmem:s4] =	stream.indirect.scatter.add.f32 [tilespmem:s5], [sflag:$0x1], $0x1, s21, s31, $0xb8;
	[tilespmem:$0x1600] =	vst v63  }
0x1b4: {  	_ =	swait.ge [sflag:s30], $0x80  }
0x1b5: {  	[sflag:s30] =	ssyncset.done $0x0  }
0x1b6: {  	[sflag:s30] =	ssyncadd.s32 $0xFFFFFF80  }
0x1b7: {  	[spmem:s4] =	stream.indirect.scatter.add.f32 [tilespmem:s5], [sflag:$0x1], $0x1, s31, s31, $0xb8;
	[tilespmem:$0x1600] =	vst v63  }
0x1b8: {  	_ =	swait.ge [sflag:s30], $0x80  }
0x1b9: {  	[sflag:s30] =	ssyncset.done $0x0  }
0x1ba: {  	[sflag:s30] =	ssyncadd.s32 $0xFFFFFF80  }
0x1bb: {  	[spmem:s4] =	stream.indirect.scatter.add.f32 [tilespmem:s5], [sflag:$0x1], $0x1, s2, s31, $0xb8;
	[tilespmem:$0x1600] =	vst v63  }
0x1bc: {  	_ =	swait.ge [sflag:s30], $0x80  }
0x1bd: {  	[sflag:s30] =	ssyncset.done $0x0  }
0x1be: {  	[sflag:s30] =	ssyncadd.s32 $0xFFFFFF80  }
0x1bf: {  	[spmem:s4] =	stream.indirect.scatter.add.f32 [tilespmem:s5], [sflag:$0x1], $0x1, s15, s31, $0xb8;
	[tilespmem:$0x1600] =	vst v63  }
0x1c0: {  	_ =	swait.ge [sflag:s30], $0x80  }
0x1c1: {  	[sflag:s30] =	ssyncset.done $0x0  }
0x1c2: {  	[sflag:s30] =	ssyncadd.s32 $0xFFFFFF80  }
0x1c3: {  	[spmem:s4] =	stream.indirect.scatter.add.f32 [tilespmem:s5], [sflag:$0x1], $0x1, s16, s31, $0xb8;
	[tilespmem:$0x1600] =	vst v63  }
0x1c4: {  	_ =	swait.ge [sflag:s30], $0x80  }
0x1c5: {  	[sflag:s30] =	ssyncset.done $0x0  }
0x1c6: {  	[sflag:s30] =	ssyncadd.s32 $0xFFFFFF80  }
0x1c7: {  	[spmem:s4] =	stream.indirect.scatter.add.f32 [tilespmem:s5], [sflag:$0x1], $0x1, s17, s31, $0xb8;
	[tilespmem:$0x1600] =	vst v63  }
0x1c8: {  	_ =	swait.ge [sflag:s30], $0x80  }
0x1c9: {  	[sflag:s30] =	ssyncset.done $0x0  }
0x1ca: {  	[sflag:s30] =	ssyncadd.s32 $0xFFFFFF80  }
0x1cb: {  	[spmem:s4] =	stream.indirect.scatter.add.f32 [tilespmem:s5], [sflag:$0x1], $0x1, s18, s31, $0xb8;
	[tilespmem:$0x1600] =	vst v63  }
0x1cc: {  	p3 =	por $0x1, $0x1;
	_ =	swait.ge [sflag:s30], $0x80  }
.Ltmp8:
0x1cd: {  	[sflag:s30] =	ssyncset.done $0x0;
	(pc) =	sbr.rel @!p3 .LBB2_13-.Ltmp8, $4  }
0x1ce: {  	[sflag:s30] =	ssyncadd.s32 $0xFFFFFF80  }
0x1cf: {  	[spmem:s4] =	stream.indirect.scatter.add.f32 [tilespmem:s5], [sflag:$0x1], $0x1, s19, s31, $0xb8;
	[tilespmem:$0x1600] =	vst v63  }
0x1d0: {  	_ =	swait.ge [sflag:s30], $0x80  }
0x1d1: {  	s11 =	simm.s32 $0x100;
	p2 =	por $0x1, $0x1;
	[sflag:s30] =	ssyncset.done $0x0  }
.LBB2_14:
0x1d2: {  	s12 =	sadd.s32 s9, s26  }
0x1d3: {  	[sflag:s30] =	ssyncadd.s32 $0xFFFFFF80;
	s9 =	smov.u32 s11;
	s10 =	sadd.s32 $0x80, s11  }
0x1d4: {  	[tilespmem:s21], [sflag:$0x1] =	stream.linear.gather [hbm4b:s12+s21], $0x400, $0x38;
	[tilespmem:$0x1600] =	vst v63  }
0x1d5: {  	p3 =	sne.s32 s11, $0x480;
	_ =	swait.ge [sflag:s30], $0x400  }
0x1d6: {  	[sflag:s30] =	ssyncset.done $0x0  }
0x1d7: {  	[sflag:s30] =	ssyncadd.s32 $0xFFFFFC00  }
0x1d8: {  	[spmem:s4] =	stream.indirect.scatter.add.f32 [tilespmem:s5], [sflag:$0x1], $0x1, s21, s31, $0xb8;
	[tilespmem:$0x1600] =	vst v63  }
0x1d9: {  	_ =	swait.ge [sflag:s30], $0x80  }
0x1da: {  	[sflag:s30] =	ssyncset.done $0x0  }
0x1db: {  	[sflag:s30] =	ssyncadd.s32 $0xFFFFFF80  }
0x1dc: {  	[spmem:s4] =	stream.indirect.scatter.add.f32 [tilespmem:s5], [sflag:$0x1], $0x1, s31, s31, $0xb8;
	[tilespmem:$0x1600] =	vst v63  }
0x1dd: {  	_ =	swait.ge [sflag:s30], $0x80  }
0x1de: {  	[sflag:s30] =	ssyncset.done $0x0  }
0x1df: {  	[sflag:s30] =	ssyncadd.s32 $0xFFFFFF80  }
0x1e0: {  	[spmem:s4] =	stream.indirect.scatter.add.f32 [tilespmem:s5], [sflag:$0x1], $0x1, s2, s31, $0xb8;
	[tilespmem:$0x1600] =	vst v63  }
0x1e1: {  	_ =	swait.ge [sflag:s30], $0x80  }
0x1e2: {  	[sflag:s30] =	ssyncset.done $0x0  }
0x1e3: {  	[sflag:s30] =	ssyncadd.s32 $0xFFFFFF80  }
0x1e4: {  	[spmem:s4] =	stream.indirect.scatter.add.f32 [tilespmem:s5], [sflag:$0x1], $0x1, s15, s31, $0xb8;
	[tilespmem:$0x1600] =	vst v63  }
0x1e5: {  	_ =	swait.ge [sflag:s30], $0x80  }
0x1e6: {  	[sflag:s30] =	ssyncset.done $0x0  }
0x1e7: {  	[sflag:s30] =	ssyncadd.s32 $0xFFFFFF80  }
0x1e8: {  	[spmem:s4] =	stream.indirect.scatter.add.f32 [tilespmem:s5], [sflag:$0x1], $0x1, s16, s31, $0xb8;
	[tilespmem:$0x1600] =	vst v63  }
0x1e9: {  	_ =	swait.ge [sflag:s30], $0x80  }
0x1ea: {  	[sflag:s30] =	ssyncset.done $0x0  }
0x1eb: {  	[sflag:s30] =	ssyncadd.s32 $0xFFFFFF80  }
0x1ec: {  	[spmem:s4] =	stream.indirect.scatter.add.f32 [tilespmem:s5], [sflag:$0x1], $0x1, s17, s31, $0xb8;
	[tilespmem:$0x1600] =	vst v63  }
0x1ed: {  	_ =	swait.ge [sflag:s30], $0x80  }
0x1ee: {  	[sflag:s30] =	ssyncset.done $0x0  }
0x1ef: {  	[sflag:s30] =	ssyncadd.s32 $0xFFFFFF80  }
0x1f0: {  	[spmem:s4] =	stream.indirect.scatter.add.f32 [tilespmem:s5], [sflag:$0x1], $0x1, s18, s31, $0xb8;
	[tilespmem:$0x1600] =	vst v63  }
0x1f1: {  	_ =	swait.ge [sflag:s30], $0x80  }
.Ltmp9:
0x1f2: {  	[sflag:s30] =	ssyncset.done $0x0;
	(pc) =	sbr.rel @p3 .LBB2_14-.Ltmp9, $4  }
0x1f3: {  	[sflag:s30] =	ssyncadd.s32 $0xFFFFFF80  }
0x1f4: {  	[spmem:s4] =	stream.indirect.scatter.add.f32 [tilespmem:s5], [sflag:$0x1], $0x1, s19, s31, $0xb8;
	[tilespmem:$0x1600] =	vst v63  }
0x1f5: {  	_ =	swait.ge [sflag:s30], $0x80  }
0x1f6: {  	s11 =	smov.u32 s10;
	[sflag:s30] =	ssyncset.done $0x0  }
0x1f7: {  	s10 =	smov.u32 s9  }
.LBB2_16:
0x1f8: {  	s9 =	sadd.s32 s10, s26;
	[sflag:s30] =	ssyncadd.s32 @p2 $0xFFFFFF80  }
0x1f9: {  	[tilespmem:s21], [sflag:$0x1] =	stream.linear.gather [hbm4b:s9+s21], $0x400, $0x38;
	[tilespmem:$0x1600] =	vst v63  }
0x1fa: {  	_ =	swait.ge [sflag:s30], $0x400  }
0x1fb: {  	[sflag:s30] =	ssyncset.done $0x0  }
0x1fc: {  	[sflag:s30] =	ssyncadd.s32 $0xFFFFFC00  }
0x1fd: {  	[spmem:s4] =	stream.indirect.scatter.add.f32 [tilespmem:s5], [sflag:$0x1], $0x1, s21, s31, $0xb8;
	[tilespmem:$0x1600] =	vst v63  }
0x1fe: {  	_ =	swait.ge [sflag:s30], $0x80  }
0x1ff: {  	[sflag:s30] =	ssyncset.done $0x0  }
0x200: {  	[sflag:s30] =	ssyncadd.s32 $0xFFFFFF80  }
0x201: {  	[spmem:s4] =	stream.indirect.scatter.add.f32 [tilespmem:s5], [sflag:$0x1], $0x1, s31, s31, $0xb8;
	[tilespmem:$0x1600] =	vst v63  }
0x202: {  	_ =	swait.ge [sflag:s30], $0x80  }
0x203: {  	[sflag:s30] =	ssyncset.done $0x0  }
0x204: {  	[sflag:s30] =	ssyncadd.s32 $0xFFFFFF80  }
0x205: {  	[spmem:s4] =	stream.indirect.scatter.add.f32 [tilespmem:s5], [sflag:$0x1], $0x1, s2, s31, $0xb8;
	[tilespmem:$0x1600] =	vst v63  }
0x206: {  	_ =	swait.ge [sflag:s30], $0x80  }
0x207: {  	[sflag:s30] =	ssyncset.done $0x0  }
0x208: {  	[sflag:s30] =	ssyncadd.s32 $0xFFFFFF80  }
0x209: {  	[spmem:s4] =	stream.indirect.scatter.add.f32 [tilespmem:s5], [sflag:$0x1], $0x1, s15, s31, $0xb8;
	[tilespmem:$0x1600] =	vst v63  }
0x20a: {  	_ =	swait.ge [sflag:s30], $0x80  }
0x20b: {  	[sflag:s30] =	ssyncset.done $0x0  }
0x20c: {  	[sflag:s30] =	ssyncadd.s32 $0xFFFFFF80  }
0x20d: {  	[spmem:s4] =	stream.indirect.scatter.add.f32 [tilespmem:s5], [sflag:$0x1], $0x1, s16, s31, $0xb8;
	[tilespmem:$0x1600] =	vst v63  }
0x20e: {  	_ =	swait.ge [sflag:s30], $0x80  }
0x20f: {  	[sflag:s30] =	ssyncset.done $0x0  }
0x210: {  	[sflag:s30] =	ssyncadd.s32 $0xFFFFFF80  }
0x211: {  	[spmem:s4] =	stream.indirect.scatter.add.f32 [tilespmem:s5], [sflag:$0x1], $0x1, s17, s31, $0xb8;
	[tilespmem:$0x1600] =	vst v63  }
0x212: {  	_ =	swait.ge [sflag:s30], $0x80  }
0x213: {  	[sflag:s30] =	ssyncset.done $0x0  }
0x214: {  	[sflag:s30] =	ssyncadd.s32 $0xFFFFFF80  }
0x215: {  	[spmem:s4] =	stream.indirect.scatter.add.f32 [tilespmem:s5], [sflag:$0x1], $0x1, s18, s31, $0xb8;
	[tilespmem:$0x1600] =	vst v63  }
0x216: {  	_ =	swait.ge [sflag:s30], $0x80  }
0x217: {  	[sflag:s30] =	ssyncset.done $0x0  }
.Ltmp10:
0x218: {  	[sflag:s30] =	ssyncadd.s32 $0xFFFFFF80;
	(pc) =	sbr.rel @!p1 .LBB2_21-.Ltmp10, $4  }
0x219: {  	[spmem:s4] =	stream.indirect.scatter.add.f32 [tilespmem:s5], [sflag:$0x1], $0x1, s19, s31, $0xb8;
	[tilespmem:$0x1600] =	vst v63  }
0x21a: {  	_ =	swait.ge [sflag:s30], $0x80  }
0x21b: {  	[sflag:s30] =	ssyncset.done $0x0  }
0x21c: {  	s11 =	sadd.s32 $0x0, s28;
	[sflag:s30] =	ssyncadd.s32 $0xFFFFFF80  }
0x21d: {  	s9 =	simm.s32 $0x0  }
0x21e: {  	[tilespmem:s9], [sflag:$0x1] =	stream.linear.gather [hbm4b:s11+s9], $0x400, $0x38;
	[tilespmem:$0x1600] =	vst v63  }
0x21f: {  	_ =	swait.ge [sflag:s30], $0x400  }
0x220: {  	[sflag:s30] =	ssyncset.done $0x0  }
0x221: {  	[sflag:s30] =	ssyncadd.s32 $0xFFFFFC00  }
0x222: {  	[spmem:s6] =	stream.indirect.scatter.add.f32 [tilespmem:s5], [sflag:$0x1], $0x1, s9, s31, $0xb8;
	[tilespmem:$0x1600] =	vst v63  }
0x223: {  	_ =	swait.ge [sflag:s30], $0x80  }
0x224: {  	[sflag:s30] =	ssyncset.done $0x0  }
0x225: {  	[sflag:s30] =	ssyncadd.s32 $0xFFFFFF80  }
0x226: {  	[spmem:s6] =	stream.indirect.scatter.add.f32 [tilespmem:s5], [sflag:$0x1], $0x1, s31, s31, $0xb8;
	[tilespmem:$0x1600] =	vst v63  }
0x227: {  	_ =	swait.ge [sflag:s30], $0x80  }
0x228: {  	[sflag:s30] =	ssyncset.done $0x0  }
0x229: {  	[sflag:s30] =	ssyncadd.s32 $0xFFFFFF80  }
0x22a: {  	[spmem:s6] =	stream.indirect.scatter.add.f32 [tilespmem:s5], [sflag:$0x1], $0x1, s2, s31, $0xb8;
	[tilespmem:$0x1600] =	vst v63  }
0x22b: {  	_ =	swait.ge [sflag:s30], $0x80  }
0x22c: {  	[sflag:s30] =	ssyncset.done $0x0  }
0x22d: {  	[sflag:s30] =	ssyncadd.s32 $0xFFFFFF80  }
0x22e: {  	[spmem:s6] =	stream.indirect.scatter.add.f32 [tilespmem:s5], [sflag:$0x1], $0x1, s15, s31, $0xb8;
	[tilespmem:$0x1600] =	vst v63  }
0x22f: {  	_ =	swait.ge [sflag:s30], $0x80  }
0x230: {  	[sflag:s30] =	ssyncset.done $0x0  }
0x231: {  	[sflag:s30] =	ssyncadd.s32 $0xFFFFFF80  }
0x232: {  	[spmem:s6] =	stream.indirect.scatter.add.f32 [tilespmem:s5], [sflag:$0x1], $0x1, s16, s31, $0xb8;
	[tilespmem:$0x1600] =	vst v63  }
0x233: {  	_ =	swait.ge [sflag:s30], $0x80  }
0x234: {  	[sflag:s30] =	ssyncset.done $0x0  }
0x235: {  	[sflag:s30] =	ssyncadd.s32 $0xFFFFFF80  }
0x236: {  	[spmem:s6] =	stream.indirect.scatter.add.f32 [tilespmem:s5], [sflag:$0x1], $0x1, s17, s31, $0xb8;
	[tilespmem:$0x1600] =	vst v63  }
0x237: {  	_ =	swait.ge [sflag:s30], $0x80  }
0x238: {  	[sflag:s30] =	ssyncset.done $0x0  }
0x239: {  	[sflag:s30] =	ssyncadd.s32 $0xFFFFFF80  }
0x23a: {  	[spmem:s6] =	stream.indirect.scatter.add.f32 [tilespmem:s5], [sflag:$0x1], $0x1, s18, s31, $0xb8;
	[tilespmem:$0x1600] =	vst v63  }
0x23b: {  	p1 =	por $0x1, $0x1;
	_ =	swait.ge [sflag:s30], $0x80  }
.Ltmp11:
0x23c: {  	[sflag:s30] =	ssyncset.done $0x0;
	(pc) =	sbr.rel @!p1 .LBB2_18-.Ltmp11, $4  }
0x23d: {  	[sflag:s30] =	ssyncadd.s32 $0xFFFFFF80  }
0x23e: {  	[spmem:s6] =	stream.indirect.scatter.add.f32 [tilespmem:s5], [sflag:$0x1], $0x1, s19, s31, $0xb8;
	[tilespmem:$0x1600] =	vst v63  }
0x23f: {  	s10 =	sadd.s32 $0x80, s28;
	_ =	swait.ge [sflag:s30], $0x80  }
0x240: {  	s21 =	simm.s32 $0x100;
	p0 =	por $0x1, $0x1;
	[sflag:s30] =	ssyncset.done $0x0  }
.LBB2_19:
0x241: {  	s11 =	sadd.s32 s21, s28;
	[sflag:s30] =	ssyncadd.s32 $0xFFFFFF80  }
0x242: {  	[tilespmem:s9], [sflag:$0x1] =	stream.linear.gather [hbm4b:s10+s9], $0x400, $0x38;
	[tilespmem:$0x1600] =	vst v63  }
0x243: {  	p1 =	sne.s32 s21, $0x480;
	s21 =	sadd.s32 $0x80, s21;
	_ =	swait.ge [sflag:s30], $0x400  }
0x244: {  	s10 =	smov.u32 s11;
	[sflag:s30] =	ssyncset.done $0x0  }
0x245: {  	[sflag:s30] =	ssyncadd.s32 $0xFFFFFC00  }
0x246: {  	[spmem:s6] =	stream.indirect.scatter.add.f32 [tilespmem:s5], [sflag:$0x1], $0x1, s9, s31, $0xb8;
	[tilespmem:$0x1600] =	vst v63  }
0x247: {  	_ =	swait.ge [sflag:s30], $0x80  }
0x248: {  	[sflag:s30] =	ssyncset.done $0x0  }
0x249: {  	[sflag:s30] =	ssyncadd.s32 $0xFFFFFF80  }
0x24a: {  	[spmem:s6] =	stream.indirect.scatter.add.f32 [tilespmem:s5], [sflag:$0x1], $0x1, s31, s31, $0xb8;
	[tilespmem:$0x1600] =	vst v63  }
0x24b: {  	_ =	swait.ge [sflag:s30], $0x80  }
0x24c: {  	[sflag:s30] =	ssyncset.done $0x0  }
0x24d: {  	[sflag:s30] =	ssyncadd.s32 $0xFFFFFF80  }
0x24e: {  	[spmem:s6] =	stream.indirect.scatter.add.f32 [tilespmem:s5], [sflag:$0x1], $0x1, s2, s31, $0xb8;
	[tilespmem:$0x1600] =	vst v63  }
0x24f: {  	_ =	swait.ge [sflag:s30], $0x80  }
0x250: {  	[sflag:s30] =	ssyncset.done $0x0  }
0x251: {  	[sflag:s30] =	ssyncadd.s32 $0xFFFFFF80  }
0x252: {  	[spmem:s6] =	stream.indirect.scatter.add.f32 [tilespmem:s5], [sflag:$0x1], $0x1, s15, s31, $0xb8;
	[tilespmem:$0x1600] =	vst v63  }
0x253: {  	_ =	swait.ge [sflag:s30], $0x80  }
0x254: {  	[sflag:s30] =	ssyncset.done $0x0  }
0x255: {  	[sflag:s30] =	ssyncadd.s32 $0xFFFFFF80  }
0x256: {  	[spmem:s6] =	stream.indirect.scatter.add.f32 [tilespmem:s5], [sflag:$0x1], $0x1, s16, s31, $0xb8;
	[tilespmem:$0x1600] =	vst v63  }
0x257: {  	_ =	swait.ge [sflag:s30], $0x80  }
0x258: {  	[sflag:s30] =	ssyncset.done $0x0  }
0x259: {  	[sflag:s30] =	ssyncadd.s32 $0xFFFFFF80  }
0x25a: {  	[spmem:s6] =	stream.indirect.scatter.add.f32 [tilespmem:s5], [sflag:$0x1], $0x1, s17, s31, $0xb8;
	[tilespmem:$0x1600] =	vst v63  }
0x25b: {  	_ =	swait.ge [sflag:s30], $0x80  }
0x25c: {  	[sflag:s30] =	ssyncset.done $0x0  }
0x25d: {  	[sflag:s30] =	ssyncadd.s32 $0xFFFFFF80  }
0x25e: {  	[spmem:s6] =	stream.indirect.scatter.add.f32 [tilespmem:s5], [sflag:$0x1], $0x1, s18, s31, $0xb8;
	[tilespmem:$0x1600] =	vst v63  }
0x25f: {  	_ =	swait.ge [sflag:s30], $0x80  }
.Ltmp12:
0x260: {  	[sflag:s30] =	ssyncset.done $0x0;
	(pc) =	sbr.rel @p1 .LBB2_19-.Ltmp12, $4  }
0x261: {  	[sflag:s30] =	ssyncadd.s32 $0xFFFFFF80  }
0x262: {  	[spmem:s6] =	stream.indirect.scatter.add.f32 [tilespmem:s5], [sflag:$0x1], $0x1, s19, s31, $0xb8;
	[tilespmem:$0x1600] =	vst v63  }
0x263: {  	_ =	swait.ge [sflag:s30], $0x80  }
0x264: {  	[sflag:s30] =	ssyncset.done $0x0  }
0x265: {  	s11 =	smov.u32 s10  }
.LBB2_21:
0x266: {  	s10 =	simm.s32 $0x0;
	[sflag:s30] =	ssyncadd.s32 @p0 $0xFFFFFF80  }
0x267: {  	[tilespmem:s10], [sflag:$0x1] =	stream.linear.gather [hbm4b:s11+s10], $0x400, $0x38;
	[tilespmem:$0x1600] =	vst v63  }
0x268: {  	_ =	swait.ge [sflag:s30], $0x400  }
0x269: {  	[sflag:s30] =	ssyncset.done $0x0  }
0x26a: {  	[sflag:s30] =	ssyncadd.s32 $0xFFFFFC00  }
0x26b: {  	[spmem:s6] =	stream.indirect.scatter.add.f32 [tilespmem:s5], [sflag:$0x1], $0x1, s10, s31, $0xb8;
	[tilespmem:$0x1600] =	vst v63  }
0x26c: {  	_ =	swait.ge [sflag:s30], $0x80  }
0x26d: {  	[sflag:s30] =	ssyncset.done $0x0  }
0x26e: {  	[sflag:s30] =	ssyncadd.s32 $0xFFFFFF80  }
0x26f: {  	[spmem:s6] =	stream.indirect.scatter.add.f32 [tilespmem:s5], [sflag:$0x1], $0x1, s31, s31, $0xb8;
	[tilespmem:$0x1600] =	vst v63  }
0x270: {  	_ =	swait.ge [sflag:s30], $0x80  }
0x271: {  	[sflag:s30] =	ssyncset.done $0x0  }
0x272: {  	[sflag:s30] =	ssyncadd.s32 $0xFFFFFF80  }
0x273: {  	[spmem:s6] =	stream.indirect.scatter.add.f32 [tilespmem:s5], [sflag:$0x1], $0x1, s2, s31, $0xb8;
	[tilespmem:$0x1600] =	vst v63  }
0x274: {  	_ =	swait.ge [sflag:s30], $0x80  }
0x275: {  	[sflag:s30] =	ssyncset.done $0x0  }
0x276: {  	[sflag:s30] =	ssyncadd.s32 $0xFFFFFF80  }
0x277: {  	[spmem:s6] =	stream.indirect.scatter.add.f32 [tilespmem:s5], [sflag:$0x1], $0x1, s15, s31, $0xb8;
	[tilespmem:$0x1600] =	vst v63  }
0x278: {  	_ =	swait.ge [sflag:s30], $0x80  }
0x279: {  	[sflag:s30] =	ssyncset.done $0x0  }
0x27a: {  	[sflag:s30] =	ssyncadd.s32 $0xFFFFFF80  }
0x27b: {  	[spmem:s6] =	stream.indirect.scatter.add.f32 [tilespmem:s5], [sflag:$0x1], $0x1, s16, s31, $0xb8;
	[tilespmem:$0x1600] =	vst v63  }
0x27c: {  	_ =	swait.ge [sflag:s30], $0x80  }
0x27d: {  	[sflag:s30] =	ssyncset.done $0x0  }
0x27e: {  	[sflag:s30] =	ssyncadd.s32 $0xFFFFFF80  }
0x27f: {  	[spmem:s6] =	stream.indirect.scatter.add.f32 [tilespmem:s5], [sflag:$0x1], $0x1, s17, s31, $0xb8;
	[tilespmem:$0x1600] =	vst v63  }
0x280: {  	_ =	swait.ge [sflag:s30], $0x80  }
0x281: {  	[sflag:s30] =	ssyncset.done $0x0  }
0x282: {  	[sflag:s30] =	ssyncadd.s32 $0xFFFFFF80  }
0x283: {  	[spmem:s6] =	stream.indirect.scatter.add.f32 [tilespmem:s5], [sflag:$0x1], $0x1, s18, s31, $0xb8;
	[tilespmem:$0x1600] =	vst v63  }
0x284: {  	_ =	swait.ge [sflag:s30], $0x80  }
0x285: {  	p1 =	por $0x1, $0x1;
	[sflag:s30] =	ssyncset.done $0x0  }
.Ltmp13:
0x286: {  	[sflag:s30] =	ssyncadd.s32 $0xFFFFFF80;
	(pc) =	sbr.rel @!p1 .LBB2_26-.Ltmp13, $4  }
0x287: {  	[spmem:s6] =	stream.indirect.scatter.add.f32 [tilespmem:s5], [sflag:$0x1], $0x1, s19, s31, $0xb8;
	[tilespmem:$0x1600] =	vst v63  }
0x288: {  	s9 =	simm.s32 $0x80;
	_ =	swait.ge [sflag:s30], $0x80  }
0x289: {  	p0 =	por $0x0, $0x0;
	s21 =	smov.u32 s14;
	[sflag:s30] =	ssyncset.done $0x0  }
0x28a: {  	s20 =	smov.u32 s13;
	s14 =	rddreg [dreg:$0x14];
	[sflag:s30] =	ssyncadd.s32 $0xFFFFFF80  }
0x28b: {  	s10 =	sadd.s32 $0x0, s23  }
0x28c: {  	[tilespmem:s8], [sflag:$0x1] =	stream.linear.gather [hbm4b:s10+s8], $0x400, $0x38;
	[tilespmem:$0x1600] =	vst v63  }
0x28d: {  	_ =	swait.ge [sflag:s30], $0x400  }
0x28e: {  	[sflag:s30] =	ssyncset.done $0x0  }
0x28f: {  	[sflag:s30] =	ssyncadd.s32 $0xFFFFFC00  }
0x290: {  	[spmem:s7] =	stream.indirect.scatter.add.f32 [tilespmem:s5], [sflag:$0x1], $0x1, s8, s31, $0xb8;
	[tilespmem:$0x1600] =	vst v63  }
0x291: {  	_ =	swait.ge [sflag:s30], $0x80  }
0x292: {  	[sflag:s30] =	ssyncset.done $0x0  }
0x293: {  	[sflag:s30] =	ssyncadd.s32 $0xFFFFFF80  }
0x294: {  	[spmem:s7] =	stream.indirect.scatter.add.f32 [tilespmem:s5], [sflag:$0x1], $0x1, s31, s31, $0xb8;
	[tilespmem:$0x1600] =	vst v63  }
0x295: {  	_ =	swait.ge [sflag:s30], $0x80  }
0x296: {  	[sflag:s30] =	ssyncset.done $0x0  }
0x297: {  	[sflag:s30] =	ssyncadd.s32 $0xFFFFFF80  }
0x298: {  	[spmem:s7] =	stream.indirect.scatter.add.f32 [tilespmem:s5], [sflag:$0x1], $0x1, s2, s31, $0xb8;
	[tilespmem:$0x1600] =	vst v63  }
0x299: {  	_ =	swait.ge [sflag:s30], $0x80  }
0x29a: {  	[sflag:s30] =	ssyncset.done $0x0  }
0x29b: {  	[sflag:s30] =	ssyncadd.s32 $0xFFFFFF80  }
0x29c: {  	[spmem:s7] =	stream.indirect.scatter.add.f32 [tilespmem:s5], [sflag:$0x1], $0x1, s15, s31, $0xb8;
	[tilespmem:$0x1600] =	vst v63  }
0x29d: {  	_ =	swait.ge [sflag:s30], $0x80  }
0x29e: {  	[sflag:s30] =	ssyncset.done $0x0  }
0x29f: {  	[sflag:s30] =	ssyncadd.s32 $0xFFFFFF80  }
0x2a0: {  	[spmem:s7] =	stream.indirect.scatter.add.f32 [tilespmem:s5], [sflag:$0x1], $0x1, s16, s31, $0xb8;
	[tilespmem:$0x1600] =	vst v63  }
0x2a1: {  	_ =	swait.ge [sflag:s30], $0x80  }
0x2a2: {  	[sflag:s30] =	ssyncset.done $0x0  }
0x2a3: {  	[sflag:s30] =	ssyncadd.s32 $0xFFFFFF80  }
0x2a4: {  	[spmem:s7] =	stream.indirect.scatter.add.f32 [tilespmem:s5], [sflag:$0x1], $0x1, s17, s31, $0xb8;
	[tilespmem:$0x1600] =	vst v63  }
0x2a5: {  	_ =	swait.ge [sflag:s30], $0x80  }
0x2a6: {  	[sflag:s30] =	ssyncset.done $0x0  }
0x2a7: {  	[sflag:s30] =	ssyncadd.s32 $0xFFFFFF80  }
0x2a8: {  	[spmem:s7] =	stream.indirect.scatter.add.f32 [tilespmem:s5], [sflag:$0x1], $0x1, s18, s31, $0xb8;
	[tilespmem:$0x1600] =	vst v63  }
0x2a9: {  	p1 =	por $0x1, $0x1;
	_ =	swait.ge [sflag:s30], $0x80  }
.Ltmp14:
0x2aa: {  	[sflag:s30] =	ssyncset.done $0x0;
	(pc) =	sbr.rel @!p1 .LBB2_23-.Ltmp14, $4  }
0x2ab: {  	[sflag:s30] =	ssyncadd.s32 $0xFFFFFF80  }
0x2ac: {  	[spmem:s7] =	stream.indirect.scatter.add.f32 [tilespmem:s5], [sflag:$0x1], $0x1, s19, s31, $0xb8;
	[tilespmem:$0x1600] =	vst v63  }
0x2ad: {  	_ =	swait.ge [sflag:s30], $0x80  }
0x2ae: {  	s11 =	simm.s32 $0x100;
	p0 =	por $0x1, $0x1;
	[sflag:s30] =	ssyncset.done $0x0  }
.LBB2_24:
0x2af: {  	s12 =	sadd.s32 s9, s23  }
0x2b0: {  	[sflag:s30] =	ssyncadd.s32 $0xFFFFFF80;
	s9 =	smov.u32 s11;
	s10 =	sadd.s32 $0x80, s11  }
0x2b1: {  	[tilespmem:s8], [sflag:$0x1] =	stream.linear.gather [hbm4b:s12+s8], $0x400, $0x38;
	[tilespmem:$0x1600] =	vst v63  }
0x2b2: {  	p1 =	sne.s32 s11, $0x480;
	_ =	swait.ge [sflag:s30], $0x400  }
0x2b3: {  	[sflag:s30] =	ssyncset.done $0x0  }
0x2b4: {  	[sflag:s30] =	ssyncadd.s32 $0xFFFFFC00  }
0x2b5: {  	[spmem:s7] =	stream.indirect.scatter.add.f32 [tilespmem:s5], [sflag:$0x1], $0x1, s8, s31, $0xb8;
	[tilespmem:$0x1600] =	vst v63  }
0x2b6: {  	_ =	swait.ge [sflag:s30], $0x80  }
0x2b7: {  	[sflag:s30] =	ssyncset.done $0x0  }
0x2b8: {  	[sflag:s30] =	ssyncadd.s32 $0xFFFFFF80  }
0x2b9: {  	[spmem:s7] =	stream.indirect.scatter.add.f32 [tilespmem:s5], [sflag:$0x1], $0x1, s31, s31, $0xb8;
	[tilespmem:$0x1600] =	vst v63  }
0x2ba: {  	_ =	swait.ge [sflag:s30], $0x80  }
0x2bb: {  	[sflag:s30] =	ssyncset.done $0x0  }
0x2bc: {  	[sflag:s30] =	ssyncadd.s32 $0xFFFFFF80  }
0x2bd: {  	[spmem:s7] =	stream.indirect.scatter.add.f32 [tilespmem:s5], [sflag:$0x1], $0x1, s2, s31, $0xb8;
	[tilespmem:$0x1600] =	vst v63  }
0x2be: {  	_ =	swait.ge [sflag:s30], $0x80  }
0x2bf: {  	[sflag:s30] =	ssyncset.done $0x0  }
0x2c0: {  	[sflag:s30] =	ssyncadd.s32 $0xFFFFFF80  }
0x2c1: {  	[spmem:s7] =	stream.indirect.scatter.add.f32 [tilespmem:s5], [sflag:$0x1], $0x1, s15, s31, $0xb8;
	[tilespmem:$0x1600] =	vst v63  }
0x2c2: {  	_ =	swait.ge [sflag:s30], $0x80  }
0x2c3: {  	[sflag:s30] =	ssyncset.done $0x0  }
0x2c4: {  	[sflag:s30] =	ssyncadd.s32 $0xFFFFFF80  }
0x2c5: {  	[spmem:s7] =	stream.indirect.scatter.add.f32 [tilespmem:s5], [sflag:$0x1], $0x1, s16, s31, $0xb8;
	[tilespmem:$0x1600] =	vst v63  }
0x2c6: {  	_ =	swait.ge [sflag:s30], $0x80  }
0x2c7: {  	[sflag:s30] =	ssyncset.done $0x0  }
0x2c8: {  	[sflag:s30] =	ssyncadd.s32 $0xFFFFFF80  }
0x2c9: {  	[spmem:s7] =	stream.indirect.scatter.add.f32 [tilespmem:s5], [sflag:$0x1], $0x1, s17, s31, $0xb8;
	[tilespmem:$0x1600] =	vst v63  }
0x2ca: {  	_ =	swait.ge [sflag:s30], $0x80  }
0x2cb: {  	[sflag:s30] =	ssyncset.done $0x0  }
0x2cc: {  	[sflag:s30] =	ssyncadd.s32 $0xFFFFFF80  }
0x2cd: {  	[spmem:s7] =	stream.indirect.scatter.add.f32 [tilespmem:s5], [sflag:$0x1], $0x1, s18, s31, $0xb8;
	[tilespmem:$0x1600] =	vst v63  }
0x2ce: {  	_ =	swait.ge [sflag:s30], $0x80  }
.Ltmp15:
0x2cf: {  	[sflag:s30] =	ssyncset.done $0x0;
	(pc) =	sbr.rel @p1 .LBB2_24-.Ltmp15, $4  }
0x2d0: {  	[sflag:s30] =	ssyncadd.s32 $0xFFFFFF80  }
0x2d1: {  	[spmem:s7] =	stream.indirect.scatter.add.f32 [tilespmem:s5], [sflag:$0x1], $0x1, s19, s31, $0xb8;
	[tilespmem:$0x1600] =	vst v63  }
0x2d2: {  	_ =	swait.ge [sflag:s30], $0x80  }
0x2d3: {  	s11 =	smov.u32 s10;
	[sflag:s30] =	ssyncset.done $0x0  }
0x2d4: {  	s10 =	smov.u32 s9;
	s14 =	rddreg [dreg:$0x14]  }
.LBB2_26:
0x2d5: {  	s9 =	sadd.s32 s10, s23;
	[sflag:s30] =	ssyncadd.s32 @p0 $0xFFFFFF80  }
0x2d6: {  	[tilespmem:s8], [sflag:$0x1] =	stream.linear.gather [hbm4b:s9+s8], $0x400, $0x38;
	[tilespmem:$0x1600] =	vst v63  }
0x2d7: {  	_ =	swait.ge [sflag:s30], $0x400  }
0x2d8: {  	[sflag:s30] =	ssyncset.done $0x0  }
0x2d9: {  	[sflag:s30] =	ssyncadd.s32 $0xFFFFFC00  }
0x2da: {  	[spmem:s7] =	stream.indirect.scatter.add.f32 [tilespmem:s5], [sflag:$0x1], $0x1, s8, s31, $0xb8;
	[tilespmem:$0x1600] =	vst v63  }
0x2db: {  	_ =	swait.ge [sflag:s30], $0x80  }
0x2dc: {  	[sflag:s30] =	ssyncset.done $0x0  }
0x2dd: {  	[sflag:s30] =	ssyncadd.s32 $0xFFFFFF80  }
0x2de: {  	[spmem:s7] =	stream.indirect.scatter.add.f32 [tilespmem:s5], [sflag:$0x1], $0x1, s31, s31, $0xb8;
	[tilespmem:$0x1600] =	vst v63  }
0x2df: {  	_ =	swait.ge [sflag:s30], $0x80  }
0x2e0: {  	[sflag:s30] =	ssyncset.done $0x0  }
0x2e1: {  	[sflag:s30] =	ssyncadd.s32 $0xFFFFFF80  }
0x2e2: {  	[spmem:s7] =	stream.indirect.scatter.add.f32 [tilespmem:s5], [sflag:$0x1], $0x1, s2, s31, $0xb8;
	[tilespmem:$0x1600] =	vst v63  }
0x2e3: {  	_ =	swait.ge [sflag:s30], $0x80  }
0x2e4: {  	[sflag:s30] =	ssyncset.done $0x0  }
0x2e5: {  	[sflag:s30] =	ssyncadd.s32 $0xFFFFFF80  }
0x2e6: {  	[spmem:s7] =	stream.indirect.scatter.add.f32 [tilespmem:s5], [sflag:$0x1], $0x1, s15, s31, $0xb8;
	[tilespmem:$0x1600] =	vst v63  }
0x2e7: {  	_ =	swait.ge [sflag:s30], $0x80  }
0x2e8: {  	[sflag:s30] =	ssyncset.done $0x0  }
0x2e9: {  	[sflag:s30] =	ssyncadd.s32 $0xFFFFFF80  }
0x2ea: {  	[spmem:s7] =	stream.indirect.scatter.add.f32 [tilespmem:s5], [sflag:$0x1], $0x1, s16, s31, $0xb8;
	[tilespmem:$0x1600] =	vst v63  }
0x2eb: {  	_ =	swait.ge [sflag:s30], $0x80  }
0x2ec: {  	[sflag:s30] =	ssyncset.done $0x0  }
0x2ed: {  	[sflag:s30] =	ssyncadd.s32 $0xFFFFFF80  }
0x2ee: {  	[spmem:s7] =	stream.indirect.scatter.add.f32 [tilespmem:s5], [sflag:$0x1], $0x1, s17, s31, $0xb8;
	[tilespmem:$0x1600] =	vst v63  }
0x2ef: {  	_ =	swait.ge [sflag:s30], $0x80  }
0x2f0: {  	[sflag:s30] =	ssyncset.done $0x0  }
0x2f1: {  	[sflag:s30] =	ssyncadd.s32 $0xFFFFFF80  }
0x2f2: {  	[spmem:s7] =	stream.indirect.scatter.add.f32 [tilespmem:s5], [sflag:$0x1], $0x1, s18, s31, $0xb8;
	[tilespmem:$0x1600] =	vst v63  }
0x2f3: {  	_ =	swait.ge [sflag:s30], $0x80  }
0x2f4: {  	[sflag:s30] =	ssyncset.done $0x0  }
0x2f5: {  	[sflag:s30] =	ssyncadd.s32 $0xFFFFFF80  }
0x2f6: {  	[spmem:s7] =	stream.indirect.scatter.add.f32 [tilespmem:s5], [sflag:$0x1], $0x1, s19, s31, $0xb8;
	[tilespmem:$0x1600] =	vst v63  }
0x2f7: {  	_ =	swait.ge [sflag:s30], $0x80  }
0x2f8: {  	[sflag:s30] =	ssyncset.done $0x0  }
0x2f9: {  	[sflag:s30] =	ssyncadd.s32 $0xFFFFFF80  }
0x2fa: {  	s12 =	stileid.u32;
	[bflag:$0x0] =	sbarrier.arrive $0xFFFF  }
0x2fb: {  	s9 =	sshll.u32 s12, $0x6;
	s11 =	rddreg [dreg:$0xb]  }
0x2fc: {  	s9 =	sor.u32 $0x1C01, s9;
	s12 =	rddreg [dreg:$0xd];
	s13 =	sshrl.u32 s11, $0x3  }
0x2fd: {  	[hbm:s12], [sflag:s9] =	dma.local [spmem:s13], $0x50  }
0x2fe: {  	_ =	swait.ge [sflag:s30], $0x50  }
0x2ff: {  	[sflag:s30] =	ssyncset.done $0x0  }
0x300: {  	s12 =	sshrl.u32 s21, $0x3;
	s13 =	rddreg [dreg:$0xe];
	[sflag:s30] =	ssyncadd.s32 $0xFFFFFFB0  }
0x301: {  	[hbm:s13], [sflag:s9] =	dma.local [spmem:s12], $0x50  }
0x302: {  	_ =	swait.ge [sflag:s30], $0x50  }
0x303: {  	[sflag:s30] =	ssyncset.done $0x0;
	s12 =	rddreg [dreg:$0x9]  }
0x304: {  	s13 =	rddreg [dreg:$0xf];
	[sflag:s30] =	ssyncadd.s32 $0xFFFFFFB0;
	s10 =	sshrl.u32 s12, $0x3  }
0x305: {  	[hbm:s13], [sflag:s9] =	dma.local [spmem:s10], $0x50  }
0x306: {  	_ =	swait.ge [sflag:s30], $0x50  }
0x307: {  	[sflag:s30] =	ssyncset.done $0x0;
	s13 =	rddreg [dreg:$0xa]  }
0x308: {  	s29 =	rddreg [dreg:$0x10];
	[sflag:s30] =	ssyncadd.s32 $0xFFFFFFB0;
	s10 =	sshrl.u32 s13, $0x3  }
0x309: {  	[hbm:s29], [sflag:s9] =	dma.local [spmem:s10], $0x50  }
0x30a: {  	_ =	swait.ge [sflag:s30], $0x50  }
0x30b: {  	[sflag:s30] =	ssyncset.done $0x0  }
0x30c: {  	s20 =	sshrl.u32 s20, $0x3;
	s29 =	rddreg [dreg:$0x11];
	[sflag:s30] =	ssyncadd.s32 $0xFFFFFFB0  }
0x30d: {  	[hbm:s29], [sflag:s9] =	dma.local [spmem:s20], $0x50  }
0x30e: {  	_ =	swait.ge [sflag:s30], $0x50  }
0x30f: {  	[sflag:s30] =	ssyncset.done $0x0;
	s29 =	rddreg [dreg:$0xc]  }
0x310: {  	s20 =	rddreg [dreg:$0x12];
	[sflag:s30] =	ssyncadd.s32 $0xFFFFFFB0;
	s10 =	sshrl.u32 s29, $0x3  }
0x311: {  	[hbm:s20], [sflag:s9] =	dma.local [spmem:s10], $0x50  }
0x312: {  	_ =	swait.ge [sflag:s30], $0x50  }
0x313: {  	s14 =	sadd.s32 $0x1, s14;
	s20 =	rddreg [dreg:$0x13]  }
0x314: {  	p0 =	sne.s32 s14, s20  }
.Ltmp16:
0x315: {  	_ = 	snop;
	(pc) =	sbr.rel @p0 .LBB2_1-.Ltmp16, $4  }
.Ltmp17:
0x316: {  	_ = 	snop;
	(pc) =	sbr.rel @!p0 .LBB2_27-.Ltmp17, $4  }
0x317: {  	_ = 	snop  }
0x318: {  	[sflag:s30] =	ssyncset.done $0x0  }
0x319: {  	[sflag:s30] =	ssyncadd.s32 $0xFFFFFFB0  }
0x31a: {  	_ = 	snop  }
.LBB2_5:
.Ltmp18:
0x31b: {  	(pc) =	sbr.rel .LBB2_8-.Ltmp18, $2  }
0x31c: {  	_ =	sdelay $0x2  }
0x31d: {  	s10 =	simm.s32 $0x80  }
.LBB2_13:
.Ltmp19:
0x31e: {  	(pc) =	sbr.rel .LBB2_16-.Ltmp19, $2  }
0x31f: {  	_ =	sdelay $0x2  }
0x320: {  	s10 =	simm.s32 $0x80  }
.LBB2_18:
.Ltmp20:
0x321: {  	(pc) =	sbr.rel .LBB2_21-.Ltmp20, $2  }
0x322: {  	_ =	sdelay $0x2  }
0x323: {  	s11 =	smov.u32 s10  }
.LBB2_23:
.Ltmp21:
0x324: {  	(pc) =	sbr.rel .LBB2_26-.Ltmp21, $2  }
0x325: {  	_ =	sdelay $0x2  }
0x326: {  	s10 =	simm.s32 $0x80;
	s14 =	rddreg [dreg:$0x14]  }
.LBB2_27:
0x327: {  	_ =	sfence.sel $0x180000  }
0x328: {  	[bflag:$0x0] =	sbarrier.arrive $0xFFFF  }
0x329: {  	_ =	strace $0x90000047  }
0x32a: {  	s0 =	stileid.u32;
	[bflag:$0x2] =	sbarrier.arrive $0xFFFF  }
0x32b: {  	p0 =	sne.s32 s0, $0x0;
	s0 =	rddreg [dreg:$0x8]  }
0x32c: {  	s0 =	sadd.s32 @!p0 $0x100000, s0  }
0x32d: {  	[sflag:s0] =	ssyncadd.tile.s32 @!p0 $0x1;
	_ =	shalt  }
.Lfunc_end2:
_tile_overlayer_lowered:
.L_overlay_start_2:
0x32e: {  	(tag) =	ssettag $0x2  }
0x32f: {  	s0 =	rddreg [dreg:$0x0];
	s2 =	stileid.u32  }
0x330: {  	s1 =	rddreg [dreg:$0x1];
	p0 =	sne.s32 s2, $0x0  }
0x331: {  	s3 =	rddreg [dreg:$0x2];
	[bflag:$0x3] =	sbarrier.arrive $0xFFFF;
	s2 =	simm.s32 @!p0 $0x1C01  }
0x332: {  	[timem:s3], [sflag:s2] =	dma.local @!p0 [hbm:s0], s1  }
0x333: {  	s0 =	simm.s32 @!p0 $0x1  }
0x334: {  	_ =	swait.ge @!p0 [sflag:s0], s1  }
0x335: {  	s1 =	ssub.s32 @!p0 $0x0, s1;
	[sflag:s0] =	ssyncset.done @!p0 $0x0  }
0x336: {  	[sflag:s0] =	ssyncadd.s32 @!p0 s1  }
0x337: {  	[bflag:$0x3] =	sbarrier.arrive $0xFFFF  }
0x338: {  	_ =	shalt  }

// kernel: kernel.9.cloned.1.call-start
scs
__scs_entry_jumppad:
0x0: {  	(pc) =	sbr.rel $0x88, $3  }
0x1: {  	(tag) =	ssettag $0x0;
	lr =	simm.s32 $0x1  }
0x2: {  	[smem:$0x3F9A] =	sst lr;
	_ =	strace $0xD0000000  }
0x3: {  	_ = 	snop  }
0x4: {  	_ = 	snop  }
0x5: {  	_ = 	snop  }
0x6: {  	_ = 	snop  }
0x7: {  	_ = 	snop  }
__scs_overlays_trampoline_lowered:
0x8: {  	[smem:$0x3FA9] =	sst s0  }
0x9: {  	[smem:$0x3FAA] =	sst s1  }
0xa: {  	[smem:$0x3FAB] =	sst s2  }
0xb: {  	[smem:$0x3FAC] =	sst s3  }
0xc: {  	[smem:$0x3FAD] =	sst s4  }
0xd: {  	[smem:$0x3FAE] =	sst s5  }
0xe: {  	[smem:$0x3FAF] =	sst s6  }
0xf: {  	[smem:$0x3FB0] =	sst s7  }
0x10: {  	[smem:$0x3FB1] =	sst s8  }
0x11: {  	[smem:$0x3FB2] =	sst s9;
	s0 =	simm.s32 @!p0 $0x0  }
0x12: {  	s1 =	sld [smem:$0x3F98];
	s0 =	simm.s32 @p0 $0x1  }
0x13: {  	[smem:$0x3FB3] =	sst s0;
	s0 =	simm.s32 @!p1 $0x0  }
0x14: {  	s2 =	sld [smem:$0x3F97];
	s0 =	simm.s32 @p1 $0x1  }
0x15: {  	[smem:$0x3FB4] =	sst s0;
	s0 =	simm.s32 @!p2 $0x0  }
0x16: {  	s3 =	sld [smem:$0x3FDB];
	s0 =	simm.s32 @p2 $0x1  }
0x17: {  	s4 =	simm.s32 $0x1BF5;
	[smem:$0x3FB6] =	sst s0  }
0x18: {  	s0 =	sld [smem:$0x3F99];
	_ =	swait.ge [sflag:s4], $0x0  }
0x19: {  	s7 =	sld [smem:$0x3F9A]  }
0x1a: {  	s8 =	sadd.s32 $0xFFFFE003, lr  }
0x1b: {  	s9 =	sadd.s32 $0xFFFFFEF7, lr;
	s5 =	simm.s32 $0xFFFFFFFF;
	p2 =	slt.u32 s8, $0xFFFFF086  }
0x1c: {  	p1 =	slt.u32 s9, $0xF7A;
	s5 =	simm.s32 @!p2 $0x0  }
0x1d: {  	s5 =	simm.s32 @p1 $0x1;
	p0 =	seq.s32 s7, s2  }
0x1e: {  	s7 =	smul.u32 @!p0 $0xF7A, s2;
	p2 =	seq.s32 @!p0 s5, $0x0  }
0x1f: {  	s9 =	smul.u32 $0xF7A, s1;
	s8 =	simm.s32 @!p0 $0x1BF5;
	p2 =	por !p2, p0  }
0x20: {  	[sflag:s8] =	ssyncset.s32 @!p0 $0xFFFFF086;
	s6 =	sadd.s32 @!p0 s3, s7;
	s7 =	simm.s32 @!p0 $0x108  }
0x21: {  	s3 =	sadd.s32 s3, s9;
	s6 =	sadd.s32 @!p0 $0x88, s6;
	s7 =	simm.s32 @p2 $0x1082  }
0x22: {  	[simem:s7], [sflag:s8] =	dma.local @!p0 [hbm:s6], $0xF7A  }
0x23: {  	s9 =	sor.u32 $0xD0000000, s2;
	s6 =	simm.s32 $0x108;
	_ =	swait.ge @!p0 [sflag:s8], $0x0  }
0x24: {  	s3 =	sadd.s32 $0x88, s3;
	s6 =	simm.s32 @!p1 $0x1082;
	[sflag:s4] =	ssyncset.s32 $0xFFFFF086  }
0x25: {  	[simem:s6], [sflag:s4] =	dma.local [hbm:s3], $0xF7A  }
0x26: {  	[smem:$0x3F9A] =	sst s1;
	(tag) =	ssettag s2;
	_ =	strace s9  }
0x27: {  	s1 =	sld [smem:$0x3FAA]  }
0x28: {  	s2 =	sld [smem:$0x3FAB]  }
0x29: {  	s4 =	sld [smem:$0x3FAD]  }
0x2a: {  	p0 =	seq.s32 s5, $0x0;
	s5 =	sld [smem:$0x3FAE]  }
0x2b: {  	s6 =	sld [smem:$0x3FAF]  }
0x2c: {  	s7 =	sld [smem:$0x3FB0]  }
0x2d: {  	s3 =	simm.s32 $0x108;
	s8 =	sld [smem:$0x3FB1]  }
0x2e: {  	s3 =	simm.s32 @!p0 $0x1082;
	s9 =	sld [smem:$0x3FB2]  }
0x2f: {  	lr =	sadd.s32 s0, s3;
	s0 =	sld [smem:$0x3FA9]  }
0x30: {  	s3 =	sld [smem:$0x3FAC]  }
0x31: {  	[smem:$0x3FB5] =	sst s10  }
0x32: {  	s10 =	sld [smem:$0x3FB3];
	_ =	sdelay $0x3  }
0x33: {  	p0 =	seq.s32 s10, $0x1;
	s10 =	sld [smem:$0x3FB5];
	_ =	sdelay $0x3  }
0x34: {  	[smem:$0x3FB5] =	sst s10  }
0x35: {  	s10 =	sld [smem:$0x3FB4];
	_ =	sdelay $0x3  }
0x36: {  	p1 =	seq.s32 s10, $0x1;
	s10 =	sld [smem:$0x3FB5];
	_ =	sdelay $0x3  }
0x37: {  	[smem:$0x3FB5] =	sst s10  }
0x38: {  	s10 =	sld [smem:$0x3FB6]  }
0x39: {  	_ = 	snop;
	(pc) =	sbr.ind lr, $3  }
0x3a: {  	_ = 	snop  }
0x3b: {  	_ = 	snop  }
0x3c: {  	p2 =	seq.s32 s10, $0x1;
	s10 =	sld [smem:$0x3FB5]  }
0x3d: {  	_ =	shalt  }
0x3e: {  	_ =	shalt  }
0x3f: {  	_ =	shalt  }
0x40: {  	_ =	shalt  }
0x41: {  	_ =	shalt  }
0x42: {  	_ =	shalt  }
0x43: {  	_ =	shalt  }
0x44: {  	_ =	shalt  }
0x45: {  	_ =	shalt  }
0x46: {  	_ =	shalt  }
0x47: {  	_ =	shalt  }
0x48: {  	_ =	shalt  }
0x49: {  	_ =	shalt  }
0x4a: {  	_ =	shalt  }
0x4b: {  	_ =	shalt  }
0x4c: {  	_ =	shalt  }
0x4d: {  	_ =	shalt  }
0x4e: {  	_ =	shalt  }
0x4f: {  	_ =	shalt  }
0x50: {  	_ =	shalt  }
0x51: {  	_ =	shalt  }
0x52: {  	_ =	shalt  }
0x53: {  	_ =	shalt  }
0x54: {  	_ =	shalt  }
0x55: {  	_ =	shalt  }
0x56: {  	_ =	shalt  }
0x57: {  	_ =	shalt  }
0x58: {  	_ =	shalt  }
0x59: {  	_ =	shalt  }
0x5a: {  	_ =	shalt  }
0x5b: {  	_ =	shalt  }
0x5c: {  	_ =	shalt  }
0x5d: {  	_ =	shalt  }
0x5e: {  	_ =	shalt  }
0x5f: {  	_ =	shalt  }
0x60: {  	_ =	shalt  }
0x61: {  	_ =	shalt  }
0x62: {  	_ =	shalt  }
0x63: {  	_ =	shalt  }
0x64: {  	_ =	shalt  }
0x65: {  	_ =	shalt  }
0x66: {  	_ =	shalt  }
0x67: {  	_ =	shalt  }
0x68: {  	_ =	shalt  }
0x69: {  	_ =	shalt  }
0x6a: {  	_ =	shalt  }
0x6b: {  	_ =	shalt  }
0x6c: {  	_ =	shalt  }
0x6d: {  	_ =	shalt  }
0x6e: {  	_ =	shalt  }
0x6f: {  	_ =	shalt  }
0x70: {  	_ =	shalt  }
0x71: {  	_ =	shalt  }
0x72: {  	_ =	shalt  }
0x73: {  	_ =	shalt  }
0x74: {  	_ =	shalt  }
0x75: {  	_ =	shalt  }
0x76: {  	_ =	shalt  }
0x77: {  	_ =	shalt  }
0x78: {  	_ =	shalt  }
0x79: {  	_ =	shalt  }
0x7a: {  	_ =	shalt  }
0x7b: {  	_ =	shalt  }
0x7c: {  	_ =	shalt  }
0x7d: {  	_ =	shalt  }
0x7e: {  	_ =	shalt  }
0x7f: {  	_ =	shalt  }
0x80: {  	_ =	shalt  }
0x81: {  	_ =	shalt  }
0x82: {  	_ =	shalt  }
0x83: {  	_ =	shalt  }
0x84: {  	_ =	shalt  }
0x85: {  	_ =	shalt  }
0x86: {  	_ =	shalt  }
0x87: {  	_ =	shalt  }
.Lfunc_end0:
.L_simem_size_0:
called_computation.1_lowered:
.L_overlay_start_0:
0x88: {  	s2 =	sld [smem:$0x3FD9]  }
0x89: {  	s3 =	sld [smem:$0x3FFE];
	_ =	sdelay $0x1  }
0x8a: {  	s1 =	srdreg.scid  }
0x8b: {  	s0 =	sand.u32 $0x1, s1  }
0x8c: {  	s17 =	sshll.u32 s0, $0xA;
	s2 =	sadd.s32 s3, s2  }
0x8d: {  	s2 =	sadd.s32 s2, s17  }
0x8e: {  	[smem:$0x3FC1] =	sst s2  }
0x8f: {  	_ = 	snop  }
0x90: {  	s2 =	sld [smem:$0x3FD0];
	(tm) =	ssettm $0x1  }
0x91: {  	s18 =	sld [smem:$0x3FFB];
	_ =	sdelay $0x3  }
0x92: {  	_ =	strace s18  }
0x93: {  	s3 =	sld [smem:$0x3FFC];
	_ =	sdelay $0x3  }
0x94: {  	_ =	strace s3  }
0x95: {  	s3 =	sld [smem:$0x3FFD];
	_ =	sdelay $0x3  }
0x96: {  	_ =	strace s3  }
0x97: {  	_ =	strace $0x8FFFFFFF  }
0x98: {  	s19 =	sld [smem:$0x3FDB];
	_ =	sdelay $0x1  }
0x99: {  	s4 =	simm.s32 $_scs_section_size  }
0x9a: {  	s5 =	simm.s32 $_size__tile_overlayer_lowered;
	s6 =	simm.s32 $_tile_overlayer_lowered  }
0x9b: {  	s22 =	simm.s32 $0x1BFF;
	s21 =	sshll.u32 s6, $0x1;
	s3 =	sadd.s32 s4, s19  }
0x9c: {  	s7 =	simm.s32 $0x0;
	s20 =	sshll.u32 s5, $0x1;
	s5 =	sadd.s32 s21, s3  }
0x9d: {  	[timem:s7], [sflag:s22] =	dma.local [hbm:s5], s20  }
0x9e: {  	_ =	swait.ge [sflag:s22], s20  }
0x9f: {  	s4 =	ssub.s32 $0x0, s20;
	[sflag:s22] =	ssyncset.done $0x0  }
0xa0: {  	[sflag:s22] =	ssyncadd.s32 s4;
	_ =	sdelay $0x1  }
0xa1: {  	s23 =	simm.s32 $0x1B8B  }
0xa2: {  	_ =	swait.ge [sflag:s23], $0x1  }
0xa3: {  	[sflag:s23] =	ssyncset.done $0x0  }
0xa4: {  	s25 =	simm.s32 $0x1B8E;
	s24 =	sld [smem:$0x3FFE];
	[sflag:s23] =	ssyncadd.s32 $0xFFFFFFFF  }
0xa5: {  	s26 =	simm.s32 $execute0_lowered;
	[smem:$0x3FD2] =	sst s25  }
0xa6: {  	s5 =	sshll.u32 s26, $0x1;
	_ =	strace $0x80000049;
	[dreg:$0x1] =	wrdreg $0xFFFFFFFF  }
0xa7: {  	s28 =	simm.s32 $_size_execute0_lowered;
	s3 =	sadd.s32 s3, s5;
	[dreg:$0x0] =	wrdreg $0x0  }
0xa8: {  	s5 =	sshll.u32 s28, $0x1;
	[dreg:$0x2] =	wrdreg s3  }
0xa9: {  	[dreg:$0x3] =	wrdreg s5  }
0xaa: {  	[dreg:$0x4] =	wrdreg $0xC0  }
0xab: {  	_ =	task [dreg:s7], $0x5FFFF  }
0xac: {  	[dreg:$0x1] =	wrdreg $0xFFFFFFFF  }
0xad: {  	[dreg:$0x0] =	wrdreg $0x60  }
0xae: {  	[dreg:$0x2] =	wrdreg s24  }
0xaf: {  	[dreg:$0x3] =	wrdreg s2  }
0xb0: {  	[dreg:$0x4] =	wrdreg $0x70000  }
0xb1: {  	[dreg:$0x5] =	wrdreg $0x9  }
0xb2: {  	_ =	task.clear_ibuf [dreg:s7], $0x6FFFF;
	_ =	strace $0x90000049  }
0xb3: {  	s29 =	simm.s32 $0x9;
	_ =	strace $0x8000004B  }
0xb4: {  	_ =	swait.ge [sflag:s29], $0x1  }
0xb5: {  	[sflag:s29] =	ssyncadd.s32 $0xFFFFFFFF  }
0xb6: {  	_ =	strace $0x9000004B  }
0xb7: {  	_ =	sfence  }
0xb8: {  	s30 =	sld [smem:$0x0];
	_ =	sdelay $0x2  }
0xb9: {  	s31 =	sshll.u32 s1, $0xD;
	s1 =	sshrl.u32 s1, $0x2  }
0xba: {  	s3 =	sand.u32 $0x4000, s31;
	s1 =	sadd.s32 s1, s30  }
0xbb: {  	s0 =	sor.u32 s3, s0;
	s1 =	sshll.u32 s1, $0x11  }
0xbc: {  	s0 =	sor.u32 s1, s0  }
0xbd: {  	s0 =	sadd.s32 $0x8F2B, s0  }
0xbe: {  	[sflag:s0] =	ssyncadd.remote.s32 $0x1  }
0xbf: {  	_ =	sfence.sel $0xFFFF  }
0xc0: {  	[dreg:$0x0] =	wrdreg $0xFFFFFFFF;
	(pc) =	sbr.abs _section_cstart, $3  }
0xc1: {  	[dreg:$0x1] =	wrdreg $0xFFFFFFFF  }
0xc2: {  	_ =	task.clear_ibuf [dreg:s7], $0x2FFFF;
	_ =	strace $0x9FFFFFFF  }
0xc3: {  	(tm) =	ssettm $0x7FFFFFFF  }
tec
execute0_lowered:
.L_overlay_start_1:
0x0: {  	(tag) =	ssettag $0x1  }
0x1: {  	s0 =	rddreg [dreg:$0x0]  }
0x2: {  	s2 =	rddreg [dreg:$0x1]  }
0x3: {  	s1 =	rddreg [dreg:$0x2]  }
0x4: {  	s3 =	srdreg.scid;
	s13 =	stileid.u32;
	s28 =	simm.s32 $0x400  }
0x5: {  	s29 =	simm.s32 $0x80;
	s30 =	simm.s32 $0x800;
	s9 =	smul.u32 $0x280, s13  }
0x6: {  	s31 =	simm.s32 $0x480;
	s7 =	sand.u32 $0x1, s3;
	s11 =	smul.u32 $0x50000, s13  }
0x7: {  	s3 =	simm.s32 $0x0;
	s4 =	sadd.s32 $0x33000, s0;
	s19 =	smul.u32 $0x500, s13  }
0x8: {  	s5 =	sadd.s32 $0x5B000, s0;
	s6 =	sadd.s32 $0x83000, s0;
	s8 =	smul.u32 $0x5000, s7  }
0x9: {  	s13 =	simm.s32 $0x780;
	[smem:$0x7FF] =	sst s3;
	s10 =	smul.u32 $0x2800, s7  }
0xa: {  	s7 =	ssub.s32 $0x2, s7;
	_ =	strace $0x8000004A;
	s11 =	sshrl.u32 s11, $0x2  }
0xb: {  	s25 =	sshrl.u32 s7, $0x1;
	s12 =	sadd.s32 s8, s0;
	s26 =	sadd.s32 s11, s1  }
0xc: {  	s9 =	sadd.s32 s9, s10;
	s14 =	sadd.s32 $0x2800, s26;
	[dreg:$0x5] =	wrdreg s26  }
0xd: {  	s7 =	ssub.s32 s7, s25;
	s15 =	sadd.s32 $0x5000, s26;
	[dreg:$0x6] =	wrdreg s14  }
0xe: {  	s2 =	sadd.s32 s8, s2;
	s16 =	sadd.s32 $0x7800, s26;
	[dreg:$0x7] =	wrdreg s15  }
0xf: {  	s8 =	simm.s32 $0x280;
	s17 =	sadd.s32 $0xA000, s26;
	[dreg:$0x8] =	wrdreg s16  }
0x10: {  	s9 =	sshll.u32 s9, $0x4;
	s18 =	sadd.s32 $0xC800, s26;
	[dreg:$0x9] =	wrdreg s17  }
0x11: {  	s11 =	sadd.s32 $0xF000, s26;
	s10 =	sadd.s32 $0x11800, s26;
	[dreg:$0xa] =	wrdreg s18  }
0x12: {  	s22 =	sadd.s32 s19, s12;
	s7 =	smax.u32 s7, $0x1;
	[dreg:$0xb] =	wrdreg s11  }
0x13: {  	s23 =	sadd.s32 s19, s2;
	s2 =	simm.s32 $0x500;
	[dreg:$0xc] =	wrdreg s10  }
0x14: {  	s12 =	simm.s32 $0x380;
	s0 =	sadd.s32 s9, s0;
	[dreg:$0x10] =	wrdreg s7  }
0x15: {  	s25 =	sadd.s32 $0x1000, s22;
	s26 =	sadd.s32 $0x15000, s22;
	s24 =	sadd.s32 $0xB000, s22  }
0x16: {  	s19 =	sadd.s32 $0x1F000, s22;
	s15 =	simm.s32 $0x180;
	s16 =	simm.s32 $0x580  }
0x17: {  	s17 =	simm.s32 $0x200;
	s18 =	simm.s32 $0x600;
	[dreg:$0x12] =	wrdreg s23  }
0x18: {  	s9 =	simm.s32 $0x680;
	s10 =	simm.s32 $0x300;
	[dreg:$0x4] =	wrdreg s25  }
0x19: {  	s11 =	simm.s32 $0x700;
	s20 =	sadd.s32 $0xAB000, s0;
	[dreg:$0x11] =	wrdreg s26  }
0x1a: {  	s14 =	simm.s32 $0x0;
	s21 =	sadd.s32 $0xFB000, s0;
	[dreg:$0xd] =	wrdreg s20  }
0x1b: {  	s0 =	sadd.s32 $0x14B000, s0;
	s26 =	simm.s32 $0x1;
	[dreg:$0xe] =	wrdreg s21  }
0x1c: {  	v0 =	vimm.f32 $0.0e+00;
	[dreg:$0xf] =	wrdreg s0;
	s20 =	sadd.s32 $0x29000, s22;
	s0 =	simm.s32 $0x100  }
.LBB2_1:
0x1d: {  	[dreg:$0x13] =	wrdreg s14;
	s7 =	sand.u32 $0xFE00, s3  }
0x1e: {  	s21 =	smov.u32 s19;
	s23 =	sand.u32 $0x70, s3;
	s25 =	sshrl.u32 s7, $0x2  }
0x1f: {  	s14 =	simm.s32 $0x0;
	s7 =	simm.s32 $0x40;
	s25 =	sor.u32 s23, s25  }
.LBB2_2:
0x20: {  	p0 =	sne.s32 s7, $0x9FC0  }
0x21: {  	[tilespmem:s25+$0x4800] =	vst v0;
	s14 =	sadd.s32 $0x10, s14;
	s25 =	smov.u32 s7;
	s7 =	sadd.s32 $0x40, s7  }
.Ltmp0:
0x22: {  	(pc) =	sbr.rel @p0 .LBB2_2-.Ltmp0, $4  }
0x23: {  	_ = 	snop  }
0x24: {  	s25 =	sand.u32 $0xFE00, s25  }
0x25: {  	s19 =	sand.u32 $0x70, s14;
	s25 =	sshrl.u32 s25, $0x2  }
0x26: {  	s25 =	sor.u32 s19, s25  }
0x27: {  	[tilespmem:s25+$0x4800] =	vst v0;
	s7 =	rddreg [dreg:$0x5];
	s14 =	simm.s32 $0x4800  }
0x28: {  	[spmem:s7] =	stream.linear.scatter [tilespmem:s14], [sflag:$0x1], $0x2800, $0x38;
	[tilespmem:$0x1B000] =	vst v63  }
0x29: {  	_ =	swait.ge [sflag:s26], $0x2800  }
0x2a: {  	[sflag:s26] =	ssyncset.done $0x0  }
0x2b: {  	s25 =	rddreg [dreg:$0x6];
	[sflag:s26] =	ssyncadd.s32 $0xFFFFD800  }
0x2c: {  	[spmem:s25] =	stream.linear.scatter [tilespmem:s14], [sflag:$0x1], $0x2800, $0x38;
	[tilespmem:$0x1B000] =	vst v63  }
0x2d: {  	_ =	swait.ge [sflag:s26], $0x2800  }
0x2e: {  	[sflag:s26] =	ssyncset.done $0x0  }
0x2f: {  	s19 =	rddreg [dreg:$0x7];
	[sflag:s26] =	ssyncadd.s32 $0xFFFFD800  }
0x30: {  	[spmem:s19] =	stream.linear.scatter [tilespmem:s14], [sflag:$0x1], $0x2800, $0x38;
	[tilespmem:$0x1B000] =	vst v63  }
0x31: {  	_ =	swait.ge [sflag:s26], $0x2800  }
0x32: {  	[sflag:s26] =	ssyncset.done $0x0  }
0x33: {  	s22 =	rddreg [dreg:$0x8];
	[sflag:s26] =	ssyncadd.s32 $0xFFFFD800  }
0x34: {  	[spmem:s22] =	stream.linear.scatter [tilespmem:s14], [sflag:$0x1], $0x2800, $0x38;
	[tilespmem:$0x1B000] =	vst v63  }
0x35: {  	_ =	swait.ge [sflag:s26], $0x2800  }
0x36: {  	[sflag:s26] =	ssyncset.done $0x0  }
0x37: {  	s23 =	rddreg [dreg:$0x9];
	[sflag:s26] =	ssyncadd.s32 $0xFFFFD800  }
0x38: {  	[spmem:s23] =	stream.linear.scatter [tilespmem:s14], [sflag:$0x1], $0x2800, $0x38;
	[tilespmem:$0x1B000] =	vst v63  }
0x39: {  	_ =	swait.ge [sflag:s26], $0x2800  }
0x3a: {  	[sflag:s26] =	ssyncset.done $0x0  }
0x3b: {  	s25 =	rddreg [dreg:$0xa];
	[sflag:s26] =	ssyncadd.s32 $0xFFFFD800  }
0x3c: {  	[spmem:s25] =	stream.linear.scatter [tilespmem:s14], [sflag:$0x1], $0x2800, $0x38;
	[tilespmem:$0x1B000] =	vst v63  }
0x3d: {  	_ =	swait.ge [sflag:s26], $0x2800  }
0x3e: {  	[sflag:s26] =	ssyncset.done $0x0  }
0x3f: {  	s19 =	rddreg [dreg:$0xb];
	[sflag:s26] =	ssyncadd.s32 $0xFFFFD800  }
0x40: {  	[spmem:s19] =	stream.linear.scatter [tilespmem:s14], [sflag:$0x1], $0x2800, $0x38;
	[tilespmem:$0x1B000] =	vst v63  }
0x41: {  	_ =	swait.ge [sflag:s26], $0x2800  }
0x42: {  	[sflag:s26] =	ssyncset.done $0x0  }
0x43: {  	s22 =	rddreg [dreg:$0xc];
	[sflag:s26] =	ssyncadd.s32 $0xFFFFD800  }
0x44: {  	[spmem:s22] =	stream.linear.scatter [tilespmem:s14], [sflag:$0x1], $0x2800, $0x38;
	[tilespmem:$0x1B000] =	vst v63  }
0x45: {  	_ =	swait.ge [sflag:s26], $0x2800  }
0x46: {  	[sflag:s26] =	ssyncset.done $0x0  }
0x47: {  	[sflag:s26] =	ssyncadd.s32 $0xFFFFD800  }
0x48: {  	s23 =	sadd.s32 $0x0, s20;
	[bflag:$0x0] =	sbarrier.arrive $0xFFFF  }
0x49: {  	[tilespmem:s3], [sflag:$0x1] =	stream.linear.gather [hbm4b:s23+s3], $0x400, $0x38;
	[tilespmem:$0x1B000] =	vst v63  }
0x4a: {  	_ =	swait.ge [sflag:s26], $0x400  }
0x4b: {  	[sflag:s26] =	ssyncset.done $0x0;
	s25 =	rddreg [dreg:$0x4]  }
0x4c: {  	[sflag:s26] =	ssyncadd.s32 $0xFFFFFC00;
	s7 =	sadd.s32 $0x0, s25  }
0x4d: {  	[tilespmem:s28], [sflag:$0x1] =	stream.linear.gather [hbm4b:s7+s3], $0x400, $0x38;
	[tilespmem:$0x1B000] =	vst v63  }
0x4e: {  	_ =	swait.ge [sflag:s26], $0x400  }
0x4f: {  	[sflag:s26] =	ssyncset.done $0x0  }
0x50: {  	[sflag:s26] =	ssyncadd.s32 $0xFFFFFC00  }
0x51: {  	[tilespmem:s30], [sflag:$0x1] =	stream.indirect.gather [hbm4b:s4+s29], $0x80, s3, s29, $0xb8;
	[tilespmem:$0x1B000] =	vst v63  }
0x52: {  	_ =	swait.ge [sflag:s26], $0x4000  }
0x53: {  	[sflag:s26] =	ssyncset.done $0x0  }
0x54: {  	[sflag:s26] =	ssyncadd.s32 $0xFFFFC000  }
0x55: {  	[spmem:s1] =	stream.indirect.scatter.add.f32 [tilespmem:s30], [sflag:$0x1], $0x80, s28, s29, $0xb8;
	[tilespmem:$0x1B000] =	vst v63  }
0x56: {  	_ =	swait.ge [sflag:s26], $0x4000  }
0x57: {  	[sflag:s26] =	ssyncset.done $0x0  }
0x58: {  	[sflag:s26] =	ssyncadd.s32 $0xFFFFC000  }
0x59: {  	[tilespmem:s30], [sflag:$0x1] =	stream.indirect.gather [hbm4b:s4+s29], $0x80, s29, s29, $0xb8;
	[tilespmem:$0x1B000] =	vst v63  }
0x5a: {  	_ =	swait.ge [sflag:s26], $0x4000  }
0x5b: {  	[sflag:s26] =	ssyncset.done $0x0  }
0x5c: {  	[sflag:s26] =	ssyncadd.s32 $0xFFFFC000  }
0x5d: {  	[spmem:s1] =	stream.indirect.scatter.add.f32 [tilespmem:s30], [sflag:$0x1], $0x80, s31, s29, $0xb8;
	[tilespmem:$0x1B000] =	vst v63  }
0x5e: {  	_ =	swait.ge [sflag:s26], $0x4000  }
0x5f: {  	[sflag:s26] =	ssyncset.done $0x0  }
0x60: {  	[sflag:s26] =	ssyncadd.s32 $0xFFFFC000  }
0x61: {  	[tilespmem:s30], [sflag:$0x1] =	stream.indirect.gather [hbm4b:s4+s29], $0x80, s0, s29, $0xb8;
	[tilespmem:$0x1B000] =	vst v63  }
0x62: {  	_ =	swait.ge [sflag:s26], $0x4000  }
0x63: {  	[sflag:s26] =	ssyncset.done $0x0  }
0x64: {  	[sflag:s26] =	ssyncadd.s32 $0xFFFFC000  }
0x65: {  	[spmem:s1] =	stream.indirect.scatter.add.f32 [tilespmem:s30], [sflag:$0x1], $0x80, s2, s29, $0xb8;
	[tilespmem:$0x1B000] =	vst v63  }
0x66: {  	_ =	swait.ge [sflag:s26], $0x4000  }
0x67: {  	[sflag:s26] =	ssyncset.done $0x0  }
0x68: {  	[sflag:s26] =	ssyncadd.s32 $0xFFFFC000  }
0x69: {  	[tilespmem:s30], [sflag:$0x1] =	stream.indirect.gather [hbm4b:s4+s29], $0x80, s15, s29, $0xb8;
	[tilespmem:$0x1B000] =	vst v63  }
0x6a: {  	_ =	swait.ge [sflag:s26], $0x4000  }
0x6b: {  	[sflag:s26] =	ssyncset.done $0x0  }
0x6c: {  	[sflag:s26] =	ssyncadd.s32 $0xFFFFC000  }
0x6d: {  	[spmem:s1] =	stream.indirect.scatter.add.f32 [tilespmem:s30], [sflag:$0x1], $0x80, s16, s29, $0xb8;
	[tilespmem:$0x1B000] =	vst v63  }
0x6e: {  	_ =	swait.ge [sflag:s26], $0x4000  }
0x6f: {  	[sflag:s26] =	ssyncset.done $0x0  }
0x70: {  	[sflag:s26] =	ssyncadd.s32 $0xFFFFC000  }
0x71: {  	[tilespmem:s30], [sflag:$0x1] =	stream.indirect.gather [hbm4b:s4+s29], $0x80, s17, s29, $0xb8;
	[tilespmem:$0x1B000] =	vst v63  }
0x72: {  	_ =	swait.ge [sflag:s26], $0x4000  }
0x73: {  	[sflag:s26] =	ssyncset.done $0x0  }
0x74: {  	[sflag:s26] =	ssyncadd.s32 $0xFFFFC000  }
0x75: {  	[spmem:s1] =	stream.indirect.scatter.add.f32 [tilespmem:s30], [sflag:$0x1], $0x80, s18, s29, $0xb8;
	[tilespmem:$0x1B000] =	vst v63  }
0x76: {  	_ =	swait.ge [sflag:s26], $0x4000  }
0x77: {  	[sflag:s26] =	ssyncset.done $0x0  }
0x78: {  	[sflag:s26] =	ssyncadd.s32 $0xFFFFC000  }
0x79: {  	[tilespmem:s30], [sflag:$0x1] =	stream.indirect.gather [hbm4b:s4+s29], $0x80, s8, s29, $0xb8;
	[tilespmem:$0x1B000] =	vst v63  }
0x7a: {  	_ =	swait.ge [sflag:s26], $0x4000  }
0x7b: {  	[sflag:s26] =	ssyncset.done $0x0  }
0x7c: {  	[sflag:s26] =	ssyncadd.s32 $0xFFFFC000  }
0x7d: {  	[spmem:s1] =	stream.indirect.scatter.add.f32 [tilespmem:s30], [sflag:$0x1], $0x80, s9, s29, $0xb8;
	[tilespmem:$0x1B000] =	vst v63  }
0x7e: {  	_ =	swait.ge [sflag:s26], $0x4000  }
0x7f: {  	[sflag:s26] =	ssyncset.done $0x0  }
0x80: {  	[sflag:s26] =	ssyncadd.s32 $0xFFFFC000  }
0x81: {  	[tilespmem:s30], [sflag:$0x1] =	stream.indirect.gather [hbm4b:s4+s29], $0x80, s10, s29, $0xb8;
	[tilespmem:$0x1B000] =	vst v63  }
0x82: {  	_ =	swait.ge [sflag:s26], $0x4000  }
0x83: {  	[sflag:s26] =	ssyncset.done $0x0  }
0x84: {  	[sflag:s26] =	ssyncadd.s32 $0xFFFFC000  }
0x85: {  	[spmem:s1] =	stream.indirect.scatter.add.f32 [tilespmem:s30], [sflag:$0x1], $0x80, s11, s29, $0xb8;
	[tilespmem:$0x1B000] =	vst v63  }
0x86: {  	_ =	swait.ge [sflag:s26], $0x4000  }
0x87: {  	[sflag:s26] =	ssyncset.done $0x0  }
0x88: {  	[sflag:s26] =	ssyncadd.s32 $0xFFFFC000  }
0x89: {  	[tilespmem:s30], [sflag:$0x1] =	stream.indirect.gather [hbm4b:s4+s29], $0x80, s12, s29, $0xb8;
	[tilespmem:$0x1B000] =	vst v63  }
0x8a: {  	_ =	swait.ge [sflag:s26], $0x4000  }
0x8b: {  	[sflag:s26] =	ssyncset.done $0x0  }
0x8c: {  	[sflag:s26] =	ssyncadd.s32 $0xFFFFC000  }
0x8d: {  	[spmem:s1] =	stream.indirect.scatter.add.f32 [tilespmem:s30], [sflag:$0x1], $0x80, s13, s29, $0xb8;
	[tilespmem:$0x1B000] =	vst v63  }
0x8e: {  	_ =	swait.ge [sflag:s26], $0x4000  }
0x8f: {  	s14 =	simm.s32 $0x100;
	s7 =	simm.s32 $0x80;
	[sflag:s26] =	ssyncset.done $0x0  }
.LBB2_4:
0x90: {  	s19 =	sadd.s32 s7, s20;
	[sflag:s26] =	ssyncadd.s32 $0xFFFFC000  }
0x91: {  	[tilespmem:s3], [sflag:$0x1] =	stream.linear.gather [hbm4b:s19+s3], $0x400, $0x38;
	[tilespmem:$0x1B000] =	vst v63  }
0x92: {  	s19 =	rddreg [dreg:$0x4];
	_ =	swait.ge [sflag:s26], $0x400  }
0x93: {  	[sflag:s26] =	ssyncset.done $0x0  }
0x94: {  	s23 =	sadd.s32 s7, s19;
	[sflag:s26] =	ssyncadd.s32 $0xFFFFFC00  }
0x95: {  	[tilespmem:s28], [sflag:$0x1] =	stream.linear.gather [hbm4b:s23+s3], $0x400, $0x38;
	[tilespmem:$0x1B000] =	vst v63  }
0x96: {  	_ =	swait.ge [sflag:s26], $0x400  }
0x97: {  	[sflag:s26] =	ssyncset.done $0x0  }
0x98: {  	[sflag:s26] =	ssyncadd.s32 $0xFFFFFC00  }
0x99: {  	[tilespmem:s30], [sflag:$0x1] =	stream.indirect.gather [hbm4b:s4+s29], $0x80, s3, s29, $0xb8;
	[tilespmem:$0x1B000] =	vst v63  }
0x9a: {  	_ =	swait.ge [sflag:s26], $0x4000  }
0x9b: {  	[sflag:s26] =	ssyncset.done $0x0  }
0x9c: {  	[sflag:s26] =	ssyncadd.s32 $0xFFFFC000  }
0x9d: {  	[spmem:s1] =	stream.indirect.scatter.add.f32 [tilespmem:s30], [sflag:$0x1], $0x80, s28, s29, $0xb8;
	[tilespmem:$0x1B000] =	vst v63  }
0x9e: {  	_ =	swait.ge [sflag:s26], $0x4000  }
0x9f: {  	[sflag:s26] =	ssyncset.done $0x0  }
0xa0: {  	[sflag:s26] =	ssyncadd.s32 $0xFFFFC000  }
0xa1: {  	[tilespmem:s30], [sflag:$0x1] =	stream.indirect.gather [hbm4b:s4+s29], $0x80, s29, s29, $0xb8;
	[tilespmem:$0x1B000] =	vst v63  }
0xa2: {  	_ =	swait.ge [sflag:s26], $0x4000  }
0xa3: {  	[sflag:s26] =	ssyncset.done $0x0  }
0xa4: {  	[sflag:s26] =	ssyncadd.s32 $0xFFFFC000  }
0xa5: {  	[spmem:s1] =	stream.indirect.scatter.add.f32 [tilespmem:s30], [sflag:$0x1], $0x80, s31, s29, $0xb8;
	[tilespmem:$0x1B000] =	vst v63  }
0xa6: {  	_ =	swait.ge [sflag:s26], $0x4000  }
0xa7: {  	[sflag:s26] =	ssyncset.done $0x0  }
0xa8: {  	[sflag:s26] =	ssyncadd.s32 $0xFFFFC000  }
0xa9: {  	[tilespmem:s30], [sflag:$0x1] =	stream.indirect.gather [hbm4b:s4+s29], $0x80, s0, s29, $0xb8;
	[tilespmem:$0x1B000] =	vst v63  }
0xaa: {  	_ =	swait.ge [sflag:s26], $0x4000  }
0xab: {  	[sflag:s26] =	ssyncset.done $0x0  }
0xac: {  	[sflag:s26] =	ssyncadd.s32 $0xFFFFC000  }
0xad: {  	[spmem:s1] =	stream.indirect.scatter.add.f32 [tilespmem:s30], [sflag:$0x1], $0x80, s2, s29, $0xb8;
	[tilespmem:$0x1B000] =	vst v63  }
0xae: {  	_ =	swait.ge [sflag:s26], $0x4000  }
0xaf: {  	[sflag:s26] =	ssyncset.done $0x0  }
0xb0: {  	[sflag:s26] =	ssyncadd.s32 $0xFFFFC000  }
0xb1: {  	[tilespmem:s30], [sflag:$0x1] =	stream.indirect.gather [hbm4b:s4+s29], $0x80, s15, s29, $0xb8;
	[tilespmem:$0x1B000] =	vst v63  }
0xb2: {  	_ =	swait.ge [sflag:s26], $0x4000  }
0xb3: {  	[sflag:s26] =	ssyncset.done $0x0  }
0xb4: {  	[sflag:s26] =	ssyncadd.s32 $0xFFFFC000  }
0xb5: {  	[spmem:s1] =	stream.indirect.scatter.add.f32 [tilespmem:s30], [sflag:$0x1], $0x80, s16, s29, $0xb8;
	[tilespmem:$0x1B000] =	vst v63  }
0xb6: {  	_ =	swait.ge [sflag:s26], $0x4000  }
0xb7: {  	[sflag:s26] =	ssyncset.done $0x0  }
0xb8: {  	[sflag:s26] =	ssyncadd.s32 $0xFFFFC000  }
0xb9: {  	[tilespmem:s30], [sflag:$0x1] =	stream.indirect.gather [hbm4b:s4+s29], $0x80, s17, s29, $0xb8;
	[tilespmem:$0x1B000] =	vst v63  }
0xba: {  	_ =	swait.ge [sflag:s26], $0x4000  }
0xbb: {  	[sflag:s26] =	ssyncset.done $0x0  }
0xbc: {  	[sflag:s26] =	ssyncadd.s32 $0xFFFFC000  }
0xbd: {  	[spmem:s1] =	stream.indirect.scatter.add.f32 [tilespmem:s30], [sflag:$0x1], $0x80, s18, s29, $0xb8;
	[tilespmem:$0x1B000] =	vst v63  }
0xbe: {  	_ =	swait.ge [sflag:s26], $0x4000  }
0xbf: {  	[sflag:s26] =	ssyncset.done $0x0  }
0xc0: {  	[sflag:s26] =	ssyncadd.s32 $0xFFFFC000  }
0xc1: {  	[tilespmem:s30], [sflag:$0x1] =	stream.indirect.gather [hbm4b:s4+s29], $0x80, s8, s29, $0xb8;
	[tilespmem:$0x1B000] =	vst v63  }
0xc2: {  	_ =	swait.ge [sflag:s26], $0x4000  }
0xc3: {  	[sflag:s26] =	ssyncset.done $0x0  }
0xc4: {  	[sflag:s26] =	ssyncadd.s32 $0xFFFFC000  }
0xc5: {  	[spmem:s1] =	stream.indirect.scatter.add.f32 [tilespmem:s30], [sflag:$0x1], $0x80, s9, s29, $0xb8;
	[tilespmem:$0x1B000] =	vst v63  }
0xc6: {  	_ =	swait.ge [sflag:s26], $0x4000  }
0xc7: {  	[sflag:s26] =	ssyncset.done $0x0  }
0xc8: {  	[sflag:s26] =	ssyncadd.s32 $0xFFFFC000  }
0xc9: {  	[tilespmem:s30], [sflag:$0x1] =	stream.indirect.gather [hbm4b:s4+s29], $0x80, s10, s29, $0xb8;
	[tilespmem:$0x1B000] =	vst v63  }
0xca: {  	_ =	swait.ge [sflag:s26], $0x4000  }
0xcb: {  	[sflag:s26] =	ssyncset.done $0x0  }
0xcc: {  	[sflag:s26] =	ssyncadd.s32 $0xFFFFC000  }
0xcd: {  	[spmem:s1] =	stream.indirect.scatter.add.f32 [tilespmem:s30], [sflag:$0x1], $0x80, s11, s29, $0xb8;
	[tilespmem:$0x1B000] =	vst v63  }
0xce: {  	_ =	swait.ge [sflag:s26], $0x4000  }
0xcf: {  	[sflag:s26] =	ssyncset.done $0x0  }
0xd0: {  	[sflag:s26] =	ssyncadd.s32 $0xFFFFC000  }
0xd1: {  	[tilespmem:s30], [sflag:$0x1] =	stream.indirect.gather [hbm4b:s4+s29], $0x80, s12, s29, $0xb8;
	[tilespmem:$0x1B000] =	vst v63  }
0xd2: {  	p0 =	sne.s32 s14, $0x480;
	_ =	swait.ge [sflag:s26], $0x4000  }
.Ltmp1:
0xd3: {  	[sflag:s26] =	ssyncset.done $0x0;
	(pc) =	sbr.rel @p0 .LBB2_4-.Ltmp1, $4  }
0xd4: {  	s22 =	smov.u32 s20;
	s25 =	sadd.s32 $0x80, s14;
	[sflag:s26] =	ssyncadd.s32 $0xFFFFC000  }
0xd5: {  	[spmem:s1] =	stream.indirect.scatter.add.f32 [tilespmem:s30], [sflag:$0x1], $0x80, s13, s29, $0xb8;
	[tilespmem:$0x1B000] =	vst v63  }
0xd6: {  	s20 =	smov.u32 s14;
	s14 =	smov.u32 s25;
	_ =	swait.ge [sflag:s26], $0x4000  }
0xd7: {  	s7 =	smov.u32 s20;
	s20 =	smov.u32 s22;
	[sflag:s26] =	ssyncset.done $0x0  }
0xd8: {  	s14 =	sadd.s32 s7, s20;
	[sflag:s26] =	ssyncadd.s32 $0xFFFFC000  }
0xd9: {  	[tilespmem:s3], [sflag:$0x1] =	stream.linear.gather [hbm4b:s14+s3], $0x400, $0x38;
	[tilespmem:$0x1B000] =	vst v63  }
0xda: {  	_ =	swait.ge [sflag:s26], $0x400  }
0xdb: {  	[sflag:s26] =	ssyncset.done $0x0  }
0xdc: {  	s14 =	sadd.s32 s7, s19;
	[sflag:s26] =	ssyncadd.s32 $0xFFFFFC00  }
0xdd: {  	[tilespmem:s28], [sflag:$0x1] =	stream.linear.gather [hbm4b:s14+s3], $0x400, $0x38;
	[tilespmem:$0x1B000] =	vst v63  }
0xde: {  	_ =	swait.ge [sflag:s26], $0x400  }
0xdf: {  	[sflag:s26] =	ssyncset.done $0x0  }
0xe0: {  	[sflag:s26] =	ssyncadd.s32 $0xFFFFFC00  }
0xe1: {  	[tilespmem:s30], [sflag:$0x1] =	stream.indirect.gather [hbm4b:s4+s29], $0x80, s3, s29, $0xb8;
	[tilespmem:$0x1B000] =	vst v63  }
0xe2: {  	_ =	swait.ge [sflag:s26], $0x4000  }
0xe3: {  	[sflag:s26] =	ssyncset.done $0x0  }
0xe4: {  	[sflag:s26] =	ssyncadd.s32 $0xFFFFC000  }
0xe5: {  	[spmem:s1] =	stream.indirect.scatter.add.f32 [tilespmem:s30], [sflag:$0x1], $0x80, s28, s29, $0xb8;
	[tilespmem:$0x1B000] =	vst v63  }
0xe6: {  	_ =	swait.ge [sflag:s26], $0x4000  }
0xe7: {  	[sflag:s26] =	ssyncset.done $0x0  }
0xe8: {  	[sflag:s26] =	ssyncadd.s32 $0xFFFFC000  }
0xe9: {  	[tilespmem:s30], [sflag:$0x1] =	stream.indirect.gather [hbm4b:s4+s29], $0x80, s29, s29, $0xb8;
	[tilespmem:$0x1B000] =	vst v63  }
0xea: {  	_ =	swait.ge [sflag:s26], $0x4000  }
0xeb: {  	[sflag:s26] =	ssyncset.done $0x0  }
0xec: {  	[sflag:s26] =	ssyncadd.s32 $0xFFFFC000  }
0xed: {  	[spmem:s1] =	stream.indirect.scatter.add.f32 [tilespmem:s30], [sflag:$0x1], $0x80, s31, s29, $0xb8;
	[tilespmem:$0x1B000] =	vst v63  }
0xee: {  	_ =	swait.ge [sflag:s26], $0x4000  }
0xef: {  	[sflag:s26] =	ssyncset.done $0x0  }
0xf0: {  	[sflag:s26] =	ssyncadd.s32 $0xFFFFC000  }
0xf1: {  	[tilespmem:s30], [sflag:$0x1] =	stream.indirect.gather [hbm4b:s4+s29], $0x80, s0, s29, $0xb8;
	[tilespmem:$0x1B000] =	vst v63  }
0xf2: {  	_ =	swait.ge [sflag:s26], $0x4000  }
0xf3: {  	[sflag:s26] =	ssyncset.done $0x0  }
0xf4: {  	[sflag:s26] =	ssyncadd.s32 $0xFFFFC000  }
0xf5: {  	[spmem:s1] =	stream.indirect.scatter.add.f32 [tilespmem:s30], [sflag:$0x1], $0x80, s2, s29, $0xb8;
	[tilespmem:$0x1B000] =	vst v63  }
0xf6: {  	_ =	swait.ge [sflag:s26], $0x4000  }
0xf7: {  	[sflag:s26] =	ssyncset.done $0x0  }
0xf8: {  	[sflag:s26] =	ssyncadd.s32 $0xFFFFC000  }
0xf9: {  	[tilespmem:s30], [sflag:$0x1] =	stream.indirect.gather [hbm4b:s4+s29], $0x80, s15, s29, $0xb8;
	[tilespmem:$0x1B000] =	vst v63  }
0xfa: {  	_ =	swait.ge [sflag:s26], $0x4000  }
0xfb: {  	[sflag:s26] =	ssyncset.done $0x0  }
0xfc: {  	[sflag:s26] =	ssyncadd.s32 $0xFFFFC000  }
0xfd: {  	[spmem:s1] =	stream.indirect.scatter.add.f32 [tilespmem:s30], [sflag:$0x1], $0x80, s16, s29, $0xb8;
	[tilespmem:$0x1B000] =	vst v63  }
0xfe: {  	_ =	swait.ge [sflag:s26], $0x4000  }
0xff: {  	[sflag:s26] =	ssyncset.done $0x0  }
0x100: {  	[sflag:s26] =	ssyncadd.s32 $0xFFFFC000  }
0x101: {  	[tilespmem:s30], [sflag:$0x1] =	stream.indirect.gather [hbm4b:s4+s29], $0x80, s17, s29, $0xb8;
	[tilespmem:$0x1B000] =	vst v63  }
0x102: {  	_ =	swait.ge [sflag:s26], $0x4000  }
0x103: {  	[sflag:s26] =	ssyncset.done $0x0  }
0x104: {  	[sflag:s26] =	ssyncadd.s32 $0xFFFFC000  }
0x105: {  	[spmem:s1] =	stream.indirect.scatter.add.f32 [tilespmem:s30], [sflag:$0x1], $0x80, s18, s29, $0xb8;
	[tilespmem:$0x1B000] =	vst v63  }
0x106: {  	_ =	swait.ge [sflag:s26], $0x4000  }
0x107: {  	[sflag:s26] =	ssyncset.done $0x0  }
0x108: {  	[sflag:s26] =	ssyncadd.s32 $0xFFFFC000  }
0x109: {  	[tilespmem:s30], [sflag:$0x1] =	stream.indirect.gather [hbm4b:s4+s29], $0x80, s8, s29, $0xb8;
	[tilespmem:$0x1B000] =	vst v63  }
0x10a: {  	_ =	swait.ge [sflag:s26], $0x4000  }
0x10b: {  	[sflag:s26] =	ssyncset.done $0x0  }
0x10c: {  	[sflag:s26] =	ssyncadd.s32 $0xFFFFC000  }
0x10d: {  	[spmem:s1] =	stream.indirect.scatter.add.f32 [tilespmem:s30], [sflag:$0x1], $0x80, s9, s29, $0xb8;
	[tilespmem:$0x1B000] =	vst v63  }
0x10e: {  	_ =	swait.ge [sflag:s26], $0x4000  }
0x10f: {  	[sflag:s26] =	ssyncset.done $0x0  }
0x110: {  	[sflag:s26] =	ssyncadd.s32 $0xFFFFC000  }
0x111: {  	[tilespmem:s30], [sflag:$0x1] =	stream.indirect.gather [hbm4b:s4+s29], $0x80, s10, s29, $0xb8;
	[tilespmem:$0x1B000] =	vst v63  }
0x112: {  	_ =	swait.ge [sflag:s26], $0x4000  }
0x113: {  	[sflag:s26] =	ssyncset.done $0x0  }
0x114: {  	[sflag:s26] =	ssyncadd.s32 $0xFFFFC000  }
0x115: {  	[spmem:s1] =	stream.indirect.scatter.add.f32 [tilespmem:s30], [sflag:$0x1], $0x80, s11, s29, $0xb8;
	[tilespmem:$0x1B000] =	vst v63  }
0x116: {  	_ =	swait.ge [sflag:s26], $0x4000  }
0x117: {  	[sflag:s26] =	ssyncset.done $0x0  }
0x118: {  	[sflag:s26] =	ssyncadd.s32 $0xFFFFC000  }
0x119: {  	[tilespmem:s30], [sflag:$0x1] =	stream.indirect.gather [hbm4b:s4+s29], $0x80, s12, s29, $0xb8;
	[tilespmem:$0x1B000] =	vst v63  }
0x11a: {  	_ =	swait.ge [sflag:s26], $0x4000  }
0x11b: {  	[sflag:s26] =	ssyncset.done $0x0  }
0x11c: {  	[sflag:s26] =	ssyncadd.s32 $0xFFFFC000  }
0x11d: {  	[spmem:s1] =	stream.indirect.scatter.add.f32 [tilespmem:s30], [sflag:$0x1], $0x80, s13, s29, $0xb8;
	[tilespmem:$0x1B000] =	vst v63  }
0x11e: {  	_ =	swait.ge [sflag:s26], $0x4000  }
0x11f: {  	[sflag:s26] =	ssyncset.done $0x0  }
0x120: {  	[sflag:s26] =	ssyncadd.s32 $0xFFFFC000  }
0x121: {  	s19 =	stileid.u32;
	[bflag:$0x0] =	sbarrier.arrive $0xFFFF  }
0x122: {  	s7 =	sshll.u32 s19, $0x6;
	s25 =	rddreg [dreg:$0x5]  }
0x123: {  	s20 =	sor.u32 $0x1C01, s7;
	s23 =	rddreg [dreg:$0xd]  }
0x124: {  	[dreg:$0x14] =	wrdreg s20;
	s14 =	sshrl.u32 s25, $0x3  }
0x125: {  	[dreg:$0x15] =	wrdreg s14  }
0x126: {  	[hbm:s23], [sflag:s20] =	dma.local [spmem:s14], $0x2800  }
0x127: {  	_ =	swait.ge [sflag:s26], $0x2800  }
0x128: {  	[sflag:s26] =	ssyncset.done $0x0  }
0x129: {  	[sflag:s26] =	ssyncadd.s32 $0xFFFFD800  }
0x12a: {  	s14 =	simm.s32 $0x4800;
	[bflag:$0x0] =	sbarrier.arrive $0xFFFF  }
0x12b: {  	[spmem:s25] =	stream.linear.scatter [tilespmem:s14], [sflag:$0x1], $0x2800, $0x38;
	[tilespmem:$0x1B000] =	vst v63  }
0x12c: {  	_ =	swait.ge [sflag:s26], $0x2800  }
0x12d: {  	[sflag:s26] =	ssyncset.done $0x0  }
0x12e: {  	s25 =	rddreg [dreg:$0x6];
	[sflag:s26] =	ssyncadd.s32 $0xFFFFD800  }
0x12f: {  	[spmem:s25] =	stream.linear.scatter [tilespmem:s14], [sflag:$0x1], $0x2800, $0x38;
	[tilespmem:$0x1B000] =	vst v63  }
0x130: {  	_ =	swait.ge [sflag:s26], $0x2800  }
0x131: {  	[sflag:s26] =	ssyncset.done $0x0  }
0x132: {  	s19 =	rddreg [dreg:$0x7];
	[sflag:s26] =	ssyncadd.s32 $0xFFFFD800  }
0x133: {  	[spmem:s19] =	stream.linear.scatter [tilespmem:s14], [sflag:$0x1], $0x2800, $0x38;
	[tilespmem:$0x1B000] =	vst v63  }
0x134: {  	_ =	swait.ge [sflag:s26], $0x2800  }
0x135: {  	[sflag:s26] =	ssyncset.done $0x0  }
0x136: {  	s20 =	rddreg [dreg:$0x8];
	[sflag:s26] =	ssyncadd.s32 $0xFFFFD800  }
0x137: {  	[spmem:s20] =	stream.linear.scatter [tilespmem:s14], [sflag:$0x1], $0x2800, $0x38;
	[tilespmem:$0x1B000] =	vst v63  }
0x138: {  	_ =	swait.ge [sflag:s26], $0x2800  }
0x139: {  	[sflag:s26] =	ssyncset.done $0x0  }
0x13a: {  	s23 =	rddreg [dreg:$0x9];
	[sflag:s26] =	ssyncadd.s32 $0xFFFFD800  }
0x13b: {  	[spmem:s23] =	stream.linear.scatter [tilespmem:s14], [sflag:$0x1], $0x2800, $0x38;
	[tilespmem:$0x1B000] =	vst v63  }
0x13c: {  	_ =	swait.ge [sflag:s26], $0x2800  }
0x13d: {  	[sflag:s26] =	ssyncset.done $0x0  }
0x13e: {  	s25 =	rddreg [dreg:$0xa];
	[sflag:s26] =	ssyncadd.s32 $0xFFFFD800  }
0x13f: {  	[spmem:s25] =	stream.linear.scatter [tilespmem:s14], [sflag:$0x1], $0x2800, $0x38;
	[tilespmem:$0x1B000] =	vst v63  }
0x140: {  	_ =	swait.ge [sflag:s26], $0x2800  }
0x141: {  	[sflag:s26] =	ssyncset.done $0x0  }
0x142: {  	s19 =	rddreg [dreg:$0xb];
	[sflag:s26] =	ssyncadd.s32 $0xFFFFD800  }
0x143: {  	[spmem:s19] =	stream.linear.scatter [tilespmem:s14], [sflag:$0x1], $0x2800, $0x38;
	[tilespmem:$0x1B000] =	vst v63  }
0x144: {  	_ =	swait.ge [sflag:s26], $0x2800  }
0x145: {  	[sflag:s26] =	ssyncset.done $0x0  }
0x146: {  	s20 =	rddreg [dreg:$0xc];
	[sflag:s26] =	ssyncadd.s32 $0xFFFFD800  }
0x147: {  	[spmem:s20] =	stream.linear.scatter [tilespmem:s14], [sflag:$0x1], $0x2800, $0x38;
	[tilespmem:$0x1B000] =	vst v63  }
0x148: {  	_ =	swait.ge [sflag:s26], $0x2800  }
0x149: {  	[sflag:s26] =	ssyncset.done $0x0  }
0x14a: {  	[sflag:s26] =	ssyncadd.s32 $0xFFFFD800  }
0x14b: {  	s23 =	sadd.s32 $0x0, s24;
	[bflag:$0x0] =	sbarrier.arrive $0xFFFF  }
0x14c: {  	[tilespmem:s3], [sflag:$0x1] =	stream.linear.gather [hbm4b:s23+s3], $0x400, $0x38;
	[tilespmem:$0x1B000] =	vst v63  }
0x14d: {  	_ =	swait.ge [sflag:s26], $0x400  }
0x14e: {  	[sflag:s26] =	ssyncset.done $0x0;
	s23 =	rddreg [dreg:$0x11]  }
0x14f: {  	[sflag:s26] =	ssyncadd.s32 $0xFFFFFC00;
	s25 =	sadd.s32 $0x0, s23  }
0x150: {  	[tilespmem:s28], [sflag:$0x1] =	stream.linear.gather [hbm4b:s25+s3], $0x400, $0x38;
	[tilespmem:$0x1B000] =	vst v63  }
0x151: {  	_ =	swait.ge [sflag:s26], $0x400  }
0x152: {  	[sflag:s26] =	ssyncset.done $0x0  }
0x153: {  	[sflag:s26] =	ssyncadd.s32 $0xFFFFFC00  }
0x154: {  	[tilespmem:s30], [sflag:$0x1] =	stream.indirect.gather [hbm4b:s5+s29], $0x80, s3, s29, $0xb8;
	[tilespmem:$0x1B000] =	vst v63  }
0x155: {  	_ =	swait.ge [sflag:s26], $0x4000  }
0x156: {  	[sflag:s26] =	ssyncset.done $0x0  }
0x157: {  	[sflag:s26] =	ssyncadd.s32 $0xFFFFC000  }
0x158: {  	[spmem:s1] =	stream.indirect.scatter.add.f32 [tilespmem:s30], [sflag:$0x1], $0x80, s28, s29, $0xb8;
	[tilespmem:$0x1B000] =	vst v63  }
0x159: {  	_ =	swait.ge [sflag:s26], $0x4000  }
0x15a: {  	[sflag:s26] =	ssyncset.done $0x0  }
0x15b: {  	[sflag:s26] =	ssyncadd.s32 $0xFFFFC000  }
0x15c: {  	[tilespmem:s30], [sflag:$0x1] =	stream.indirect.gather [hbm4b:s5+s29], $0x80, s29, s29, $0xb8;
	[tilespmem:$0x1B000] =	vst v63  }
0x15d: {  	_ =	swait.ge [sflag:s26], $0x4000  }
0x15e: {  	[sflag:s26] =	ssyncset.done $0x0  }
0x15f: {  	[sflag:s26] =	ssyncadd.s32 $0xFFFFC000  }
0x160: {  	[spmem:s1] =	stream.indirect.scatter.add.f32 [tilespmem:s30], [sflag:$0x1], $0x80, s31, s29, $0xb8;
	[tilespmem:$0x1B000] =	vst v63  }
0x161: {  	_ =	swait.ge [sflag:s26], $0x4000  }
0x162: {  	[sflag:s26] =	ssyncset.done $0x0  }
0x163: {  	[sflag:s26] =	ssyncadd.s32 $0xFFFFC000  }
0x164: {  	[tilespmem:s30], [sflag:$0x1] =	stream.indirect.gather [hbm4b:s5+s29], $0x80, s0, s29, $0xb8;
	[tilespmem:$0x1B000] =	vst v63  }
0x165: {  	_ =	swait.ge [sflag:s26], $0x4000  }
0x166: {  	[sflag:s26] =	ssyncset.done $0x0  }
0x167: {  	[sflag:s26] =	ssyncadd.s32 $0xFFFFC000  }
0x168: {  	[spmem:s1] =	stream.indirect.scatter.add.f32 [tilespmem:s30], [sflag:$0x1], $0x80, s2, s29, $0xb8;
	[tilespmem:$0x1B000] =	vst v63  }
0x169: {  	_ =	swait.ge [sflag:s26], $0x4000  }
0x16a: {  	[sflag:s26] =	ssyncset.done $0x0  }
0x16b: {  	[sflag:s26] =	ssyncadd.s32 $0xFFFFC000  }
0x16c: {  	[tilespmem:s30], [sflag:$0x1] =	stream.indirect.gather [hbm4b:s5+s29], $0x80, s15, s29, $0xb8;
	[tilespmem:$0x1B000] =	vst v63  }
0x16d: {  	_ =	swait.ge [sflag:s26], $0x4000  }
0x16e: {  	[sflag:s26] =	ssyncset.done $0x0  }
0x16f: {  	[sflag:s26] =	ssyncadd.s32 $0xFFFFC000  }
0x170: {  	[spmem:s1] =	stream.indirect.scatter.add.f32 [tilespmem:s30], [sflag:$0x1], $0x80, s16, s29, $0xb8;
	[tilespmem:$0x1B000] =	vst v63  }
0x171: {  	_ =	swait.ge [sflag:s26], $0x4000  }
0x172: {  	[sflag:s26] =	ssyncset.done $0x0  }
0x173: {  	[sflag:s26] =	ssyncadd.s32 $0xFFFFC000  }
0x174: {  	[tilespmem:s30], [sflag:$0x1] =	stream.indirect.gather [hbm4b:s5+s29], $0x80, s17, s29, $0xb8;
	[tilespmem:$0x1B000] =	vst v63  }
0x175: {  	_ =	swait.ge [sflag:s26], $0x4000  }
0x176: {  	[sflag:s26] =	ssyncset.done $0x0  }
0x177: {  	[sflag:s26] =	ssyncadd.s32 $0xFFFFC000  }
0x178: {  	[spmem:s1] =	stream.indirect.scatter.add.f32 [tilespmem:s30], [sflag:$0x1], $0x80, s18, s29, $0xb8;
	[tilespmem:$0x1B000] =	vst v63  }
0x179: {  	_ =	swait.ge [sflag:s26], $0x4000  }
0x17a: {  	[sflag:s26] =	ssyncset.done $0x0  }
0x17b: {  	[sflag:s26] =	ssyncadd.s32 $0xFFFFC000  }
0x17c: {  	[tilespmem:s30], [sflag:$0x1] =	stream.indirect.gather [hbm4b:s5+s29], $0x80, s8, s29, $0xb8;
	[tilespmem:$0x1B000] =	vst v63  }
0x17d: {  	_ =	swait.ge [sflag:s26], $0x4000  }
0x17e: {  	[sflag:s26] =	ssyncset.done $0x0  }
0x17f: {  	[sflag:s26] =	ssyncadd.s32 $0xFFFFC000  }
0x180: {  	[spmem:s1] =	stream.indirect.scatter.add.f32 [tilespmem:s30], [sflag:$0x1], $0x80, s9, s29, $0xb8;
	[tilespmem:$0x1B000] =	vst v63  }
0x181: {  	_ =	swait.ge [sflag:s26], $0x4000  }
0x182: {  	[sflag:s26] =	ssyncset.done $0x0  }
0x183: {  	[sflag:s26] =	ssyncadd.s32 $0xFFFFC000  }
0x184: {  	[tilespmem:s30], [sflag:$0x1] =	stream.indirect.gather [hbm4b:s5+s29], $0x80, s10, s29, $0xb8;
	[tilespmem:$0x1B000] =	vst v63  }
0x185: {  	_ =	swait.ge [sflag:s26], $0x4000  }
0x186: {  	[sflag:s26] =	ssyncset.done $0x0  }
0x187: {  	[sflag:s26] =	ssyncadd.s32 $0xFFFFC000  }
0x188: {  	[spmem:s1] =	stream.indirect.scatter.add.f32 [tilespmem:s30], [sflag:$0x1], $0x80, s11, s29, $0xb8;
	[tilespmem:$0x1B000] =	vst v63  }
0x189: {  	_ =	swait.ge [sflag:s26], $0x4000  }
0x18a: {  	[sflag:s26] =	ssyncset.done $0x0  }
0x18b: {  	[sflag:s26] =	ssyncadd.s32 $0xFFFFC000  }
0x18c: {  	[tilespmem:s30], [sflag:$0x1] =	stream.indirect.gather [hbm4b:s5+s29], $0x80, s12, s29, $0xb8;
	[tilespmem:$0x1B000] =	vst v63  }
0x18d: {  	_ =	swait.ge [sflag:s26], $0x4000  }
0x18e: {  	[sflag:s26] =	ssyncset.done $0x0  }
0x18f: {  	[sflag:s26] =	ssyncadd.s32 $0xFFFFC000  }
0x190: {  	[spmem:s1] =	stream.indirect.scatter.add.f32 [tilespmem:s30], [sflag:$0x1], $0x80, s13, s29, $0xb8;
	[tilespmem:$0x1B000] =	vst v63  }
0x191: {  	s7 =	simm.s32 $0x80;
	_ =	swait.ge [sflag:s26], $0x4000  }
0x192: {  	s14 =	smov.u32 s24;
	s25 =	simm.s32 $0x100;
	[sflag:s26] =	ssyncset.done $0x0  }
.LBB2_6:
0x193: {  	s19 =	sadd.s32 s7, s14  }
0x194: {  	[sflag:s26] =	ssyncadd.s32 $0xFFFFC000;
	s20 =	smov.u32 s25;
	s14 =	sadd.s32 $0x80, s25  }
0x195: {  	[tilespmem:s3], [sflag:$0x1] =	stream.linear.gather [hbm4b:s19+s3], $0x400, $0x38;
	[tilespmem:$0x1B000] =	vst v63  }
0x196: {  	p0 =	sne.s32 s25, $0x480;
	_ =	swait.ge [sflag:s26], $0x400  }
0x197: {  	[sflag:s26] =	ssyncset.done $0x0  }
0x198: {  	s19 =	sadd.s32 s7, s23;
	s7 =	smov.u32 s20;
	[sflag:s26] =	ssyncadd.s32 $0xFFFFFC00  }
0x199: {  	[tilespmem:s28], [sflag:$0x1] =	stream.linear.gather [hbm4b:s19+s3], $0x400, $0x38;
	[tilespmem:$0x1B000] =	vst v63  }
0x19a: {  	_ =	swait.ge [sflag:s26], $0x400  }
0x19b: {  	[sflag:s26] =	ssyncset.done $0x0  }
0x19c: {  	[sflag:s26] =	ssyncadd.s32 $0xFFFFFC00  }
0x19d: {  	[tilespmem:s30], [sflag:$0x1] =	stream.indirect.gather [hbm4b:s5+s29], $0x80, s3, s29, $0xb8;
	[tilespmem:$0x1B000] =	vst v63  }
0x19e: {  	_ =	swait.ge [sflag:s26], $0x4000  }
0x19f: {  	[sflag:s26] =	ssyncset.done $0x0  }
0x1a0: {  	[sflag:s26] =	ssyncadd.s32 $0xFFFFC000  }
0x1a1: {  	[spmem:s1] =	stream.indirect.scatter.add.f32 [tilespmem:s30], [sflag:$0x1], $0x80, s28, s29, $0xb8;
	[tilespmem:$0x1B000] =	vst v63  }
0x1a2: {  	_ =	swait.ge [sflag:s26], $0x4000  }
0x1a3: {  	[sflag:s26] =	ssyncset.done $0x0  }
0x1a4: {  	[sflag:s26] =	ssyncadd.s32 $0xFFFFC000  }
0x1a5: {  	[tilespmem:s30], [sflag:$0x1] =	stream.indirect.gather [hbm4b:s5+s29], $0x80, s29, s29, $0xb8;
	[tilespmem:$0x1B000] =	vst v63  }
0x1a6: {  	_ =	swait.ge [sflag:s26], $0x4000  }
0x1a7: {  	[sflag:s26] =	ssyncset.done $0x0  }
0x1a8: {  	[sflag:s26] =	ssyncadd.s32 $0xFFFFC000  }
0x1a9: {  	[spmem:s1] =	stream.indirect.scatter.add.f32 [tilespmem:s30], [sflag:$0x1], $0x80, s31, s29, $0xb8;
	[tilespmem:$0x1B000] =	vst v63  }
0x1aa: {  	_ =	swait.ge [sflag:s26], $0x4000  }
0x1ab: {  	[sflag:s26] =	ssyncset.done $0x0  }
0x1ac: {  	[sflag:s26] =	ssyncadd.s32 $0xFFFFC000  }
0x1ad: {  	[tilespmem:s30], [sflag:$0x1] =	stream.indirect.gather [hbm4b:s5+s29], $0x80, s0, s29, $0xb8;
	[tilespmem:$0x1B000] =	vst v63  }
0x1ae: {  	_ =	swait.ge [sflag:s26], $0x4000  }
0x1af: {  	[sflag:s26] =	ssyncset.done $0x0  }
0x1b0: {  	[sflag:s26] =	ssyncadd.s32 $0xFFFFC000  }
0x1b1: {  	[spmem:s1] =	stream.indirect.scatter.add.f32 [tilespmem:s30], [sflag:$0x1], $0x80, s2, s29, $0xb8;
	[tilespmem:$0x1B000] =	vst v63  }
0x1b2: {  	_ =	swait.ge [sflag:s26], $0x4000  }
0x1b3: {  	[sflag:s26] =	ssyncset.done $0x0  }
0x1b4: {  	[sflag:s26] =	ssyncadd.s32 $0xFFFFC000  }
0x1b5: {  	[tilespmem:s30], [sflag:$0x1] =	stream.indirect.gather [hbm4b:s5+s29], $0x80, s15, s29, $0xb8;
	[tilespmem:$0x1B000] =	vst v63  }
0x1b6: {  	_ =	swait.ge [sflag:s26], $0x4000  }
0x1b7: {  	[sflag:s26] =	ssyncset.done $0x0  }
0x1b8: {  	[sflag:s26] =	ssyncadd.s32 $0xFFFFC000  }
0x1b9: {  	[spmem:s1] =	stream.indirect.scatter.add.f32 [tilespmem:s30], [sflag:$0x1], $0x80, s16, s29, $0xb8;
	[tilespmem:$0x1B000] =	vst v63  }
0x1ba: {  	_ =	swait.ge [sflag:s26], $0x4000  }
0x1bb: {  	[sflag:s26] =	ssyncset.done $0x0  }
0x1bc: {  	[sflag:s26] =	ssyncadd.s32 $0xFFFFC000  }
0x1bd: {  	[tilespmem:s30], [sflag:$0x1] =	stream.indirect.gather [hbm4b:s5+s29], $0x80, s17, s29, $0xb8;
	[tilespmem:$0x1B000] =	vst v63  }
0x1be: {  	_ =	swait.ge [sflag:s26], $0x4000  }
0x1bf: {  	[sflag:s26] =	ssyncset.done $0x0  }
0x1c0: {  	[sflag:s26] =	ssyncadd.s32 $0xFFFFC000  }
0x1c1: {  	[spmem:s1] =	stream.indirect.scatter.add.f32 [tilespmem:s30], [sflag:$0x1], $0x80, s18, s29, $0xb8;
	[tilespmem:$0x1B000] =	vst v63  }
0x1c2: {  	_ =	swait.ge [sflag:s26], $0x4000  }
0x1c3: {  	[sflag:s26] =	ssyncset.done $0x0  }
0x1c4: {  	[sflag:s26] =	ssyncadd.s32 $0xFFFFC000  }
0x1c5: {  	[tilespmem:s30], [sflag:$0x1] =	stream.indirect.gather [hbm4b:s5+s29], $0x80, s8, s29, $0xb8;
	[tilespmem:$0x1B000] =	vst v63  }
0x1c6: {  	_ =	swait.ge [sflag:s26], $0x4000  }
0x1c7: {  	[sflag:s26] =	ssyncset.done $0x0  }
0x1c8: {  	[sflag:s26] =	ssyncadd.s32 $0xFFFFC000  }
0x1c9: {  	[spmem:s1] =	stream.indirect.scatter.add.f32 [tilespmem:s30], [sflag:$0x1], $0x80, s9, s29, $0xb8;
	[tilespmem:$0x1B000] =	vst v63  }
0x1ca: {  	_ =	swait.ge [sflag:s26], $0x4000  }
0x1cb: {  	[sflag:s26] =	ssyncset.done $0x0  }
0x1cc: {  	[sflag:s26] =	ssyncadd.s32 $0xFFFFC000  }
0x1cd: {  	[tilespmem:s30], [sflag:$0x1] =	stream.indirect.gather [hbm4b:s5+s29], $0x80, s10, s29, $0xb8;
	[tilespmem:$0x1B000] =	vst v63  }
0x1ce: {  	_ =	swait.ge [sflag:s26], $0x4000  }
0x1cf: {  	[sflag:s26] =	ssyncset.done $0x0  }
0x1d0: {  	[sflag:s26] =	ssyncadd.s32 $0xFFFFC000  }
0x1d1: {  	[spmem:s1] =	stream.indirect.scatter.add.f32 [tilespmem:s30], [sflag:$0x1], $0x80, s11, s29, $0xb8;
	[tilespmem:$0x1B000] =	vst v63  }
0x1d2: {  	_ =	swait.ge [sflag:s26], $0x4000  }
0x1d3: {  	[sflag:s26] =	ssyncset.done $0x0  }
0x1d4: {  	[sflag:s26] =	ssyncadd.s32 $0xFFFFC000  }
0x1d5: {  	[tilespmem:s30], [sflag:$0x1] =	stream.indirect.gather [hbm4b:s5+s29], $0x80, s12, s29, $0xb8;
	[tilespmem:$0x1B000] =	vst v63  }
0x1d6: {  	_ =	swait.ge [sflag:s26], $0x4000  }
.Ltmp2:
0x1d7: {  	[sflag:s26] =	ssyncset.done $0x0;
	(pc) =	sbr.rel @p0 .LBB2_6-.Ltmp2, $4  }
0x1d8: {  	[sflag:s26] =	ssyncadd.s32 $0xFFFFC000  }
0x1d9: {  	[spmem:s1] =	stream.indirect.scatter.add.f32 [tilespmem:s30], [sflag:$0x1], $0x80, s13, s29, $0xb8;
	[tilespmem:$0x1B000] =	vst v63  }
0x1da: {  	_ =	swait.ge [sflag:s26], $0x4000  }
0x1db: {  	s25 =	smov.u32 s14;
	s14 =	smov.u32 s24;
	[sflag:s26] =	ssyncset.done $0x0  }
0x1dc: {  	s14 =	sadd.s32 s7, s14;
	[sflag:s26] =	ssyncadd.s32 $0xFFFFC000  }
0x1dd: {  	[tilespmem:s3], [sflag:$0x1] =	stream.linear.gather [hbm4b:s14+s3], $0x400, $0x38;
	[tilespmem:$0x1B000] =	vst v63  }
0x1de: {  	_ =	swait.ge [sflag:s26], $0x400  }
0x1df: {  	[sflag:s26] =	ssyncset.done $0x0  }
0x1e0: {  	s25 =	sadd.s32 s7, s23;
	[sflag:s26] =	ssyncadd.s32 $0xFFFFFC00  }
0x1e1: {  	[tilespmem:s28], [sflag:$0x1] =	stream.linear.gather [hbm4b:s25+s3], $0x400, $0x38;
	[tilespmem:$0x1B000] =	vst v63  }
0x1e2: {  	_ =	swait.ge [sflag:s26], $0x400  }
0x1e3: {  	[sflag:s26] =	ssyncset.done $0x0  }
0x1e4: {  	[sflag:s26] =	ssyncadd.s32 $0xFFFFFC00  }
0x1e5: {  	[tilespmem:s30], [sflag:$0x1] =	stream.indirect.gather [hbm4b:s5+s29], $0x80, s3, s29, $0xb8;
	[tilespmem:$0x1B000] =	vst v63  }
0x1e6: {  	_ =	swait.ge [sflag:s26], $0x4000  }
0x1e7: {  	[sflag:s26] =	ssyncset.done $0x0  }
0x1e8: {  	[sflag:s26] =	ssyncadd.s32 $0xFFFFC000  }
0x1e9: {  	[spmem:s1] =	stream.indirect.scatter.add.f32 [tilespmem:s30], [sflag:$0x1], $0x80, s28, s29, $0xb8;
	[tilespmem:$0x1B000] =	vst v63  }
0x1ea: {  	_ =	swait.ge [sflag:s26], $0x4000  }
0x1eb: {  	[sflag:s26] =	ssyncset.done $0x0  }
0x1ec: {  	[sflag:s26] =	ssyncadd.s32 $0xFFFFC000  }
0x1ed: {  	[tilespmem:s30], [sflag:$0x1] =	stream.indirect.gather [hbm4b:s5+s29], $0x80, s29, s29, $0xb8;
	[tilespmem:$0x1B000] =	vst v63  }
0x1ee: {  	_ =	swait.ge [sflag:s26], $0x4000  }
0x1ef: {  	[sflag:s26] =	ssyncset.done $0x0  }
0x1f0: {  	[sflag:s26] =	ssyncadd.s32 $0xFFFFC000  }
0x1f1: {  	[spmem:s1] =	stream.indirect.scatter.add.f32 [tilespmem:s30], [sflag:$0x1], $0x80, s31, s29, $0xb8;
	[tilespmem:$0x1B000] =	vst v63  }
0x1f2: {  	_ =	swait.ge [sflag:s26], $0x4000  }
0x1f3: {  	[sflag:s26] =	ssyncset.done $0x0  }
0x1f4: {  	[sflag:s26] =	ssyncadd.s32 $0xFFFFC000  }
0x1f5: {  	[tilespmem:s30], [sflag:$0x1] =	stream.indirect.gather [hbm4b:s5+s29], $0x80, s0, s29, $0xb8;
	[tilespmem:$0x1B000] =	vst v63  }
0x1f6: {  	_ =	swait.ge [sflag:s26], $0x4000  }
0x1f7: {  	[sflag:s26] =	ssyncset.done $0x0  }
0x1f8: {  	[sflag:s26] =	ssyncadd.s32 $0xFFFFC000  }
0x1f9: {  	[spmem:s1] =	stream.indirect.scatter.add.f32 [tilespmem:s30], [sflag:$0x1], $0x80, s2, s29, $0xb8;
	[tilespmem:$0x1B000] =	vst v63  }
0x1fa: {  	_ =	swait.ge [sflag:s26], $0x4000  }
0x1fb: {  	[sflag:s26] =	ssyncset.done $0x0  }
0x1fc: {  	[sflag:s26] =	ssyncadd.s32 $0xFFFFC000  }
0x1fd: {  	[tilespmem:s30], [sflag:$0x1] =	stream.indirect.gather [hbm4b:s5+s29], $0x80, s15, s29, $0xb8;
	[tilespmem:$0x1B000] =	vst v63  }
0x1fe: {  	_ =	swait.ge [sflag:s26], $0x4000  }
0x1ff: {  	[sflag:s26] =	ssyncset.done $0x0  }
0x200: {  	[sflag:s26] =	ssyncadd.s32 $0xFFFFC000  }
0x201: {  	[spmem:s1] =	stream.indirect.scatter.add.f32 [tilespmem:s30], [sflag:$0x1], $0x80, s16, s29, $0xb8;
	[tilespmem:$0x1B000] =	vst v63  }
0x202: {  	_ =	swait.ge [sflag:s26], $0x4000  }
0x203: {  	[sflag:s26] =	ssyncset.done $0x0  }
0x204: {  	[sflag:s26] =	ssyncadd.s32 $0xFFFFC000  }
0x205: {  	[tilespmem:s30], [sflag:$0x1] =	stream.indirect.gather [hbm4b:s5+s29], $0x80, s17, s29, $0xb8;
	[tilespmem:$0x1B000] =	vst v63  }
0x206: {  	_ =	swait.ge [sflag:s26], $0x4000  }
0x207: {  	[sflag:s26] =	ssyncset.done $0x0  }
0x208: {  	[sflag:s26] =	ssyncadd.s32 $0xFFFFC000  }
0x209: {  	[spmem:s1] =	stream.indirect.scatter.add.f32 [tilespmem:s30], [sflag:$0x1], $0x80, s18, s29, $0xb8;
	[tilespmem:$0x1B000] =	vst v63  }
0x20a: {  	_ =	swait.ge [sflag:s26], $0x4000  }
0x20b: {  	[sflag:s26] =	ssyncset.done $0x0  }
0x20c: {  	[sflag:s26] =	ssyncadd.s32 $0xFFFFC000  }
0x20d: {  	[tilespmem:s30], [sflag:$0x1] =	stream.indirect.gather [hbm4b:s5+s29], $0x80, s8, s29, $0xb8;
	[tilespmem:$0x1B000] =	vst v63  }
0x20e: {  	_ =	swait.ge [sflag:s26], $0x4000  }
0x20f: {  	[sflag:s26] =	ssyncset.done $0x0  }
0x210: {  	[sflag:s26] =	ssyncadd.s32 $0xFFFFC000  }
0x211: {  	[spmem:s1] =	stream.indirect.scatter.add.f32 [tilespmem:s30], [sflag:$0x1], $0x80, s9, s29, $0xb8;
	[tilespmem:$0x1B000] =	vst v63  }
0x212: {  	_ =	swait.ge [sflag:s26], $0x4000  }
0x213: {  	[sflag:s26] =	ssyncset.done $0x0  }
0x214: {  	[sflag:s26] =	ssyncadd.s32 $0xFFFFC000  }
0x215: {  	[tilespmem:s30], [sflag:$0x1] =	stream.indirect.gather [hbm4b:s5+s29], $0x80, s10, s29, $0xb8;
	[tilespmem:$0x1B000] =	vst v63  }
0x216: {  	_ =	swait.ge [sflag:s26], $0x4000  }
0x217: {  	[sflag:s26] =	ssyncset.done $0x0  }
0x218: {  	[sflag:s26] =	ssyncadd.s32 $0xFFFFC000  }
0x219: {  	[spmem:s1] =	stream.indirect.scatter.add.f32 [tilespmem:s30], [sflag:$0x1], $0x80, s11, s29, $0xb8;
	[tilespmem:$0x1B000] =	vst v63  }
0x21a: {  	_ =	swait.ge [sflag:s26], $0x4000  }
0x21b: {  	[sflag:s26] =	ssyncset.done $0x0  }
0x21c: {  	[sflag:s26] =	ssyncadd.s32 $0xFFFFC000  }
0x21d: {  	[tilespmem:s30], [sflag:$0x1] =	stream.indirect.gather [hbm4b:s5+s29], $0x80, s12, s29, $0xb8;
	[tilespmem:$0x1B000] =	vst v63  }
0x21e: {  	_ =	swait.ge [sflag:s26], $0x4000  }
0x21f: {  	[sflag:s26] =	ssyncset.done $0x0  }
0x220: {  	[sflag:s26] =	ssyncadd.s32 $0xFFFFC000  }
0x221: {  	[spmem:s1] =	stream.indirect.scatter.add.f32 [tilespmem:s30], [sflag:$0x1], $0x80, s13, s29, $0xb8;
	[tilespmem:$0x1B000] =	vst v63  }
0x222: {  	_ =	swait.ge [sflag:s26], $0x4000  }
0x223: {  	[sflag:s26] =	ssyncset.done $0x0  }
0x224: {  	[sflag:s26] =	ssyncadd.s32 $0xFFFFC000  }
0x225: {  	[bflag:$0x0] =	sbarrier.arrive $0xFFFF  }
0x226: {  	s14 =	rddreg [dreg:$0xe]  }
0x227: {  	s20 =	rddreg [dreg:$0x14]  }
0x228: {  	s19 =	rddreg [dreg:$0x15]  }
0x229: {  	[hbm:s14], [sflag:s20] =	dma.local [spmem:s19], $0x2800  }
0x22a: {  	_ =	swait.ge [sflag:s26], $0x2800  }
0x22b: {  	[sflag:s26] =	ssyncset.done $0x0  }
0x22c: {  	[sflag:s26] =	ssyncadd.s32 $0xFFFFD800  }
0x22d: {  	[bflag:$0x0] =	sbarrier.arrive $0xFFFF  }
0x22e: {  	s14 =	simm.s32 $0x4800;
	s23 =	rddreg [dreg:$0x5]  }
0x22f: {  	[spmem:s23] =	stream.linear.scatter [tilespmem:s14], [sflag:$0x1], $0x2800, $0x38;
	[tilespmem:$0x1B000] =	vst v63  }
0x230: {  	_ =	swait.ge [sflag:s26], $0x2800  }
0x231: {  	[sflag:s26] =	ssyncset.done $0x0  }
0x232: {  	s25 =	rddreg [dreg:$0x6];
	[sflag:s26] =	ssyncadd.s32 $0xFFFFD800  }
0x233: {  	[spmem:s25] =	stream.linear.scatter [tilespmem:s14], [sflag:$0x1], $0x2800, $0x38;
	[tilespmem:$0x1B000] =	vst v63  }
0x234: {  	_ =	swait.ge [sflag:s26], $0x2800  }
0x235: {  	[sflag:s26] =	ssyncset.done $0x0  }
0x236: {  	s19 =	rddreg [dreg:$0x7];
	[sflag:s26] =	ssyncadd.s32 $0xFFFFD800  }
0x237: {  	[spmem:s19] =	stream.linear.scatter [tilespmem:s14], [sflag:$0x1], $0x2800, $0x38;
	[tilespmem:$0x1B000] =	vst v63  }
0x238: {  	_ =	swait.ge [sflag:s26], $0x2800  }
0x239: {  	[sflag:s26] =	ssyncset.done $0x0  }
0x23a: {  	s20 =	rddreg [dreg:$0x8];
	[sflag:s26] =	ssyncadd.s32 $0xFFFFD800  }
0x23b: {  	[spmem:s20] =	stream.linear.scatter [tilespmem:s14], [sflag:$0x1], $0x2800, $0x38;
	[tilespmem:$0x1B000] =	vst v63  }
0x23c: {  	_ =	swait.ge [sflag:s26], $0x2800  }
0x23d: {  	[sflag:s26] =	ssyncset.done $0x0  }
0x23e: {  	s23 =	rddreg [dreg:$0x9];
	[sflag:s26] =	ssyncadd.s32 $0xFFFFD800  }
0x23f: {  	[spmem:s23] =	stream.linear.scatter [tilespmem:s14], [sflag:$0x1], $0x2800, $0x38;
	[tilespmem:$0x1B000] =	vst v63  }
0x240: {  	_ =	swait.ge [sflag:s26], $0x2800  }
0x241: {  	[sflag:s26] =	ssyncset.done $0x0  }
0x242: {  	s25 =	rddreg [dreg:$0xa];
	[sflag:s26] =	ssyncadd.s32 $0xFFFFD800  }
0x243: {  	[spmem:s25] =	stream.linear.scatter [tilespmem:s14], [sflag:$0x1], $0x2800, $0x38;
	[tilespmem:$0x1B000] =	vst v63  }
0x244: {  	_ =	swait.ge [sflag:s26], $0x2800  }
0x245: {  	[sflag:s26] =	ssyncset.done $0x0  }
0x246: {  	s19 =	rddreg [dreg:$0xb];
	[sflag:s26] =	ssyncadd.s32 $0xFFFFD800  }
0x247: {  	[spmem:s19] =	stream.linear.scatter [tilespmem:s14], [sflag:$0x1], $0x2800, $0x38;
	[tilespmem:$0x1B000] =	vst v63  }
0x248: {  	_ =	swait.ge [sflag:s26], $0x2800  }
0x249: {  	[sflag:s26] =	ssyncset.done $0x0  }
0x24a: {  	s20 =	rddreg [dreg:$0xc];
	[sflag:s26] =	ssyncadd.s32 $0xFFFFD800  }
0x24b: {  	[spmem:s20] =	stream.linear.scatter [tilespmem:s14], [sflag:$0x1], $0x2800, $0x38;
	[tilespmem:$0x1B000] =	vst v63  }
0x24c: {  	_ =	swait.ge [sflag:s26], $0x2800  }
0x24d: {  	[sflag:s26] =	ssyncset.done $0x0  }
0x24e: {  	[sflag:s26] =	ssyncadd.s32 $0xFFFFD800  }
0x24f: {  	s23 =	sadd.s32 $0x0, s21;
	[bflag:$0x0] =	sbarrier.arrive $0xFFFF  }
0x250: {  	[tilespmem:s3], [sflag:$0x1] =	stream.linear.gather [hbm4b:s23+s3], $0x400, $0x38;
	[tilespmem:$0x1B000] =	vst v63  }
0x251: {  	_ =	swait.ge [sflag:s26], $0x400  }
0x252: {  	[sflag:s26] =	ssyncset.done $0x0;
	s23 =	rddreg [dreg:$0x12]  }
0x253: {  	[sflag:s26] =	ssyncadd.s32 $0xFFFFFC00;
	s25 =	sadd.s32 $0x0, s23  }
0x254: {  	[tilespmem:s28], [sflag:$0x1] =	stream.linear.gather [hbm4b:s25+s3], $0x400, $0x38;
	[tilespmem:$0x1B000] =	vst v63  }
0x255: {  	_ =	swait.ge [sflag:s26], $0x400  }
0x256: {  	[sflag:s26] =	ssyncset.done $0x0  }
0x257: {  	[sflag:s26] =	ssyncadd.s32 $0xFFFFFC00  }
0x258: {  	[tilespmem:s30], [sflag:$0x1] =	stream.indirect.gather [hbm4b:s6+s29], $0x80, s3, s29, $0xb8;
	[tilespmem:$0x1B000] =	vst v63  }
0x259: {  	_ =	swait.ge [sflag:s26], $0x4000  }
0x25a: {  	[sflag:s26] =	ssyncset.done $0x0  }
0x25b: {  	[sflag:s26] =	ssyncadd.s32 $0xFFFFC000  }
0x25c: {  	[spmem:s1] =	stream.indirect.scatter.add.f32 [tilespmem:s30], [sflag:$0x1], $0x80, s28, s29, $0xb8;
	[tilespmem:$0x1B000] =	vst v63  }
0x25d: {  	_ =	swait.ge [sflag:s26], $0x4000  }
0x25e: {  	[sflag:s26] =	ssyncset.done $0x0  }
0x25f: {  	[sflag:s26] =	ssyncadd.s32 $0xFFFFC000  }
0x260: {  	[tilespmem:s30], [sflag:$0x1] =	stream.indirect.gather [hbm4b:s6+s29], $0x80, s29, s29, $0xb8;
	[tilespmem:$0x1B000] =	vst v63  }
0x261: {  	_ =	swait.ge [sflag:s26], $0x4000  }
0x262: {  	[sflag:s26] =	ssyncset.done $0x0  }
0x263: {  	[sflag:s26] =	ssyncadd.s32 $0xFFFFC000  }
0x264: {  	[spmem:s1] =	stream.indirect.scatter.add.f32 [tilespmem:s30], [sflag:$0x1], $0x80, s31, s29, $0xb8;
	[tilespmem:$0x1B000] =	vst v63  }
0x265: {  	_ =	swait.ge [sflag:s26], $0x4000  }
0x266: {  	[sflag:s26] =	ssyncset.done $0x0  }
0x267: {  	[sflag:s26] =	ssyncadd.s32 $0xFFFFC000  }
0x268: {  	[tilespmem:s30], [sflag:$0x1] =	stream.indirect.gather [hbm4b:s6+s29], $0x80, s0, s29, $0xb8;
	[tilespmem:$0x1B000] =	vst v63  }
0x269: {  	_ =	swait.ge [sflag:s26], $0x4000  }
0x26a: {  	[sflag:s26] =	ssyncset.done $0x0  }
0x26b: {  	[sflag:s26] =	ssyncadd.s32 $0xFFFFC000  }
0x26c: {  	[spmem:s1] =	stream.indirect.scatter.add.f32 [tilespmem:s30], [sflag:$0x1], $0x80, s2, s29, $0xb8;
	[tilespmem:$0x1B000] =	vst v63  }
0x26d: {  	_ =	swait.ge [sflag:s26], $0x4000  }
0x26e: {  	[sflag:s26] =	ssyncset.done $0x0  }
0x26f: {  	[sflag:s26] =	ssyncadd.s32 $0xFFFFC000  }
0x270: {  	[tilespmem:s30], [sflag:$0x1] =	stream.indirect.gather [hbm4b:s6+s29], $0x80, s15, s29, $0xb8;
	[tilespmem:$0x1B000] =	vst v63  }
0x271: {  	_ =	swait.ge [sflag:s26], $0x4000  }
0x272: {  	[sflag:s26] =	ssyncset.done $0x0  }
0x273: {  	[sflag:s26] =	ssyncadd.s32 $0xFFFFC000  }
0x274: {  	[spmem:s1] =	stream.indirect.scatter.add.f32 [tilespmem:s30], [sflag:$0x1], $0x80, s16, s29, $0xb8;
	[tilespmem:$0x1B000] =	vst v63  }
0x275: {  	_ =	swait.ge [sflag:s26], $0x4000  }
0x276: {  	[sflag:s26] =	ssyncset.done $0x0  }
0x277: {  	[sflag:s26] =	ssyncadd.s32 $0xFFFFC000  }
0x278: {  	[tilespmem:s30], [sflag:$0x1] =	stream.indirect.gather [hbm4b:s6+s29], $0x80, s17, s29, $0xb8;
	[tilespmem:$0x1B000] =	vst v63  }
0x279: {  	_ =	swait.ge [sflag:s26], $0x4000  }
0x27a: {  	[sflag:s26] =	ssyncset.done $0x0  }
0x27b: {  	[sflag:s26] =	ssyncadd.s32 $0xFFFFC000  }
0x27c: {  	[spmem:s1] =	stream.indirect.scatter.add.f32 [tilespmem:s30], [sflag:$0x1], $0x80, s18, s29, $0xb8;
	[tilespmem:$0x1B000] =	vst v63  }
0x27d: {  	_ =	swait.ge [sflag:s26], $0x4000  }
0x27e: {  	[sflag:s26] =	ssyncset.done $0x0  }
0x27f: {  	[sflag:s26] =	ssyncadd.s32 $0xFFFFC000  }
0x280: {  	[tilespmem:s30], [sflag:$0x1] =	stream.indirect.gather [hbm4b:s6+s29], $0x80, s8, s29, $0xb8;
	[tilespmem:$0x1B000] =	vst v63  }
0x281: {  	_ =	swait.ge [sflag:s26], $0x4000  }
0x282: {  	[sflag:s26] =	ssyncset.done $0x0  }
0x283: {  	[sflag:s26] =	ssyncadd.s32 $0xFFFFC000  }
0x284: {  	[spmem:s1] =	stream.indirect.scatter.add.f32 [tilespmem:s30], [sflag:$0x1], $0x80, s9, s29, $0xb8;
	[tilespmem:$0x1B000] =	vst v63  }
0x285: {  	_ =	swait.ge [sflag:s26], $0x4000  }
0x286: {  	[sflag:s26] =	ssyncset.done $0x0  }
0x287: {  	[sflag:s26] =	ssyncadd.s32 $0xFFFFC000  }
0x288: {  	[tilespmem:s30], [sflag:$0x1] =	stream.indirect.gather [hbm4b:s6+s29], $0x80, s10, s29, $0xb8;
	[tilespmem:$0x1B000] =	vst v63  }
0x289: {  	_ =	swait.ge [sflag:s26], $0x4000  }
0x28a: {  	[sflag:s26] =	ssyncset.done $0x0  }
0x28b: {  	[sflag:s26] =	ssyncadd.s32 $0xFFFFC000  }
0x28c: {  	[spmem:s1] =	stream.indirect.scatter.add.f32 [tilespmem:s30], [sflag:$0x1], $0x80, s11, s29, $0xb8;
	[tilespmem:$0x1B000] =	vst v63  }
0x28d: {  	_ =	swait.ge [sflag:s26], $0x4000  }
0x28e: {  	[sflag:s26] =	ssyncset.done $0x0  }
0x28f: {  	[sflag:s26] =	ssyncadd.s32 $0xFFFFC000  }
0x290: {  	[tilespmem:s30], [sflag:$0x1] =	stream.indirect.gather [hbm4b:s6+s29], $0x80, s12, s29, $0xb8;
	[tilespmem:$0x1B000] =	vst v63  }
0x291: {  	_ =	swait.ge [sflag:s26], $0x4000  }
0x292: {  	[sflag:s26] =	ssyncset.done $0x0  }
0x293: {  	[sflag:s26] =	ssyncadd.s32 $0xFFFFC000  }
0x294: {  	[spmem:s1] =	stream.indirect.scatter.add.f32 [tilespmem:s30], [sflag:$0x1], $0x80, s13, s29, $0xb8;
	[tilespmem:$0x1B000] =	vst v63  }
0x295: {  	_ =	swait.ge [sflag:s26], $0x4000  }
0x296: {  	s7 =	simm.s32 $0x80;
	s25 =	simm.s32 $0x100;
	[sflag:s26] =	ssyncset.done $0x0  }
.LBB2_8:
0x297: {  	s19 =	sadd.s32 s7, s21  }
0x298: {  	[sflag:s26] =	ssyncadd.s32 $0xFFFFC000;
	s20 =	smov.u32 s25;
	s14 =	sadd.s32 $0x80, s25  }
0x299: {  	[tilespmem:s3], [sflag:$0x1] =	stream.linear.gather [hbm4b:s19+s3], $0x400, $0x38;
	[tilespmem:$0x1B000] =	vst v63  }
0x29a: {  	p0 =	sne.s32 s25, $0x480;
	_ =	swait.ge [sflag:s26], $0x400  }
0x29b: {  	[sflag:s26] =	ssyncset.done $0x0  }
0x29c: {  	s19 =	sadd.s32 s7, s23;
	s7 =	smov.u32 s20;
	[sflag:s26] =	ssyncadd.s32 $0xFFFFFC00  }
0x29d: {  	[tilespmem:s28], [sflag:$0x1] =	stream.linear.gather [hbm4b:s19+s3], $0x400, $0x38;
	[tilespmem:$0x1B000] =	vst v63  }
0x29e: {  	_ =	swait.ge [sflag:s26], $0x400  }
0x29f: {  	[sflag:s26] =	ssyncset.done $0x0  }
0x2a0: {  	[sflag:s26] =	ssyncadd.s32 $0xFFFFFC00  }
0x2a1: {  	[tilespmem:s30], [sflag:$0x1] =	stream.indirect.gather [hbm4b:s6+s29], $0x80, s3, s29, $0xb8;
	[tilespmem:$0x1B000] =	vst v63  }
0x2a2: {  	_ =	swait.ge [sflag:s26], $0x4000  }
0x2a3: {  	[sflag:s26] =	ssyncset.done $0x0  }
0x2a4: {  	[sflag:s26] =	ssyncadd.s32 $0xFFFFC000  }
0x2a5: {  	[spmem:s1] =	stream.indirect.scatter.add.f32 [tilespmem:s30], [sflag:$0x1], $0x80, s28, s29, $0xb8;
	[tilespmem:$0x1B000] =	vst v63  }
0x2a6: {  	_ =	swait.ge [sflag:s26], $0x4000  }
0x2a7: {  	[sflag:s26] =	ssyncset.done $0x0  }
0x2a8: {  	[sflag:s26] =	ssyncadd.s32 $0xFFFFC000  }
0x2a9: {  	[tilespmem:s30], [sflag:$0x1] =	stream.indirect.gather [hbm4b:s6+s29], $0x80, s29, s29, $0xb8;
	[tilespmem:$0x1B000] =	vst v63  }
0x2aa: {  	_ =	swait.ge [sflag:s26], $0x4000  }
0x2ab: {  	[sflag:s26] =	ssyncset.done $0x0  }
0x2ac: {  	[sflag:s26] =	ssyncadd.s32 $0xFFFFC000  }
0x2ad: {  	[spmem:s1] =	stream.indirect.scatter.add.f32 [tilespmem:s30], [sflag:$0x1], $0x80, s31, s29, $0xb8;
	[tilespmem:$0x1B000] =	vst v63  }
0x2ae: {  	_ =	swait.ge [sflag:s26], $0x4000  }
0x2af: {  	[sflag:s26] =	ssyncset.done $0x0  }
0x2b0: {  	[sflag:s26] =	ssyncadd.s32 $0xFFFFC000  }
0x2b1: {  	[tilespmem:s30], [sflag:$0x1] =	stream.indirect.gather [hbm4b:s6+s29], $0x80, s0, s29, $0xb8;
	[tilespmem:$0x1B000] =	vst v63  }
0x2b2: {  	_ =	swait.ge [sflag:s26], $0x4000  }
0x2b3: {  	[sflag:s26] =	ssyncset.done $0x0  }
0x2b4: {  	[sflag:s26] =	ssyncadd.s32 $0xFFFFC000  }
0x2b5: {  	[spmem:s1] =	stream.indirect.scatter.add.f32 [tilespmem:s30], [sflag:$0x1], $0x80, s2, s29, $0xb8;
	[tilespmem:$0x1B000] =	vst v63  }
0x2b6: {  	_ =	swait.ge [sflag:s26], $0x4000  }
0x2b7: {  	[sflag:s26] =	ssyncset.done $0x0  }
0x2b8: {  	[sflag:s26] =	ssyncadd.s32 $0xFFFFC000  }
0x2b9: {  	[tilespmem:s30], [sflag:$0x1] =	stream.indirect.gather [hbm4b:s6+s29], $0x80, s15, s29, $0xb8;
	[tilespmem:$0x1B000] =	vst v63  }
0x2ba: {  	_ =	swait.ge [sflag:s26], $0x4000  }
0x2bb: {  	[sflag:s26] =	ssyncset.done $0x0  }
0x2bc: {  	[sflag:s26] =	ssyncadd.s32 $0xFFFFC000  }
0x2bd: {  	[spmem:s1] =	stream.indirect.scatter.add.f32 [tilespmem:s30], [sflag:$0x1], $0x80, s16, s29, $0xb8;
	[tilespmem:$0x1B000] =	vst v63  }
0x2be: {  	_ =	swait.ge [sflag:s26], $0x4000  }
0x2bf: {  	[sflag:s26] =	ssyncset.done $0x0  }
0x2c0: {  	[sflag:s26] =	ssyncadd.s32 $0xFFFFC000  }
0x2c1: {  	[tilespmem:s30], [sflag:$0x1] =	stream.indirect.gather [hbm4b:s6+s29], $0x80, s17, s29, $0xb8;
	[tilespmem:$0x1B000] =	vst v63  }
0x2c2: {  	_ =	swait.ge [sflag:s26], $0x4000  }
0x2c3: {  	[sflag:s26] =	ssyncset.done $0x0  }
0x2c4: {  	[sflag:s26] =	ssyncadd.s32 $0xFFFFC000  }
0x2c5: {  	[spmem:s1] =	stream.indirect.scatter.add.f32 [tilespmem:s30], [sflag:$0x1], $0x80, s18, s29, $0xb8;
	[tilespmem:$0x1B000] =	vst v63  }
0x2c6: {  	_ =	swait.ge [sflag:s26], $0x4000  }
0x2c7: {  	[sflag:s26] =	ssyncset.done $0x0  }
0x2c8: {  	[sflag:s26] =	ssyncadd.s32 $0xFFFFC000  }
0x2c9: {  	[tilespmem:s30], [sflag:$0x1] =	stream.indirect.gather [hbm4b:s6+s29], $0x80, s8, s29, $0xb8;
	[tilespmem:$0x1B000] =	vst v63  }
0x2ca: {  	_ =	swait.ge [sflag:s26], $0x4000  }
0x2cb: {  	[sflag:s26] =	ssyncset.done $0x0  }
0x2cc: {  	[sflag:s26] =	ssyncadd.s32 $0xFFFFC000  }
0x2cd: {  	[spmem:s1] =	stream.indirect.scatter.add.f32 [tilespmem:s30], [sflag:$0x1], $0x80, s9, s29, $0xb8;
	[tilespmem:$0x1B000] =	vst v63  }
0x2ce: {  	_ =	swait.ge [sflag:s26], $0x4000  }
0x2cf: {  	[sflag:s26] =	ssyncset.done $0x0  }
0x2d0: {  	[sflag:s26] =	ssyncadd.s32 $0xFFFFC000  }
0x2d1: {  	[tilespmem:s30], [sflag:$0x1] =	stream.indirect.gather [hbm4b:s6+s29], $0x80, s10, s29, $0xb8;
	[tilespmem:$0x1B000] =	vst v63  }
0x2d2: {  	_ =	swait.ge [sflag:s26], $0x4000  }
0x2d3: {  	[sflag:s26] =	ssyncset.done $0x0  }
0x2d4: {  	[sflag:s26] =	ssyncadd.s32 $0xFFFFC000  }
0x2d5: {  	[spmem:s1] =	stream.indirect.scatter.add.f32 [tilespmem:s30], [sflag:$0x1], $0x80, s11, s29, $0xb8;
	[tilespmem:$0x1B000] =	vst v63  }
0x2d6: {  	_ =	swait.ge [sflag:s26], $0x4000  }
0x2d7: {  	[sflag:s26] =	ssyncset.done $0x0  }
0x2d8: {  	[sflag:s26] =	ssyncadd.s32 $0xFFFFC000  }
0x2d9: {  	[tilespmem:s30], [sflag:$0x1] =	stream.indirect.gather [hbm4b:s6+s29], $0x80, s12, s29, $0xb8;
	[tilespmem:$0x1B000] =	vst v63  }
0x2da: {  	_ =	swait.ge [sflag:s26], $0x4000  }
.Ltmp3:
0x2db: {  	[sflag:s26] =	ssyncset.done $0x0;
	(pc) =	sbr.rel @p0 .LBB2_8-.Ltmp3, $4  }
0x2dc: {  	[sflag:s26] =	ssyncadd.s32 $0xFFFFC000  }
0x2dd: {  	[spmem:s1] =	stream.indirect.scatter.add.f32 [tilespmem:s30], [sflag:$0x1], $0x80, s13, s29, $0xb8;
	[tilespmem:$0x1B000] =	vst v63  }
0x2de: {  	_ =	swait.ge [sflag:s26], $0x4000  }
0x2df: {  	s25 =	smov.u32 s14;
	[sflag:s26] =	ssyncset.done $0x0  }
0x2e0: {  	s14 =	sadd.s32 s7, s21;
	[sflag:s26] =	ssyncadd.s32 $0xFFFFC000  }
0x2e1: {  	[tilespmem:s3], [sflag:$0x1] =	stream.linear.gather [hbm4b:s14+s3], $0x400, $0x38;
	[tilespmem:$0x1B000] =	vst v63  }
0x2e2: {  	_ =	swait.ge [sflag:s26], $0x400  }
0x2e3: {  	[sflag:s26] =	ssyncset.done $0x0  }
0x2e4: {  	s25 =	sadd.s32 s7, s23;
	[sflag:s26] =	ssyncadd.s32 $0xFFFFFC00  }
0x2e5: {  	[tilespmem:s28], [sflag:$0x1] =	stream.linear.gather [hbm4b:s25+s3], $0x400, $0x38;
	[tilespmem:$0x1B000] =	vst v63  }
0x2e6: {  	_ =	swait.ge [sflag:s26], $0x400  }
0x2e7: {  	[sflag:s26] =	ssyncset.done $0x0  }
0x2e8: {  	[sflag:s26] =	ssyncadd.s32 $0xFFFFFC00  }
0x2e9: {  	[tilespmem:s30], [sflag:$0x1] =	stream.indirect.gather [hbm4b:s6+s29], $0x80, s3, s29, $0xb8;
	[tilespmem:$0x1B000] =	vst v63  }
0x2ea: {  	_ =	swait.ge [sflag:s26], $0x4000  }
0x2eb: {  	[sflag:s26] =	ssyncset.done $0x0  }
0x2ec: {  	[sflag:s26] =	ssyncadd.s32 $0xFFFFC000  }
0x2ed: {  	[spmem:s1] =	stream.indirect.scatter.add.f32 [tilespmem:s30], [sflag:$0x1], $0x80, s28, s29, $0xb8;
	[tilespmem:$0x1B000] =	vst v63  }
0x2ee: {  	_ =	swait.ge [sflag:s26], $0x4000  }
0x2ef: {  	[sflag:s26] =	ssyncset.done $0x0  }
0x2f0: {  	[sflag:s26] =	ssyncadd.s32 $0xFFFFC000  }
0x2f1: {  	[tilespmem:s30], [sflag:$0x1] =	stream.indirect.gather [hbm4b:s6+s29], $0x80, s29, s29, $0xb8;
	[tilespmem:$0x1B000] =	vst v63  }
0x2f2: {  	_ =	swait.ge [sflag:s26], $0x4000  }
0x2f3: {  	[sflag:s26] =	ssyncset.done $0x0  }
0x2f4: {  	[sflag:s26] =	ssyncadd.s32 $0xFFFFC000  }
0x2f5: {  	[spmem:s1] =	stream.indirect.scatter.add.f32 [tilespmem:s30], [sflag:$0x1], $0x80, s31, s29, $0xb8;
	[tilespmem:$0x1B000] =	vst v63  }
0x2f6: {  	_ =	swait.ge [sflag:s26], $0x4000  }
0x2f7: {  	[sflag:s26] =	ssyncset.done $0x0  }
0x2f8: {  	[sflag:s26] =	ssyncadd.s32 $0xFFFFC000  }
0x2f9: {  	[tilespmem:s30], [sflag:$0x1] =	stream.indirect.gather [hbm4b:s6+s29], $0x80, s0, s29, $0xb8;
	[tilespmem:$0x1B000] =	vst v63  }
0x2fa: {  	_ =	swait.ge [sflag:s26], $0x4000  }
0x2fb: {  	[sflag:s26] =	ssyncset.done $0x0  }
0x2fc: {  	[sflag:s26] =	ssyncadd.s32 $0xFFFFC000  }
0x2fd: {  	[spmem:s1] =	stream.indirect.scatter.add.f32 [tilespmem:s30], [sflag:$0x1], $0x80, s2, s29, $0xb8;
	[tilespmem:$0x1B000] =	vst v63  }
0x2fe: {  	_ =	swait.ge [sflag:s26], $0x4000  }
0x2ff: {  	[sflag:s26] =	ssyncset.done $0x0  }
0x300: {  	[sflag:s26] =	ssyncadd.s32 $0xFFFFC000  }
0x301: {  	[tilespmem:s30], [sflag:$0x1] =	stream.indirect.gather [hbm4b:s6+s29], $0x80, s15, s29, $0xb8;
	[tilespmem:$0x1B000] =	vst v63  }
0x302: {  	_ =	swait.ge [sflag:s26], $0x4000  }
0x303: {  	[sflag:s26] =	ssyncset.done $0x0  }
0x304: {  	[sflag:s26] =	ssyncadd.s32 $0xFFFFC000  }
0x305: {  	[spmem:s1] =	stream.indirect.scatter.add.f32 [tilespmem:s30], [sflag:$0x1], $0x80, s16, s29, $0xb8;
	[tilespmem:$0x1B000] =	vst v63  }
0x306: {  	_ =	swait.ge [sflag:s26], $0x4000  }
0x307: {  	[sflag:s26] =	ssyncset.done $0x0  }
0x308: {  	[sflag:s26] =	ssyncadd.s32 $0xFFFFC000  }
0x309: {  	[tilespmem:s30], [sflag:$0x1] =	stream.indirect.gather [hbm4b:s6+s29], $0x80, s17, s29, $0xb8;
	[tilespmem:$0x1B000] =	vst v63  }
0x30a: {  	_ =	swait.ge [sflag:s26], $0x4000  }
0x30b: {  	[sflag:s26] =	ssyncset.done $0x0  }
0x30c: {  	[sflag:s26] =	ssyncadd.s32 $0xFFFFC000  }
0x30d: {  	[spmem:s1] =	stream.indirect.scatter.add.f32 [tilespmem:s30], [sflag:$0x1], $0x80, s18, s29, $0xb8;
	[tilespmem:$0x1B000] =	vst v63  }
0x30e: {  	_ =	swait.ge [sflag:s26], $0x4000  }
0x30f: {  	[sflag:s26] =	ssyncset.done $0x0  }
0x310: {  	[sflag:s26] =	ssyncadd.s32 $0xFFFFC000  }
0x311: {  	[tilespmem:s30], [sflag:$0x1] =	stream.indirect.gather [hbm4b:s6+s29], $0x80, s8, s29, $0xb8;
	[tilespmem:$0x1B000] =	vst v63  }
0x312: {  	_ =	swait.ge [sflag:s26], $0x4000  }
0x313: {  	[sflag:s26] =	ssyncset.done $0x0  }
0x314: {  	[sflag:s26] =	ssyncadd.s32 $0xFFFFC000  }
0x315: {  	[spmem:s1] =	stream.indirect.scatter.add.f32 [tilespmem:s30], [sflag:$0x1], $0x80, s9, s29, $0xb8;
	[tilespmem:$0x1B000] =	vst v63  }
0x316: {  	_ =	swait.ge [sflag:s26], $0x4000  }
0x317: {  	[sflag:s26] =	ssyncset.done $0x0  }
0x318: {  	[sflag:s26] =	ssyncadd.s32 $0xFFFFC000  }
0x319: {  	[tilespmem:s30], [sflag:$0x1] =	stream.indirect.gather [hbm4b:s6+s29], $0x80, s10, s29, $0xb8;
	[tilespmem:$0x1B000] =	vst v63  }
0x31a: {  	_ =	swait.ge [sflag:s26], $0x4000  }
0x31b: {  	[sflag:s26] =	ssyncset.done $0x0  }
0x31c: {  	[sflag:s26] =	ssyncadd.s32 $0xFFFFC000  }
0x31d: {  	[spmem:s1] =	stream.indirect.scatter.add.f32 [tilespmem:s30], [sflag:$0x1], $0x80, s11, s29, $0xb8;
	[tilespmem:$0x1B000] =	vst v63  }
0x31e: {  	_ =	swait.ge [sflag:s26], $0x4000  }
0x31f: {  	[sflag:s26] =	ssyncset.done $0x0  }
0x320: {  	[sflag:s26] =	ssyncadd.s32 $0xFFFFC000  }
0x321: {  	[tilespmem:s30], [sflag:$0x1] =	stream.indirect.gather [hbm4b:s6+s29], $0x80, s12, s29, $0xb8;
	[tilespmem:$0x1B000] =	vst v63  }
0x322: {  	_ =	swait.ge [sflag:s26], $0x4000  }
0x323: {  	[sflag:s26] =	ssyncset.done $0x0  }
0x324: {  	[sflag:s26] =	ssyncadd.s32 $0xFFFFC000  }
0x325: {  	[spmem:s1] =	stream.indirect.scatter.add.f32 [tilespmem:s30], [sflag:$0x1], $0x80, s13, s29, $0xb8;
	[tilespmem:$0x1B000] =	vst v63  }
0x326: {  	_ =	swait.ge [sflag:s26], $0x4000  }
0x327: {  	[sflag:s26] =	ssyncset.done $0x0  }
0x328: {  	[sflag:s26] =	ssyncadd.s32 $0xFFFFC000  }
0x329: {  	[bflag:$0x0] =	sbarrier.arrive $0xFFFF  }
0x32a: {  	s14 =	rddreg [dreg:$0xf]  }
0x32b: {  	s19 =	smov.u32 s21;
	s21 =	rddreg [dreg:$0x14]  }
0x32c: {  	s20 =	rddreg [dreg:$0x15]  }
0x32d: {  	[hbm:s14], [sflag:s21] =	dma.local [spmem:s20], $0x2800  }
0x32e: {  	_ =	swait.ge [sflag:s26], $0x2800  }
0x32f: {  	s23 =	rddreg [dreg:$0x13]  }
0x330: {  	s25 =	rddreg [dreg:$0x10];
	s14 =	sadd.s32 $0x1, s23  }
0x331: {  	p0 =	sne.s32 s14, s25  }
.Ltmp4:
0x332: {  	_ = 	snop;
	(pc) =	sbr.rel @p0 .LBB2_1-.Ltmp4, $4  }
0x333: {  	[sflag:s26] =	ssyncset.done $0x0  }
0x334: {  	[sflag:s26] =	ssyncadd.s32 $0xFFFFD800  }
0x335: {  	[bflag:$0x0] =	sbarrier.arrive $0xFFFF  }
0x336: {  	s20 =	smov.u32 s22  }
0x337: {  	_ =	sfence.sel $0x180000  }
0x338: {  	[bflag:$0x0] =	sbarrier.arrive $0xFFFF  }
0x339: {  	_ =	strace $0x9000004A  }
0x33a: {  	s0 =	stileid.u32;
	[bflag:$0x2] =	sbarrier.arrive $0xFFFF  }
0x33b: {  	p0 =	sne.s32 s0, $0x0;
	s0 =	rddreg [dreg:$0x3]  }
0x33c: {  	s0 =	sadd.s32 @!p0 $0x100000, s0  }
0x33d: {  	[sflag:s0] =	ssyncadd.tile.s32 @!p0 $0x1;
	_ =	shalt  }
.Lfunc_end2:
_tile_overlayer_lowered:
.L_overlay_start_2:
0x33e: {  	(tag) =	ssettag $0x2  }
0x33f: {  	s0 =	rddreg [dreg:$0x0];
	s2 =	stileid.u32  }
0x340: {  	s1 =	rddreg [dreg:$0x1];
	p0 =	sne.s32 s2, $0x0  }
0x341: {  	s3 =	rddreg [dreg:$0x2];
	[bflag:$0x3] =	sbarrier.arrive $0xFFFF;
	s2 =	simm.s32 @!p0 $0x1C01  }
0x342: {  	[timem:s3], [sflag:s2] =	dma.local @!p0 [hbm:s0], s1  }
0x343: {  	s0 =	simm.s32 @!p0 $0x1  }
0x344: {  	_ =	swait.ge @!p0 [sflag:s0], s1  }
0x345: {  	s1 =	ssub.s32 @!p0 $0x0, s1;
	[sflag:s0] =	ssyncset.done @!p0 $0x0  }
0x346: {  	[sflag:s0] =	ssyncadd.s32 @!p0 s1  }
0x347: {  	[bflag:$0x3] =	sbarrier.arrive $0xFFFF  }
0x348: {  	_ =	shalt  }

</sc_bundles>
